<compile_context>
chip_gen: v7x
topology: tpu7x:2x2x1
jax: 0.10.2.dev20260603
libtpu: 0.0.44.dev20260713+nightly
codegen_flags: <defaults>
</compile_context>

<pallas_src>
import functools

import jax
import jax.numpy as jnp
from jax import lax
from jax.experimental import pallas as pl
from jax.experimental.pallas import tpu as pltpu
from jax.experimental.pallas import tpu_sc as plsc

NC = 2
NS = 16
NW = NC * NS

V = 100
D = 3
VPAD = 128
SLAB = 512


def _sc_lookup(ids_t, table_cols):
    t_dim, b_dim = ids_t.shape
    wcols = b_dim // NW
    n_slabs = t_dim // 8

    mesh = plsc.VectorSubcoreMesh(core_axis_name="c", subcore_axis_name="s")

    @functools.partial(
        pl.kernel,
        mesh=mesh,
        out_type=jax.ShapeDtypeStruct((D, t_dim, b_dim), jnp.float32),
        scratch_types=[
            pltpu.VMEM((VPAD,), jnp.float32),
            pltpu.VMEM((VPAD,), jnp.float32),
            pltpu.VMEM((VPAD,), jnp.float32),
            pltpu.VMEM((8, SLAB), jnp.int32),
            pltpu.VMEM((8, SLAB), jnp.int32),
            pltpu.VMEM((8, SLAB), jnp.float32),
            pltpu.VMEM((8, SLAB), jnp.float32),
            pltpu.VMEM((8, SLAB), jnp.float32),
            pltpu.VMEM((8, SLAB), jnp.float32),
            pltpu.VMEM((8, SLAB), jnp.float32),
            pltpu.VMEM((8, SLAB), jnp.float32),
            pltpu.SemaphoreType.DMA,
            pltpu.SemaphoreType.DMA,
            pltpu.SemaphoreType.DMA,
            pltpu.SemaphoreType.DMA,
        ],
        compiler_params=pltpu.CompilerParams(needs_layout_passes=False),
    )
    def k(tc0_hbm, tc1_hbm, tc2_hbm, ids_hbm, out_hbm, t0, t1, t2,
          ids_a, ids_b, oa0, oa1, oa2, ob0, ob1, ob2,
          semi_a, semi_b, semo_a, semo_b):
        wid = lax.axis_index("s") * NC + lax.axis_index("c")
        tcols = (t0, t1, t2)
        for d, src in enumerate((tc0_hbm, tc1_hbm, tc2_hbm)):
            pltpu.sync_copy(src, tcols[d])
        cbase = wid * wcols
        banks = (
            (ids_a, (oa0, oa1, oa2), semi_a, semo_a),
            (ids_b, (ob0, ob1, ob2), semi_b, semo_b),
        )

        def ids_src(s):
            return ids_hbm.at[pl.ds(s * 8, 8), pl.ds(cbase, SLAB)]

        def out_dst(s, d):
            return out_hbm.at[d, pl.ds(s * 8, 8), pl.ds(cbase, SLAB)]

        def start_ids(s, bank):
            pltpu.make_async_copy(ids_src(s), bank[0], bank[2]).start()

        def wait_ids(s, bank):
            pltpu.make_async_copy(ids_src(s), bank[0], bank[2]).wait()

        def start_outs(s, bank):
            for d in range(D):
                pltpu.make_async_copy(bank[1][d], out_dst(s, d), bank[3]).start()

        def wait_outs(s, bank):
            for d in range(D):
                pltpu.make_async_copy(bank[1][d], out_dst(s, d), bank[3]).wait()

        def compute(bank):
            ids_v = bank[0]
            outs = bank[1]
            for r in range(8):

                @plsc.parallel_loop(0, SLAB // 16, unroll=8)
                def _(g, r=r):
                    c = g * 16
                    ids16 = ids_v[r, pl.ds(c, 16)]
                    for d in range(D):
                        outs[d][r, pl.ds(c, 16)] = plsc.load_gather(
                            tcols[d], [ids16]
                        )

        def process(s, bank):
            wait_ids(s, bank)

            @pl.when(s >= 2)
            def _():
                wait_outs(s - 2, bank)

            compute(bank)
            start_outs(s, bank)

            @pl.when(s + 2 < n_slabs)
            def _():
                start_ids(s + 2, bank)

        start_ids(0, banks[0])
        start_ids(1, banks[1])

        def body(j, carry):
            process(2 * j, banks[0])
            process(2 * j + 1, banks[1])
            return carry

        lax.fori_loop(0, n_slabs // 2, body, 0)
        process(n_slabs - 1, banks[0])
        wait_outs(n_slabs - 2, banks[1])
        wait_outs(n_slabs - 1, banks[0])

    return k(table_cols[0], table_cols[1], table_cols[2], ids_t)


def kernel(entity_ids, entity_table):
    ids_t = entity_ids.T.astype(jnp.int32)
    tc = jnp.zeros((D, VPAD), jnp.float32).at[:, :V].set(entity_table.T)
    table_cols = (tc[0], tc[1], tc[2])
    out_t = _sc_lookup(ids_t, table_cols)
    return out_t.transpose(2, 1, 0)

# --- scband reference (transcript-rebuilt; emitter-appended) ---
"""Pipeline reference for scband-trans-eestimator-3590592659884 (READ-ONLY COPY).

The authoritative reference and input builder live on the scoring server;
editing this copy changes nothing except your own understanding.
"""

import jax, jax.numpy as jnp
import numpy as np

NUM_EMBEDDINGS = 100
EMBED_DIM = 3

def setup_inputs(seed: int = 0) -> dict:
    key = jax.random.key(seed)
    k_ids, k_tab = jax.random.split(key)
    entity_ids = jax.random.randint(k_ids, (16384, 200), 0, NUM_EMBEDDINGS, dtype=jnp.int64 if jax.config.jax_enable_x64 else jnp.int32)
    entity_table = jax.random.normal(k_tab, (NUM_EMBEDDINGS, EMBED_DIM), dtype=jnp.float32)
    return {"entity_ids": entity_ids, "entity_table": entity_table}

def reference(entity_ids, entity_table):
    # TransEEstimator.get_entity_embedding: nn.Embedding lookup
    return jnp.take(entity_table, entity_ids, axis=0)

if __name__ == "__main__":
    import jax
    _d = setup_inputs()
    print(jax.jit(kernel)(*tuple(_d.values())))

</pallas_src>

<mosaic_0001>
#map = affine_map<(d0, d1) -> (0)>
#map1 = affine_map<(d0, d1) -> (0, 0)>
#map2 = affine_map<(d0, d1) -> (0, 0, 0)>
module attributes {stable_mosaic.version = 14 : i64} {
  func.func @k(%arg0: i32, %arg1: i32, %arg2: memref<128xf32, #tpu.memory_space<hbm>>, %arg3: memref<128xf32, #tpu.memory_space<hbm>>, %arg4: memref<128xf32, #tpu.memory_space<hbm>>, %arg5: memref<200x16384xi32, #tpu.memory_space<hbm>>, %arg6: memref<3x200x16384xf32, #tpu.memory_space<hbm>>, %arg7: memref<128xf32, #tpu.memory_space<vmem>>, %arg8: memref<128xf32, #tpu.memory_space<vmem>>, %arg9: memref<128xf32, #tpu.memory_space<vmem>>, %arg10: memref<8x512xi32, #tpu.memory_space<vmem>>, %arg11: memref<8x512xi32, #tpu.memory_space<vmem>>, %arg12: memref<8x512xf32, #tpu.memory_space<vmem>>, %arg13: memref<8x512xf32, #tpu.memory_space<vmem>>, %arg14: memref<8x512xf32, #tpu.memory_space<vmem>>, %arg15: memref<8x512xf32, #tpu.memory_space<vmem>>, %arg16: memref<8x512xf32, #tpu.memory_space<vmem>>, %arg17: memref<8x512xf32, #tpu.memory_space<vmem>>, %arg18: memref<!tpu.dma_semaphore, #tpu.memory_space<semaphore_mem>>, %arg19: memref<!tpu.dma_semaphore, #tpu.memory_space<semaphore_mem>>, %arg20: memref<!tpu.dma_semaphore, #tpu.memory_space<semaphore_mem>>, %arg21: memref<!tpu.dma_semaphore, #tpu.memory_space<semaphore_mem>>) attributes {dimension_semantics = [#tpu.dimension_semantics<core_parallel>, #tpu.dimension_semantics<subcore_parallel>], iteration_bounds = array<i64: 2, 16>, scalar_prefetch = 0 : i64, scratch_operands = 15 : i64, tpu.core_type = #tpu.core_type<sc_vector_subcore>, window_params = [{transform_indices = #map}, {transform_indices = #map}, {transform_indices = #map}, {transform_indices = #map1}, {transform_indices = #map2}]} {
    %mul3A = arith.constant 2 : i32
    %mul3A_0 = arith.muli %arg1, %mul3A : i32
    %add3A = arith.addi %mul3A_0, %arg0 : i32
    "tpu.region"() ({
      %run_scoped3A = tpu.sem_alloc : memref<!tpu.dma_semaphore, #tpu.memory_space<semaphore_mem>>
      tpu.enqueue_dma source(%arg2 : memref<128xf32, #tpu.memory_space<hbm>>) target(%arg7 : memref<128xf32, #tpu.memory_space<vmem>>) target_semaphore(%run_scoped3A : memref<!tpu.dma_semaphore, #tpu.memory_space<semaphore_mem>>)
      tpu.wait_dma2 semaphore(%run_scoped3A : memref<!tpu.dma_semaphore, #tpu.memory_space<semaphore_mem>>) src(%arg2 : memref<128xf32, #tpu.memory_space<hbm>>) dst(%arg7 : memref<128xf32, #tpu.memory_space<vmem>>)
      tpu.yield
    }) : () -> ()
    "tpu.region"() ({
      %run_scoped3A = tpu.sem_alloc : memref<!tpu.dma_semaphore, #tpu.memory_space<semaphore_mem>>
      tpu.enqueue_dma source(%arg3 : memref<128xf32, #tpu.memory_space<hbm>>) target(%arg8 : memref<128xf32, #tpu.memory_space<vmem>>) target_semaphore(%run_scoped3A : memref<!tpu.dma_semaphore, #tpu.memory_space<semaphore_mem>>)
      tpu.wait_dma2 semaphore(%run_scoped3A : memref<!tpu.dma_semaphore, #tpu.memory_space<semaphore_mem>>) src(%arg3 : memref<128xf32, #tpu.memory_space<hbm>>) dst(%arg8 : memref<128xf32, #tpu.memory_space<vmem>>)
      tpu.yield
    }) : () -> ()
    "tpu.region"() ({
      %run_scoped3A = tpu.sem_alloc : memref<!tpu.dma_semaphore, #tpu.memory_space<semaphore_mem>>
      tpu.enqueue_dma source(%arg4 : memref<128xf32, #tpu.memory_space<hbm>>) target(%arg9 : memref<128xf32, #tpu.memory_space<vmem>>) target_semaphore(%run_scoped3A : memref<!tpu.dma_semaphore, #tpu.memory_space<semaphore_mem>>)
      tpu.wait_dma2 semaphore(%run_scoped3A : memref<!tpu.dma_semaphore, #tpu.memory_space<semaphore_mem>>) src(%arg4 : memref<128xf32, #tpu.memory_space<hbm>>) dst(%arg9 : memref<128xf32, #tpu.memory_space<vmem>>)
      tpu.yield
    }) : () -> ()
    %mul3A_1 = arith.constant 512 : i32
    %mul3A_2 = arith.muli %add3A, %mul3A_1 : i32
    %dma_start3A = arith.constant 0 : i32
    %dma_start3A_3 = tpu.memref_slice %arg5[%dma_start3A, %mul3A_2] : memref<200x16384xi32, #tpu.memory_space<hbm>> -> memref<8x512xi32, #tpu.memory_space<hbm>>
    %dma_start3A_4 = arith.constant 0 : i32
    %dma_start3A_5 = tpu.memref_slice %arg5[%dma_start3A_4, %mul3A_2] : memref<200x16384xi32, #tpu.memory_space<hbm>> -> memref<8x512xi32, #tpu.memory_space<hbm>>
    tpu.enqueue_dma source(%dma_start3A_5 : memref<8x512xi32, #tpu.memory_space<hbm>>) target(%arg10 : memref<8x512xi32, #tpu.memory_space<vmem>>) target_semaphore(%arg18 : memref<!tpu.dma_semaphore, #tpu.memory_space<semaphore_mem>>)
    %dma_start3A_6 = arith.constant 8 : i32
    %dma_start3A_7 = tpu.memref_slice %arg5[%dma_start3A_6, %mul3A_2] : memref<200x16384xi32, #tpu.memory_space<hbm>> -> memref<8x512xi32, #tpu.memory_space<hbm>>
    %dma_start3A_8 = arith.constant 8 : i32
    %dma_start3A_9 = tpu.memref_slice %arg5[%dma_start3A_8, %mul3A_2] : memref<200x16384xi32, #tpu.memory_space<hbm>> -> memref<8x512xi32, #tpu.memory_space<hbm>>
    tpu.enqueue_dma source(%dma_start3A_9 : memref<8x512xi32, #tpu.memory_space<hbm>>) target(%arg11 : memref<8x512xi32, #tpu.memory_space<vmem>>) target_semaphore(%arg19 : memref<!tpu.dma_semaphore, #tpu.memory_space<semaphore_mem>>)
    %scan3A = arith.constant 0 : i32
    %scan3A_10 = arith.constant 0 : i32
    %scan3A_11 = arith.constant 12 : i32
    %scan3A_12 = arith.addi %scan3A_10, %scan3A_11 : i32
    %scan3A_13 = arith.constant 1 : i32
    scf.for %scan3A_125 = %scan3A_10 to %scan3A_12 step %scan3A_13  : i32 {
      %mul3A_126 = arith.constant 2 : i32
      %mul3A_127 = arith.muli %mul3A_126, %scan3A_125 : i32
      %mul3A_128 = arith.constant 8 : i32
      %mul3A_129 = arith.muli %mul3A_127, %mul3A_128 : i32
      %dma_wait3A_130 = tpu.memref_slice %arg5[%mul3A_129, %mul3A_2] : memref<200x16384xi32, #tpu.memory_space<hbm>> -> memref<8x512xi32, #tpu.memory_space<hbm>>
      %dma_wait3A_131 = tpu.memref_slice %arg5[%mul3A_129, %mul3A_2] : memref<200x16384xi32, #tpu.memory_space<hbm>> -> memref<8x512xi32, #tpu.memory_space<hbm>>
      tpu.wait_dma2 semaphore(%arg18 : memref<!tpu.dma_semaphore, #tpu.memory_space<semaphore_mem>>) src(%dma_wait3A_131 : memref<8x512xi32, #tpu.memory_space<hbm>>) dst(%arg10 : memref<8x512xi32, #tpu.memory_space<vmem>>)
      %ge3A = arith.constant 2 : i32
      %ge3A_132 = arith.cmpi sge, %mul3A_127, %ge3A : i32
      %convert_element_type3A = arith.extui %ge3A_132 : i1 to i32
      %cond3A = arith.constant 0 : i32
      %cond3A_133 = arith.cmpi ne, %convert_element_type3A, %cond3A : i32
      scf.if %cond3A_133 {
        %sub3A = arith.constant 2 : i32
        %sub3A_250 = arith.subi %mul3A_127, %sub3A : i32
        %mul3A_251 = arith.constant 8 : i32
        %mul3A_252 = arith.muli %sub3A_250, %mul3A_251 : i32
        %dma_wait3A_253 = arith.constant 0 : i32
        %dma_wait3A_254 = tpu.memref_slice %arg6[%dma_wait3A_253, %mul3A_252, %mul3A_2] : memref<3x200x16384xf32, #tpu.memory_space<hbm>> -> memref<1x8x512xf32, #tpu.memory_space<hbm>>
        %dma_wait3A_255 = tpu.memref_squeeze %dma_wait3A_254 : memref<1x8x512xf32, #tpu.memory_space<hbm>> -> memref<8x512xf32, #tpu.memory_space<hbm>>
        %dma_wait3A_256 = tpu.memref_slice %arg6[%dma_wait3A_253, %mul3A_252, %mul3A_2] : memref<3x200x16384xf32, #tpu.memory_space<hbm>> -> memref<1x8x512xf32, #tpu.memory_space<hbm>>
        %dma_wait3A_257 = tpu.memref_squeeze %dma_wait3A_256 : memref<1x8x512xf32, #tpu.memory_space<hbm>> -> memref<8x512xf32, #tpu.memory_space<hbm>>
        tpu.wait_dma2 semaphore(%arg20 : memref<!tpu.dma_semaphore, #tpu.memory_space<semaphore_mem>>) src(%arg12 : memref<8x512xf32, #tpu.memory_space<vmem>>) dst(%dma_wait3A_257 : memref<8x512xf32, #tpu.memory_space<hbm>>)
        %mul3A_258 = arith.constant 8 : i32
        %mul3A_259 = arith.muli %sub3A_250, %mul3A_258 : i32
        %dma_wait3A_260 = arith.constant 1 : i32
        %dma_wait3A_261 = tpu.memref_slice %arg6[%dma_wait3A_260, %mul3A_259, %mul3A_2] : memref<3x200x16384xf32, #tpu.memory_space<hbm>> -> memref<1x8x512xf32, #tpu.memory_space<hbm>>
        %dma_wait3A_262 = tpu.memref_squeeze %dma_wait3A_261 : memref<1x8x512xf32, #tpu.memory_space<hbm>> -> memref<8x512xf32, #tpu.memory_space<hbm>>
        %dma_wait3A_263 = tpu.memref_slice %arg6[%dma_wait3A_260, %mul3A_259, %mul3A_2] : memref<3x200x16384xf32, #tpu.memory_space<hbm>> -> memref<1x8x512xf32, #tpu.memory_space<hbm>>
        %dma_wait3A_264 = tpu.memref_squeeze %dma_wait3A_263 : memref<1x8x512xf32, #tpu.memory_space<hbm>> -> memref<8x512xf32, #tpu.memory_space<hbm>>
        tpu.wait_dma2 semaphore(%arg20 : memref<!tpu.dma_semaphore, #tpu.memory_space<semaphore_mem>>) src(%arg13 : memref<8x512xf32, #tpu.memory_space<vmem>>) dst(%dma_wait3A_264 : memref<8x512xf32, #tpu.memory_space<hbm>>)
        %mul3A_265 = arith.constant 8 : i32
        %mul3A_266 = arith.muli %sub3A_250, %mul3A_265 : i32
        %dma_wait3A_267 = arith.constant 2 : i32
        %dma_wait3A_268 = tpu.memref_slice %arg6[%dma_wait3A_267, %mul3A_266, %mul3A_2] : memref<3x200x16384xf32, #tpu.memory_space<hbm>> -> memref<1x8x512xf32, #tpu.memory_space<hbm>>
        %dma_wait3A_269 = tpu.memref_squeeze %dma_wait3A_268 : memref<1x8x512xf32, #tpu.memory_space<hbm>> -> memref<8x512xf32, #tpu.memory_space<hbm>>
        %dma_wait3A_270 = tpu.memref_slice %arg6[%dma_wait3A_267, %mul3A_266, %mul3A_2] : memref<3x200x16384xf32, #tpu.memory_space<hbm>> -> memref<1x8x512xf32, #tpu.memory_space<hbm>>
        %dma_wait3A_271 = tpu.memref_squeeze %dma_wait3A_270 : memref<1x8x512xf32, #tpu.memory_space<hbm>> -> memref<8x512xf32, #tpu.memory_space<hbm>>
        tpu.wait_dma2 semaphore(%arg20 : memref<!tpu.dma_semaphore, #tpu.memory_space<semaphore_mem>>) src(%arg14 : memref<8x512xf32, #tpu.memory_space<vmem>>) dst(%dma_wait3A_271 : memref<8x512xf32, #tpu.memory_space<hbm>>)
      } else {
      }
      %parallel_loop3A_134 = arith.constant 0 : i32
      %parallel_loop3A_135 = arith.constant 32 : i32
      %parallel_loop3A_136 = arith.constant 1 : i32
      scf.for %parallel_loop3A_250 = %parallel_loop3A_134 to %parallel_loop3A_135 step %parallel_loop3A_136  : i32 {
        %parallel_loop3A_251 = arith.constant 16 : i32
        %parallel_loop3A_252 = arith.muli %parallel_loop3A_250, %parallel_loop3A_251 : i32
        %parallel_loop3A_253 = arith.constant 0 : i32
        %parallel_loop3A_254 = arith.index_cast %parallel_loop3A_253 : i32 to index
        %parallel_loop3A_255 = arith.index_cast %parallel_loop3A_252 : i32 to index
        %parallel_loop3A_256 = tpu.vector_load %arg10[%parallel_loop3A_254, %parallel_loop3A_255] {strides = array<i32>} : memref<8x512xi32, #tpu.memory_space<vmem>>, vector<16xi32>,
        %parallel_loop3A_257 = tpu.vector_load_idx %arg7[%parallel_loop3A_256] : memref<128xf32, #tpu.memory_space<vmem>>[vector<16xi32>], vector<16xf32>,
        %parallel_loop3A_258 = arith.constant 0 : i32
        %parallel_loop3A_259 = arith.index_cast %parallel_loop3A_258 : i32 to index
        %parallel_loop3A_260 = arith.index_cast %parallel_loop3A_252 : i32 to index
        %parallel_loop3A_261 = tpu.vector_load %arg12[%parallel_loop3A_259, %parallel_loop3A_260] {strides = array<i32>} : memref<8x512xf32, #tpu.memory_space<vmem>>, vector<16xf32>,
        tpu.vector_store %arg12[%parallel_loop3A_259, %parallel_loop3A_260], %parallel_loop3A_257 {strides = array<i32>} : memref<8x512xf32, #tpu.memory_space<vmem>>, vector<16xf32>,
        %parallel_loop3A_262 = tpu.vector_load_idx %arg8[%parallel_loop3A_256] : memref<128xf32, #tpu.memory_space<vmem>>[vector<16xi32>], vector<16xf32>,
        %parallel_loop3A_263 = arith.constant 0 : i32
        %parallel_loop3A_264 = arith.index_cast %parallel_loop3A_263 : i32 to index
        %parallel_loop3A_265 = arith.index_cast %parallel_loop3A_252 : i32 to index
        %parallel_loop3A_266 = tpu.vector_load %arg13[%parallel_loop3A_264, %parallel_loop3A_265] {strides = array<i32>} : memref<8x512xf32, #tpu.memory_space<vmem>>, vector<16xf32>,
        tpu.vector_store %arg13[%parallel_loop3A_264, %parallel_loop3A_265], %parallel_loop3A_262 {strides = array<i32>} : memref<8x512xf32, #tpu.memory_space<vmem>>, vector<16xf32>,
        %parallel_loop3A_267 = tpu.vector_load_idx %arg9[%parallel_loop3A_256] : memref<128xf32, #tpu.memory_space<vmem>>[vector<16xi32>], vector<16xf32>,
        %parallel_loop3A_268 = arith.constant 0 : i32
        %parallel_loop3A_269 = arith.index_cast %parallel_loop3A_268 : i32 to index
        %parallel_loop3A_270 = arith.index_cast %parallel_loop3A_252 : i32 to index
        %parallel_loop3A_271 = tpu.vector_load %arg14[%parallel_loop3A_269, %parallel_loop3A_270] {strides = array<i32>} : memref<8x512xf32, #tpu.memory_space<vmem>>, vector<16xf32>,
        tpu.vector_store %arg14[%parallel_loop3A_269, %parallel_loop3A_270], %parallel_loop3A_267 {strides = array<i32>} : memref<8x512xf32, #tpu.memory_space<vmem>>, vector<16xf32>,
      } {sc.loop_unroll_factor = 8 : i64, sc.parallel_access}
      %parallel_loop3A_137 = arith.constant 0 : i32
      %parallel_loop3A_138 = arith.constant 32 : i32
      %parallel_loop3A_139 = arith.constant 1 : i32
      scf.for %parallel_loop3A_250 = %parallel_loop3A_137 to %parallel_loop3A_138 step %parallel_loop3A_139  : i32 {
        %parallel_loop3A_251 = arith.constant 16 : i32
        %parallel_loop3A_252 = arith.muli %parallel_loop3A_250, %parallel_loop3A_251 : i32
        %parallel_loop3A_253 = arith.constant 1 : i32
        %parallel_loop3A_254 = arith.index_cast %parallel_loop3A_253 : i32 to index
        %parallel_loop3A_255 = arith.index_cast %parallel_loop3A_252 : i32 to index
        %parallel_loop3A_256 = tpu.vector_load %arg10[%parallel_loop3A_254, %parallel_loop3A_255] {strides = array<i32>} : memref<8x512xi32, #tpu.memory_space<vmem>>, vector<16xi32>,
        %parallel_loop3A_257 = tpu.vector_load_idx %arg7[%parallel_loop3A_256] : memref<128xf32, #tpu.memory_space<vmem>>[vector<16xi32>], vector<16xf32>,
        %parallel_loop3A_258 = arith.constant 1 : i32
        %parallel_loop3A_259 = arith.index_cast %parallel_loop3A_258 : i32 to index
        %parallel_loop3A_260 = arith.index_cast %parallel_loop3A_252 : i32 to index
        %parallel_loop3A_261 = tpu.vector_load %arg12[%parallel_loop3A_259, %parallel_loop3A_260] {strides = array<i32>} : memref<8x512xf32, #tpu.memory_space<vmem>>, vector<16xf32>,
        tpu.vector_store %arg12[%parallel_loop3A_259, %parallel_loop3A_260], %parallel_loop3A_257 {strides = array<i32>} : memref<8x512xf32, #tpu.memory_space<vmem>>, vector<16xf32>,
        %parallel_loop3A_262 = tpu.vector_load_idx %arg8[%parallel_loop3A_256] : memref<128xf32, #tpu.memory_space<vmem>>[vector<16xi32>], vector<16xf32>,
        %parallel_loop3A_263 = arith.constant 1 : i32
        %parallel_loop3A_264 = arith.index_cast %parallel_loop3A_263 : i32 to index
        %parallel_loop3A_265 = arith.index_cast %parallel_loop3A_252 : i32 to index
        %parallel_loop3A_266 = tpu.vector_load %arg13[%parallel_loop3A_264, %parallel_loop3A_265] {strides = array<i32>} : memref<8x512xf32, #tpu.memory_space<vmem>>, vector<16xf32>,
        tpu.vector_store %arg13[%parallel_loop3A_264, %parallel_loop3A_265], %parallel_loop3A_262 {strides = array<i32>} : memref<8x512xf32, #tpu.memory_space<vmem>>, vector<16xf32>,
        %parallel_loop3A_267 = tpu.vector_load_idx %arg9[%parallel_loop3A_256] : memref<128xf32, #tpu.memory_space<vmem>>[vector<16xi32>], vector<16xf32>,
        %parallel_loop3A_268 = arith.constant 1 : i32
        %parallel_loop3A_269 = arith.index_cast %parallel_loop3A_268 : i32 to index
        %parallel_loop3A_270 = arith.index_cast %parallel_loop3A_252 : i32 to index
        %parallel_loop3A_271 = tpu.vector_load %arg14[%parallel_loop3A_269, %parallel_loop3A_270] {strides = array<i32>} : memref<8x512xf32, #tpu.memory_space<vmem>>, vector<16xf32>,
        tpu.vector_store %arg14[%parallel_loop3A_269, %parallel_loop3A_270], %parallel_loop3A_267 {strides = array<i32>} : memref<8x512xf32, #tpu.memory_space<vmem>>, vector<16xf32>,
      } {sc.loop_unroll_factor = 8 : i64, sc.parallel_access}
      %parallel_loop3A_140 = arith.constant 0 : i32
      %parallel_loop3A_141 = arith.constant 32 : i32
      %parallel_loop3A_142 = arith.constant 1 : i32
      scf.for %parallel_loop3A_250 = %parallel_loop3A_140 to %parallel_loop3A_141 step %parallel_loop3A_142  : i32 {
        %parallel_loop3A_251 = arith.constant 16 : i32
        %parallel_loop3A_252 = arith.muli %parallel_loop3A_250, %parallel_loop3A_251 : i32
        %parallel_loop3A_253 = arith.constant 2 : i32
        %parallel_loop3A_254 = arith.index_cast %parallel_loop3A_253 : i32 to index
        %parallel_loop3A_255 = arith.index_cast %parallel_loop3A_252 : i32 to index
        %parallel_loop3A_256 = tpu.vector_load %arg10[%parallel_loop3A_254, %parallel_loop3A_255] {strides = array<i32>} : memref<8x512xi32, #tpu.memory_space<vmem>>, vector<16xi32>,
        %parallel_loop3A_257 = tpu.vector_load_idx %arg7[%parallel_loop3A_256] : memref<128xf32, #tpu.memory_space<vmem>>[vector<16xi32>], vector<16xf32>,
        %parallel_loop3A_258 = arith.constant 2 : i32
        %parallel_loop3A_259 = arith.index_cast %parallel_loop3A_258 : i32 to index
        %parallel_loop3A_260 = arith.index_cast %parallel_loop3A_252 : i32 to index
        %parallel_loop3A_261 = tpu.vector_load %arg12[%parallel_loop3A_259, %parallel_loop3A_260] {strides = array<i32>} : memref<8x512xf32, #tpu.memory_space<vmem>>, vector<16xf32>,
        tpu.vector_store %arg12[%parallel_loop3A_259, %parallel_loop3A_260], %parallel_loop3A_257 {strides = array<i32>} : memref<8x512xf32, #tpu.memory_space<vmem>>, vector<16xf32>,
        %parallel_loop3A_262 = tpu.vector_load_idx %arg8[%parallel_loop3A_256] : memref<128xf32, #tpu.memory_space<vmem>>[vector<16xi32>], vector<16xf32>,
        %parallel_loop3A_263 = arith.constant 2 : i32
        %parallel_loop3A_264 = arith.index_cast %parallel_loop3A_263 : i32 to index
        %parallel_loop3A_265 = arith.index_cast %parallel_loop3A_252 : i32 to index
        %parallel_loop3A_266 = tpu.vector_load %arg13[%parallel_loop3A_264, %parallel_loop3A_265] {strides = array<i32>} : memref<8x512xf32, #tpu.memory_space<vmem>>, vector<16xf32>,
        tpu.vector_store %arg13[%parallel_loop3A_264, %parallel_loop3A_265], %parallel_loop3A_262 {strides = array<i32>} : memref<8x512xf32, #tpu.memory_space<vmem>>, vector<16xf32>,
        %parallel_loop3A_267 = tpu.vector_load_idx %arg9[%parallel_loop3A_256] : memref<128xf32, #tpu.memory_space<vmem>>[vector<16xi32>], vector<16xf32>,
        %parallel_loop3A_268 = arith.constant 2 : i32
        %parallel_loop3A_269 = arith.index_cast %parallel_loop3A_268 : i32 to index
        %parallel_loop3A_270 = arith.index_cast %parallel_loop3A_252 : i32 to index
        %parallel_loop3A_271 = tpu.vector_load %arg14[%parallel_loop3A_269, %parallel_loop3A_270] {strides = array<i32>} : memref<8x512xf32, #tpu.memory_space<vmem>>, vector<16xf32>,
        tpu.vector_store %arg14[%parallel_loop3A_269, %parallel_loop3A_270], %parallel_loop3A_267 {strides = array<i32>} : memref<8x512xf32, #tpu.memory_space<vmem>>, vector<16xf32>,
      } {sc.loop_unroll_factor = 8 : i64, sc.parallel_access}
      %parallel_loop3A_143 = arith.constant 0 : i32
      %parallel_loop3A_144 = arith.constant 32 : i32
      %parallel_loop3A_145 = arith.constant 1 : i32
      scf.for %parallel_loop3A_250 = %parallel_loop3A_143 to %parallel_loop3A_144 step %parallel_loop3A_145  : i32 {
        %parallel_loop3A_251 = arith.constant 16 : i32
        %parallel_loop3A_252 = arith.muli %parallel_loop3A_250, %parallel_loop3A_251 : i32
        %parallel_loop3A_253 = arith.constant 3 : i32
        %parallel_loop3A_254 = arith.index_cast %parallel_loop3A_253 : i32 to index
        %parallel_loop3A_255 = arith.index_cast %parallel_loop3A_252 : i32 to index
        %parallel_loop3A_256 = tpu.vector_load %arg10[%parallel_loop3A_254, %parallel_loop3A_255] {strides = array<i32>} : memref<8x512xi32, #tpu.memory_space<vmem>>, vector<16xi32>,
        %parallel_loop3A_257 = tpu.vector_load_idx %arg7[%parallel_loop3A_256] : memref<128xf32, #tpu.memory_space<vmem>>[vector<16xi32>], vector<16xf32>,
        %parallel_loop3A_258 = arith.constant 3 : i32
        %parallel_loop3A_259 = arith.index_cast %parallel_loop3A_258 : i32 to index
        %parallel_loop3A_260 = arith.index_cast %parallel_loop3A_252 : i32 to index
        %parallel_loop3A_261 = tpu.vector_load %arg12[%parallel_loop3A_259, %parallel_loop3A_260] {strides = array<i32>} : memref<8x512xf32, #tpu.memory_space<vmem>>, vector<16xf32>,
        tpu.vector_store %arg12[%parallel_loop3A_259, %parallel_loop3A_260], %parallel_loop3A_257 {strides = array<i32>} : memref<8x512xf32, #tpu.memory_space<vmem>>, vector<16xf32>,
        %parallel_loop3A_262 = tpu.vector_load_idx %arg8[%parallel_loop3A_256] : memref<128xf32, #tpu.memory_space<vmem>>[vector<16xi32>], vector<16xf32>,
        %parallel_loop3A_263 = arith.constant 3 : i32
        %parallel_loop3A_264 = arith.index_cast %parallel_loop3A_263 : i32 to index
        %parallel_loop3A_265 = arith.index_cast %parallel_loop3A_252 : i32 to index
        %parallel_loop3A_266 = tpu.vector_load %arg13[%parallel_loop3A_264, %parallel_loop3A_265] {strides = array<i32>} : memref<8x512xf32, #tpu.memory_space<vmem>>, vector<16xf32>,
        tpu.vector_store %arg13[%parallel_loop3A_264, %parallel_loop3A_265], %parallel_loop3A_262 {strides = array<i32>} : memref<8x512xf32, #tpu.memory_space<vmem>>, vector<16xf32>,
        %parallel_loop3A_267 = tpu.vector_load_idx %arg9[%parallel_loop3A_256] : memref<128xf32, #tpu.memory_space<vmem>>[vector<16xi32>], vector<16xf32>,
        %parallel_loop3A_268 = arith.constant 3 : i32
        %parallel_loop3A_269 = arith.index_cast %parallel_loop3A_268 : i32 to index
        %parallel_loop3A_270 = arith.index_cast %parallel_loop3A_252 : i32 to index
        %parallel_loop3A_271 = tpu.vector_load %arg14[%parallel_loop3A_269, %parallel_loop3A_270] {strides = array<i32>} : memref<8x512xf32, #tpu.memory_space<vmem>>, vector<16xf32>,
        tpu.vector_store %arg14[%parallel_loop3A_269, %parallel_loop3A_270], %parallel_loop3A_267 {strides = array<i32>} : memref<8x512xf32, #tpu.memory_space<vmem>>, vector<16xf32>,
      } {sc.loop_unroll_factor = 8 : i64, sc.parallel_access}
      %parallel_loop3A_146 = arith.constant 0 : i32
      %parallel_loop3A_147 = arith.constant 32 : i32
      %parallel_loop3A_148 = arith.constant 1 : i32
      scf.for %parallel_loop3A_250 = %parallel_loop3A_146 to %parallel_loop3A_147 step %parallel_loop3A_148  : i32 {
        %parallel_loop3A_251 = arith.constant 16 : i32
        %parallel_loop3A_252 = arith.muli %parallel_loop3A_250, %parallel_loop3A_251 : i32
        %parallel_loop3A_253 = arith.constant 4 : i32
        %parallel_loop3A_254 = arith.index_cast %parallel_loop3A_253 : i32 to index
        %parallel_loop3A_255 = arith.index_cast %parallel_loop3A_252 : i32 to index
        %parallel_loop3A_256 = tpu.vector_load %arg10[%parallel_loop3A_254, %parallel_loop3A_255] {strides = array<i32>} : memref<8x512xi32, #tpu.memory_space<vmem>>, vector<16xi32>,
        %parallel_loop3A_257 = tpu.vector_load_idx %arg7[%parallel_loop3A_256] : memref<128xf32, #tpu.memory_space<vmem>>[vector<16xi32>], vector<16xf32>,
        %parallel_loop3A_258 = arith.constant 4 : i32
        %parallel_loop3A_259 = arith.index_cast %parallel_loop3A_258 : i32 to index
        %parallel_loop3A_260 = arith.index_cast %parallel_loop3A_252 : i32 to index
        %parallel_loop3A_261 = tpu.vector_load %arg12[%parallel_loop3A_259, %parallel_loop3A_260] {strides = array<i32>} : memref<8x512xf32, #tpu.memory_space<vmem>>, vector<16xf32>,
        tpu.vector_store %arg12[%parallel_loop3A_259, %parallel_loop3A_260], %parallel_loop3A_257 {strides = array<i32>} : memref<8x512xf32, #tpu.memory_space<vmem>>, vector<16xf32>,
        %parallel_loop3A_262 = tpu.vector_load_idx %arg8[%parallel_loop3A_256] : memref<128xf32, #tpu.memory_space<vmem>>[vector<16xi32>], vector<16xf32>,
        %parallel_loop3A_263 = arith.constant 4 : i32
        %parallel_loop3A_264 = arith.index_cast %parallel_loop3A_263 : i32 to index
        %parallel_loop3A_265 = arith.index_cast %parallel_loop3A_252 : i32 to index
        %parallel_loop3A_266 = tpu.vector_load %arg13[%parallel_loop3A_264, %parallel_loop3A_265] {strides = array<i32>} : memref<8x512xf32, #tpu.memory_space<vmem>>, vector<16xf32>,
        tpu.vector_store %arg13[%parallel_loop3A_264, %parallel_loop3A_265], %parallel_loop3A_262 {strides = array<i32>} : memref<8x512xf32, #tpu.memory_space<vmem>>, vector<16xf32>,
        %parallel_loop3A_267 = tpu.vector_load_idx %arg9[%parallel_loop3A_256] : memref<128xf32, #tpu.memory_space<vmem>>[vector<16xi32>], vector<16xf32>,
        %parallel_loop3A_268 = arith.constant 4 : i32
        %parallel_loop3A_269 = arith.index_cast %parallel_loop3A_268 : i32 to index
        %parallel_loop3A_270 = arith.index_cast %parallel_loop3A_252 : i32 to index
        %parallel_loop3A_271 = tpu.vector_load %arg14[%parallel_loop3A_269, %parallel_loop3A_270] {strides = array<i32>} : memref<8x512xf32, #tpu.memory_space<vmem>>, vector<16xf32>,
        tpu.vector_store %arg14[%parallel_loop3A_269, %parallel_loop3A_270], %parallel_loop3A_267 {strides = array<i32>} : memref<8x512xf32, #tpu.memory_space<vmem>>, vector<16xf32>,
      } {sc.loop_unroll_factor = 8 : i64, sc.parallel_access}
      %parallel_loop3A_149 = arith.constant 0 : i32
      %parallel_loop3A_150 = arith.constant 32 : i32
      %parallel_loop3A_151 = arith.constant 1 : i32
      scf.for %parallel_loop3A_250 = %parallel_loop3A_149 to %parallel_loop3A_150 step %parallel_loop3A_151  : i32 {
        %parallel_loop3A_251 = arith.constant 16 : i32
        %parallel_loop3A_252 = arith.muli %parallel_loop3A_250, %parallel_loop3A_251 : i32
        %parallel_loop3A_253 = arith.constant 5 : i32
        %parallel_loop3A_254 = arith.index_cast %parallel_loop3A_253 : i32 to index
        %parallel_loop3A_255 = arith.index_cast %parallel_loop3A_252 : i32 to index
        %parallel_loop3A_256 = tpu.vector_load %arg10[%parallel_loop3A_254, %parallel_loop3A_255] {strides = array<i32>} : memref<8x512xi32, #tpu.memory_space<vmem>>, vector<16xi32>,
        %parallel_loop3A_257 = tpu.vector_load_idx %arg7[%parallel_loop3A_256] : memref<128xf32, #tpu.memory_space<vmem>>[vector<16xi32>], vector<16xf32>,
        %parallel_loop3A_258 = arith.constant 5 : i32
        %parallel_loop3A_259 = arith.index_cast %parallel_loop3A_258 : i32 to index
        %parallel_loop3A_260 = arith.index_cast %parallel_loop3A_252 : i32 to index
        %parallel_loop3A_261 = tpu.vector_load %arg12[%parallel_loop3A_259, %parallel_loop3A_260] {strides = array<i32>} : memref<8x512xf32, #tpu.memory_space<vmem>>, vector<16xf32>,
        tpu.vector_store %arg12[%parallel_loop3A_259, %parallel_loop3A_260], %parallel_loop3A_257 {strides = array<i32>} : memref<8x512xf32, #tpu.memory_space<vmem>>, vector<16xf32>,
        %parallel_loop3A_262 = tpu.vector_load_idx %arg8[%parallel_loop3A_256] : memref<128xf32, #tpu.memory_space<vmem>>[vector<16xi32>], vector<16xf32>,
        %parallel_loop3A_263 = arith.constant 5 : i32
        %parallel_loop3A_264 = arith.index_cast %parallel_loop3A_263 : i32 to index
        %parallel_loop3A_265 = arith.index_cast %parallel_loop3A_252 : i32 to index
        %parallel_loop3A_266 = tpu.vector_load %arg13[%parallel_loop3A_264, %parallel_loop3A_265] {strides = array<i32>} : memref<8x512xf32, #tpu.memory_space<vmem>>, vector<16xf32>,
        tpu.vector_store %arg13[%parallel_loop3A_264, %parallel_loop3A_265], %parallel_loop3A_262 {strides = array<i32>} : memref<8x512xf32, #tpu.memory_space<vmem>>, vector<16xf32>,
        %parallel_loop3A_267 = tpu.vector_load_idx %arg9[%parallel_loop3A_256] : memref<128xf32, #tpu.memory_space<vmem>>[vector<16xi32>], vector<16xf32>,
        %parallel_loop3A_268 = arith.constant 5 : i32
        %parallel_loop3A_269 = arith.index_cast %parallel_loop3A_268 : i32 to index
        %parallel_loop3A_270 = arith.index_cast %parallel_loop3A_252 : i32 to index
        %parallel_loop3A_271 = tpu.vector_load %arg14[%parallel_loop3A_269, %parallel_loop3A_270] {strides = array<i32>} : memref<8x512xf32, #tpu.memory_space<vmem>>, vector<16xf32>,
        tpu.vector_store %arg14[%parallel_loop3A_269, %parallel_loop3A_270], %parallel_loop3A_267 {strides = array<i32>} : memref<8x512xf32, #tpu.memory_space<vmem>>, vector<16xf32>,
      } {sc.loop_unroll_factor = 8 : i64, sc.parallel_access}
      %parallel_loop3A_152 = arith.constant 0 : i32
      %parallel_loop3A_153 = arith.constant 32 : i32
      %parallel_loop3A_154 = arith.constant 1 : i32
      scf.for %parallel_loop3A_250 = %parallel_loop3A_152 to %parallel_loop3A_153 step %parallel_loop3A_154  : i32 {
        %parallel_loop3A_251 = arith.constant 16 : i32
        %parallel_loop3A_252 = arith.muli %parallel_loop3A_250, %parallel_loop3A_251 : i32
        %parallel_loop3A_253 = arith.constant 6 : i32
        %parallel_loop3A_254 = arith.index_cast %parallel_loop3A_253 : i32 to index
        %parallel_loop3A_255 = arith.index_cast %parallel_loop3A_252 : i32 to index
        %parallel_loop3A_256 = tpu.vector_load %arg10[%parallel_loop3A_254, %parallel_loop3A_255] {strides = array<i32>} : memref<8x512xi32, #tpu.memory_space<vmem>>, vector<16xi32>,
        %parallel_loop3A_257 = tpu.vector_load_idx %arg7[%parallel_loop3A_256] : memref<128xf32, #tpu.memory_space<vmem>>[vector<16xi32>], vector<16xf32>,
        %parallel_loop3A_258 = arith.constant 6 : i32
        %parallel_loop3A_259 = arith.index_cast %parallel_loop3A_258 : i32 to index
        %parallel_loop3A_260 = arith.index_cast %parallel_loop3A_252 : i32 to index
        %parallel_loop3A_261 = tpu.vector_load %arg12[%parallel_loop3A_259, %parallel_loop3A_260] {strides = array<i32>} : memref<8x512xf32, #tpu.memory_space<vmem>>, vector<16xf32>,
        tpu.vector_store %arg12[%parallel_loop3A_259, %parallel_loop3A_260], %parallel_loop3A_257 {strides = array<i32>} : memref<8x512xf32, #tpu.memory_space<vmem>>, vector<16xf32>,
        %parallel_loop3A_262 = tpu.vector_load_idx %arg8[%parallel_loop3A_256] : memref<128xf32, #tpu.memory_space<vmem>>[vector<16xi32>], vector<16xf32>,
        %parallel_loop3A_263 = arith.constant 6 : i32
        %parallel_loop3A_264 = arith.index_cast %parallel_loop3A_263 : i32 to index
        %parallel_loop3A_265 = arith.index_cast %parallel_loop3A_252 : i32 to index
        %parallel_loop3A_266 = tpu.vector_load %arg13[%parallel_loop3A_264, %parallel_loop3A_265] {strides = array<i32>} : memref<8x512xf32, #tpu.memory_space<vmem>>, vector<16xf32>,
        tpu.vector_store %arg13[%parallel_loop3A_264, %parallel_loop3A_265], %parallel_loop3A_262 {strides = array<i32>} : memref<8x512xf32, #tpu.memory_space<vmem>>, vector<16xf32>,
        %parallel_loop3A_267 = tpu.vector_load_idx %arg9[%parallel_loop3A_256] : memref<128xf32, #tpu.memory_space<vmem>>[vector<16xi32>], vector<16xf32>,
        %parallel_loop3A_268 = arith.constant 6 : i32
        %parallel_loop3A_269 = arith.index_cast %parallel_loop3A_268 : i32 to index
        %parallel_loop3A_270 = arith.index_cast %parallel_loop3A_252 : i32 to index
        %parallel_loop3A_271 = tpu.vector_load %arg14[%parallel_loop3A_269, %parallel_loop3A_270] {strides = array<i32>} : memref<8x512xf32, #tpu.memory_space<vmem>>, vector<16xf32>,
        tpu.vector_store %arg14[%parallel_loop3A_269, %parallel_loop3A_270], %parallel_loop3A_267 {strides = array<i32>} : memref<8x512xf32, #tpu.memory_space<vmem>>, vector<16xf32>,
      } {sc.loop_unroll_factor = 8 : i64, sc.parallel_access}
      %parallel_loop3A_155 = arith.constant 0 : i32
      %parallel_loop3A_156 = arith.constant 32 : i32
      %parallel_loop3A_157 = arith.constant 1 : i32
      scf.for %parallel_loop3A_250 = %parallel_loop3A_155 to %parallel_loop3A_156 step %parallel_loop3A_157  : i32 {
        %parallel_loop3A_251 = arith.constant 16 : i32
        %parallel_loop3A_252 = arith.muli %parallel_loop3A_250, %parallel_loop3A_251 : i32
        %parallel_loop3A_253 = arith.constant 7 : i32
        %parallel_loop3A_254 = arith.index_cast %parallel_loop3A_253 : i32 to index
        %parallel_loop3A_255 = arith.index_cast %parallel_loop3A_252 : i32 to index
        %parallel_loop3A_256 = tpu.vector_load %arg10[%parallel_loop3A_254, %parallel_loop3A_255] {strides = array<i32>} : memref<8x512xi32, #tpu.memory_space<vmem>>, vector<16xi32>,
        %parallel_loop3A_257 = tpu.vector_load_idx %arg7[%parallel_loop3A_256] : memref<128xf32, #tpu.memory_space<vmem>>[vector<16xi32>], vector<16xf32>,
        %parallel_loop3A_258 = arith.constant 7 : i32
        %parallel_loop3A_259 = arith.index_cast %parallel_loop3A_258 : i32 to index
        %parallel_loop3A_260 = arith.index_cast %parallel_loop3A_252 : i32 to index
        %parallel_loop3A_261 = tpu.vector_load %arg12[%parallel_loop3A_259, %parallel_loop3A_260] {strides = array<i32>} : memref<8x512xf32, #tpu.memory_space<vmem>>, vector<16xf32>,
        tpu.vector_store %arg12[%parallel_loop3A_259, %parallel_loop3A_260], %parallel_loop3A_257 {strides = array<i32>} : memref<8x512xf32, #tpu.memory_space<vmem>>, vector<16xf32>,
        %parallel_loop3A_262 = tpu.vector_load_idx %arg8[%parallel_loop3A_256] : memref<128xf32, #tpu.memory_space<vmem>>[vector<16xi32>], vector<16xf32>,
        %parallel_loop3A_263 = arith.constant 7 : i32
        %parallel_loop3A_264 = arith.index_cast %parallel_loop3A_263 : i32 to index
        %parallel_loop3A_265 = arith.index_cast %parallel_loop3A_252 : i32 to index
        %parallel_loop3A_266 = tpu.vector_load %arg13[%parallel_loop3A_264, %parallel_loop3A_265] {strides = array<i32>} : memref<8x512xf32, #tpu.memory_space<vmem>>, vector<16xf32>,
        tpu.vector_store %arg13[%parallel_loop3A_264, %parallel_loop3A_265], %parallel_loop3A_262 {strides = array<i32>} : memref<8x512xf32, #tpu.memory_space<vmem>>, vector<16xf32>,
        %parallel_loop3A_267 = tpu.vector_load_idx %arg9[%parallel_loop3A_256] : memref<128xf32, #tpu.memory_space<vmem>>[vector<16xi32>], vector<16xf32>,
        %parallel_loop3A_268 = arith.constant 7 : i32
        %parallel_loop3A_269 = arith.index_cast %parallel_loop3A_268 : i32 to index
        %parallel_loop3A_270 = arith.index_cast %parallel_loop3A_252 : i32 to index
        %parallel_loop3A_271 = tpu.vector_load %arg14[%parallel_loop3A_269, %parallel_loop3A_270] {strides = array<i32>} : memref<8x512xf32, #tpu.memory_space<vmem>>, vector<16xf32>,
        tpu.vector_store %arg14[%parallel_loop3A_269, %parallel_loop3A_270], %parallel_loop3A_267 {strides = array<i32>} : memref<8x512xf32, #tpu.memory_space<vmem>>, vector<16xf32>,
      } {sc.loop_unroll_factor = 8 : i64, sc.parallel_access}
      %mul3A_158 = arith.constant 8 : i32
      %mul3A_159 = arith.muli %mul3A_127, %mul3A_158 : i32
      %dma_start3A_160 = arith.constant 0 : i32
      %dma_start3A_161 = tpu.memref_slice %arg6[%dma_start3A_160, %mul3A_159, %mul3A_2] : memref<3x200x16384xf32, #tpu.memory_space<hbm>> -> memref<1x8x512xf32, #tpu.memory_space<hbm>>
      %dma_start3A_162 = tpu.memref_squeeze %dma_start3A_161 : memref<1x8x512xf32, #tpu.memory_space<hbm>> -> memref<8x512xf32, #tpu.memory_space<hbm>>
      %dma_start3A_163 = tpu.memref_slice %arg6[%dma_start3A_160, %mul3A_159, %mul3A_2] : memref<3x200x16384xf32, #tpu.memory_space<hbm>> -> memref<1x8x512xf32, #tpu.memory_space<hbm>>
      %dma_start3A_164 = tpu.memref_squeeze %dma_start3A_163 : memref<1x8x512xf32, #tpu.memory_space<hbm>> -> memref<8x512xf32, #tpu.memory_space<hbm>>
      tpu.enqueue_dma source(%arg12 : memref<8x512xf32, #tpu.memory_space<vmem>>) target(%dma_start3A_164 : memref<8x512xf32, #tpu.memory_space<hbm>>) target_semaphore(%arg20 : memref<!tpu.dma_semaphore, #tpu.memory_space<semaphore_mem>>)
      %mul3A_165 = arith.constant 8 : i32
      %mul3A_166 = arith.muli %mul3A_127, %mul3A_165 : i32
      %dma_start3A_167 = arith.constant 1 : i32
      %dma_start3A_168 = tpu.memref_slice %arg6[%dma_start3A_167, %mul3A_166, %mul3A_2] : memref<3x200x16384xf32, #tpu.memory_space<hbm>> -> memref<1x8x512xf32, #tpu.memory_space<hbm>>
      %dma_start3A_169 = tpu.memref_squeeze %dma_start3A_168 : memref<1x8x512xf32, #tpu.memory_space<hbm>> -> memref<8x512xf32, #tpu.memory_space<hbm>>
      %dma_start3A_170 = tpu.memref_slice %arg6[%dma_start3A_167, %mul3A_166, %mul3A_2] : memref<3x200x16384xf32, #tpu.memory_space<hbm>> -> memref<1x8x512xf32, #tpu.memory_space<hbm>>
      %dma_start3A_171 = tpu.memref_squeeze %dma_start3A_170 : memref<1x8x512xf32, #tpu.memory_space<hbm>> -> memref<8x512xf32, #tpu.memory_space<hbm>>
      tpu.enqueue_dma source(%arg13 : memref<8x512xf32, #tpu.memory_space<vmem>>) target(%dma_start3A_171 : memref<8x512xf32, #tpu.memory_space<hbm>>) target_semaphore(%arg20 : memref<!tpu.dma_semaphore, #tpu.memory_space<semaphore_mem>>)
      %mul3A_172 = arith.constant 8 : i32
      %mul3A_173 = arith.muli %mul3A_127, %mul3A_172 : i32
      %dma_start3A_174 = arith.constant 2 : i32
      %dma_start3A_175 = tpu.memref_slice %arg6[%dma_start3A_174, %mul3A_173, %mul3A_2] : memref<3x200x16384xf32, #tpu.memory_space<hbm>> -> memref<1x8x512xf32, #tpu.memory_space<hbm>>
      %dma_start3A_176 = tpu.memref_squeeze %dma_start3A_175 : memref<1x8x512xf32, #tpu.memory_space<hbm>> -> memref<8x512xf32, #tpu.memory_space<hbm>>
      %dma_start3A_177 = tpu.memref_slice %arg6[%dma_start3A_174, %mul3A_173, %mul3A_2] : memref<3x200x16384xf32, #tpu.memory_space<hbm>> -> memref<1x8x512xf32, #tpu.memory_space<hbm>>
      %dma_start3A_178 = tpu.memref_squeeze %dma_start3A_177 : memref<1x8x512xf32, #tpu.memory_space<hbm>> -> memref<8x512xf32, #tpu.memory_space<hbm>>
      tpu.enqueue_dma source(%arg14 : memref<8x512xf32, #tpu.memory_space<vmem>>) target(%dma_start3A_178 : memref<8x512xf32, #tpu.memory_space<hbm>>) target_semaphore(%arg20 : memref<!tpu.dma_semaphore, #tpu.memory_space<semaphore_mem>>)
      %add3A_179 = arith.constant 2 : i32
      %add3A_180 = arith.addi %mul3A_127, %add3A_179 : i32
      %lt3A = arith.constant 25 : i32
      %lt3A_181 = arith.cmpi slt, %add3A_180, %lt3A : i32
      %convert_element_type3A_182 = arith.extui %lt3A_181 : i1 to i32
      %cond3A_183 = arith.constant 0 : i32
      %cond3A_184 = arith.cmpi ne, %convert_element_type3A_182, %cond3A_183 : i32
      scf.if %cond3A_184 {
        %add3A_250 = arith.constant 2 : i32
        %add3A_251 = arith.addi %mul3A_127, %add3A_250 : i32
        %mul3A_252 = arith.constant 8 : i32
        %mul3A_253 = arith.muli %add3A_251, %mul3A_252 : i32
        %dma_start3A_254 = tpu.memref_slice %arg5[%mul3A_253, %mul3A_2] : memref<200x16384xi32, #tpu.memory_space<hbm>> -> memref<8x512xi32, #tpu.memory_space<hbm>>
        %dma_start3A_255 = tpu.memref_slice %arg5[%mul3A_253, %mul3A_2] : memref<200x16384xi32, #tpu.memory_space<hbm>> -> memref<8x512xi32, #tpu.memory_space<hbm>>
        tpu.enqueue_dma source(%dma_start3A_255 : memref<8x512xi32, #tpu.memory_space<hbm>>) target(%arg10 : memref<8x512xi32, #tpu.memory_space<vmem>>) target_semaphore(%arg18 : memref<!tpu.dma_semaphore, #tpu.memory_space<semaphore_mem>>)
      } else {
      }
      %mul3A_185 = arith.constant 2 : i32
      %mul3A_186 = arith.muli %mul3A_185, %scan3A_125 : i32
      %add3A_187 = arith.constant 1 : i32
      %add3A_188 = arith.addi %mul3A_186, %add3A_187 : i32
      %mul3A_189 = arith.constant 8 : i32
      %mul3A_190 = arith.muli %add3A_188, %mul3A_189 : i32
      %dma_wait3A_191 = tpu.memref_slice %arg5[%mul3A_190, %mul3A_2] : memref<200x16384xi32, #tpu.memory_space<hbm>> -> memref<8x512xi32, #tpu.memory_space<hbm>>
      %dma_wait3A_192 = tpu.memref_slice %arg5[%mul3A_190, %mul3A_2] : memref<200x16384xi32, #tpu.memory_space<hbm>> -> memref<8x512xi32, #tpu.memory_space<hbm>>
      tpu.wait_dma2 semaphore(%arg19 : memref<!tpu.dma_semaphore, #tpu.memory_space<semaphore_mem>>) src(%dma_wait3A_192 : memref<8x512xi32, #tpu.memory_space<hbm>>) dst(%arg11 : memref<8x512xi32, #tpu.memory_space<vmem>>)
      %ge3A_193 = arith.constant 2 : i32
      %ge3A_194 = arith.cmpi sge, %add3A_188, %ge3A_193 : i32
      %convert_element_type3A_195 = arith.extui %ge3A_194 : i1 to i32
      %cond3A_196 = arith.constant 0 : i32
      %cond3A_197 = arith.cmpi ne, %convert_element_type3A_195, %cond3A_196 : i32
      scf.if %cond3A_197 {
        %sub3A = arith.constant 2 : i32
        %sub3A_250 = arith.subi %add3A_188, %sub3A : i32
        %mul3A_251 = arith.constant 8 : i32
        %mul3A_252 = arith.muli %sub3A_250, %mul3A_251 : i32
        %dma_wait3A_253 = arith.constant 0 : i32
        %dma_wait3A_254 = tpu.memref_slice %arg6[%dma_wait3A_253, %mul3A_252, %mul3A_2] : memref<3x200x16384xf32, #tpu.memory_space<hbm>> -> memref<1x8x512xf32, #tpu.memory_space<hbm>>
        %dma_wait3A_255 = tpu.memref_squeeze %dma_wait3A_254 : memref<1x8x512xf32, #tpu.memory_space<hbm>> -> memref<8x512xf32, #tpu.memory_space<hbm>>
        %dma_wait3A_256 = tpu.memref_slice %arg6[%dma_wait3A_253, %mul3A_252, %mul3A_2] : memref<3x200x16384xf32, #tpu.memory_space<hbm>> -> memref<1x8x512xf32, #tpu.memory_space<hbm>>
        %dma_wait3A_257 = tpu.memref_squeeze %dma_wait3A_256 : memref<1x8x512xf32, #tpu.memory_space<hbm>> -> memref<8x512xf32, #tpu.memory_space<hbm>>
        tpu.wait_dma2 semaphore(%arg21 : memref<!tpu.dma_semaphore, #tpu.memory_space<semaphore_mem>>) src(%arg15 : memref<8x512xf32, #tpu.memory_space<vmem>>) dst(%dma_wait3A_257 : memref<8x512xf32, #tpu.memory_space<hbm>>)
        %mul3A_258 = arith.constant 8 : i32
        %mul3A_259 = arith.muli %sub3A_250, %mul3A_258 : i32
        %dma_wait3A_260 = arith.constant 1 : i32
        %dma_wait3A_261 = tpu.memref_slice %arg6[%dma_wait3A_260, %mul3A_259, %mul3A_2] : memref<3x200x16384xf32, #tpu.memory_space<hbm>> -> memref<1x8x512xf32, #tpu.memory_space<hbm>>
        %dma_wait3A_262 = tpu.memref_squeeze %dma_wait3A_261 : memref<1x8x512xf32, #tpu.memory_space<hbm>> -> memref<8x512xf32, #tpu.memory_space<hbm>>
        %dma_wait3A_263 = tpu.memref_slice %arg6[%dma_wait3A_260, %mul3A_259, %mul3A_2] : memref<3x200x16384xf32, #tpu.memory_space<hbm>> -> memref<1x8x512xf32, #tpu.memory_space<hbm>>
        %dma_wait3A_264 = tpu.memref_squeeze %dma_wait3A_263 : memref<1x8x512xf32, #tpu.memory_space<hbm>> -> memref<8x512xf32, #tpu.memory_space<hbm>>
        tpu.wait_dma2 semaphore(%arg21 : memref<!tpu.dma_semaphore, #tpu.memory_space<semaphore_mem>>) src(%arg16 : memref<8x512xf32, #tpu.memory_space<vmem>>) dst(%dma_wait3A_264 : memref<8x512xf32, #tpu.memory_space<hbm>>)
        %mul3A_265 = arith.constant 8 : i32
        %mul3A_266 = arith.muli %sub3A_250, %mul3A_265 : i32
        %dma_wait3A_267 = arith.constant 2 : i32
        %dma_wait3A_268 = tpu.memref_slice %arg6[%dma_wait3A_267, %mul3A_266, %mul3A_2] : memref<3x200x16384xf32, #tpu.memory_space<hbm>> -> memref<1x8x512xf32, #tpu.memory_space<hbm>>
        %dma_wait3A_269 = tpu.memref_squeeze %dma_wait3A_268 : memref<1x8x512xf32, #tpu.memory_space<hbm>> -> memref<8x512xf32, #tpu.memory_space<hbm>>
        %dma_wait3A_270 = tpu.memref_slice %arg6[%dma_wait3A_267, %mul3A_266, %mul3A_2] : memref<3x200x16384xf32, #tpu.memory_space<hbm>> -> memref<1x8x512xf32, #tpu.memory_space<hbm>>
        %dma_wait3A_271 = tpu.memref_squeeze %dma_wait3A_270 : memref<1x8x512xf32, #tpu.memory_space<hbm>> -> memref<8x512xf32, #tpu.memory_space<hbm>>
        tpu.wait_dma2 semaphore(%arg21 : memref<!tpu.dma_semaphore, #tpu.memory_space<semaphore_mem>>) src(%arg17 : memref<8x512xf32, #tpu.memory_space<vmem>>) dst(%dma_wait3A_271 : memref<8x512xf32, #tpu.memory_space<hbm>>)
      } else {
      }
      %parallel_loop3A_198 = arith.constant 0 : i32
      %parallel_loop3A_199 = arith.constant 32 : i32
      %parallel_loop3A_200 = arith.constant 1 : i32
      scf.for %parallel_loop3A_250 = %parallel_loop3A_198 to %parallel_loop3A_199 step %parallel_loop3A_200  : i32 {
        %parallel_loop3A_251 = arith.constant 16 : i32
        %parallel_loop3A_252 = arith.muli %parallel_loop3A_250, %parallel_loop3A_251 : i32
        %parallel_loop3A_253 = arith.constant 0 : i32
        %parallel_loop3A_254 = arith.index_cast %parallel_loop3A_253 : i32 to index
        %parallel_loop3A_255 = arith.index_cast %parallel_loop3A_252 : i32 to index
        %parallel_loop3A_256 = tpu.vector_load %arg11[%parallel_loop3A_254, %parallel_loop3A_255] {strides = array<i32>} : memref<8x512xi32, #tpu.memory_space<vmem>>, vector<16xi32>,
        %parallel_loop3A_257 = tpu.vector_load_idx %arg7[%parallel_loop3A_256] : memref<128xf32, #tpu.memory_space<vmem>>[vector<16xi32>], vector<16xf32>,
        %parallel_loop3A_258 = arith.constant 0 : i32
        %parallel_loop3A_259 = arith.index_cast %parallel_loop3A_258 : i32 to index
        %parallel_loop3A_260 = arith.index_cast %parallel_loop3A_252 : i32 to index
        %parallel_loop3A_261 = tpu.vector_load %arg15[%parallel_loop3A_259, %parallel_loop3A_260] {strides = array<i32>} : memref<8x512xf32, #tpu.memory_space<vmem>>, vector<16xf32>,
        tpu.vector_store %arg15[%parallel_loop3A_259, %parallel_loop3A_260], %parallel_loop3A_257 {strides = array<i32>} : memref<8x512xf32, #tpu.memory_space<vmem>>, vector<16xf32>,
        %parallel_loop3A_262 = tpu.vector_load_idx %arg8[%parallel_loop3A_256] : memref<128xf32, #tpu.memory_space<vmem>>[vector<16xi32>], vector<16xf32>,
        %parallel_loop3A_263 = arith.constant 0 : i32
        %parallel_loop3A_264 = arith.index_cast %parallel_loop3A_263 : i32 to index
        %parallel_loop3A_265 = arith.index_cast %parallel_loop3A_252 : i32 to index
        %parallel_loop3A_266 = tpu.vector_load %arg16[%parallel_loop3A_264, %parallel_loop3A_265] {strides = array<i32>} : memref<8x512xf32, #tpu.memory_space<vmem>>, vector<16xf32>,
        tpu.vector_store %arg16[%parallel_loop3A_264, %parallel_loop3A_265], %parallel_loop3A_262 {strides = array<i32>} : memref<8x512xf32, #tpu.memory_space<vmem>>, vector<16xf32>,
        %parallel_loop3A_267 = tpu.vector_load_idx %arg9[%parallel_loop3A_256] : memref<128xf32, #tpu.memory_space<vmem>>[vector<16xi32>], vector<16xf32>,
        %parallel_loop3A_268 = arith.constant 0 : i32
        %parallel_loop3A_269 = arith.index_cast %parallel_loop3A_268 : i32 to index
        %parallel_loop3A_270 = arith.index_cast %parallel_loop3A_252 : i32 to index
        %parallel_loop3A_271 = tpu.vector_load %arg17[%parallel_loop3A_269, %parallel_loop3A_270] {strides = array<i32>} : memref<8x512xf32, #tpu.memory_space<vmem>>, vector<16xf32>,
        tpu.vector_store %arg17[%parallel_loop3A_269, %parallel_loop3A_270], %parallel_loop3A_267 {strides = array<i32>} : memref<8x512xf32, #tpu.memory_space<vmem>>, vector<16xf32>,
      } {sc.loop_unroll_factor = 8 : i64, sc.parallel_access}
      %parallel_loop3A_201 = arith.constant 0 : i32
      %parallel_loop3A_202 = arith.constant 32 : i32
      %parallel_loop3A_203 = arith.constant 1 : i32
      scf.for %parallel_loop3A_250 = %parallel_loop3A_201 to %parallel_loop3A_202 step %parallel_loop3A_203  : i32 {
        %parallel_loop3A_251 = arith.constant 16 : i32
        %parallel_loop3A_252 = arith.muli %parallel_loop3A_250, %parallel_loop3A_251 : i32
        %parallel_loop3A_253 = arith.constant 1 : i32
        %parallel_loop3A_254 = arith.index_cast %parallel_loop3A_253 : i32 to index
        %parallel_loop3A_255 = arith.index_cast %parallel_loop3A_252 : i32 to index
        %parallel_loop3A_256 = tpu.vector_load %arg11[%parallel_loop3A_254, %parallel_loop3A_255] {strides = array<i32>} : memref<8x512xi32, #tpu.memory_space<vmem>>, vector<16xi32>,
        %parallel_loop3A_257 = tpu.vector_load_idx %arg7[%parallel_loop3A_256] : memref<128xf32, #tpu.memory_space<vmem>>[vector<16xi32>], vector<16xf32>,
        %parallel_loop3A_258 = arith.constant 1 : i32
        %parallel_loop3A_259 = arith.index_cast %parallel_loop3A_258 : i32 to index
        %parallel_loop3A_260 = arith.index_cast %parallel_loop3A_252 : i32 to index
        %parallel_loop3A_261 = tpu.vector_load %arg15[%parallel_loop3A_259, %parallel_loop3A_260] {strides = array<i32>} : memref<8x512xf32, #tpu.memory_space<vmem>>, vector<16xf32>,
        tpu.vector_store %arg15[%parallel_loop3A_259, %parallel_loop3A_260], %parallel_loop3A_257 {strides = array<i32>} : memref<8x512xf32, #tpu.memory_space<vmem>>, vector<16xf32>,
        %parallel_loop3A_262 = tpu.vector_load_idx %arg8[%parallel_loop3A_256] : memref<128xf32, #tpu.memory_space<vmem>>[vector<16xi32>], vector<16xf32>,
        %parallel_loop3A_263 = arith.constant 1 : i32
        %parallel_loop3A_264 = arith.index_cast %parallel_loop3A_263 : i32 to index
        %parallel_loop3A_265 = arith.index_cast %parallel_loop3A_252 : i32 to index
        %parallel_loop3A_266 = tpu.vector_load %arg16[%parallel_loop3A_264, %parallel_loop3A_265] {strides = array<i32>} : memref<8x512xf32, #tpu.memory_space<vmem>>, vector<16xf32>,
        tpu.vector_store %arg16[%parallel_loop3A_264, %parallel_loop3A_265], %parallel_loop3A_262 {strides = array<i32>} : memref<8x512xf32, #tpu.memory_space<vmem>>, vector<16xf32>,
        %parallel_loop3A_267 = tpu.vector_load_idx %arg9[%parallel_loop3A_256] : memref<128xf32, #tpu.memory_space<vmem>>[vector<16xi32>], vector<16xf32>,
        %parallel_loop3A_268 = arith.constant 1 : i32
        %parallel_loop3A_269 = arith.index_cast %parallel_loop3A_268 : i32 to index
        %parallel_loop3A_270 = arith.index_cast %parallel_loop3A_252 : i32 to index
        %parallel_loop3A_271 = tpu.vector_load %arg17[%parallel_loop3A_269, %parallel_loop3A_270] {strides = array<i32>} : memref<8x512xf32, #tpu.memory_space<vmem>>, vector<16xf32>,
        tpu.vector_store %arg17[%parallel_loop3A_269, %parallel_loop3A_270], %parallel_loop3A_267 {strides = array<i32>} : memref<8x512xf32, #tpu.memory_space<vmem>>, vector<16xf32>,
      } {sc.loop_unroll_factor = 8 : i64, sc.parallel_access}
      %parallel_loop3A_204 = arith.constant 0 : i32
      %parallel_loop3A_205 = arith.constant 32 : i32
      %parallel_loop3A_206 = arith.constant 1 : i32
      scf.for %parallel_loop3A_250 = %parallel_loop3A_204 to %parallel_loop3A_205 step %parallel_loop3A_206  : i32 {
        %parallel_loop3A_251 = arith.constant 16 : i32
        %parallel_loop3A_252 = arith.muli %parallel_loop3A_250, %parallel_loop3A_251 : i32
        %parallel_loop3A_253 = arith.constant 2 : i32
        %parallel_loop3A_254 = arith.index_cast %parallel_loop3A_253 : i32 to index
        %parallel_loop3A_255 = arith.index_cast %parallel_loop3A_252 : i32 to index
        %parallel_loop3A_256 = tpu.vector_load %arg11[%parallel_loop3A_254, %parallel_loop3A_255] {strides = array<i32>} : memref<8x512xi32, #tpu.memory_space<vmem>>, vector<16xi32>,
        %parallel_loop3A_257 = tpu.vector_load_idx %arg7[%parallel_loop3A_256] : memref<128xf32, #tpu.memory_space<vmem>>[vector<16xi32>], vector<16xf32>,
        %parallel_loop3A_258 = arith.constant 2 : i32
        %parallel_loop3A_259 = arith.index_cast %parallel_loop3A_258 : i32 to index
        %parallel_loop3A_260 = arith.index_cast %parallel_loop3A_252 : i32 to index
        %parallel_loop3A_261 = tpu.vector_load %arg15[%parallel_loop3A_259, %parallel_loop3A_260] {strides = array<i32>} : memref<8x512xf32, #tpu.memory_space<vmem>>, vector<16xf32>,
        tpu.vector_store %arg15[%parallel_loop3A_259, %parallel_loop3A_260], %parallel_loop3A_257 {strides = array<i32>} : memref<8x512xf32, #tpu.memory_space<vmem>>, vector<16xf32>,
        %parallel_loop3A_262 = tpu.vector_load_idx %arg8[%parallel_loop3A_256] : memref<128xf32, #tpu.memory_space<vmem>>[vector<16xi32>], vector<16xf32>,
        %parallel_loop3A_263 = arith.constant 2 : i32
        %parallel_loop3A_264 = arith.index_cast %parallel_loop3A_263 : i32 to index
        %parallel_loop3A_265 = arith.index_cast %parallel_loop3A_252 : i32 to index
        %parallel_loop3A_266 = tpu.vector_load %arg16[%parallel_loop3A_264, %parallel_loop3A_265] {strides = array<i32>} : memref<8x512xf32, #tpu.memory_space<vmem>>, vector<16xf32>,
        tpu.vector_store %arg16[%parallel_loop3A_264, %parallel_loop3A_265], %parallel_loop3A_262 {strides = array<i32>} : memref<8x512xf32, #tpu.memory_space<vmem>>, vector<16xf32>,
        %parallel_loop3A_267 = tpu.vector_load_idx %arg9[%parallel_loop3A_256] : memref<128xf32, #tpu.memory_space<vmem>>[vector<16xi32>], vector<16xf32>,
        %parallel_loop3A_268 = arith.constant 2 : i32
        %parallel_loop3A_269 = arith.index_cast %parallel_loop3A_268 : i32 to index
        %parallel_loop3A_270 = arith.index_cast %parallel_loop3A_252 : i32 to index
        %parallel_loop3A_271 = tpu.vector_load %arg17[%parallel_loop3A_269, %parallel_loop3A_270] {strides = array<i32>} : memref<8x512xf32, #tpu.memory_space<vmem>>, vector<16xf32>,
        tpu.vector_store %arg17[%parallel_loop3A_269, %parallel_loop3A_270], %parallel_loop3A_267 {strides = array<i32>} : memref<8x512xf32, #tpu.memory_space<vmem>>, vector<16xf32>,
      } {sc.loop_unroll_factor = 8 : i64, sc.parallel_access}
      %parallel_loop3A_207 = arith.constant 0 : i32
      %parallel_loop3A_208 = arith.constant 32 : i32
      %parallel_loop3A_209 = arith.constant 1 : i32
      scf.for %parallel_loop3A_250 = %parallel_loop3A_207 to %parallel_loop3A_208 step %parallel_loop3A_209  : i32 {
        %parallel_loop3A_251 = arith.constant 16 : i32
        %parallel_loop3A_252 = arith.muli %parallel_loop3A_250, %parallel_loop3A_251 : i32
        %parallel_loop3A_253 = arith.constant 3 : i32
        %parallel_loop3A_254 = arith.index_cast %parallel_loop3A_253 : i32 to index
        %parallel_loop3A_255 = arith.index_cast %parallel_loop3A_252 : i32 to index
        %parallel_loop3A_256 = tpu.vector_load %arg11[%parallel_loop3A_254, %parallel_loop3A_255] {strides = array<i32>} : memref<8x512xi32, #tpu.memory_space<vmem>>, vector<16xi32>,
        %parallel_loop3A_257 = tpu.vector_load_idx %arg7[%parallel_loop3A_256] : memref<128xf32, #tpu.memory_space<vmem>>[vector<16xi32>], vector<16xf32>,
        %parallel_loop3A_258 = arith.constant 3 : i32
        %parallel_loop3A_259 = arith.index_cast %parallel_loop3A_258 : i32 to index
        %parallel_loop3A_260 = arith.index_cast %parallel_loop3A_252 : i32 to index
        %parallel_loop3A_261 = tpu.vector_load %arg15[%parallel_loop3A_259, %parallel_loop3A_260] {strides = array<i32>} : memref<8x512xf32, #tpu.memory_space<vmem>>, vector<16xf32>,
        tpu.vector_store %arg15[%parallel_loop3A_259, %parallel_loop3A_260], %parallel_loop3A_257 {strides = array<i32>} : memref<8x512xf32, #tpu.memory_space<vmem>>, vector<16xf32>,
        %parallel_loop3A_262 = tpu.vector_load_idx %arg8[%parallel_loop3A_256] : memref<128xf32, #tpu.memory_space<vmem>>[vector<16xi32>], vector<16xf32>,
        %parallel_loop3A_263 = arith.constant 3 : i32
        %parallel_loop3A_264 = arith.index_cast %parallel_loop3A_263 : i32 to index
        %parallel_loop3A_265 = arith.index_cast %parallel_loop3A_252 : i32 to index
        %parallel_loop3A_266 = tpu.vector_load %arg16[%parallel_loop3A_264, %parallel_loop3A_265] {strides = array<i32>} : memref<8x512xf32, #tpu.memory_space<vmem>>, vector<16xf32>,
        tpu.vector_store %arg16[%parallel_loop3A_264, %parallel_loop3A_265], %parallel_loop3A_262 {strides = array<i32>} : memref<8x512xf32, #tpu.memory_space<vmem>>, vector<16xf32>,
        %parallel_loop3A_267 = tpu.vector_load_idx %arg9[%parallel_loop3A_256] : memref<128xf32, #tpu.memory_space<vmem>>[vector<16xi32>], vector<16xf32>,
        %parallel_loop3A_268 = arith.constant 3 : i32
        %parallel_loop3A_269 = arith.index_cast %parallel_loop3A_268 : i32 to index
        %parallel_loop3A_270 = arith.index_cast %parallel_loop3A_252 : i32 to index
        %parallel_loop3A_271 = tpu.vector_load %arg17[%parallel_loop3A_269, %parallel_loop3A_270] {strides = array<i32>} : memref<8x512xf32, #tpu.memory_space<vmem>>, vector<16xf32>,
        tpu.vector_store %arg17[%parallel_loop3A_269, %parallel_loop3A_270], %parallel_loop3A_267 {strides = array<i32>} : memref<8x512xf32, #tpu.memory_space<vmem>>, vector<16xf32>,
      } {sc.loop_unroll_factor = 8 : i64, sc.parallel_access}
      %parallel_loop3A_210 = arith.constant 0 : i32
      %parallel_loop3A_211 = arith.constant 32 : i32
      %parallel_loop3A_212 = arith.constant 1 : i32
      scf.for %parallel_loop3A_250 = %parallel_loop3A_210 to %parallel_loop3A_211 step %parallel_loop3A_212  : i32 {
        %parallel_loop3A_251 = arith.constant 16 : i32
        %parallel_loop3A_252 = arith.muli %parallel_loop3A_250, %parallel_loop3A_251 : i32
        %parallel_loop3A_253 = arith.constant 4 : i32
        %parallel_loop3A_254 = arith.index_cast %parallel_loop3A_253 : i32 to index
        %parallel_loop3A_255 = arith.index_cast %parallel_loop3A_252 : i32 to index
        %parallel_loop3A_256 = tpu.vector_load %arg11[%parallel_loop3A_254, %parallel_loop3A_255] {strides = array<i32>} : memref<8x512xi32, #tpu.memory_space<vmem>>, vector<16xi32>,
        %parallel_loop3A_257 = tpu.vector_load_idx %arg7[%parallel_loop3A_256] : memref<128xf32, #tpu.memory_space<vmem>>[vector<16xi32>], vector<16xf32>,
        %parallel_loop3A_258 = arith.constant 4 : i32
        %parallel_loop3A_259 = arith.index_cast %parallel_loop3A_258 : i32 to index
        %parallel_loop3A_260 = arith.index_cast %parallel_loop3A_252 : i32 to index
        %parallel_loop3A_261 = tpu.vector_load %arg15[%parallel_loop3A_259, %parallel_loop3A_260] {strides = array<i32>} : memref<8x512xf32, #tpu.memory_space<vmem>>, vector<16xf32>,
        tpu.vector_store %arg15[%parallel_loop3A_259, %parallel_loop3A_260], %parallel_loop3A_257 {strides = array<i32>} : memref<8x512xf32, #tpu.memory_space<vmem>>, vector<16xf32>,
        %parallel_loop3A_262 = tpu.vector_load_idx %arg8[%parallel_loop3A_256] : memref<128xf32, #tpu.memory_space<vmem>>[vector<16xi32>], vector<16xf32>,
        %parallel_loop3A_263 = arith.constant 4 : i32
        %parallel_loop3A_264 = arith.index_cast %parallel_loop3A_263 : i32 to index
        %parallel_loop3A_265 = arith.index_cast %parallel_loop3A_252 : i32 to index
        %parallel_loop3A_266 = tpu.vector_load %arg16[%parallel_loop3A_264, %parallel_loop3A_265] {strides = array<i32>} : memref<8x512xf32, #tpu.memory_space<vmem>>, vector<16xf32>,
        tpu.vector_store %arg16[%parallel_loop3A_264, %parallel_loop3A_265], %parallel_loop3A_262 {strides = array<i32>} : memref<8x512xf32, #tpu.memory_space<vmem>>, vector<16xf32>,
        %parallel_loop3A_267 = tpu.vector_load_idx %arg9[%parallel_loop3A_256] : memref<128xf32, #tpu.memory_space<vmem>>[vector<16xi32>], vector<16xf32>,
        %parallel_loop3A_268 = arith.constant 4 : i32
        %parallel_loop3A_269 = arith.index_cast %parallel_loop3A_268 : i32 to index
        %parallel_loop3A_270 = arith.index_cast %parallel_loop3A_252 : i32 to index
        %parallel_loop3A_271 = tpu.vector_load %arg17[%parallel_loop3A_269, %parallel_loop3A_270] {strides = array<i32>} : memref<8x512xf32, #tpu.memory_space<vmem>>, vector<16xf32>,
        tpu.vector_store %arg17[%parallel_loop3A_269, %parallel_loop3A_270], %parallel_loop3A_267 {strides = array<i32>} : memref<8x512xf32, #tpu.memory_space<vmem>>, vector<16xf32>,
      } {sc.loop_unroll_factor = 8 : i64, sc.parallel_access}
      %parallel_loop3A_213 = arith.constant 0 : i32
      %parallel_loop3A_214 = arith.constant 32 : i32
      %parallel_loop3A_215 = arith.constant 1 : i32
      scf.for %parallel_loop3A_250 = %parallel_loop3A_213 to %parallel_loop3A_214 step %parallel_loop3A_215  : i32 {
        %parallel_loop3A_251 = arith.constant 16 : i32
        %parallel_loop3A_252 = arith.muli %parallel_loop3A_250, %parallel_loop3A_251 : i32
        %parallel_loop3A_253 = arith.constant 5 : i32
        %parallel_loop3A_254 = arith.index_cast %parallel_loop3A_253 : i32 to index
        %parallel_loop3A_255 = arith.index_cast %parallel_loop3A_252 : i32 to index
        %parallel_loop3A_256 = tpu.vector_load %arg11[%parallel_loop3A_254, %parallel_loop3A_255] {strides = array<i32>} : memref<8x512xi32, #tpu.memory_space<vmem>>, vector<16xi32>,
        %parallel_loop3A_257 = tpu.vector_load_idx %arg7[%parallel_loop3A_256] : memref<128xf32, #tpu.memory_space<vmem>>[vector<16xi32>], vector<16xf32>,
        %parallel_loop3A_258 = arith.constant 5 : i32
        %parallel_loop3A_259 = arith.index_cast %parallel_loop3A_258 : i32 to index
        %parallel_loop3A_260 = arith.index_cast %parallel_loop3A_252 : i32 to index
        %parallel_loop3A_261 = tpu.vector_load %arg15[%parallel_loop3A_259, %parallel_loop3A_260] {strides = array<i32>} : memref<8x512xf32, #tpu.memory_space<vmem>>, vector<16xf32>,
        tpu.vector_store %arg15[%parallel_loop3A_259, %parallel_loop3A_260], %parallel_loop3A_257 {strides = array<i32>} : memref<8x512xf32, #tpu.memory_space<vmem>>, vector<16xf32>,
        %parallel_loop3A_262 = tpu.vector_load_idx %arg8[%parallel_loop3A_256] : memref<128xf32, #tpu.memory_space<vmem>>[vector<16xi32>], vector<16xf32>,
        %parallel_loop3A_263 = arith.constant 5 : i32
        %parallel_loop3A_264 = arith.index_cast %parallel_loop3A_263 : i32 to index
        %parallel_loop3A_265 = arith.index_cast %parallel_loop3A_252 : i32 to index
        %parallel_loop3A_266 = tpu.vector_load %arg16[%parallel_loop3A_264, %parallel_loop3A_265] {strides = array<i32>} : memref<8x512xf32, #tpu.memory_space<vmem>>, vector<16xf32>,
        tpu.vector_store %arg16[%parallel_loop3A_264, %parallel_loop3A_265], %parallel_loop3A_262 {strides = array<i32>} : memref<8x512xf32, #tpu.memory_space<vmem>>, vector<16xf32>,
        %parallel_loop3A_267 = tpu.vector_load_idx %arg9[%parallel_loop3A_256] : memref<128xf32, #tpu.memory_space<vmem>>[vector<16xi32>], vector<16xf32>,
        %parallel_loop3A_268 = arith.constant 5 : i32
        %parallel_loop3A_269 = arith.index_cast %parallel_loop3A_268 : i32 to index
        %parallel_loop3A_270 = arith.index_cast %parallel_loop3A_252 : i32 to index
        %parallel_loop3A_271 = tpu.vector_load %arg17[%parallel_loop3A_269, %parallel_loop3A_270] {strides = array<i32>} : memref<8x512xf32, #tpu.memory_space<vmem>>, vector<16xf32>,
        tpu.vector_store %arg17[%parallel_loop3A_269, %parallel_loop3A_270], %parallel_loop3A_267 {strides = array<i32>} : memref<8x512xf32, #tpu.memory_space<vmem>>, vector<16xf32>,
      } {sc.loop_unroll_factor = 8 : i64, sc.parallel_access}
      %parallel_loop3A_216 = arith.constant 0 : i32
      %parallel_loop3A_217 = arith.constant 32 : i32
      %parallel_loop3A_218 = arith.constant 1 : i32
      scf.for %parallel_loop3A_250 = %parallel_loop3A_216 to %parallel_loop3A_217 step %parallel_loop3A_218  : i32 {
        %parallel_loop3A_251 = arith.constant 16 : i32
        %parallel_loop3A_252 = arith.muli %parallel_loop3A_250, %parallel_loop3A_251 : i32
        %parallel_loop3A_253 = arith.constant 6 : i32
        %parallel_loop3A_254 = arith.index_cast %parallel_loop3A_253 : i32 to index
        %parallel_loop3A_255 = arith.index_cast %parallel_loop3A_252 : i32 to index
        %parallel_loop3A_256 = tpu.vector_load %arg11[%parallel_loop3A_254, %parallel_loop3A_255] {strides = array<i32>} : memref<8x512xi32, #tpu.memory_space<vmem>>, vector<16xi32>,
        %parallel_loop3A_257 = tpu.vector_load_idx %arg7[%parallel_loop3A_256] : memref<128xf32, #tpu.memory_space<vmem>>[vector<16xi32>], vector<16xf32>,
        %parallel_loop3A_258 = arith.constant 6 : i32
        %parallel_loop3A_259 = arith.index_cast %parallel_loop3A_258 : i32 to index
        %parallel_loop3A_260 = arith.index_cast %parallel_loop3A_252 : i32 to index
        %parallel_loop3A_261 = tpu.vector_load %arg15[%parallel_loop3A_259, %parallel_loop3A_260] {strides = array<i32>} : memref<8x512xf32, #tpu.memory_space<vmem>>, vector<16xf32>,
        tpu.vector_store %arg15[%parallel_loop3A_259, %parallel_loop3A_260], %parallel_loop3A_257 {strides = array<i32>} : memref<8x512xf32, #tpu.memory_space<vmem>>, vector<16xf32>,
        %parallel_loop3A_262 = tpu.vector_load_idx %arg8[%parallel_loop3A_256] : memref<128xf32, #tpu.memory_space<vmem>>[vector<16xi32>], vector<16xf32>,
        %parallel_loop3A_263 = arith.constant 6 : i32
        %parallel_loop3A_264 = arith.index_cast %parallel_loop3A_263 : i32 to index
        %parallel_loop3A_265 = arith.index_cast %parallel_loop3A_252 : i32 to index
        %parallel_loop3A_266 = tpu.vector_load %arg16[%parallel_loop3A_264, %parallel_loop3A_265] {strides = array<i32>} : memref<8x512xf32, #tpu.memory_space<vmem>>, vector<16xf32>,
        tpu.vector_store %arg16[%parallel_loop3A_264, %parallel_loop3A_265], %parallel_loop3A_262 {strides = array<i32>} : memref<8x512xf32, #tpu.memory_space<vmem>>, vector<16xf32>,
        %parallel_loop3A_267 = tpu.vector_load_idx %arg9[%parallel_loop3A_256] : memref<128xf32, #tpu.memory_space<vmem>>[vector<16xi32>], vector<16xf32>,
        %parallel_loop3A_268 = arith.constant 6 : i32
        %parallel_loop3A_269 = arith.index_cast %parallel_loop3A_268 : i32 to index
        %parallel_loop3A_270 = arith.index_cast %parallel_loop3A_252 : i32 to index
        %parallel_loop3A_271 = tpu.vector_load %arg17[%parallel_loop3A_269, %parallel_loop3A_270] {strides = array<i32>} : memref<8x512xf32, #tpu.memory_space<vmem>>, vector<16xf32>,
        tpu.vector_store %arg17[%parallel_loop3A_269, %parallel_loop3A_270], %parallel_loop3A_267 {strides = array<i32>} : memref<8x512xf32, #tpu.memory_space<vmem>>, vector<16xf32>,
      } {sc.loop_unroll_factor = 8 : i64, sc.parallel_access}
      %parallel_loop3A_219 = arith.constant 0 : i32
      %parallel_loop3A_220 = arith.constant 32 : i32
      %parallel_loop3A_221 = arith.constant 1 : i32
      scf.for %parallel_loop3A_250 = %parallel_loop3A_219 to %parallel_loop3A_220 step %parallel_loop3A_221  : i32 {
        %parallel_loop3A_251 = arith.constant 16 : i32
        %parallel_loop3A_252 = arith.muli %parallel_loop3A_250, %parallel_loop3A_251 : i32
        %parallel_loop3A_253 = arith.constant 7 : i32
        %parallel_loop3A_254 = arith.index_cast %parallel_loop3A_253 : i32 to index
        %parallel_loop3A_255 = arith.index_cast %parallel_loop3A_252 : i32 to index
        %parallel_loop3A_256 = tpu.vector_load %arg11[%parallel_loop3A_254, %parallel_loop3A_255] {strides = array<i32>} : memref<8x512xi32, #tpu.memory_space<vmem>>, vector<16xi32>,
        %parallel_loop3A_257 = tpu.vector_load_idx %arg7[%parallel_loop3A_256] : memref<128xf32, #tpu.memory_space<vmem>>[vector<16xi32>], vector<16xf32>,
        %parallel_loop3A_258 = arith.constant 7 : i32
        %parallel_loop3A_259 = arith.index_cast %parallel_loop3A_258 : i32 to index
        %parallel_loop3A_260 = arith.index_cast %parallel_loop3A_252 : i32 to index
        %parallel_loop3A_261 = tpu.vector_load %arg15[%parallel_loop3A_259, %parallel_loop3A_260] {strides = array<i32>} : memref<8x512xf32, #tpu.memory_space<vmem>>, vector<16xf32>,
        tpu.vector_store %arg15[%parallel_loop3A_259, %parallel_loop3A_260], %parallel_loop3A_257 {strides = array<i32>} : memref<8x512xf32, #tpu.memory_space<vmem>>, vector<16xf32>,
        %parallel_loop3A_262 = tpu.vector_load_idx %arg8[%parallel_loop3A_256] : memref<128xf32, #tpu.memory_space<vmem>>[vector<16xi32>], vector<16xf32>,
        %parallel_loop3A_263 = arith.constant 7 : i32
        %parallel_loop3A_264 = arith.index_cast %parallel_loop3A_263 : i32 to index
        %parallel_loop3A_265 = arith.index_cast %parallel_loop3A_252 : i32 to index
        %parallel_loop3A_266 = tpu.vector_load %arg16[%parallel_loop3A_264, %parallel_loop3A_265] {strides = array<i32>} : memref<8x512xf32, #tpu.memory_space<vmem>>, vector<16xf32>,
        tpu.vector_store %arg16[%parallel_loop3A_264, %parallel_loop3A_265], %parallel_loop3A_262 {strides = array<i32>} : memref<8x512xf32, #tpu.memory_space<vmem>>, vector<16xf32>,
        %parallel_loop3A_267 = tpu.vector_load_idx %arg9[%parallel_loop3A_256] : memref<128xf32, #tpu.memory_space<vmem>>[vector<16xi32>], vector<16xf32>,
        %parallel_loop3A_268 = arith.constant 7 : i32
        %parallel_loop3A_269 = arith.index_cast %parallel_loop3A_268 : i32 to index
        %parallel_loop3A_270 = arith.index_cast %parallel_loop3A_252 : i32 to index
        %parallel_loop3A_271 = tpu.vector_load %arg17[%parallel_loop3A_269, %parallel_loop3A_270] {strides = array<i32>} : memref<8x512xf32, #tpu.memory_space<vmem>>, vector<16xf32>,
        tpu.vector_store %arg17[%parallel_loop3A_269, %parallel_loop3A_270], %parallel_loop3A_267 {strides = array<i32>} : memref<8x512xf32, #tpu.memory_space<vmem>>, vector<16xf32>,
      } {sc.loop_unroll_factor = 8 : i64, sc.parallel_access}
      %mul3A_222 = arith.constant 8 : i32
      %mul3A_223 = arith.muli %add3A_188, %mul3A_222 : i32
      %dma_start3A_224 = arith.constant 0 : i32
      %dma_start3A_225 = tpu.memref_slice %arg6[%dma_start3A_224, %mul3A_223, %mul3A_2] : memref<3x200x16384xf32, #tpu.memory_space<hbm>> -> memref<1x8x512xf32, #tpu.memory_space<hbm>>
      %dma_start3A_226 = tpu.memref_squeeze %dma_start3A_225 : memref<1x8x512xf32, #tpu.memory_space<hbm>> -> memref<8x512xf32, #tpu.memory_space<hbm>>
      %dma_start3A_227 = tpu.memref_slice %arg6[%dma_start3A_224, %mul3A_223, %mul3A_2] : memref<3x200x16384xf32, #tpu.memory_space<hbm>> -> memref<1x8x512xf32, #tpu.memory_space<hbm>>
      %dma_start3A_228 = tpu.memref_squeeze %dma_start3A_227 : memref<1x8x512xf32, #tpu.memory_space<hbm>> -> memref<8x512xf32, #tpu.memory_space<hbm>>
      tpu.enqueue_dma source(%arg15 : memref<8x512xf32, #tpu.memory_space<vmem>>) target(%dma_start3A_228 : memref<8x512xf32, #tpu.memory_space<hbm>>) target_semaphore(%arg21 : memref<!tpu.dma_semaphore, #tpu.memory_space<semaphore_mem>>)
      %mul3A_229 = arith.constant 8 : i32
      %mul3A_230 = arith.muli %add3A_188, %mul3A_229 : i32
      %dma_start3A_231 = arith.constant 1 : i32
      %dma_start3A_232 = tpu.memref_slice %arg6[%dma_start3A_231, %mul3A_230, %mul3A_2] : memref<3x200x16384xf32, #tpu.memory_space<hbm>> -> memref<1x8x512xf32, #tpu.memory_space<hbm>>
      %dma_start3A_233 = tpu.memref_squeeze %dma_start3A_232 : memref<1x8x512xf32, #tpu.memory_space<hbm>> -> memref<8x512xf32, #tpu.memory_space<hbm>>
      %dma_start3A_234 = tpu.memref_slice %arg6[%dma_start3A_231, %mul3A_230, %mul3A_2] : memref<3x200x16384xf32, #tpu.memory_space<hbm>> -> memref<1x8x512xf32, #tpu.memory_space<hbm>>
      %dma_start3A_235 = tpu.memref_squeeze %dma_start3A_234 : memref<1x8x512xf32, #tpu.memory_space<hbm>> -> memref<8x512xf32, #tpu.memory_space<hbm>>
      tpu.enqueue_dma source(%arg16 : memref<8x512xf32, #tpu.memory_space<vmem>>) target(%dma_start3A_235 : memref<8x512xf32, #tpu.memory_space<hbm>>) target_semaphore(%arg21 : memref<!tpu.dma_semaphore, #tpu.memory_space<semaphore_mem>>)
      %mul3A_236 = arith.constant 8 : i32
      %mul3A_237 = arith.muli %add3A_188, %mul3A_236 : i32
      %dma_start3A_238 = arith.constant 2 : i32
      %dma_start3A_239 = tpu.memref_slice %arg6[%dma_start3A_238, %mul3A_237, %mul3A_2] : memref<3x200x16384xf32, #tpu.memory_space<hbm>> -> memref<1x8x512xf32, #tpu.memory_space<hbm>>
      %dma_start3A_240 = tpu.memref_squeeze %dma_start3A_239 : memref<1x8x512xf32, #tpu.memory_space<hbm>> -> memref<8x512xf32, #tpu.memory_space<hbm>>
      %dma_start3A_241 = tpu.memref_slice %arg6[%dma_start3A_238, %mul3A_237, %mul3A_2] : memref<3x200x16384xf32, #tpu.memory_space<hbm>> -> memref<1x8x512xf32, #tpu.memory_space<hbm>>
      %dma_start3A_242 = tpu.memref_squeeze %dma_start3A_241 : memref<1x8x512xf32, #tpu.memory_space<hbm>> -> memref<8x512xf32, #tpu.memory_space<hbm>>
      tpu.enqueue_dma source(%arg17 : memref<8x512xf32, #tpu.memory_space<vmem>>) target(%dma_start3A_242 : memref<8x512xf32, #tpu.memory_space<hbm>>) target_semaphore(%arg21 : memref<!tpu.dma_semaphore, #tpu.memory_space<semaphore_mem>>)
      %add3A_243 = arith.constant 2 : i32
      %add3A_244 = arith.addi %add3A_188, %add3A_243 : i32
      %lt3A_245 = arith.constant 25 : i32
      %lt3A_246 = arith.cmpi slt, %add3A_244, %lt3A_245 : i32
      %convert_element_type3A_247 = arith.extui %lt3A_246 : i1 to i32
      %cond3A_248 = arith.constant 0 : i32
      %cond3A_249 = arith.cmpi ne, %convert_element_type3A_247, %cond3A_248 : i32
      scf.if %cond3A_249 {
        %add3A_250 = arith.constant 2 : i32
        %add3A_251 = arith.addi %add3A_188, %add3A_250 : i32
        %mul3A_252 = arith.constant 8 : i32
        %mul3A_253 = arith.muli %add3A_251, %mul3A_252 : i32
        %dma_start3A_254 = tpu.memref_slice %arg5[%mul3A_253, %mul3A_2] : memref<200x16384xi32, #tpu.memory_space<hbm>> -> memref<8x512xi32, #tpu.memory_space<hbm>>
        %dma_start3A_255 = tpu.memref_slice %arg5[%mul3A_253, %mul3A_2] : memref<200x16384xi32, #tpu.memory_space<hbm>> -> memref<8x512xi32, #tpu.memory_space<hbm>>
        tpu.enqueue_dma source(%dma_start3A_255 : memref<8x512xi32, #tpu.memory_space<hbm>>) target(%arg11 : memref<8x512xi32, #tpu.memory_space<vmem>>) target_semaphore(%arg19 : memref<!tpu.dma_semaphore, #tpu.memory_space<semaphore_mem>>)
      } else {
      }
    }
    %scan3A_14 = arith.constant 12 : i32
    %dma_wait3A = arith.constant 192 : i32
    %dma_wait3A_15 = tpu.memref_slice %arg5[%dma_wait3A, %mul3A_2] : memref<200x16384xi32, #tpu.memory_space<hbm>> -> memref<8x512xi32, #tpu.memory_space<hbm>>
    %dma_wait3A_16 = arith.constant 192 : i32
    %dma_wait3A_17 = tpu.memref_slice %arg5[%dma_wait3A_16, %mul3A_2] : memref<200x16384xi32, #tpu.memory_space<hbm>> -> memref<8x512xi32, #tpu.memory_space<hbm>>
    tpu.wait_dma2 semaphore(%arg18 : memref<!tpu.dma_semaphore, #tpu.memory_space<semaphore_mem>>) src(%dma_wait3A_17 : memref<8x512xi32, #tpu.memory_space<hbm>>) dst(%arg10 : memref<8x512xi32, #tpu.memory_space<vmem>>)
    %dma_wait3A_18 = arith.constant 0 : i32
    %dma_wait3A_19 = arith.constant 176 : i32
    %dma_wait3A_20 = tpu.memref_slice %arg6[%dma_wait3A_18, %dma_wait3A_19, %mul3A_2] : memref<3x200x16384xf32, #tpu.memory_space<hbm>> -> memref<1x8x512xf32, #tpu.memory_space<hbm>>
    %dma_wait3A_21 = tpu.memref_squeeze %dma_wait3A_20 : memref<1x8x512xf32, #tpu.memory_space<hbm>> -> memref<8x512xf32, #tpu.memory_space<hbm>>
    %dma_wait3A_22 = arith.constant 176 : i32
    %dma_wait3A_23 = tpu.memref_slice %arg6[%dma_wait3A_18, %dma_wait3A_22, %mul3A_2] : memref<3x200x16384xf32, #tpu.memory_space<hbm>> -> memref<1x8x512xf32, #tpu.memory_space<hbm>>
    %dma_wait3A_24 = tpu.memref_squeeze %dma_wait3A_23 : memref<1x8x512xf32, #tpu.memory_space<hbm>> -> memref<8x512xf32, #tpu.memory_space<hbm>>
    tpu.wait_dma2 semaphore(%arg20 : memref<!tpu.dma_semaphore, #tpu.memory_space<semaphore_mem>>) src(%arg12 : memref<8x512xf32, #tpu.memory_space<vmem>>) dst(%dma_wait3A_24 : memref<8x512xf32, #tpu.memory_space<hbm>>)
    %dma_wait3A_25 = arith.constant 1 : i32
    %dma_wait3A_26 = arith.constant 176 : i32
    %dma_wait3A_27 = tpu.memref_slice %arg6[%dma_wait3A_25, %dma_wait3A_26, %mul3A_2] : memref<3x200x16384xf32, #tpu.memory_space<hbm>> -> memref<1x8x512xf32, #tpu.memory_space<hbm>>
    %dma_wait3A_28 = tpu.memref_squeeze %dma_wait3A_27 : memref<1x8x512xf32, #tpu.memory_space<hbm>> -> memref<8x512xf32, #tpu.memory_space<hbm>>
    %dma_wait3A_29 = arith.constant 176 : i32
    %dma_wait3A_30 = tpu.memref_slice %arg6[%dma_wait3A_25, %dma_wait3A_29, %mul3A_2] : memref<3x200x16384xf32, #tpu.memory_space<hbm>> -> memref<1x8x512xf32, #tpu.memory_space<hbm>>
    %dma_wait3A_31 = tpu.memref_squeeze %dma_wait3A_30 : memref<1x8x512xf32, #tpu.memory_space<hbm>> -> memref<8x512xf32, #tpu.memory_space<hbm>>
    tpu.wait_dma2 semaphore(%arg20 : memref<!tpu.dma_semaphore, #tpu.memory_space<semaphore_mem>>) src(%arg13 : memref<8x512xf32, #tpu.memory_space<vmem>>) dst(%dma_wait3A_31 : memref<8x512xf32, #tpu.memory_space<hbm>>)
    %dma_wait3A_32 = arith.constant 2 : i32
    %dma_wait3A_33 = arith.constant 176 : i32
    %dma_wait3A_34 = tpu.memref_slice %arg6[%dma_wait3A_32, %dma_wait3A_33, %mul3A_2] : memref<3x200x16384xf32, #tpu.memory_space<hbm>> -> memref<1x8x512xf32, #tpu.memory_space<hbm>>
    %dma_wait3A_35 = tpu.memref_squeeze %dma_wait3A_34 : memref<1x8x512xf32, #tpu.memory_space<hbm>> -> memref<8x512xf32, #tpu.memory_space<hbm>>
    %dma_wait3A_36 = arith.constant 176 : i32
    %dma_wait3A_37 = tpu.memref_slice %arg6[%dma_wait3A_32, %dma_wait3A_36, %mul3A_2] : memref<3x200x16384xf32, #tpu.memory_space<hbm>> -> memref<1x8x512xf32, #tpu.memory_space<hbm>>
    %dma_wait3A_38 = tpu.memref_squeeze %dma_wait3A_37 : memref<1x8x512xf32, #tpu.memory_space<hbm>> -> memref<8x512xf32, #tpu.memory_space<hbm>>
    tpu.wait_dma2 semaphore(%arg20 : memref<!tpu.dma_semaphore, #tpu.memory_space<semaphore_mem>>) src(%arg14 : memref<8x512xf32, #tpu.memory_space<vmem>>) dst(%dma_wait3A_38 : memref<8x512xf32, #tpu.memory_space<hbm>>)
    %parallel_loop3A = arith.constant 0 : i32
    %parallel_loop3A_39 = arith.constant 32 : i32
    %parallel_loop3A_40 = arith.constant 1 : i32
    scf.for %parallel_loop3A_125 = %parallel_loop3A to %parallel_loop3A_39 step %parallel_loop3A_40  : i32 {
      %parallel_loop3A_126 = arith.constant 16 : i32
      %parallel_loop3A_127 = arith.muli %parallel_loop3A_125, %parallel_loop3A_126 : i32
      %parallel_loop3A_128 = arith.constant 0 : i32
      %parallel_loop3A_129 = arith.index_cast %parallel_loop3A_128 : i32 to index
      %parallel_loop3A_130 = arith.index_cast %parallel_loop3A_127 : i32 to index
      %parallel_loop3A_131 = tpu.vector_load %arg10[%parallel_loop3A_129, %parallel_loop3A_130] {strides = array<i32>} : memref<8x512xi32, #tpu.memory_space<vmem>>, vector<16xi32>,
      %parallel_loop3A_132 = tpu.vector_load_idx %arg7[%parallel_loop3A_131] : memref<128xf32, #tpu.memory_space<vmem>>[vector<16xi32>], vector<16xf32>,
      %parallel_loop3A_133 = arith.constant 0 : i32
      %parallel_loop3A_134 = arith.index_cast %parallel_loop3A_133 : i32 to index
      %parallel_loop3A_135 = arith.index_cast %parallel_loop3A_127 : i32 to index
      %parallel_loop3A_136 = tpu.vector_load %arg12[%parallel_loop3A_134, %parallel_loop3A_135] {strides = array<i32>} : memref<8x512xf32, #tpu.memory_space<vmem>>, vector<16xf32>,
      tpu.vector_store %arg12[%parallel_loop3A_134, %parallel_loop3A_135], %parallel_loop3A_132 {strides = array<i32>} : memref<8x512xf32, #tpu.memory_space<vmem>>, vector<16xf32>,
      %parallel_loop3A_137 = tpu.vector_load_idx %arg8[%parallel_loop3A_131] : memref<128xf32, #tpu.memory_space<vmem>>[vector<16xi32>], vector<16xf32>,
      %parallel_loop3A_138 = arith.constant 0 : i32
      %parallel_loop3A_139 = arith.index_cast %parallel_loop3A_138 : i32 to index
      %parallel_loop3A_140 = arith.index_cast %parallel_loop3A_127 : i32 to index
      %parallel_loop3A_141 = tpu.vector_load %arg13[%parallel_loop3A_139, %parallel_loop3A_140] {strides = array<i32>} : memref<8x512xf32, #tpu.memory_space<vmem>>, vector<16xf32>,
      tpu.vector_store %arg13[%parallel_loop3A_139, %parallel_loop3A_140], %parallel_loop3A_137 {strides = array<i32>} : memref<8x512xf32, #tpu.memory_space<vmem>>, vector<16xf32>,
      %parallel_loop3A_142 = tpu.vector_load_idx %arg9[%parallel_loop3A_131] : memref<128xf32, #tpu.memory_space<vmem>>[vector<16xi32>], vector<16xf32>,
      %parallel_loop3A_143 = arith.constant 0 : i32
      %parallel_loop3A_144 = arith.index_cast %parallel_loop3A_143 : i32 to index
      %parallel_loop3A_145 = arith.index_cast %parallel_loop3A_127 : i32 to index
      %parallel_loop3A_146 = tpu.vector_load %arg14[%parallel_loop3A_144, %parallel_loop3A_145] {strides = array<i32>} : memref<8x512xf32, #tpu.memory_space<vmem>>, vector<16xf32>,
      tpu.vector_store %arg14[%parallel_loop3A_144, %parallel_loop3A_145], %parallel_loop3A_142 {strides = array<i32>} : memref<8x512xf32, #tpu.memory_space<vmem>>, vector<16xf32>,
    } {sc.loop_unroll_factor = 8 : i64, sc.parallel_access}
    %parallel_loop3A_41 = arith.constant 0 : i32
    %parallel_loop3A_42 = arith.constant 32 : i32
    %parallel_loop3A_43 = arith.constant 1 : i32
    scf.for %parallel_loop3A_125 = %parallel_loop3A_41 to %parallel_loop3A_42 step %parallel_loop3A_43  : i32 {
      %parallel_loop3A_126 = arith.constant 16 : i32
      %parallel_loop3A_127 = arith.muli %parallel_loop3A_125, %parallel_loop3A_126 : i32
      %parallel_loop3A_128 = arith.constant 1 : i32
      %parallel_loop3A_129 = arith.index_cast %parallel_loop3A_128 : i32 to index
      %parallel_loop3A_130 = arith.index_cast %parallel_loop3A_127 : i32 to index
      %parallel_loop3A_131 = tpu.vector_load %arg10[%parallel_loop3A_129, %parallel_loop3A_130] {strides = array<i32>} : memref<8x512xi32, #tpu.memory_space<vmem>>, vector<16xi32>,
      %parallel_loop3A_132 = tpu.vector_load_idx %arg7[%parallel_loop3A_131] : memref<128xf32, #tpu.memory_space<vmem>>[vector<16xi32>], vector<16xf32>,
      %parallel_loop3A_133 = arith.constant 1 : i32
      %parallel_loop3A_134 = arith.index_cast %parallel_loop3A_133 : i32 to index
      %parallel_loop3A_135 = arith.index_cast %parallel_loop3A_127 : i32 to index
      %parallel_loop3A_136 = tpu.vector_load %arg12[%parallel_loop3A_134, %parallel_loop3A_135] {strides = array<i32>} : memref<8x512xf32, #tpu.memory_space<vmem>>, vector<16xf32>,
      tpu.vector_store %arg12[%parallel_loop3A_134, %parallel_loop3A_135], %parallel_loop3A_132 {strides = array<i32>} : memref<8x512xf32, #tpu.memory_space<vmem>>, vector<16xf32>,
      %parallel_loop3A_137 = tpu.vector_load_idx %arg8[%parallel_loop3A_131] : memref<128xf32, #tpu.memory_space<vmem>>[vector<16xi32>], vector<16xf32>,
      %parallel_loop3A_138 = arith.constant 1 : i32
      %parallel_loop3A_139 = arith.index_cast %parallel_loop3A_138 : i32 to index
      %parallel_loop3A_140 = arith.index_cast %parallel_loop3A_127 : i32 to index
      %parallel_loop3A_141 = tpu.vector_load %arg13[%parallel_loop3A_139, %parallel_loop3A_140] {strides = array<i32>} : memref<8x512xf32, #tpu.memory_space<vmem>>, vector<16xf32>,
      tpu.vector_store %arg13[%parallel_loop3A_139, %parallel_loop3A_140], %parallel_loop3A_137 {strides = array<i32>} : memref<8x512xf32, #tpu.memory_space<vmem>>, vector<16xf32>,
      %parallel_loop3A_142 = tpu.vector_load_idx %arg9[%parallel_loop3A_131] : memref<128xf32, #tpu.memory_space<vmem>>[vector<16xi32>], vector<16xf32>,
      %parallel_loop3A_143 = arith.constant 1 : i32
      %parallel_loop3A_144 = arith.index_cast %parallel_loop3A_143 : i32 to index
      %parallel_loop3A_145 = arith.index_cast %parallel_loop3A_127 : i32 to index
      %parallel_loop3A_146 = tpu.vector_load %arg14[%parallel_loop3A_144, %parallel_loop3A_145] {strides = array<i32>} : memref<8x512xf32, #tpu.memory_space<vmem>>, vector<16xf32>,
      tpu.vector_store %arg14[%parallel_loop3A_144, %parallel_loop3A_145], %parallel_loop3A_142 {strides = array<i32>} : memref<8x512xf32, #tpu.memory_space<vmem>>, vector<16xf32>,
    } {sc.loop_unroll_factor = 8 : i64, sc.parallel_access}
    %parallel_loop3A_44 = arith.constant 0 : i32
    %parallel_loop3A_45 = arith.constant 32 : i32
    %parallel_loop3A_46 = arith.constant 1 : i32
    scf.for %parallel_loop3A_125 = %parallel_loop3A_44 to %parallel_loop3A_45 step %parallel_loop3A_46  : i32 {
      %parallel_loop3A_126 = arith.constant 16 : i32
      %parallel_loop3A_127 = arith.muli %parallel_loop3A_125, %parallel_loop3A_126 : i32
      %parallel_loop3A_128 = arith.constant 2 : i32
      %parallel_loop3A_129 = arith.index_cast %parallel_loop3A_128 : i32 to index
      %parallel_loop3A_130 = arith.index_cast %parallel_loop3A_127 : i32 to index
      %parallel_loop3A_131 = tpu.vector_load %arg10[%parallel_loop3A_129, %parallel_loop3A_130] {strides = array<i32>} : memref<8x512xi32, #tpu.memory_space<vmem>>, vector<16xi32>,
      %parallel_loop3A_132 = tpu.vector_load_idx %arg7[%parallel_loop3A_131] : memref<128xf32, #tpu.memory_space<vmem>>[vector<16xi32>], vector<16xf32>,
      %parallel_loop3A_133 = arith.constant 2 : i32
      %parallel_loop3A_134 = arith.index_cast %parallel_loop3A_133 : i32 to index
      %parallel_loop3A_135 = arith.index_cast %parallel_loop3A_127 : i32 to index
      %parallel_loop3A_136 = tpu.vector_load %arg12[%parallel_loop3A_134, %parallel_loop3A_135] {strides = array<i32>} : memref<8x512xf32, #tpu.memory_space<vmem>>, vector<16xf32>,
      tpu.vector_store %arg12[%parallel_loop3A_134, %parallel_loop3A_135], %parallel_loop3A_132 {strides = array<i32>} : memref<8x512xf32, #tpu.memory_space<vmem>>, vector<16xf32>,
      %parallel_loop3A_137 = tpu.vector_load_idx %arg8[%parallel_loop3A_131] : memref<128xf32, #tpu.memory_space<vmem>>[vector<16xi32>], vector<16xf32>,
      %parallel_loop3A_138 = arith.constant 2 : i32
      %parallel_loop3A_139 = arith.index_cast %parallel_loop3A_138 : i32 to index
      %parallel_loop3A_140 = arith.index_cast %parallel_loop3A_127 : i32 to index
      %parallel_loop3A_141 = tpu.vector_load %arg13[%parallel_loop3A_139, %parallel_loop3A_140] {strides = array<i32>} : memref<8x512xf32, #tpu.memory_space<vmem>>, vector<16xf32>,
      tpu.vector_store %arg13[%parallel_loop3A_139, %parallel_loop3A_140], %parallel_loop3A_137 {strides = array<i32>} : memref<8x512xf32, #tpu.memory_space<vmem>>, vector<16xf32>,
      %parallel_loop3A_142 = tpu.vector_load_idx %arg9[%parallel_loop3A_131] : memref<128xf32, #tpu.memory_space<vmem>>[vector<16xi32>], vector<16xf32>,
      %parallel_loop3A_143 = arith.constant 2 : i32
      %parallel_loop3A_144 = arith.index_cast %parallel_loop3A_143 : i32 to index
      %parallel_loop3A_145 = arith.index_cast %parallel_loop3A_127 : i32 to index
      %parallel_loop3A_146 = tpu.vector_load %arg14[%parallel_loop3A_144, %parallel_loop3A_145] {strides = array<i32>} : memref<8x512xf32, #tpu.memory_space<vmem>>, vector<16xf32>,
      tpu.vector_store %arg14[%parallel_loop3A_144, %parallel_loop3A_145], %parallel_loop3A_142 {strides = array<i32>} : memref<8x512xf32, #tpu.memory_space<vmem>>, vector<16xf32>,
    } {sc.loop_unroll_factor = 8 : i64, sc.parallel_access}
    %parallel_loop3A_47 = arith.constant 0 : i32
    %parallel_loop3A_48 = arith.constant 32 : i32
    %parallel_loop3A_49 = arith.constant 1 : i32
    scf.for %parallel_loop3A_125 = %parallel_loop3A_47 to %parallel_loop3A_48 step %parallel_loop3A_49  : i32 {
      %parallel_loop3A_126 = arith.constant 16 : i32
      %parallel_loop3A_127 = arith.muli %parallel_loop3A_125, %parallel_loop3A_126 : i32
      %parallel_loop3A_128 = arith.constant 3 : i32
      %parallel_loop3A_129 = arith.index_cast %parallel_loop3A_128 : i32 to index
      %parallel_loop3A_130 = arith.index_cast %parallel_loop3A_127 : i32 to index
      %parallel_loop3A_131 = tpu.vector_load %arg10[%parallel_loop3A_129, %parallel_loop3A_130] {strides = array<i32>} : memref<8x512xi32, #tpu.memory_space<vmem>>, vector<16xi32>,
      %parallel_loop3A_132 = tpu.vector_load_idx %arg7[%parallel_loop3A_131] : memref<128xf32, #tpu.memory_space<vmem>>[vector<16xi32>], vector<16xf32>,
      %parallel_loop3A_133 = arith.constant 3 : i32
      %parallel_loop3A_134 = arith.index_cast %parallel_loop3A_133 : i32 to index
      %parallel_loop3A_135 = arith.index_cast %parallel_loop3A_127 : i32 to index
      %parallel_loop3A_136 = tpu.vector_load %arg12[%parallel_loop3A_134, %parallel_loop3A_135] {strides = array<i32>} : memref<8x512xf32, #tpu.memory_space<vmem>>, vector<16xf32>,
      tpu.vector_store %arg12[%parallel_loop3A_134, %parallel_loop3A_135], %parallel_loop3A_132 {strides = array<i32>} : memref<8x512xf32, #tpu.memory_space<vmem>>, vector<16xf32>,
      %parallel_loop3A_137 = tpu.vector_load_idx %arg8[%parallel_loop3A_131] : memref<128xf32, #tpu.memory_space<vmem>>[vector<16xi32>], vector<16xf32>,
      %parallel_loop3A_138 = arith.constant 3 : i32
      %parallel_loop3A_139 = arith.index_cast %parallel_loop3A_138 : i32 to index
      %parallel_loop3A_140 = arith.index_cast %parallel_loop3A_127 : i32 to index
      %parallel_loop3A_141 = tpu.vector_load %arg13[%parallel_loop3A_139, %parallel_loop3A_140] {strides = array<i32>} : memref<8x512xf32, #tpu.memory_space<vmem>>, vector<16xf32>,
      tpu.vector_store %arg13[%parallel_loop3A_139, %parallel_loop3A_140], %parallel_loop3A_137 {strides = array<i32>} : memref<8x512xf32, #tpu.memory_space<vmem>>, vector<16xf32>,
      %parallel_loop3A_142 = tpu.vector_load_idx %arg9[%parallel_loop3A_131] : memref<128xf32, #tpu.memory_space<vmem>>[vector<16xi32>], vector<16xf32>,
      %parallel_loop3A_143 = arith.constant 3 : i32
      %parallel_loop3A_144 = arith.index_cast %parallel_loop3A_143 : i32 to index
      %parallel_loop3A_145 = arith.index_cast %parallel_loop3A_127 : i32 to index
      %parallel_loop3A_146 = tpu.vector_load %arg14[%parallel_loop3A_144, %parallel_loop3A_145] {strides = array<i32>} : memref<8x512xf32, #tpu.memory_space<vmem>>, vector<16xf32>,
      tpu.vector_store %arg14[%parallel_loop3A_144, %parallel_loop3A_145], %parallel_loop3A_142 {strides = array<i32>} : memref<8x512xf32, #tpu.memory_space<vmem>>, vector<16xf32>,
    } {sc.loop_unroll_factor = 8 : i64, sc.parallel_access}
    %parallel_loop3A_50 = arith.constant 0 : i32
    %parallel_loop3A_51 = arith.constant 32 : i32
    %parallel_loop3A_52 = arith.constant 1 : i32
    scf.for %parallel_loop3A_125 = %parallel_loop3A_50 to %parallel_loop3A_51 step %parallel_loop3A_52  : i32 {
      %parallel_loop3A_126 = arith.constant 16 : i32
      %parallel_loop3A_127 = arith.muli %parallel_loop3A_125, %parallel_loop3A_126 : i32
      %parallel_loop3A_128 = arith.constant 4 : i32
      %parallel_loop3A_129 = arith.index_cast %parallel_loop3A_128 : i32 to index
      %parallel_loop3A_130 = arith.index_cast %parallel_loop3A_127 : i32 to index
      %parallel_loop3A_131 = tpu.vector_load %arg10[%parallel_loop3A_129, %parallel_loop3A_130] {strides = array<i32>} : memref<8x512xi32, #tpu.memory_space<vmem>>, vector<16xi32>,
      %parallel_loop3A_132 = tpu.vector_load_idx %arg7[%parallel_loop3A_131] : memref<128xf32, #tpu.memory_space<vmem>>[vector<16xi32>], vector<16xf32>,
      %parallel_loop3A_133 = arith.constant 4 : i32
      %parallel_loop3A_134 = arith.index_cast %parallel_loop3A_133 : i32 to index
      %parallel_loop3A_135 = arith.index_cast %parallel_loop3A_127 : i32 to index
      %parallel_loop3A_136 = tpu.vector_load %arg12[%parallel_loop3A_134, %parallel_loop3A_135] {strides = array<i32>} : memref<8x512xf32, #tpu.memory_space<vmem>>, vector<16xf32>,
      tpu.vector_store %arg12[%parallel_loop3A_134, %parallel_loop3A_135], %parallel_loop3A_132 {strides = array<i32>} : memref<8x512xf32, #tpu.memory_space<vmem>>, vector<16xf32>,
      %parallel_loop3A_137 = tpu.vector_load_idx %arg8[%parallel_loop3A_131] : memref<128xf32, #tpu.memory_space<vmem>>[vector<16xi32>], vector<16xf32>,
      %parallel_loop3A_138 = arith.constant 4 : i32
      %parallel_loop3A_139 = arith.index_cast %parallel_loop3A_138 : i32 to index
      %parallel_loop3A_140 = arith.index_cast %parallel_loop3A_127 : i32 to index
      %parallel_loop3A_141 = tpu.vector_load %arg13[%parallel_loop3A_139, %parallel_loop3A_140] {strides = array<i32>} : memref<8x512xf32, #tpu.memory_space<vmem>>, vector<16xf32>,
      tpu.vector_store %arg13[%parallel_loop3A_139, %parallel_loop3A_140], %parallel_loop3A_137 {strides = array<i32>} : memref<8x512xf32, #tpu.memory_space<vmem>>, vector<16xf32>,
      %parallel_loop3A_142 = tpu.vector_load_idx %arg9[%parallel_loop3A_131] : memref<128xf32, #tpu.memory_space<vmem>>[vector<16xi32>], vector<16xf32>,
      %parallel_loop3A_143 = arith.constant 4 : i32
      %parallel_loop3A_144 = arith.index_cast %parallel_loop3A_143 : i32 to index
      %parallel_loop3A_145 = arith.index_cast %parallel_loop3A_127 : i32 to index
      %parallel_loop3A_146 = tpu.vector_load %arg14[%parallel_loop3A_144, %parallel_loop3A_145] {strides = array<i32>} : memref<8x512xf32, #tpu.memory_space<vmem>>, vector<16xf32>,
      tpu.vector_store %arg14[%parallel_loop3A_144, %parallel_loop3A_145], %parallel_loop3A_142 {strides = array<i32>} : memref<8x512xf32, #tpu.memory_space<vmem>>, vector<16xf32>,
    } {sc.loop_unroll_factor = 8 : i64, sc.parallel_access}
    %parallel_loop3A_53 = arith.constant 0 : i32
    %parallel_loop3A_54 = arith.constant 32 : i32
    %parallel_loop3A_55 = arith.constant 1 : i32
    scf.for %parallel_loop3A_125 = %parallel_loop3A_53 to %parallel_loop3A_54 step %parallel_loop3A_55  : i32 {
      %parallel_loop3A_126 = arith.constant 16 : i32
      %parallel_loop3A_127 = arith.muli %parallel_loop3A_125, %parallel_loop3A_126 : i32
      %parallel_loop3A_128 = arith.constant 5 : i32
      %parallel_loop3A_129 = arith.index_cast %parallel_loop3A_128 : i32 to index
      %parallel_loop3A_130 = arith.index_cast %parallel_loop3A_127 : i32 to index
      %parallel_loop3A_131 = tpu.vector_load %arg10[%parallel_loop3A_129, %parallel_loop3A_130] {strides = array<i32>} : memref<8x512xi32, #tpu.memory_space<vmem>>, vector<16xi32>,
      %parallel_loop3A_132 = tpu.vector_load_idx %arg7[%parallel_loop3A_131] : memref<128xf32, #tpu.memory_space<vmem>>[vector<16xi32>], vector<16xf32>,
      %parallel_loop3A_133 = arith.constant 5 : i32
      %parallel_loop3A_134 = arith.index_cast %parallel_loop3A_133 : i32 to index
      %parallel_loop3A_135 = arith.index_cast %parallel_loop3A_127 : i32 to index
      %parallel_loop3A_136 = tpu.vector_load %arg12[%parallel_loop3A_134, %parallel_loop3A_135] {strides = array<i32>} : memref<8x512xf32, #tpu.memory_space<vmem>>, vector<16xf32>,
      tpu.vector_store %arg12[%parallel_loop3A_134, %parallel_loop3A_135], %parallel_loop3A_132 {strides = array<i32>} : memref<8x512xf32, #tpu.memory_space<vmem>>, vector<16xf32>,
      %parallel_loop3A_137 = tpu.vector_load_idx %arg8[%parallel_loop3A_131] : memref<128xf32, #tpu.memory_space<vmem>>[vector<16xi32>], vector<16xf32>,
      %parallel_loop3A_138 = arith.constant 5 : i32
      %parallel_loop3A_139 = arith.index_cast %parallel_loop3A_138 : i32 to index
      %parallel_loop3A_140 = arith.index_cast %parallel_loop3A_127 : i32 to index
      %parallel_loop3A_141 = tpu.vector_load %arg13[%parallel_loop3A_139, %parallel_loop3A_140] {strides = array<i32>} : memref<8x512xf32, #tpu.memory_space<vmem>>, vector<16xf32>,
      tpu.vector_store %arg13[%parallel_loop3A_139, %parallel_loop3A_140], %parallel_loop3A_137 {strides = array<i32>} : memref<8x512xf32, #tpu.memory_space<vmem>>, vector<16xf32>,
      %parallel_loop3A_142 = tpu.vector_load_idx %arg9[%parallel_loop3A_131] : memref<128xf32, #tpu.memory_space<vmem>>[vector<16xi32>], vector<16xf32>,
      %parallel_loop3A_143 = arith.constant 5 : i32
      %parallel_loop3A_144 = arith.index_cast %parallel_loop3A_143 : i32 to index
      %parallel_loop3A_145 = arith.index_cast %parallel_loop3A_127 : i32 to index
      %parallel_loop3A_146 = tpu.vector_load %arg14[%parallel_loop3A_144, %parallel_loop3A_145] {strides = array<i32>} : memref<8x512xf32, #tpu.memory_space<vmem>>, vector<16xf32>,
      tpu.vector_store %arg14[%parallel_loop3A_144, %parallel_loop3A_145], %parallel_loop3A_142 {strides = array<i32>} : memref<8x512xf32, #tpu.memory_space<vmem>>, vector<16xf32>,
    } {sc.loop_unroll_factor = 8 : i64, sc.parallel_access}
    %parallel_loop3A_56 = arith.constant 0 : i32
    %parallel_loop3A_57 = arith.constant 32 : i32
    %parallel_loop3A_58 = arith.constant 1 : i32
    scf.for %parallel_loop3A_125 = %parallel_loop3A_56 to %parallel_loop3A_57 step %parallel_loop3A_58  : i32 {
      %parallel_loop3A_126 = arith.constant 16 : i32
      %parallel_loop3A_127 = arith.muli %parallel_loop3A_125, %parallel_loop3A_126 : i32
      %parallel_loop3A_128 = arith.constant 6 : i32
      %parallel_loop3A_129 = arith.index_cast %parallel_loop3A_128 : i32 to index
      %parallel_loop3A_130 = arith.index_cast %parallel_loop3A_127 : i32 to index
      %parallel_loop3A_131 = tpu.vector_load %arg10[%parallel_loop3A_129, %parallel_loop3A_130] {strides = array<i32>} : memref<8x512xi32, #tpu.memory_space<vmem>>, vector<16xi32>,
      %parallel_loop3A_132 = tpu.vector_load_idx %arg7[%parallel_loop3A_131] : memref<128xf32, #tpu.memory_space<vmem>>[vector<16xi32>], vector<16xf32>,
      %parallel_loop3A_133 = arith.constant 6 : i32
      %parallel_loop3A_134 = arith.index_cast %parallel_loop3A_133 : i32 to index
      %parallel_loop3A_135 = arith.index_cast %parallel_loop3A_127 : i32 to index
      %parallel_loop3A_136 = tpu.vector_load %arg12[%parallel_loop3A_134, %parallel_loop3A_135] {strides = array<i32>} : memref<8x512xf32, #tpu.memory_space<vmem>>, vector<16xf32>,
      tpu.vector_store %arg12[%parallel_loop3A_134, %parallel_loop3A_135], %parallel_loop3A_132 {strides = array<i32>} : memref<8x512xf32, #tpu.memory_space<vmem>>, vector<16xf32>,
      %parallel_loop3A_137 = tpu.vector_load_idx %arg8[%parallel_loop3A_131] : memref<128xf32, #tpu.memory_space<vmem>>[vector<16xi32>], vector<16xf32>,
      %parallel_loop3A_138 = arith.constant 6 : i32
      %parallel_loop3A_139 = arith.index_cast %parallel_loop3A_138 : i32 to index
      %parallel_loop3A_140 = arith.index_cast %parallel_loop3A_127 : i32 to index
      %parallel_loop3A_141 = tpu.vector_load %arg13[%parallel_loop3A_139, %parallel_loop3A_140] {strides = array<i32>} : memref<8x512xf32, #tpu.memory_space<vmem>>, vector<16xf32>,
      tpu.vector_store %arg13[%parallel_loop3A_139, %parallel_loop3A_140], %parallel_loop3A_137 {strides = array<i32>} : memref<8x512xf32, #tpu.memory_space<vmem>>, vector<16xf32>,
      %parallel_loop3A_142 = tpu.vector_load_idx %arg9[%parallel_loop3A_131] : memref<128xf32, #tpu.memory_space<vmem>>[vector<16xi32>], vector<16xf32>,
      %parallel_loop3A_143 = arith.constant 6 : i32
      %parallel_loop3A_144 = arith.index_cast %parallel_loop3A_143 : i32 to index
      %parallel_loop3A_145 = arith.index_cast %parallel_loop3A_127 : i32 to index
      %parallel_loop3A_146 = tpu.vector_load %arg14[%parallel_loop3A_144, %parallel_loop3A_145] {strides = array<i32>} : memref<8x512xf32, #tpu.memory_space<vmem>>, vector<16xf32>,
      tpu.vector_store %arg14[%parallel_loop3A_144, %parallel_loop3A_145], %parallel_loop3A_142 {strides = array<i32>} : memref<8x512xf32, #tpu.memory_space<vmem>>, vector<16xf32>,
    } {sc.loop_unroll_factor = 8 : i64, sc.parallel_access}
    %parallel_loop3A_59 = arith.constant 0 : i32
    %parallel_loop3A_60 = arith.constant 32 : i32
    %parallel_loop3A_61 = arith.constant 1 : i32
    scf.for %parallel_loop3A_125 = %parallel_loop3A_59 to %parallel_loop3A_60 step %parallel_loop3A_61  : i32 {
      %parallel_loop3A_126 = arith.constant 16 : i32
      %parallel_loop3A_127 = arith.muli %parallel_loop3A_125, %parallel_loop3A_126 : i32
      %parallel_loop3A_128 = arith.constant 7 : i32
      %parallel_loop3A_129 = arith.index_cast %parallel_loop3A_128 : i32 to index
      %parallel_loop3A_130 = arith.index_cast %parallel_loop3A_127 : i32 to index
      %parallel_loop3A_131 = tpu.vector_load %arg10[%parallel_loop3A_129, %parallel_loop3A_130] {strides = array<i32>} : memref<8x512xi32, #tpu.memory_space<vmem>>, vector<16xi32>,
      %parallel_loop3A_132 = tpu.vector_load_idx %arg7[%parallel_loop3A_131] : memref<128xf32, #tpu.memory_space<vmem>>[vector<16xi32>], vector<16xf32>,
      %parallel_loop3A_133 = arith.constant 7 : i32
      %parallel_loop3A_134 = arith.index_cast %parallel_loop3A_133 : i32 to index
      %parallel_loop3A_135 = arith.index_cast %parallel_loop3A_127 : i32 to index
      %parallel_loop3A_136 = tpu.vector_load %arg12[%parallel_loop3A_134, %parallel_loop3A_135] {strides = array<i32>} : memref<8x512xf32, #tpu.memory_space<vmem>>, vector<16xf32>,
      tpu.vector_store %arg12[%parallel_loop3A_134, %parallel_loop3A_135], %parallel_loop3A_132 {strides = array<i32>} : memref<8x512xf32, #tpu.memory_space<vmem>>, vector<16xf32>,
      %parallel_loop3A_137 = tpu.vector_load_idx %arg8[%parallel_loop3A_131] : memref<128xf32, #tpu.memory_space<vmem>>[vector<16xi32>], vector<16xf32>,
      %parallel_loop3A_138 = arith.constant 7 : i32
      %parallel_loop3A_139 = arith.index_cast %parallel_loop3A_138 : i32 to index
      %parallel_loop3A_140 = arith.index_cast %parallel_loop3A_127 : i32 to index
      %parallel_loop3A_141 = tpu.vector_load %arg13[%parallel_loop3A_139, %parallel_loop3A_140] {strides = array<i32>} : memref<8x512xf32, #tpu.memory_space<vmem>>, vector<16xf32>,
      tpu.vector_store %arg13[%parallel_loop3A_139, %parallel_loop3A_140], %parallel_loop3A_137 {strides = array<i32>} : memref<8x512xf32, #tpu.memory_space<vmem>>, vector<16xf32>,
      %parallel_loop3A_142 = tpu.vector_load_idx %arg9[%parallel_loop3A_131] : memref<128xf32, #tpu.memory_space<vmem>>[vector<16xi32>], vector<16xf32>,
      %parallel_loop3A_143 = arith.constant 7 : i32
      %parallel_loop3A_144 = arith.index_cast %parallel_loop3A_143 : i32 to index
      %parallel_loop3A_145 = arith.index_cast %parallel_loop3A_127 : i32 to index
      %parallel_loop3A_146 = tpu.vector_load %arg14[%parallel_loop3A_144, %parallel_loop3A_145] {strides = array<i32>} : memref<8x512xf32, #tpu.memory_space<vmem>>, vector<16xf32>,
      tpu.vector_store %arg14[%parallel_loop3A_144, %parallel_loop3A_145], %parallel_loop3A_142 {strides = array<i32>} : memref<8x512xf32, #tpu.memory_space<vmem>>, vector<16xf32>,
    } {sc.loop_unroll_factor = 8 : i64, sc.parallel_access}
    %dma_start3A_62 = arith.constant 0 : i32
    %dma_start3A_63 = arith.constant 192 : i32
    %dma_start3A_64 = tpu.memref_slice %arg6[%dma_start3A_62, %dma_start3A_63, %mul3A_2] : memref<3x200x16384xf32, #tpu.memory_space<hbm>> -> memref<1x8x512xf32, #tpu.memory_space<hbm>>
    %dma_start3A_65 = tpu.memref_squeeze %dma_start3A_64 : memref<1x8x512xf32, #tpu.memory_space<hbm>> -> memref<8x512xf32, #tpu.memory_space<hbm>>
    %dma_start3A_66 = arith.constant 192 : i32
    %dma_start3A_67 = tpu.memref_slice %arg6[%dma_start3A_62, %dma_start3A_66, %mul3A_2] : memref<3x200x16384xf32, #tpu.memory_space<hbm>> -> memref<1x8x512xf32, #tpu.memory_space<hbm>>
    %dma_start3A_68 = tpu.memref_squeeze %dma_start3A_67 : memref<1x8x512xf32, #tpu.memory_space<hbm>> -> memref<8x512xf32, #tpu.memory_space<hbm>>
    tpu.enqueue_dma source(%arg12 : memref<8x512xf32, #tpu.memory_space<vmem>>) target(%dma_start3A_68 : memref<8x512xf32, #tpu.memory_space<hbm>>) target_semaphore(%arg20 : memref<!tpu.dma_semaphore, #tpu.memory_space<semaphore_mem>>)
    %dma_start3A_69 = arith.constant 1 : i32
    %dma_start3A_70 = arith.constant 192 : i32
    %dma_start3A_71 = tpu.memref_slice %arg6[%dma_start3A_69, %dma_start3A_70, %mul3A_2] : memref<3x200x16384xf32, #tpu.memory_space<hbm>> -> memref<1x8x512xf32, #tpu.memory_space<hbm>>
    %dma_start3A_72 = tpu.memref_squeeze %dma_start3A_71 : memref<1x8x512xf32, #tpu.memory_space<hbm>> -> memref<8x512xf32, #tpu.memory_space<hbm>>
    %dma_start3A_73 = arith.constant 192 : i32
    %dma_start3A_74 = tpu.memref_slice %arg6[%dma_start3A_69, %dma_start3A_73, %mul3A_2] : memref<3x200x16384xf32, #tpu.memory_space<hbm>> -> memref<1x8x512xf32, #tpu.memory_space<hbm>>
    %dma_start3A_75 = tpu.memref_squeeze %dma_start3A_74 : memref<1x8x512xf32, #tpu.memory_space<hbm>> -> memref<8x512xf32, #tpu.memory_space<hbm>>
    tpu.enqueue_dma source(%arg13 : memref<8x512xf32, #tpu.memory_space<vmem>>) target(%dma_start3A_75 : memref<8x512xf32, #tpu.memory_space<hbm>>) target_semaphore(%arg20 : memref<!tpu.dma_semaphore, #tpu.memory_space<semaphore_mem>>)
    %dma_start3A_76 = arith.constant 2 : i32
    %dma_start3A_77 = arith.constant 192 : i32
    %dma_start3A_78 = tpu.memref_slice %arg6[%dma_start3A_76, %dma_start3A_77, %mul3A_2] : memref<3x200x16384xf32, #tpu.memory_space<hbm>> -> memref<1x8x512xf32, #tpu.memory_space<hbm>>
    %dma_start3A_79 = tpu.memref_squeeze %dma_start3A_78 : memref<1x8x512xf32, #tpu.memory_space<hbm>> -> memref<8x512xf32, #tpu.memory_space<hbm>>
    %dma_start3A_80 = arith.constant 192 : i32
    %dma_start3A_81 = tpu.memref_slice %arg6[%dma_start3A_76, %dma_start3A_80, %mul3A_2] : memref<3x200x16384xf32, #tpu.memory_space<hbm>> -> memref<1x8x512xf32, #tpu.memory_space<hbm>>
    %dma_start3A_82 = tpu.memref_squeeze %dma_start3A_81 : memref<1x8x512xf32, #tpu.memory_space<hbm>> -> memref<8x512xf32, #tpu.memory_space<hbm>>
    tpu.enqueue_dma source(%arg14 : memref<8x512xf32, #tpu.memory_space<vmem>>) target(%dma_start3A_82 : memref<8x512xf32, #tpu.memory_space<hbm>>) target_semaphore(%arg20 : memref<!tpu.dma_semaphore, #tpu.memory_space<semaphore_mem>>)
    %dma_wait3A_83 = arith.constant 0 : i32
    %dma_wait3A_84 = arith.constant 184 : i32
    %dma_wait3A_85 = tpu.memref_slice %arg6[%dma_wait3A_83, %dma_wait3A_84, %mul3A_2] : memref<3x200x16384xf32, #tpu.memory_space<hbm>> -> memref<1x8x512xf32, #tpu.memory_space<hbm>>
    %dma_wait3A_86 = tpu.memref_squeeze %dma_wait3A_85 : memref<1x8x512xf32, #tpu.memory_space<hbm>> -> memref<8x512xf32, #tpu.memory_space<hbm>>
    %dma_wait3A_87 = arith.constant 184 : i32
    %dma_wait3A_88 = tpu.memref_slice %arg6[%dma_wait3A_83, %dma_wait3A_87, %mul3A_2] : memref<3x200x16384xf32, #tpu.memory_space<hbm>> -> memref<1x8x512xf32, #tpu.memory_space<hbm>>
    %dma_wait3A_89 = tpu.memref_squeeze %dma_wait3A_88 : memref<1x8x512xf32, #tpu.memory_space<hbm>> -> memref<8x512xf32, #tpu.memory_space<hbm>>
    tpu.wait_dma2 semaphore(%arg21 : memref<!tpu.dma_semaphore, #tpu.memory_space<semaphore_mem>>) src(%arg15 : memref<8x512xf32, #tpu.memory_space<vmem>>) dst(%dma_wait3A_89 : memref<8x512xf32, #tpu.memory_space<hbm>>)
    %dma_wait3A_90 = arith.constant 1 : i32
    %dma_wait3A_91 = arith.constant 184 : i32
    %dma_wait3A_92 = tpu.memref_slice %arg6[%dma_wait3A_90, %dma_wait3A_91, %mul3A_2] : memref<3x200x16384xf32, #tpu.memory_space<hbm>> -> memref<1x8x512xf32, #tpu.memory_space<hbm>>
    %dma_wait3A_93 = tpu.memref_squeeze %dma_wait3A_92 : memref<1x8x512xf32, #tpu.memory_space<hbm>> -> memref<8x512xf32, #tpu.memory_space<hbm>>
    %dma_wait3A_94 = arith.constant 184 : i32
    %dma_wait3A_95 = tpu.memref_slice %arg6[%dma_wait3A_90, %dma_wait3A_94, %mul3A_2] : memref<3x200x16384xf32, #tpu.memory_space<hbm>> -> memref<1x8x512xf32, #tpu.memory_space<hbm>>
    %dma_wait3A_96 = tpu.memref_squeeze %dma_wait3A_95 : memref<1x8x512xf32, #tpu.memory_space<hbm>> -> memref<8x512xf32, #tpu.memory_space<hbm>>
    tpu.wait_dma2 semaphore(%arg21 : memref<!tpu.dma_semaphore, #tpu.memory_space<semaphore_mem>>) src(%arg16 : memref<8x512xf32, #tpu.memory_space<vmem>>) dst(%dma_wait3A_96 : memref<8x512xf32, #tpu.memory_space<hbm>>)
    %dma_wait3A_97 = arith.constant 2 : i32
    %dma_wait3A_98 = arith.constant 184 : i32
    %dma_wait3A_99 = tpu.memref_slice %arg6[%dma_wait3A_97, %dma_wait3A_98, %mul3A_2] : memref<3x200x16384xf32, #tpu.memory_space<hbm>> -> memref<1x8x512xf32, #tpu.memory_space<hbm>>
    %dma_wait3A_100 = tpu.memref_squeeze %dma_wait3A_99 : memref<1x8x512xf32, #tpu.memory_space<hbm>> -> memref<8x512xf32, #tpu.memory_space<hbm>>
    %dma_wait3A_101 = arith.constant 184 : i32
    %dma_wait3A_102 = tpu.memref_slice %arg6[%dma_wait3A_97, %dma_wait3A_101, %mul3A_2] : memref<3x200x16384xf32, #tpu.memory_space<hbm>> -> memref<1x8x512xf32, #tpu.memory_space<hbm>>
    %dma_wait3A_103 = tpu.memref_squeeze %dma_wait3A_102 : memref<1x8x512xf32, #tpu.memory_space<hbm>> -> memref<8x512xf32, #tpu.memory_space<hbm>>
    tpu.wait_dma2 semaphore(%arg21 : memref<!tpu.dma_semaphore, #tpu.memory_space<semaphore_mem>>) src(%arg17 : memref<8x512xf32, #tpu.memory_space<vmem>>) dst(%dma_wait3A_103 : memref<8x512xf32, #tpu.memory_space<hbm>>)
    %dma_wait3A_104 = arith.constant 0 : i32
    %dma_wait3A_105 = arith.constant 192 : i32
    %dma_wait3A_106 = tpu.memref_slice %arg6[%dma_wait3A_104, %dma_wait3A_105, %mul3A_2] : memref<3x200x16384xf32, #tpu.memory_space<hbm>> -> memref<1x8x512xf32, #tpu.memory_space<hbm>>
    %dma_wait3A_107 = tpu.memref_squeeze %dma_wait3A_106 : memref<1x8x512xf32, #tpu.memory_space<hbm>> -> memref<8x512xf32, #tpu.memory_space<hbm>>
    %dma_wait3A_108 = arith.constant 192 : i32
    %dma_wait3A_109 = tpu.memref_slice %arg6[%dma_wait3A_104, %dma_wait3A_108, %mul3A_2] : memref<3x200x16384xf32, #tpu.memory_space<hbm>> -> memref<1x8x512xf32, #tpu.memory_space<hbm>>
    %dma_wait3A_110 = tpu.memref_squeeze %dma_wait3A_109 : memref<1x8x512xf32, #tpu.memory_space<hbm>> -> memref<8x512xf32, #tpu.memory_space<hbm>>
    tpu.wait_dma2 semaphore(%arg20 : memref<!tpu.dma_semaphore, #tpu.memory_space<semaphore_mem>>) src(%arg12 : memref<8x512xf32, #tpu.memory_space<vmem>>) dst(%dma_wait3A_110 : memref<8x512xf32, #tpu.memory_space<hbm>>)
    %dma_wait3A_111 = arith.constant 1 : i32
    %dma_wait3A_112 = arith.constant 192 : i32
    %dma_wait3A_113 = tpu.memref_slice %arg6[%dma_wait3A_111, %dma_wait3A_112, %mul3A_2] : memref<3x200x16384xf32, #tpu.memory_space<hbm>> -> memref<1x8x512xf32, #tpu.memory_space<hbm>>
    %dma_wait3A_114 = tpu.memref_squeeze %dma_wait3A_113 : memref<1x8x512xf32, #tpu.memory_space<hbm>> -> memref<8x512xf32, #tpu.memory_space<hbm>>
    %dma_wait3A_115 = arith.constant 192 : i32
    %dma_wait3A_116 = tpu.memref_slice %arg6[%dma_wait3A_111, %dma_wait3A_115, %mul3A_2] : memref<3x200x16384xf32, #tpu.memory_space<hbm>> -> memref<1x8x512xf32, #tpu.memory_space<hbm>>
    %dma_wait3A_117 = tpu.memref_squeeze %dma_wait3A_116 : memref<1x8x512xf32, #tpu.memory_space<hbm>> -> memref<8x512xf32, #tpu.memory_space<hbm>>
    tpu.wait_dma2 semaphore(%arg20 : memref<!tpu.dma_semaphore, #tpu.memory_space<semaphore_mem>>) src(%arg13 : memref<8x512xf32, #tpu.memory_space<vmem>>) dst(%dma_wait3A_117 : memref<8x512xf32, #tpu.memory_space<hbm>>)
    %dma_wait3A_118 = arith.constant 2 : i32
    %dma_wait3A_119 = arith.constant 192 : i32
    %dma_wait3A_120 = tpu.memref_slice %arg6[%dma_wait3A_118, %dma_wait3A_119, %mul3A_2] : memref<3x200x16384xf32, #tpu.memory_space<hbm>> -> memref<1x8x512xf32, #tpu.memory_space<hbm>>
    %dma_wait3A_121 = tpu.memref_squeeze %dma_wait3A_120 : memref<1x8x512xf32, #tpu.memory_space<hbm>> -> memref<8x512xf32, #tpu.memory_space<hbm>>
    %dma_wait3A_122 = arith.constant 192 : i32
    %dma_wait3A_123 = tpu.memref_slice %arg6[%dma_wait3A_118, %dma_wait3A_122, %mul3A_2] : memref<3x200x16384xf32, #tpu.memory_space<hbm>> -> memref<1x8x512xf32, #tpu.memory_space<hbm>>
    %dma_wait3A_124 = tpu.memref_squeeze %dma_wait3A_123 : memref<1x8x512xf32, #tpu.memory_space<hbm>> -> memref<8x512xf32, #tpu.memory_space<hbm>>
    tpu.wait_dma2 semaphore(%arg20 : memref<!tpu.dma_semaphore, #tpu.memory_space<semaphore_mem>>) src(%arg14 : memref<8x512xf32, #tpu.memory_space<vmem>>) dst(%dma_wait3A_124 : memref<8x512xf32, #tpu.memory_space<hbm>>)
    return
  }
}

</mosaic_0001>

<sc_bundles>
// kernel: kernel.3.cloned.1.call-start
scs
__scs_entry_jumppad:
0x0: {  	(pc) =	sbr.rel $0x88, $3  }
0x1: {  	(tag) =	ssettag $0x0;
	lr =	simm.s32 $0x1  }
0x2: {  	[smem:$0x3F9F] =	sst lr;
	_ =	strace $0xD0000000  }
0x3: {  	_ = 	snop  }
0x4: {  	_ = 	snop  }
0x5: {  	_ = 	snop  }
0x6: {  	_ = 	snop  }
0x7: {  	_ = 	snop  }
__scs_overlays_trampoline_lowered:
0x8: {  	[smem:$0x3FAE] =	sst s0  }
0x9: {  	[smem:$0x3FAF] =	sst s1  }
0xa: {  	[smem:$0x3FB0] =	sst s2  }
0xb: {  	[smem:$0x3FB1] =	sst s3  }
0xc: {  	[smem:$0x3FB2] =	sst s4  }
0xd: {  	[smem:$0x3FB3] =	sst s5  }
0xe: {  	[smem:$0x3FB4] =	sst s6  }
0xf: {  	[smem:$0x3FB5] =	sst s7  }
0x10: {  	[smem:$0x3FB6] =	sst s8  }
0x11: {  	[smem:$0x3FB7] =	sst s9;
	s0 =	simm.s32 @!p0 $0x0  }
0x12: {  	s1 =	sld [smem:$0x3F9D];
	s0 =	simm.s32 @p0 $0x1  }
0x13: {  	[smem:$0x3FB8] =	sst s0;
	s0 =	simm.s32 @!p1 $0x0  }
0x14: {  	s2 =	sld [smem:$0x3F9C];
	s0 =	simm.s32 @p1 $0x1  }
0x15: {  	[smem:$0x3FB9] =	sst s0;
	s0 =	simm.s32 @!p2 $0x0  }
0x16: {  	s3 =	sld [smem:$0x3FDB];
	s0 =	simm.s32 @p2 $0x1  }
0x17: {  	s4 =	simm.s32 $0x1BF5;
	[smem:$0x3FBB] =	sst s0  }
0x18: {  	s0 =	sld [smem:$0x3F9E];
	_ =	swait.ge [sflag:s4], $0x0  }
0x19: {  	s7 =	sld [smem:$0x3F9F]  }
0x1a: {  	s8 =	sadd.s32 $0xFFFFE003, lr  }
0x1b: {  	s9 =	sadd.s32 $0xFFFFFEF7, lr;
	s5 =	simm.s32 $0xFFFFFFFF;
	p2 =	slt.u32 s8, $0xFFFFF086  }
0x1c: {  	p1 =	slt.u32 s9, $0xF7A;
	s5 =	simm.s32 @!p2 $0x0  }
0x1d: {  	s5 =	simm.s32 @p1 $0x1;
	p0 =	seq.s32 s7, s2  }
0x1e: {  	s7 =	smul.u32 @!p0 $0xF7A, s2;
	p2 =	seq.s32 @!p0 s5, $0x0  }
0x1f: {  	s9 =	smul.u32 $0xF7A, s1;
	s8 =	simm.s32 @!p0 $0x1BF5;
	p2 =	por !p2, p0  }
0x20: {  	[sflag:s8] =	ssyncset.s32 @!p0 $0xFFFFF086;
	s6 =	sadd.s32 @!p0 s3, s7;
	s7 =	simm.s32 @!p0 $0x108  }
0x21: {  	s3 =	sadd.s32 s3, s9;
	s6 =	sadd.s32 @!p0 $0x88, s6;
	s7 =	simm.s32 @p2 $0x1082  }
0x22: {  	[simem:s7], [sflag:s8] =	dma.local @!p0 [hbm:s6], $0xF7A  }
0x23: {  	s9 =	sor.u32 $0xD0000000, s2;
	s6 =	simm.s32 $0x108;
	_ =	swait.ge @!p0 [sflag:s8], $0x0  }
0x24: {  	s3 =	sadd.s32 $0x88, s3;
	s6 =	simm.s32 @!p1 $0x1082;
	[sflag:s4] =	ssyncset.s32 $0xFFFFF086  }
0x25: {  	[simem:s6], [sflag:s4] =	dma.local [hbm:s3], $0xF7A  }
0x26: {  	[smem:$0x3F9F] =	sst s1;
	(tag) =	ssettag s2;
	_ =	strace s9  }
0x27: {  	s1 =	sld [smem:$0x3FAF]  }
0x28: {  	s2 =	sld [smem:$0x3FB0]  }
0x29: {  	s4 =	sld [smem:$0x3FB2]  }
0x2a: {  	p0 =	seq.s32 s5, $0x0;
	s5 =	sld [smem:$0x3FB3]  }
0x2b: {  	s6 =	sld [smem:$0x3FB4]  }
0x2c: {  	s7 =	sld [smem:$0x3FB5]  }
0x2d: {  	s3 =	simm.s32 $0x108;
	s8 =	sld [smem:$0x3FB6]  }
0x2e: {  	s3 =	simm.s32 @!p0 $0x1082;
	s9 =	sld [smem:$0x3FB7]  }
0x2f: {  	lr =	sadd.s32 s0, s3;
	s0 =	sld [smem:$0x3FAE]  }
0x30: {  	s3 =	sld [smem:$0x3FB1]  }
0x31: {  	[smem:$0x3FBA] =	sst s10  }
0x32: {  	s10 =	sld [smem:$0x3FB8];
	_ =	sdelay $0x3  }
0x33: {  	p0 =	seq.s32 s10, $0x1;
	s10 =	sld [smem:$0x3FBA];
	_ =	sdelay $0x3  }
0x34: {  	[smem:$0x3FBA] =	sst s10  }
0x35: {  	s10 =	sld [smem:$0x3FB9];
	_ =	sdelay $0x3  }
0x36: {  	p1 =	seq.s32 s10, $0x1;
	s10 =	sld [smem:$0x3FBA];
	_ =	sdelay $0x3  }
0x37: {  	[smem:$0x3FBA] =	sst s10  }
0x38: {  	s10 =	sld [smem:$0x3FBB]  }
0x39: {  	_ = 	snop;
	(pc) =	sbr.ind lr, $3  }
0x3a: {  	_ = 	snop  }
0x3b: {  	_ = 	snop  }
0x3c: {  	p2 =	seq.s32 s10, $0x1;
	s10 =	sld [smem:$0x3FBA]  }
0x3d: {  	_ =	shalt  }
0x3e: {  	_ =	shalt  }
0x3f: {  	_ =	shalt  }
0x40: {  	_ =	shalt  }
0x41: {  	_ =	shalt  }
0x42: {  	_ =	shalt  }
0x43: {  	_ =	shalt  }
0x44: {  	_ =	shalt  }
0x45: {  	_ =	shalt  }
0x46: {  	_ =	shalt  }
0x47: {  	_ =	shalt  }
0x48: {  	_ =	shalt  }
0x49: {  	_ =	shalt  }
0x4a: {  	_ =	shalt  }
0x4b: {  	_ =	shalt  }
0x4c: {  	_ =	shalt  }
0x4d: {  	_ =	shalt  }
0x4e: {  	_ =	shalt  }
0x4f: {  	_ =	shalt  }
0x50: {  	_ =	shalt  }
0x51: {  	_ =	shalt  }
0x52: {  	_ =	shalt  }
0x53: {  	_ =	shalt  }
0x54: {  	_ =	shalt  }
0x55: {  	_ =	shalt  }
0x56: {  	_ =	shalt  }
0x57: {  	_ =	shalt  }
0x58: {  	_ =	shalt  }
0x59: {  	_ =	shalt  }
0x5a: {  	_ =	shalt  }
0x5b: {  	_ =	shalt  }
0x5c: {  	_ =	shalt  }
0x5d: {  	_ =	shalt  }
0x5e: {  	_ =	shalt  }
0x5f: {  	_ =	shalt  }
0x60: {  	_ =	shalt  }
0x61: {  	_ =	shalt  }
0x62: {  	_ =	shalt  }
0x63: {  	_ =	shalt  }
0x64: {  	_ =	shalt  }
0x65: {  	_ =	shalt  }
0x66: {  	_ =	shalt  }
0x67: {  	_ =	shalt  }
0x68: {  	_ =	shalt  }
0x69: {  	_ =	shalt  }
0x6a: {  	_ =	shalt  }
0x6b: {  	_ =	shalt  }
0x6c: {  	_ =	shalt  }
0x6d: {  	_ =	shalt  }
0x6e: {  	_ =	shalt  }
0x6f: {  	_ =	shalt  }
0x70: {  	_ =	shalt  }
0x71: {  	_ =	shalt  }
0x72: {  	_ =	shalt  }
0x73: {  	_ =	shalt  }
0x74: {  	_ =	shalt  }
0x75: {  	_ =	shalt  }
0x76: {  	_ =	shalt  }
0x77: {  	_ =	shalt  }
0x78: {  	_ =	shalt  }
0x79: {  	_ =	shalt  }
0x7a: {  	_ =	shalt  }
0x7b: {  	_ =	shalt  }
0x7c: {  	_ =	shalt  }
0x7d: {  	_ =	shalt  }
0x7e: {  	_ =	shalt  }
0x7f: {  	_ =	shalt  }
0x80: {  	_ =	shalt  }
0x81: {  	_ =	shalt  }
0x82: {  	_ =	shalt  }
0x83: {  	_ =	shalt  }
0x84: {  	_ =	shalt  }
0x85: {  	_ =	shalt  }
0x86: {  	_ =	shalt  }
0x87: {  	_ =	shalt  }
.Lfunc_end0:
.L_simem_size_0:
called_computation_lowered:
.L_overlay_start_0:
0x88: {  	s2 =	sld [smem:$0x3FD9]  }
0x89: {  	s3 =	sld [smem:$0x3FFE];
	_ =	sdelay $0x1  }
0x8a: {  	s1 =	srdreg.scid  }
0x8b: {  	s0 =	sand.u32 $0x1, s1  }
0x8c: {  	s17 =	sshll.u32 s0, $0xA;
	s2 =	sadd.s32 s3, s2  }
0x8d: {  	s2 =	sadd.s32 s2, s17  }
0x8e: {  	[smem:$0x3FC6] =	sst s2  }
0x8f: {  	_ = 	snop  }
0x90: {  	s2 =	sld [smem:$0x3FC9]  }
0x91: {  	s18 =	sld [smem:$0x3FD0];
	(tm) =	ssettm $0x1  }
0x92: {  	s4 =	sld [smem:$0x3FFB];
	_ =	sdelay $0x3  }
0x93: {  	_ =	strace s4  }
0x94: {  	s4 =	sld [smem:$0x3FFC];
	_ =	sdelay $0x3  }
0x95: {  	_ =	strace s4  }
0x96: {  	s4 =	sld [smem:$0x3FFD];
	_ =	sdelay $0x3  }
0x97: {  	_ =	strace s4  }
0x98: {  	_ =	strace $0x8FFFFFFF  }
0x99: {  	s19 =	sld [smem:$0x3FDB];
	_ =	sdelay $0x1  }
0x9a: {  	s5 =	simm.s32 $_scs_section_size  }
0x9b: {  	s6 =	simm.s32 $_size__tile_overlayer_lowered;
	s7 =	simm.s32 $_tile_overlayer_lowered  }
0x9c: {  	s22 =	simm.s32 $0x1BFF;
	s21 =	sshll.u32 s7, $0x1;
	s4 =	sadd.s32 s5, s19  }
0x9d: {  	s8 =	simm.s32 $0x0;
	s20 =	sshll.u32 s6, $0x1;
	s6 =	sadd.s32 s21, s4  }
0x9e: {  	[timem:s8], [sflag:s22] =	dma.local [hbm:s6], s20  }
0x9f: {  	_ =	swait.ge [sflag:s22], s20  }
0xa0: {  	s5 =	ssub.s32 $0x0, s20;
	[sflag:s22] =	ssyncset.done $0x0  }
0xa1: {  	[sflag:s22] =	ssyncadd.s32 s5;
	_ =	sdelay $0x1  }
0xa2: {  	s23 =	simm.s32 $0x1B8B  }
0xa3: {  	_ =	swait.ge [sflag:s23], $0x1  }
0xa4: {  	[sflag:s23] =	ssyncset.done $0x0  }
0xa5: {  	s25 =	simm.s32 $0x1B8E;
	s24 =	sld [smem:$0x3FFE];
	[sflag:s23] =	ssyncadd.s32 $0xFFFFFFFF  }
0xa6: {  	s26 =	simm.s32 $execute0_lowered;
	[smem:$0x3FD2] =	sst s25  }
0xa7: {  	s6 =	sshll.u32 s26, $0x1;
	_ =	strace $0x80000046;
	[dreg:$0x1] =	wrdreg $0xFFFFFFFF  }
0xa8: {  	s28 =	simm.s32 $_size_execute0_lowered;
	s4 =	sadd.s32 s4, s6;
	[dreg:$0x0] =	wrdreg $0x0  }
0xa9: {  	s6 =	sshll.u32 s28, $0x1;
	[dreg:$0x2] =	wrdreg s4  }
0xaa: {  	[dreg:$0x3] =	wrdreg s6  }
0xab: {  	[dreg:$0x4] =	wrdreg $0xC0  }
0xac: {  	_ =	task [dreg:s8], $0x5FFFF  }
0xad: {  	[dreg:$0x1] =	wrdreg $0xFFFFFFFF  }
0xae: {  	[dreg:$0x0] =	wrdreg $0x60  }
0xaf: {  	[dreg:$0x2] =	wrdreg s24  }
0xb0: {  	[dreg:$0x3] =	wrdreg s2  }
0xb1: {  	[dreg:$0x4] =	wrdreg s18  }
0xb2: {  	[dreg:$0x5] =	wrdreg $0x9  }
0xb3: {  	_ =	task.clear_ibuf [dreg:s8], $0x6FFFF;
	_ =	strace $0x90000046  }
0xb4: {  	s29 =	simm.s32 $0x9;
	_ =	strace $0x80000048  }
0xb5: {  	_ =	swait.ge [sflag:s29], $0x1  }
0xb6: {  	[sflag:s29] =	ssyncadd.s32 $0xFFFFFFFF  }
0xb7: {  	_ =	strace $0x90000048  }
0xb8: {  	_ =	sfence  }
0xb9: {  	s30 =	sld [smem:$0x0];
	_ =	sdelay $0x2  }
0xba: {  	s31 =	sshll.u32 s1, $0xD;
	s1 =	sshrl.u32 s1, $0x2  }
0xbb: {  	s3 =	sand.u32 $0x4000, s31;
	s1 =	sadd.s32 s1, s30  }
0xbc: {  	s0 =	sor.u32 s3, s0;
	s1 =	sshll.u32 s1, $0x11  }
0xbd: {  	s0 =	sor.u32 s1, s0  }
0xbe: {  	s0 =	sadd.s32 $0x8F2B, s0  }
0xbf: {  	[sflag:s0] =	ssyncadd.remote.s32 $0x1  }
0xc0: {  	_ =	sfence.sel $0xFFFF  }
0xc1: {  	[dreg:$0x0] =	wrdreg $0xFFFFFFFF;
	(pc) =	sbr.abs _section_cstart, $3  }
0xc2: {  	[dreg:$0x1] =	wrdreg $0xFFFFFFFF  }
0xc3: {  	_ =	task.clear_ibuf [dreg:s8], $0x2FFFF;
	_ =	strace $0x9FFFFFFF  }
0xc4: {  	(tm) =	ssettm $0x7FFFFFFF  }
0xc5: {  	_ =	shalt  }
tec
execute0_lowered:
.L_overlay_start_1:
0x0: {  	(tag) =	ssettag $0x1  }
0x1: {  	s0 =	rddreg [dreg:$0x0]  }
0x2: {  	s1 =	rddreg [dreg:$0x1]  }
0x3: {  	s7 =	rddreg [dreg:$0x2]  }
0x4: {  	s2 =	srdreg.scid;
	s4 =	simm.s32 $0x0;
	s3 =	stileid.u32  }
0x5: {  	s19 =	simm.s32 $0x80;
	s28 =	simm.s32 $0x2;
	s29 =	simm.s32 $0x5180  }
0x6: {  	s30 =	simm.s32 $0x6180;
	s31 =	simm.s32 $0x7180;
	s2 =	sand.u32 $0x1, s2  }
0x7: {  	[smem:$0x7FF] =	sst s4;
	s3 =	sshll.u32 s3, $0xD;
	s20 =	sadd.s32 $0x400, s0  }
0x8: {  	s6 =	sadd.s32 $0x600, s0;
	s0 =	sadd.s32 $0x200, s0;
	s13 =	sadd.s32 $0x4000, s7  }
0x9: {  	s5 =	sshll.u32 s2, $0xC;
	_ =	strace $0x80000047;
	[dreg:$0x4] =	wrdreg s20  }
0xa: {  	s2 =	ssub.s32 $0x2, s2;
	[dreg:$0x5] =	wrdreg s6;
	s5 =	sor.u32 s5, s3  }
0xb: {  	[dreg:$0x7] =	wrdreg s0;
	s22 =	sshrl.u32 s2, $0x1;
	s21 =	sshrl.u32 s5, $0x3  }
0xc: {  	s20 =	simm.s32 $0x100;
	s23 =	ssub.s32 s2, s22;
	s8 =	sadd.s32 s1, s21  }
0xd: {  	s11 =	sor.u32 $0x40000, s5;
	s0 =	smax.u32 s23, $0x1;
	[dreg:$0x6] =	wrdreg s8  }
0xe: {  	s25 =	sadd.s32 s21, s7;
	s24 =	sadd.s32 $0x4000, s8;
	[dreg:$0xc] =	wrdreg s0  }
0xf: {  	s12 =	sor.u32 $0x60000, s5;
	s3 =	sadd.s32 $0x60000, s25;
	[dreg:$0x8] =	wrdreg s24  }
0x10: {  	s22 =	smov.u32 s7;
	s26 =	sadd.s32 $0xC4000, s25;
	[dreg:$0x9] =	wrdreg s3  }
0x11: {  	s21 =	simm.s32 $0x180;
	s2 =	sadd.s32 $0x128000, s25;
	[dreg:$0xa] =	wrdreg s26  }
0x12: {  	s23 =	simm.s32 $0x1;
	s25 =	simm.s32 $0x3180;
	[dreg:$0xb] =	wrdreg s2  }
0x13: {  	s24 =	simm.s32 $0x2180;
	s26 =	simm.s32 $0x4180;
	s2 =	simm.s32 $0x0  }
.LBB2_1:
0x14: {  	[dreg:$0xd] =	wrdreg s2  }
0x15: {  	s0 =	rddreg [dreg:$0x4];
	s10 =	simm.s32 $0x5  }
0x16: {  	[tilespmem:s4], [sflag:$0x5] =	stream.linear.gather [hbm4b:s0+s4], $0x80, $0x38;
	[tilespmem:$0x8180] =	vst v63  }
0x17: {  	_ =	swait.ge [sflag:s10], $0x80  }
0x18: {  	[sflag:s10] =	ssyncset.done $0x0  }
0x19: {  	s14 =	rddreg [dreg:$0x5];
	[sflag:s10] =	ssyncadd.s32 $0xFFFFFF80  }
0x1a: {  	[tilespmem:s19], [sflag:$0x5] =	stream.linear.gather [hbm4b:s14+s4], $0x80, $0x38;
	[tilespmem:$0x8180] =	vst v63  }
0x1b: {  	_ =	swait.ge [sflag:s10], $0x80  }
0x1c: {  	[sflag:s10] =	ssyncset.done $0x0  }
0x1d: {  	s15 =	rddreg [dreg:$0x7];
	[sflag:s10] =	ssyncadd.s32 $0xFFFFFF80  }
0x1e: {  	[tilespmem:s20], [sflag:$0x5] =	stream.linear.gather [hbm4b:s15+s4], $0x80, $0x38;
	[tilespmem:$0x8180] =	vst v63  }
0x1f: {  	_ =	swait.ge [sflag:s10], $0x80  }
0x20: {  	[sflag:s10] =	ssyncset.done $0x0  }
0x21: {  	s16 =	rddreg [dreg:$0x6];
	[sflag:s10] =	ssyncadd.s32 $0xFFFFFF80  }
0x22: {  	[tilespmem:s21], [sflag:$0x1] =	stream.linear.gather [hbm4b:s16+s4], $0x1000, $0x38;
	[tilespmem:$0x8180] =	vst v63  }
0x23: {  	s18 =	simm.s32 $0x1180;
	s7 =	simm.s32 $0x0;
	s17 =	rddreg [dreg:$0x8]  }
0x24: {  	[tilespmem:s18], [sflag:$0x2] =	stream.linear.gather [hbm4b:s17+s4], $0x1000, $0x38;
	[tilespmem:$0x8180] =	vst v63  }
.LBB2_2:
0x25: {  	_ =	swait.ge [sflag:s23], $0x1000  }
0x26: {  	p0 =	seq.s32 s7, $0x0;
	[sflag:s23] =	ssyncset.done $0x0  }
0x27: {  	s0 =	simm.s32 @!p0 $0x3;
	[sflag:s23] =	ssyncadd.s32 $0xFFFFF000  }
0x28: {  	_ =	swait.ge @!p0 [sflag:s0], $0x1000  }
0x29: {  	[sflag:s0] =	ssyncset.done @!p0 $0x0  }
0x2a: {  	[sflag:s0] =	ssyncadd.s32 @!p0 $0xFFFFF000  }
0x2b: {  	_ =	swait.ge @!p0 [sflag:s0], $0x1000  }
0x2c: {  	[sflag:s0] =	ssyncset.done @!p0 $0x0  }
0x2d: {  	[sflag:s0] =	ssyncadd.s32 @!p0 $0xFFFFF000  }
0x2e: {  	_ =	swait.ge @!p0 [sflag:s0], $0x1000  }
0x2f: {  	[sflag:s0] =	ssyncset.done @!p0 $0x0  }
0x30: {  	s18 =	simm.s32 $0x1C0;
	[sflag:s0] =	ssyncadd.s32 @!p0 $0xFFFFF000  }
0x31: {  	v0 =	vld [tilespmem:s18+$0x30]  }
0x32: {  	v1 =	vld [tilespmem:s18+$0xFFFFFFD0]  }
0x33: {  	v2 =	vld [tilespmem:s18+$0xFFFFFFE0]  }
0x34: {  	v3 =	vld [tilespmem:s18+$0xFFFFFFF0]  }
0x35: {  	v4 =	vld [tilespmem:s18+$0x0]  }
0x36: {  	v5 =	vld [tilespmem:s18+$0x10]  }
0x37: {  	v6 =	vld [tilespmem:s18+$0x20]  }
0x38: {  	v7 =	vld [tilespmem:s18+$0xFFFFFFC0]  }
0x39: {  	v8 =	vld.idx.msk [tilespmem:v0+s4+$0x0], $0xffff  }
0x3a: {  	v9 =	vld.idx.msk [tilespmem:v1+s4+$0x0], $0xffff  }
0x3b: {  	v10 =	vld.idx.msk [tilespmem:v2+s4+$0x0], $0xffff  }
0x3c: {  	v11 =	vld.idx.msk [tilespmem:v3+s4+$0x0], $0xffff  }
0x3d: {  	v12 =	vld.idx.msk [tilespmem:v4+s4+$0x0], $0xffff  }
0x3e: {  	s2 =	simm.s32 $0x21C0;
	v13 =	vld.idx.msk [tilespmem:v5+s4+$0x0], $0xffff  }
0x3f: {  	v14 =	vld.idx.msk [tilespmem:v6+s4+$0x0], $0xffff;
	[tilespmem:s2+$0x30] =	vst v8  }
0x40: {  	v56 =	vld.idx.msk [tilespmem:v7+s4+$0x0], $0xffff;
	[tilespmem:s2+$0xFFFFFFD0] =	vst v9  }
0x41: {  	[tilespmem:s2+$0xFFFFFFE0] =	vst v10;
	v8 =	vld.idx.msk [tilespmem:v0+s19+$0x0], $0xffff  }
0x42: {  	[tilespmem:s2+$0xFFFFFFF0] =	vst v11;
	v57 =	vld.idx.msk [tilespmem:v1+s19+$0x0], $0xffff  }
0x43: {  	[tilespmem:s2+$0x0] =	vst v12;
	v58 =	vld.idx.msk [tilespmem:v2+s19+$0x0], $0xffff  }
0x44: {  	[tilespmem:s2+$0x10] =	vst v13;
	v59 =	vld.idx.msk [tilespmem:v3+s19+$0x0], $0xffff  }
0x45: {  	[tilespmem:s2+$0x20] =	vst v14;
	v60 =	vld.idx.msk [tilespmem:v4+s19+$0x0], $0xffff  }
0x46: {  	s14 =	simm.s32 $0x31C0;
	[tilespmem:s2+$0xFFFFFFC0] =	vst v56;
	v61 =	vld.idx.msk [tilespmem:v5+s19+$0x0], $0xffff  }
0x47: {  	v9 =	vld.idx.msk [tilespmem:v7+s19+$0x0], $0xffff;
	[tilespmem:s14+$0x30] =	vst v8  }
0x48: {  	v62 =	vld.idx.msk [tilespmem:v6+s19+$0x0], $0xffff;
	[tilespmem:s14+$0xFFFFFFD0] =	vst v57  }
0x49: {  	[tilespmem:s14+$0xFFFFFFE0] =	vst v58;
	v8 =	vld.idx.msk [tilespmem:v0+s20+$0x0], $0xffff  }
0x4a: {  	[tilespmem:s14+$0xFFFFFFF0] =	vst v59;
	v63 =	vld.idx.msk [tilespmem:v1+s20+$0x0], $0xffff  }
0x4b: {  	[tilespmem:s14+$0x0] =	vst v60;
	v0 =	vld.idx.msk [tilespmem:v2+s20+$0x0], $0xffff  }
0x4c: {  	[tilespmem:s14+$0x10] =	vst v61;
	v1 =	vld.idx.msk [tilespmem:v3+s20+$0x0], $0xffff  }
0x4d: {  	[tilespmem:s14+$0xFFFFFFC0] =	vst v9;
	v2 =	vld.idx.msk [tilespmem:v4+s20+$0x0], $0xffff  }
0x4e: {  	s15 =	simm.s32 $0x41C0;
	s9 =	sshll.u32 s7, $0x12;
	[tilespmem:s14+$0x20] =	vst v62;
	v3 =	vld.idx.msk [tilespmem:v5+s20+$0x0], $0xffff  }
0x4f: {  	s6 =	simm.s32 $0x0;
	s17 =	simm.s32 $0x270;
	s10 =	simm.s32 $0x4270;
	v4 =	vld.idx.msk [tilespmem:v7+s20+$0x0], $0xffff;
	[tilespmem:s15+$0x30] =	vst v8  }
0x50: {  	s16 =	simm.s32 $0x3270;
	s8 =	simm.s32 $0x2270;
	s0 =	simm.s32 $0x5C0;
	v5 =	vld.idx.msk [tilespmem:v6+s20+$0x0], $0xffff;
	[tilespmem:s15+$0xFFFFFFD0] =	vst v63  }
.LBB2_3:
0x51: {  	v6 =	vld [tilespmem:s0+$0x30];
	s6 =	sadd.s32 $0x8, s6;
	[tilespmem:s15+$0xFFFFFFE0] =	vst v0  }
0x52: {  	v0 =	vld [tilespmem:s0+$0xFFFFFFD0];
	p1 =	slt.u32 s6, $0x18;
	[tilespmem:s15+$0xFFFFFFF0] =	vst v1  }
0x53: {  	v1 =	vld [tilespmem:s0+$0xFFFFFFE0];
	[tilespmem:s15+$0x0] =	vst v2  }
0x54: {  	v2 =	vld [tilespmem:s0+$0xFFFFFFF0];
	[tilespmem:s15+$0x10] =	vst v3  }
0x55: {  	v3 =	vld [tilespmem:s0+$0x0];
	[tilespmem:s15+$0xFFFFFFC0] =	vst v4  }
0x56: {  	v4 =	vld [tilespmem:s0+$0x10];
	[tilespmem:s15+$0x20] =	vst v5  }
0x57: {  	v5 =	vld [tilespmem:s0+$0x20]  }
0x58: {  	v7 =	vld [tilespmem:s0+$0xFFFFFFC0]  }
0x59: {  	v8 =	vld.idx.msk [tilespmem:v6+s4+$0x0], $0xffff  }
0x5a: {  	v9 =	vld.idx.msk [tilespmem:v0+s4+$0x0], $0xffff  }
0x5b: {  	v10 =	vld.idx.msk [tilespmem:v1+s4+$0x0], $0xffff  }
0x5c: {  	v11 =	vld.idx.msk [tilespmem:v2+s4+$0x0], $0xffff  }
0x5d: {  	v12 =	vld.idx.msk [tilespmem:v3+s4+$0x0], $0xffff  }
0x5e: {  	s2 =	sadd.s32 $0x400, s2;
	v13 =	vld.idx.msk [tilespmem:v4+s4+$0x0], $0xffff  }
0x5f: {  	v14 =	vld.idx.msk [tilespmem:v5+s4+$0x0], $0xffff;
	[tilespmem:s2+$0x30] =	vst v8  }
0x60: {  	[tilespmem:s2+$0xFFFFFFD0] =	vst v9;
	v8 =	vld.idx.msk [tilespmem:v6+s19+$0x0], $0xffff  }
0x61: {  	v9 =	vld.idx.msk [tilespmem:v7+s4+$0x0], $0xffff;
	[tilespmem:s2+$0xFFFFFFE0] =	vst v10  }
0x62: {  	v10 =	vld.idx.msk [tilespmem:v0+s19+$0x0], $0xffff;
	[tilespmem:s2+$0xFFFFFFF0] =	vst v11  }
0x63: {  	v11 =	vld.idx.msk [tilespmem:v1+s19+$0x0], $0xffff;
	[tilespmem:s2+$0x0] =	vst v12  }
0x64: {  	v12 =	vld.idx.msk [tilespmem:v2+s19+$0x0], $0xffff;
	[tilespmem:s2+$0x10] =	vst v13  }
0x65: {  	s14 =	sadd.s32 $0x400, s14;
	v13 =	vld.idx.msk [tilespmem:v3+s19+$0x0], $0xffff;
	[tilespmem:s2+$0x20] =	vst v14  }
0x66: {  	v14 =	vld.idx.msk [tilespmem:v4+s19+$0x0], $0xffff;
	[tilespmem:s14+$0x30] =	vst v8  }
0x67: {  	[tilespmem:s2+$0xFFFFFFC0] =	vst v9;
	v6 =	vld.idx.msk [tilespmem:v6+s20+$0x0], $0xffff  }
0x68: {  	v8 =	vld.idx.msk [tilespmem:v7+s19+$0x0], $0xffff;
	[tilespmem:s14+$0xFFFFFFD0] =	vst v10  }
0x69: {  	[tilespmem:s14+$0xFFFFFFE0] =	vst v11;
	v9 =	vld.idx.msk [tilespmem:v5+s19+$0x0], $0xffff  }
0x6a: {  	v10 =	vld.idx.msk [tilespmem:v0+s20+$0x0], $0xffff;
	[tilespmem:s14+$0xFFFFFFF0] =	vst v12  }
0x6b: {  	v0 =	vld.idx.msk [tilespmem:v1+s20+$0x0], $0xffff;
	[tilespmem:s14+$0x0] =	vst v13  }
.Ltmp0:
0x6c: {  	s15 =	sadd.s32 $0x400, s15;
	v1 =	vld.idx.msk [tilespmem:v2+s20+$0x0], $0xffff;
	[tilespmem:s14+$0x10] =	vst v14;
	(pc) =	sbr.rel @p1 .LBB2_3-.Ltmp0, $4  }
0x6d: {  	v2 =	vld.idx.msk [tilespmem:v3+s20+$0x0], $0xffff;
	[tilespmem:s15+$0x30] =	vst v6  }
0x6e: {  	[tilespmem:s14+$0xFFFFFFC0] =	vst v8;
	v3 =	vld.idx.msk [tilespmem:v4+s20+$0x0], $0xffff  }
0x6f: {  	v4 =	vld.idx.msk [tilespmem:v7+s20+$0x0], $0xffff;
	[tilespmem:s14+$0x20] =	vst v9  }
0x70: {  	s0 =	sadd.s32 $0x400, s0;
	[tilespmem:s15+$0xFFFFFFD0] =	vst v10;
	v5 =	vld.idx.msk [tilespmem:v5+s20+$0x0], $0xffff  }
0x71: {  	[tilespmem:s15+$0xFFFFFFE0] =	vst v0  }
0x72: {  	[tilespmem:s15+$0xFFFFFFF0] =	vst v1  }
0x73: {  	[tilespmem:s15+$0x0] =	vst v2  }
0x74: {  	[tilespmem:s15+$0x10] =	vst v3  }
0x75: {  	[tilespmem:s15+$0xFFFFFFC0] =	vst v4  }
0x76: {  	[tilespmem:s15+$0x20] =	vst v5  }
0x77: {  	v0 =	vld [tilespmem:s17+$0x0]  }
0x78: {  	v1 =	vld [tilespmem:s17+$0xFFFFFFA0]  }
0x79: {  	v2 =	vld [tilespmem:s17+$0xFFFFFFB0]  }
0x7a: {  	v3 =	vld [tilespmem:s17+$0xFFFFFFC0]  }
0x7b: {  	v4 =	vld [tilespmem:s17+$0xFFFFFFD0]  }
0x7c: {  	v5 =	vld [tilespmem:s17+$0xFFFFFFE0]  }
0x7d: {  	v6 =	vld [tilespmem:s17+$0xFFFFFFF0]  }
0x7e: {  	v7 =	vld [tilespmem:s17+$0xFFFFFF90]  }
0x7f: {  	v8 =	vld.idx.msk [tilespmem:v0+s4+$0x0], $0xffff  }
0x80: {  	v9 =	vld.idx.msk [tilespmem:v1+s4+$0x0], $0xffff  }
0x81: {  	v10 =	vld.idx.msk [tilespmem:v2+s4+$0x0], $0xffff  }
0x82: {  	v11 =	vld.idx.msk [tilespmem:v3+s4+$0x0], $0xffff  }
0x83: {  	v12 =	vld.idx.msk [tilespmem:v4+s4+$0x0], $0xffff  }
0x84: {  	v13 =	vld.idx.msk [tilespmem:v5+s4+$0x0], $0xffff  }
0x85: {  	v14 =	vld.idx.msk [tilespmem:v6+s4+$0x0], $0xffff;
	[tilespmem:s8+$0x0] =	vst v8  }
0x86: {  	v56 =	vld.idx.msk [tilespmem:v7+s4+$0x0], $0xffff;
	[tilespmem:s8+$0xFFFFFFA0] =	vst v9  }
0x87: {  	[tilespmem:s8+$0xFFFFFFB0] =	vst v10;
	v8 =	vld.idx.msk [tilespmem:v0+s19+$0x0], $0xffff  }
0x88: {  	[tilespmem:s8+$0xFFFFFFC0] =	vst v11;
	v57 =	vld.idx.msk [tilespmem:v1+s19+$0x0], $0xffff  }
0x89: {  	[tilespmem:s8+$0xFFFFFFD0] =	vst v12;
	v58 =	vld.idx.msk [tilespmem:v2+s19+$0x0], $0xffff  }
0x8a: {  	[tilespmem:s8+$0xFFFFFFE0] =	vst v13;
	v59 =	vld.idx.msk [tilespmem:v3+s19+$0x0], $0xffff  }
0x8b: {  	[tilespmem:s8+$0xFFFFFFF0] =	vst v14;
	v60 =	vld.idx.msk [tilespmem:v4+s19+$0x0], $0xffff  }
0x8c: {  	[tilespmem:s8+$0xFFFFFF90] =	vst v56;
	v61 =	vld.idx.msk [tilespmem:v5+s19+$0x0], $0xffff  }
0x8d: {  	v9 =	vld.idx.msk [tilespmem:v7+s19+$0x0], $0xffff;
	[tilespmem:s16+$0x0] =	vst v8  }
0x8e: {  	v62 =	vld.idx.msk [tilespmem:v6+s19+$0x0], $0xffff;
	[tilespmem:s16+$0xFFFFFFA0] =	vst v57  }
0x8f: {  	[tilespmem:s16+$0xFFFFFFB0] =	vst v58;
	v8 =	vld.idx.msk [tilespmem:v0+s20+$0x0], $0xffff  }
0x90: {  	[tilespmem:s16+$0xFFFFFFC0] =	vst v59;
	v63 =	vld.idx.msk [tilespmem:v1+s20+$0x0], $0xffff  }
0x91: {  	[tilespmem:s16+$0xFFFFFFD0] =	vst v60;
	v0 =	vld.idx.msk [tilespmem:v2+s20+$0x0], $0xffff  }
0x92: {  	[tilespmem:s16+$0xFFFFFFE0] =	vst v61;
	v1 =	vld.idx.msk [tilespmem:v3+s20+$0x0], $0xffff  }
0x93: {  	[tilespmem:s16+$0xFFFFFF90] =	vst v9;
	v2 =	vld.idx.msk [tilespmem:v4+s20+$0x0], $0xffff  }
0x94: {  	[tilespmem:s16+$0xFFFFFFF0] =	vst v62;
	v3 =	vld.idx.msk [tilespmem:v5+s20+$0x0], $0xffff  }
0x95: {  	s6 =	simm.s32 $0x0;
	s2 =	simm.s32 $0x2F0;
	s14 =	simm.s32 $0x42F0;
	v4 =	vld.idx.msk [tilespmem:v7+s20+$0x0], $0xffff;
	[tilespmem:s10+$0x0] =	vst v8  }
0x96: {  	s0 =	simm.s32 $0x670;
	s15 =	simm.s32 $0x22F0;
	s17 =	simm.s32 $0x32F0;
	v5 =	vld.idx.msk [tilespmem:v6+s20+$0x0], $0xffff;
	[tilespmem:s10+$0xFFFFFFA0] =	vst v63  }
.LBB2_5:
0x97: {  	v6 =	vld [tilespmem:s0+$0x0];
	s6 =	sadd.s32 $0x8, s6;
	[tilespmem:s10+$0xFFFFFFB0] =	vst v0  }
0x98: {  	v0 =	vld [tilespmem:s0+$0xFFFFFFA0];
	p1 =	slt.u32 s6, $0x18;
	[tilespmem:s10+$0xFFFFFFC0] =	vst v1  }
0x99: {  	v1 =	vld [tilespmem:s0+$0xFFFFFFB0];
	[tilespmem:s10+$0xFFFFFFD0] =	vst v2  }
0x9a: {  	v2 =	vld [tilespmem:s0+$0xFFFFFFC0];
	[tilespmem:s10+$0xFFFFFFE0] =	vst v3  }
0x9b: {  	v3 =	vld [tilespmem:s0+$0xFFFFFFD0];
	[tilespmem:s10+$0xFFFFFF90] =	vst v4  }
0x9c: {  	v4 =	vld [tilespmem:s0+$0xFFFFFFE0];
	[tilespmem:s10+$0xFFFFFFF0] =	vst v5  }
0x9d: {  	v5 =	vld [tilespmem:s0+$0xFFFFFFF0]  }
0x9e: {  	v7 =	vld [tilespmem:s0+$0xFFFFFF90]  }
0x9f: {  	v8 =	vld.idx.msk [tilespmem:v6+s4+$0x0], $0xffff  }
0xa0: {  	v9 =	vld.idx.msk [tilespmem:v0+s4+$0x0], $0xffff  }
0xa1: {  	v10 =	vld.idx.msk [tilespmem:v1+s4+$0x0], $0xffff  }
0xa2: {  	v11 =	vld.idx.msk [tilespmem:v2+s4+$0x0], $0xffff  }
0xa3: {  	v12 =	vld.idx.msk [tilespmem:v3+s4+$0x0], $0xffff  }
0xa4: {  	s8 =	sadd.s32 $0x400, s8;
	v13 =	vld.idx.msk [tilespmem:v4+s4+$0x0], $0xffff  }
0xa5: {  	v14 =	vld.idx.msk [tilespmem:v5+s4+$0x0], $0xffff;
	[tilespmem:s8+$0x0] =	vst v8  }
0xa6: {  	[tilespmem:s8+$0xFFFFFFA0] =	vst v9;
	v8 =	vld.idx.msk [tilespmem:v6+s19+$0x0], $0xffff  }
0xa7: {  	v9 =	vld.idx.msk [tilespmem:v7+s4+$0x0], $0xffff;
	[tilespmem:s8+$0xFFFFFFB0] =	vst v10  }
0xa8: {  	v10 =	vld.idx.msk [tilespmem:v0+s19+$0x0], $0xffff;
	[tilespmem:s8+$0xFFFFFFC0] =	vst v11  }
0xa9: {  	v11 =	vld.idx.msk [tilespmem:v1+s19+$0x0], $0xffff;
	[tilespmem:s8+$0xFFFFFFD0] =	vst v12  }
0xaa: {  	v12 =	vld.idx.msk [tilespmem:v2+s19+$0x0], $0xffff;
	[tilespmem:s8+$0xFFFFFFE0] =	vst v13  }
0xab: {  	s16 =	sadd.s32 $0x400, s16;
	v13 =	vld.idx.msk [tilespmem:v3+s19+$0x0], $0xffff;
	[tilespmem:s8+$0xFFFFFFF0] =	vst v14  }
0xac: {  	v14 =	vld.idx.msk [tilespmem:v4+s19+$0x0], $0xffff;
	[tilespmem:s16+$0x0] =	vst v8  }
0xad: {  	[tilespmem:s8+$0xFFFFFF90] =	vst v9;
	v6 =	vld.idx.msk [tilespmem:v6+s20+$0x0], $0xffff  }
0xae: {  	v8 =	vld.idx.msk [tilespmem:v7+s19+$0x0], $0xffff;
	[tilespmem:s16+$0xFFFFFFA0] =	vst v10  }
0xaf: {  	[tilespmem:s16+$0xFFFFFFB0] =	vst v11;
	v9 =	vld.idx.msk [tilespmem:v5+s19+$0x0], $0xffff  }
0xb0: {  	v10 =	vld.idx.msk [tilespmem:v0+s20+$0x0], $0xffff;
	[tilespmem:s16+$0xFFFFFFC0] =	vst v12  }
0xb1: {  	v0 =	vld.idx.msk [tilespmem:v1+s20+$0x0], $0xffff;
	[tilespmem:s16+$0xFFFFFFD0] =	vst v13  }
.Ltmp1:
0xb2: {  	s10 =	sadd.s32 $0x400, s10;
	v1 =	vld.idx.msk [tilespmem:v2+s20+$0x0], $0xffff;
	[tilespmem:s16+$0xFFFFFFE0] =	vst v14;
	(pc) =	sbr.rel @p1 .LBB2_5-.Ltmp1, $4  }
0xb3: {  	v2 =	vld.idx.msk [tilespmem:v3+s20+$0x0], $0xffff;
	[tilespmem:s10+$0x0] =	vst v6  }
0xb4: {  	[tilespmem:s16+$0xFFFFFF90] =	vst v8;
	v3 =	vld.idx.msk [tilespmem:v4+s20+$0x0], $0xffff  }
0xb5: {  	v4 =	vld.idx.msk [tilespmem:v7+s20+$0x0], $0xffff;
	[tilespmem:s16+$0xFFFFFFF0] =	vst v9  }
0xb6: {  	s0 =	sadd.s32 $0x400, s0;
	[tilespmem:s10+$0xFFFFFFA0] =	vst v10;
	v5 =	vld.idx.msk [tilespmem:v5+s20+$0x0], $0xffff  }
0xb7: {  	[tilespmem:s10+$0xFFFFFFB0] =	vst v0  }
0xb8: {  	[tilespmem:s10+$0xFFFFFFC0] =	vst v1  }
0xb9: {  	[tilespmem:s10+$0xFFFFFFD0] =	vst v2  }
0xba: {  	[tilespmem:s10+$0xFFFFFFE0] =	vst v3  }
0xbb: {  	[tilespmem:s10+$0xFFFFFF90] =	vst v4  }
0xbc: {  	[tilespmem:s10+$0xFFFFFFF0] =	vst v5  }
0xbd: {  	v0 =	vld [tilespmem:s2+$0x0]  }
0xbe: {  	v1 =	vld [tilespmem:s2+$0xFFFFFFA0]  }
0xbf: {  	v2 =	vld [tilespmem:s2+$0xFFFFFFB0]  }
0xc0: {  	v3 =	vld [tilespmem:s2+$0xFFFFFFC0]  }
0xc1: {  	v4 =	vld [tilespmem:s2+$0xFFFFFFD0]  }
0xc2: {  	v5 =	vld [tilespmem:s2+$0xFFFFFFE0]  }
0xc3: {  	v6 =	vld [tilespmem:s2+$0xFFFFFFF0]  }
0xc4: {  	v7 =	vld [tilespmem:s2+$0xFFFFFF90]  }
0xc5: {  	v8 =	vld.idx.msk [tilespmem:v0+s4+$0x0], $0xffff  }
0xc6: {  	v9 =	vld.idx.msk [tilespmem:v1+s4+$0x0], $0xffff  }
0xc7: {  	v10 =	vld.idx.msk [tilespmem:v2+s4+$0x0], $0xffff  }
0xc8: {  	v11 =	vld.idx.msk [tilespmem:v3+s4+$0x0], $0xffff  }
0xc9: {  	v12 =	vld.idx.msk [tilespmem:v4+s4+$0x0], $0xffff  }
0xca: {  	v13 =	vld.idx.msk [tilespmem:v5+s4+$0x0], $0xffff  }
0xcb: {  	v14 =	vld.idx.msk [tilespmem:v6+s4+$0x0], $0xffff;
	[tilespmem:s15+$0x0] =	vst v8  }
0xcc: {  	v56 =	vld.idx.msk [tilespmem:v7+s4+$0x0], $0xffff;
	[tilespmem:s15+$0xFFFFFFA0] =	vst v9  }
0xcd: {  	[tilespmem:s15+$0xFFFFFFB0] =	vst v10;
	v8 =	vld.idx.msk [tilespmem:v0+s19+$0x0], $0xffff  }
0xce: {  	[tilespmem:s15+$0xFFFFFFC0] =	vst v11;
	v57 =	vld.idx.msk [tilespmem:v1+s19+$0x0], $0xffff  }
0xcf: {  	[tilespmem:s15+$0xFFFFFFD0] =	vst v12;
	v58 =	vld.idx.msk [tilespmem:v2+s19+$0x0], $0xffff  }
0xd0: {  	[tilespmem:s15+$0xFFFFFFE0] =	vst v13;
	v59 =	vld.idx.msk [tilespmem:v3+s19+$0x0], $0xffff  }
0xd1: {  	[tilespmem:s15+$0xFFFFFFF0] =	vst v14;
	v60 =	vld.idx.msk [tilespmem:v4+s19+$0x0], $0xffff  }
0xd2: {  	[tilespmem:s15+$0xFFFFFF90] =	vst v56;
	v61 =	vld.idx.msk [tilespmem:v5+s19+$0x0], $0xffff  }
0xd3: {  	v9 =	vld.idx.msk [tilespmem:v7+s19+$0x0], $0xffff;
	[tilespmem:s17+$0x0] =	vst v8  }
0xd4: {  	v62 =	vld.idx.msk [tilespmem:v6+s19+$0x0], $0xffff;
	[tilespmem:s17+$0xFFFFFFA0] =	vst v57  }
0xd5: {  	[tilespmem:s17+$0xFFFFFFB0] =	vst v58;
	v8 =	vld.idx.msk [tilespmem:v0+s20+$0x0], $0xffff  }
0xd6: {  	[tilespmem:s17+$0xFFFFFFC0] =	vst v59;
	v63 =	vld.idx.msk [tilespmem:v1+s20+$0x0], $0xffff  }
0xd7: {  	[tilespmem:s17+$0xFFFFFFD0] =	vst v60;
	v0 =	vld.idx.msk [tilespmem:v2+s20+$0x0], $0xffff  }
0xd8: {  	[tilespmem:s17+$0xFFFFFFE0] =	vst v61;
	v1 =	vld.idx.msk [tilespmem:v3+s20+$0x0], $0xffff  }
0xd9: {  	[tilespmem:s17+$0xFFFFFF90] =	vst v9;
	v2 =	vld.idx.msk [tilespmem:v4+s20+$0x0], $0xffff  }
0xda: {  	[tilespmem:s17+$0xFFFFFFF0] =	vst v62;
	v3 =	vld.idx.msk [tilespmem:v5+s20+$0x0], $0xffff  }
0xdb: {  	s6 =	simm.s32 $0x0;
	s16 =	simm.s32 $0x3370;
	s8 =	simm.s32 $0x2370;
	v4 =	vld.idx.msk [tilespmem:v7+s20+$0x0], $0xffff;
	[tilespmem:s14+$0x0] =	vst v8  }
0xdc: {  	s0 =	simm.s32 $0x6F0;
	s10 =	simm.s32 $0x4370;
	s2 =	simm.s32 $0x370;
	v5 =	vld.idx.msk [tilespmem:v6+s20+$0x0], $0xffff;
	[tilespmem:s14+$0xFFFFFFA0] =	vst v63  }
.LBB2_7:
0xdd: {  	v6 =	vld [tilespmem:s0+$0x0];
	s6 =	sadd.s32 $0x8, s6;
	[tilespmem:s14+$0xFFFFFFB0] =	vst v0  }
0xde: {  	v0 =	vld [tilespmem:s0+$0xFFFFFFA0];
	p1 =	slt.u32 s6, $0x18;
	[tilespmem:s14+$0xFFFFFFC0] =	vst v1  }
0xdf: {  	v1 =	vld [tilespmem:s0+$0xFFFFFFB0];
	[tilespmem:s14+$0xFFFFFFD0] =	vst v2  }
0xe0: {  	v2 =	vld [tilespmem:s0+$0xFFFFFFC0];
	[tilespmem:s14+$0xFFFFFFE0] =	vst v3  }
0xe1: {  	v3 =	vld [tilespmem:s0+$0xFFFFFFD0];
	[tilespmem:s14+$0xFFFFFF90] =	vst v4  }
0xe2: {  	v4 =	vld [tilespmem:s0+$0xFFFFFFE0];
	[tilespmem:s14+$0xFFFFFFF0] =	vst v5  }
0xe3: {  	v5 =	vld [tilespmem:s0+$0xFFFFFFF0]  }
0xe4: {  	v7 =	vld [tilespmem:s0+$0xFFFFFF90]  }
0xe5: {  	v8 =	vld.idx.msk [tilespmem:v6+s4+$0x0], $0xffff  }
0xe6: {  	v9 =	vld.idx.msk [tilespmem:v0+s4+$0x0], $0xffff  }
0xe7: {  	v10 =	vld.idx.msk [tilespmem:v1+s4+$0x0], $0xffff  }
0xe8: {  	v11 =	vld.idx.msk [tilespmem:v2+s4+$0x0], $0xffff  }
0xe9: {  	v12 =	vld.idx.msk [tilespmem:v3+s4+$0x0], $0xffff  }
0xea: {  	s15 =	sadd.s32 $0x400, s15;
	v13 =	vld.idx.msk [tilespmem:v4+s4+$0x0], $0xffff  }
0xeb: {  	v14 =	vld.idx.msk [tilespmem:v5+s4+$0x0], $0xffff;
	[tilespmem:s15+$0x0] =	vst v8  }
0xec: {  	[tilespmem:s15+$0xFFFFFFA0] =	vst v9;
	v8 =	vld.idx.msk [tilespmem:v6+s19+$0x0], $0xffff  }
0xed: {  	v9 =	vld.idx.msk [tilespmem:v7+s4+$0x0], $0xffff;
	[tilespmem:s15+$0xFFFFFFB0] =	vst v10  }
0xee: {  	v10 =	vld.idx.msk [tilespmem:v0+s19+$0x0], $0xffff;
	[tilespmem:s15+$0xFFFFFFC0] =	vst v11  }
0xef: {  	v11 =	vld.idx.msk [tilespmem:v1+s19+$0x0], $0xffff;
	[tilespmem:s15+$0xFFFFFFD0] =	vst v12  }
0xf0: {  	v12 =	vld.idx.msk [tilespmem:v2+s19+$0x0], $0xffff;
	[tilespmem:s15+$0xFFFFFFE0] =	vst v13  }
0xf1: {  	s17 =	sadd.s32 $0x400, s17;
	v13 =	vld.idx.msk [tilespmem:v3+s19+$0x0], $0xffff;
	[tilespmem:s15+$0xFFFFFFF0] =	vst v14  }
0xf2: {  	v14 =	vld.idx.msk [tilespmem:v4+s19+$0x0], $0xffff;
	[tilespmem:s17+$0x0] =	vst v8  }
0xf3: {  	[tilespmem:s15+$0xFFFFFF90] =	vst v9;
	v6 =	vld.idx.msk [tilespmem:v6+s20+$0x0], $0xffff  }
0xf4: {  	v8 =	vld.idx.msk [tilespmem:v7+s19+$0x0], $0xffff;
	[tilespmem:s17+$0xFFFFFFA0] =	vst v10  }
0xf5: {  	[tilespmem:s17+$0xFFFFFFB0] =	vst v11;
	v9 =	vld.idx.msk [tilespmem:v5+s19+$0x0], $0xffff  }
0xf6: {  	v10 =	vld.idx.msk [tilespmem:v0+s20+$0x0], $0xffff;
	[tilespmem:s17+$0xFFFFFFC0] =	vst v12  }
0xf7: {  	v0 =	vld.idx.msk [tilespmem:v1+s20+$0x0], $0xffff;
	[tilespmem:s17+$0xFFFFFFD0] =	vst v13  }
.Ltmp2:
0xf8: {  	s14 =	sadd.s32 $0x400, s14;
	v1 =	vld.idx.msk [tilespmem:v2+s20+$0x0], $0xffff;
	[tilespmem:s17+$0xFFFFFFE0] =	vst v14;
	(pc) =	sbr.rel @p1 .LBB2_7-.Ltmp2, $4  }
0xf9: {  	v2 =	vld.idx.msk [tilespmem:v3+s20+$0x0], $0xffff;
	[tilespmem:s14+$0x0] =	vst v6  }
0xfa: {  	[tilespmem:s17+$0xFFFFFF90] =	vst v8;
	v3 =	vld.idx.msk [tilespmem:v4+s20+$0x0], $0xffff  }
0xfb: {  	v4 =	vld.idx.msk [tilespmem:v7+s20+$0x0], $0xffff;
	[tilespmem:s17+$0xFFFFFFF0] =	vst v9  }
0xfc: {  	s0 =	sadd.s32 $0x400, s0;
	[tilespmem:s14+$0xFFFFFFA0] =	vst v10;
	v5 =	vld.idx.msk [tilespmem:v5+s20+$0x0], $0xffff  }
0xfd: {  	[tilespmem:s14+$0xFFFFFFB0] =	vst v0  }
0xfe: {  	[tilespmem:s14+$0xFFFFFFC0] =	vst v1  }
0xff: {  	[tilespmem:s14+$0xFFFFFFD0] =	vst v2  }
0x100: {  	[tilespmem:s14+$0xFFFFFFE0] =	vst v3  }
0x101: {  	[tilespmem:s14+$0xFFFFFF90] =	vst v4  }
0x102: {  	[tilespmem:s14+$0xFFFFFFF0] =	vst v5  }
0x103: {  	v0 =	vld [tilespmem:s2+$0x0]  }
0x104: {  	v1 =	vld [tilespmem:s2+$0xFFFFFFA0]  }
0x105: {  	v2 =	vld [tilespmem:s2+$0xFFFFFFB0]  }
0x106: {  	v3 =	vld [tilespmem:s2+$0xFFFFFFC0]  }
0x107: {  	v4 =	vld [tilespmem:s2+$0xFFFFFFD0]  }
0x108: {  	v5 =	vld [tilespmem:s2+$0xFFFFFFE0]  }
0x109: {  	v6 =	vld [tilespmem:s2+$0xFFFFFFF0]  }
0x10a: {  	v7 =	vld [tilespmem:s2+$0xFFFFFF90]  }
0x10b: {  	v8 =	vld.idx.msk [tilespmem:v0+s4+$0x0], $0xffff  }
0x10c: {  	v9 =	vld.idx.msk [tilespmem:v1+s4+$0x0], $0xffff  }
0x10d: {  	v10 =	vld.idx.msk [tilespmem:v2+s4+$0x0], $0xffff  }
0x10e: {  	v11 =	vld.idx.msk [tilespmem:v3+s4+$0x0], $0xffff  }
0x10f: {  	v12 =	vld.idx.msk [tilespmem:v4+s4+$0x0], $0xffff  }
0x110: {  	v13 =	vld.idx.msk [tilespmem:v5+s4+$0x0], $0xffff  }
0x111: {  	v14 =	vld.idx.msk [tilespmem:v6+s4+$0x0], $0xffff;
	[tilespmem:s8+$0x0] =	vst v8  }
0x112: {  	v56 =	vld.idx.msk [tilespmem:v7+s4+$0x0], $0xffff;
	[tilespmem:s8+$0xFFFFFFA0] =	vst v9  }
0x113: {  	[tilespmem:s8+$0xFFFFFFB0] =	vst v10;
	v8 =	vld.idx.msk [tilespmem:v0+s19+$0x0], $0xffff  }
0x114: {  	[tilespmem:s8+$0xFFFFFFC0] =	vst v11;
	v57 =	vld.idx.msk [tilespmem:v1+s19+$0x0], $0xffff  }
0x115: {  	[tilespmem:s8+$0xFFFFFFD0] =	vst v12;
	v58 =	vld.idx.msk [tilespmem:v2+s19+$0x0], $0xffff  }
0x116: {  	[tilespmem:s8+$0xFFFFFFE0] =	vst v13;
	v59 =	vld.idx.msk [tilespmem:v3+s19+$0x0], $0xffff  }
0x117: {  	[tilespmem:s8+$0xFFFFFFF0] =	vst v14;
	v60 =	vld.idx.msk [tilespmem:v4+s19+$0x0], $0xffff  }
0x118: {  	[tilespmem:s8+$0xFFFFFF90] =	vst v56;
	v61 =	vld.idx.msk [tilespmem:v5+s19+$0x0], $0xffff  }
0x119: {  	v9 =	vld.idx.msk [tilespmem:v7+s19+$0x0], $0xffff;
	[tilespmem:s16+$0x0] =	vst v8  }
0x11a: {  	v62 =	vld.idx.msk [tilespmem:v6+s19+$0x0], $0xffff;
	[tilespmem:s16+$0xFFFFFFA0] =	vst v57  }
0x11b: {  	[tilespmem:s16+$0xFFFFFFB0] =	vst v58;
	v8 =	vld.idx.msk [tilespmem:v0+s20+$0x0], $0xffff  }
0x11c: {  	[tilespmem:s16+$0xFFFFFFC0] =	vst v59;
	v63 =	vld.idx.msk [tilespmem:v1+s20+$0x0], $0xffff  }
0x11d: {  	[tilespmem:s16+$0xFFFFFFD0] =	vst v60;
	v0 =	vld.idx.msk [tilespmem:v2+s20+$0x0], $0xffff  }
0x11e: {  	[tilespmem:s16+$0xFFFFFFE0] =	vst v61;
	v1 =	vld.idx.msk [tilespmem:v3+s20+$0x0], $0xffff  }
0x11f: {  	[tilespmem:s16+$0xFFFFFF90] =	vst v9;
	v2 =	vld.idx.msk [tilespmem:v4+s20+$0x0], $0xffff  }
0x120: {  	[tilespmem:s16+$0xFFFFFFF0] =	vst v62;
	v3 =	vld.idx.msk [tilespmem:v5+s20+$0x0], $0xffff  }
0x121: {  	s6 =	simm.s32 $0x0;
	s15 =	simm.s32 $0x23F0;
	s17 =	simm.s32 $0x33F0;
	v4 =	vld.idx.msk [tilespmem:v7+s20+$0x0], $0xffff;
	[tilespmem:s10+$0x0] =	vst v8  }
0x122: {  	s0 =	simm.s32 $0x770;
	s14 =	simm.s32 $0x43F0;
	s2 =	simm.s32 $0x3F0;
	v5 =	vld.idx.msk [tilespmem:v6+s20+$0x0], $0xffff;
	[tilespmem:s10+$0xFFFFFFA0] =	vst v63  }
.LBB2_9:
0x123: {  	v6 =	vld [tilespmem:s0+$0x0];
	s6 =	sadd.s32 $0x8, s6;
	[tilespmem:s10+$0xFFFFFFB0] =	vst v0  }
0x124: {  	v0 =	vld [tilespmem:s0+$0xFFFFFFA0];
	p1 =	slt.u32 s6, $0x18;
	[tilespmem:s10+$0xFFFFFFC0] =	vst v1  }
0x125: {  	v1 =	vld [tilespmem:s0+$0xFFFFFFB0];
	[tilespmem:s10+$0xFFFFFFD0] =	vst v2  }
0x126: {  	v2 =	vld [tilespmem:s0+$0xFFFFFFC0];
	[tilespmem:s10+$0xFFFFFFE0] =	vst v3  }
0x127: {  	v3 =	vld [tilespmem:s0+$0xFFFFFFD0];
	[tilespmem:s10+$0xFFFFFF90] =	vst v4  }
0x128: {  	v4 =	vld [tilespmem:s0+$0xFFFFFFE0];
	[tilespmem:s10+$0xFFFFFFF0] =	vst v5  }
0x129: {  	v5 =	vld [tilespmem:s0+$0xFFFFFFF0]  }
0x12a: {  	v7 =	vld [tilespmem:s0+$0xFFFFFF90]  }
0x12b: {  	v8 =	vld.idx.msk [tilespmem:v6+s4+$0x0], $0xffff  }
0x12c: {  	v9 =	vld.idx.msk [tilespmem:v0+s4+$0x0], $0xffff  }
0x12d: {  	v10 =	vld.idx.msk [tilespmem:v1+s4+$0x0], $0xffff  }
0x12e: {  	v11 =	vld.idx.msk [tilespmem:v2+s4+$0x0], $0xffff  }
0x12f: {  	v12 =	vld.idx.msk [tilespmem:v3+s4+$0x0], $0xffff  }
0x130: {  	s8 =	sadd.s32 $0x400, s8;
	v13 =	vld.idx.msk [tilespmem:v4+s4+$0x0], $0xffff  }
0x131: {  	v14 =	vld.idx.msk [tilespmem:v5+s4+$0x0], $0xffff;
	[tilespmem:s8+$0x0] =	vst v8  }
0x132: {  	[tilespmem:s8+$0xFFFFFFA0] =	vst v9;
	v8 =	vld.idx.msk [tilespmem:v6+s19+$0x0], $0xffff  }
0x133: {  	v9 =	vld.idx.msk [tilespmem:v7+s4+$0x0], $0xffff;
	[tilespmem:s8+$0xFFFFFFB0] =	vst v10  }
0x134: {  	v10 =	vld.idx.msk [tilespmem:v0+s19+$0x0], $0xffff;
	[tilespmem:s8+$0xFFFFFFC0] =	vst v11  }
0x135: {  	v11 =	vld.idx.msk [tilespmem:v1+s19+$0x0], $0xffff;
	[tilespmem:s8+$0xFFFFFFD0] =	vst v12  }
0x136: {  	v12 =	vld.idx.msk [tilespmem:v2+s19+$0x0], $0xffff;
	[tilespmem:s8+$0xFFFFFFE0] =	vst v13  }
0x137: {  	s16 =	sadd.s32 $0x400, s16;
	v13 =	vld.idx.msk [tilespmem:v3+s19+$0x0], $0xffff;
	[tilespmem:s8+$0xFFFFFFF0] =	vst v14  }
0x138: {  	v14 =	vld.idx.msk [tilespmem:v4+s19+$0x0], $0xffff;
	[tilespmem:s16+$0x0] =	vst v8  }
0x139: {  	[tilespmem:s8+$0xFFFFFF90] =	vst v9;
	v6 =	vld.idx.msk [tilespmem:v6+s20+$0x0], $0xffff  }
0x13a: {  	v8 =	vld.idx.msk [tilespmem:v7+s19+$0x0], $0xffff;
	[tilespmem:s16+$0xFFFFFFA0] =	vst v10  }
0x13b: {  	[tilespmem:s16+$0xFFFFFFB0] =	vst v11;
	v9 =	vld.idx.msk [tilespmem:v5+s19+$0x0], $0xffff  }
0x13c: {  	v10 =	vld.idx.msk [tilespmem:v0+s20+$0x0], $0xffff;
	[tilespmem:s16+$0xFFFFFFC0] =	vst v12  }
0x13d: {  	v0 =	vld.idx.msk [tilespmem:v1+s20+$0x0], $0xffff;
	[tilespmem:s16+$0xFFFFFFD0] =	vst v13  }
.Ltmp3:
0x13e: {  	s10 =	sadd.s32 $0x400, s10;
	v1 =	vld.idx.msk [tilespmem:v2+s20+$0x0], $0xffff;
	[tilespmem:s16+$0xFFFFFFE0] =	vst v14;
	(pc) =	sbr.rel @p1 .LBB2_9-.Ltmp3, $4  }
0x13f: {  	v2 =	vld.idx.msk [tilespmem:v3+s20+$0x0], $0xffff;
	[tilespmem:s10+$0x0] =	vst v6  }
0x140: {  	[tilespmem:s16+$0xFFFFFF90] =	vst v8;
	v3 =	vld.idx.msk [tilespmem:v4+s20+$0x0], $0xffff  }
0x141: {  	v4 =	vld.idx.msk [tilespmem:v7+s20+$0x0], $0xffff;
	[tilespmem:s16+$0xFFFFFFF0] =	vst v9  }
0x142: {  	s0 =	sadd.s32 $0x400, s0;
	[tilespmem:s10+$0xFFFFFFA0] =	vst v10;
	v5 =	vld.idx.msk [tilespmem:v5+s20+$0x0], $0xffff  }
0x143: {  	[tilespmem:s10+$0xFFFFFFB0] =	vst v0  }
0x144: {  	[tilespmem:s10+$0xFFFFFFC0] =	vst v1  }
0x145: {  	[tilespmem:s10+$0xFFFFFFD0] =	vst v2  }
0x146: {  	[tilespmem:s10+$0xFFFFFFE0] =	vst v3  }
0x147: {  	[tilespmem:s10+$0xFFFFFF90] =	vst v4  }
0x148: {  	[tilespmem:s10+$0xFFFFFFF0] =	vst v5  }
0x149: {  	v0 =	vld [tilespmem:s2+$0x0]  }
0x14a: {  	v1 =	vld [tilespmem:s2+$0xFFFFFFA0]  }
0x14b: {  	v2 =	vld [tilespmem:s2+$0xFFFFFFB0]  }
0x14c: {  	v3 =	vld [tilespmem:s2+$0xFFFFFFC0]  }
0x14d: {  	v4 =	vld [tilespmem:s2+$0xFFFFFFD0]  }
0x14e: {  	v5 =	vld [tilespmem:s2+$0xFFFFFFE0]  }
0x14f: {  	v6 =	vld [tilespmem:s2+$0xFFFFFFF0]  }
0x150: {  	v7 =	vld [tilespmem:s2+$0xFFFFFF90]  }
0x151: {  	v8 =	vld.idx.msk [tilespmem:v0+s4+$0x0], $0xffff  }
0x152: {  	v9 =	vld.idx.msk [tilespmem:v1+s4+$0x0], $0xffff  }
0x153: {  	v10 =	vld.idx.msk [tilespmem:v2+s4+$0x0], $0xffff  }
0x154: {  	v11 =	vld.idx.msk [tilespmem:v3+s4+$0x0], $0xffff  }
0x155: {  	v12 =	vld.idx.msk [tilespmem:v4+s4+$0x0], $0xffff  }
0x156: {  	v13 =	vld.idx.msk [tilespmem:v5+s4+$0x0], $0xffff  }
0x157: {  	v14 =	vld.idx.msk [tilespmem:v6+s4+$0x0], $0xffff;
	[tilespmem:s15+$0x0] =	vst v8  }
0x158: {  	v56 =	vld.idx.msk [tilespmem:v7+s4+$0x0], $0xffff;
	[tilespmem:s15+$0xFFFFFFA0] =	vst v9  }
0x159: {  	[tilespmem:s15+$0xFFFFFFB0] =	vst v10;
	v8 =	vld.idx.msk [tilespmem:v0+s19+$0x0], $0xffff  }
0x15a: {  	[tilespmem:s15+$0xFFFFFFC0] =	vst v11;
	v57 =	vld.idx.msk [tilespmem:v1+s19+$0x0], $0xffff  }
0x15b: {  	[tilespmem:s15+$0xFFFFFFD0] =	vst v12;
	v58 =	vld.idx.msk [tilespmem:v2+s19+$0x0], $0xffff  }
0x15c: {  	[tilespmem:s15+$0xFFFFFFE0] =	vst v13;
	v59 =	vld.idx.msk [tilespmem:v3+s19+$0x0], $0xffff  }
0x15d: {  	[tilespmem:s15+$0xFFFFFFF0] =	vst v14;
	v60 =	vld.idx.msk [tilespmem:v4+s19+$0x0], $0xffff  }
0x15e: {  	[tilespmem:s15+$0xFFFFFF90] =	vst v56;
	v61 =	vld.idx.msk [tilespmem:v5+s19+$0x0], $0xffff  }
0x15f: {  	v9 =	vld.idx.msk [tilespmem:v7+s19+$0x0], $0xffff;
	[tilespmem:s17+$0x0] =	vst v8  }
0x160: {  	v62 =	vld.idx.msk [tilespmem:v6+s19+$0x0], $0xffff;
	[tilespmem:s17+$0xFFFFFFA0] =	vst v57  }
0x161: {  	[tilespmem:s17+$0xFFFFFFB0] =	vst v58;
	v8 =	vld.idx.msk [tilespmem:v0+s20+$0x0], $0xffff  }
0x162: {  	[tilespmem:s17+$0xFFFFFFC0] =	vst v59;
	v63 =	vld.idx.msk [tilespmem:v1+s20+$0x0], $0xffff  }
0x163: {  	[tilespmem:s17+$0xFFFFFFD0] =	vst v60;
	v0 =	vld.idx.msk [tilespmem:v2+s20+$0x0], $0xffff  }
0x164: {  	[tilespmem:s17+$0xFFFFFFE0] =	vst v61;
	v1 =	vld.idx.msk [tilespmem:v3+s20+$0x0], $0xffff  }
0x165: {  	[tilespmem:s17+$0xFFFFFF90] =	vst v9;
	v2 =	vld.idx.msk [tilespmem:v4+s20+$0x0], $0xffff  }
0x166: {  	[tilespmem:s17+$0xFFFFFFF0] =	vst v62;
	v3 =	vld.idx.msk [tilespmem:v5+s20+$0x0], $0xffff  }
0x167: {  	s6 =	simm.s32 $0x0;
	s16 =	simm.s32 $0x3470;
	s8 =	simm.s32 $0x2470;
	v4 =	vld.idx.msk [tilespmem:v7+s20+$0x0], $0xffff;
	[tilespmem:s14+$0x0] =	vst v8  }
0x168: {  	s0 =	simm.s32 $0x7F0;
	s10 =	simm.s32 $0x4470;
	s2 =	simm.s32 $0x470;
	v5 =	vld.idx.msk [tilespmem:v6+s20+$0x0], $0xffff;
	[tilespmem:s14+$0xFFFFFFA0] =	vst v63  }
.LBB2_11:
0x169: {  	v6 =	vld [tilespmem:s0+$0x0];
	s6 =	sadd.s32 $0x8, s6;
	[tilespmem:s14+$0xFFFFFFB0] =	vst v0  }
0x16a: {  	v0 =	vld [tilespmem:s0+$0xFFFFFFA0];
	p1 =	slt.u32 s6, $0x18;
	[tilespmem:s14+$0xFFFFFFC0] =	vst v1  }
0x16b: {  	v1 =	vld [tilespmem:s0+$0xFFFFFFB0];
	[tilespmem:s14+$0xFFFFFFD0] =	vst v2  }
0x16c: {  	v2 =	vld [tilespmem:s0+$0xFFFFFFC0];
	[tilespmem:s14+$0xFFFFFFE0] =	vst v3  }
0x16d: {  	v3 =	vld [tilespmem:s0+$0xFFFFFFD0];
	[tilespmem:s14+$0xFFFFFF90] =	vst v4  }
0x16e: {  	v4 =	vld [tilespmem:s0+$0xFFFFFFE0];
	[tilespmem:s14+$0xFFFFFFF0] =	vst v5  }
0x16f: {  	v5 =	vld [tilespmem:s0+$0xFFFFFFF0]  }
0x170: {  	v7 =	vld [tilespmem:s0+$0xFFFFFF90]  }
0x171: {  	v8 =	vld.idx.msk [tilespmem:v6+s4+$0x0], $0xffff  }
0x172: {  	v9 =	vld.idx.msk [tilespmem:v0+s4+$0x0], $0xffff  }
0x173: {  	v10 =	vld.idx.msk [tilespmem:v1+s4+$0x0], $0xffff  }
0x174: {  	v11 =	vld.idx.msk [tilespmem:v2+s4+$0x0], $0xffff  }
0x175: {  	v12 =	vld.idx.msk [tilespmem:v3+s4+$0x0], $0xffff  }
0x176: {  	s15 =	sadd.s32 $0x400, s15;
	v13 =	vld.idx.msk [tilespmem:v4+s4+$0x0], $0xffff  }
0x177: {  	v14 =	vld.idx.msk [tilespmem:v5+s4+$0x0], $0xffff;
	[tilespmem:s15+$0x0] =	vst v8  }
0x178: {  	[tilespmem:s15+$0xFFFFFFA0] =	vst v9;
	v8 =	vld.idx.msk [tilespmem:v6+s19+$0x0], $0xffff  }
0x179: {  	v9 =	vld.idx.msk [tilespmem:v7+s4+$0x0], $0xffff;
	[tilespmem:s15+$0xFFFFFFB0] =	vst v10  }
0x17a: {  	v10 =	vld.idx.msk [tilespmem:v0+s19+$0x0], $0xffff;
	[tilespmem:s15+$0xFFFFFFC0] =	vst v11  }
0x17b: {  	v11 =	vld.idx.msk [tilespmem:v1+s19+$0x0], $0xffff;
	[tilespmem:s15+$0xFFFFFFD0] =	vst v12  }
0x17c: {  	v12 =	vld.idx.msk [tilespmem:v2+s19+$0x0], $0xffff;
	[tilespmem:s15+$0xFFFFFFE0] =	vst v13  }
0x17d: {  	s17 =	sadd.s32 $0x400, s17;
	v13 =	vld.idx.msk [tilespmem:v3+s19+$0x0], $0xffff;
	[tilespmem:s15+$0xFFFFFFF0] =	vst v14  }
0x17e: {  	v14 =	vld.idx.msk [tilespmem:v4+s19+$0x0], $0xffff;
	[tilespmem:s17+$0x0] =	vst v8  }
0x17f: {  	[tilespmem:s15+$0xFFFFFF90] =	vst v9;
	v6 =	vld.idx.msk [tilespmem:v6+s20+$0x0], $0xffff  }
0x180: {  	v8 =	vld.idx.msk [tilespmem:v7+s19+$0x0], $0xffff;
	[tilespmem:s17+$0xFFFFFFA0] =	vst v10  }
0x181: {  	[tilespmem:s17+$0xFFFFFFB0] =	vst v11;
	v9 =	vld.idx.msk [tilespmem:v5+s19+$0x0], $0xffff  }
0x182: {  	v10 =	vld.idx.msk [tilespmem:v0+s20+$0x0], $0xffff;
	[tilespmem:s17+$0xFFFFFFC0] =	vst v12  }
0x183: {  	v0 =	vld.idx.msk [tilespmem:v1+s20+$0x0], $0xffff;
	[tilespmem:s17+$0xFFFFFFD0] =	vst v13  }
.Ltmp4:
0x184: {  	s14 =	sadd.s32 $0x400, s14;
	v1 =	vld.idx.msk [tilespmem:v2+s20+$0x0], $0xffff;
	[tilespmem:s17+$0xFFFFFFE0] =	vst v14;
	(pc) =	sbr.rel @p1 .LBB2_11-.Ltmp4, $4  }
0x185: {  	v2 =	vld.idx.msk [tilespmem:v3+s20+$0x0], $0xffff;
	[tilespmem:s14+$0x0] =	vst v6  }
0x186: {  	[tilespmem:s17+$0xFFFFFF90] =	vst v8;
	v3 =	vld.idx.msk [tilespmem:v4+s20+$0x0], $0xffff  }
0x187: {  	v4 =	vld.idx.msk [tilespmem:v7+s20+$0x0], $0xffff;
	[tilespmem:s17+$0xFFFFFFF0] =	vst v9  }
0x188: {  	s0 =	sadd.s32 $0x400, s0;
	[tilespmem:s14+$0xFFFFFFA0] =	vst v10;
	v5 =	vld.idx.msk [tilespmem:v5+s20+$0x0], $0xffff  }
0x189: {  	[tilespmem:s14+$0xFFFFFFB0] =	vst v0  }
0x18a: {  	[tilespmem:s14+$0xFFFFFFC0] =	vst v1  }
0x18b: {  	[tilespmem:s14+$0xFFFFFFD0] =	vst v2  }
0x18c: {  	[tilespmem:s14+$0xFFFFFFE0] =	vst v3  }
0x18d: {  	[tilespmem:s14+$0xFFFFFF90] =	vst v4  }
0x18e: {  	[tilespmem:s14+$0xFFFFFFF0] =	vst v5  }
0x18f: {  	v0 =	vld [tilespmem:s2+$0x0]  }
0x190: {  	v1 =	vld [tilespmem:s2+$0xFFFFFFA0]  }
0x191: {  	v2 =	vld [tilespmem:s2+$0xFFFFFFB0]  }
0x192: {  	v3 =	vld [tilespmem:s2+$0xFFFFFFC0]  }
0x193: {  	v4 =	vld [tilespmem:s2+$0xFFFFFFD0]  }
0x194: {  	v5 =	vld [tilespmem:s2+$0xFFFFFFE0]  }
0x195: {  	v6 =	vld [tilespmem:s2+$0xFFFFFFF0]  }
0x196: {  	v7 =	vld [tilespmem:s2+$0xFFFFFF90]  }
0x197: {  	v8 =	vld.idx.msk [tilespmem:v0+s4+$0x0], $0xffff  }
0x198: {  	v9 =	vld.idx.msk [tilespmem:v1+s4+$0x0], $0xffff  }
0x199: {  	v10 =	vld.idx.msk [tilespmem:v2+s4+$0x0], $0xffff  }
0x19a: {  	v11 =	vld.idx.msk [tilespmem:v3+s4+$0x0], $0xffff  }
0x19b: {  	v12 =	vld.idx.msk [tilespmem:v4+s4+$0x0], $0xffff  }
0x19c: {  	v13 =	vld.idx.msk [tilespmem:v5+s4+$0x0], $0xffff  }
0x19d: {  	v14 =	vld.idx.msk [tilespmem:v6+s4+$0x0], $0xffff;
	[tilespmem:s8+$0x0] =	vst v8  }
0x19e: {  	v56 =	vld.idx.msk [tilespmem:v7+s4+$0x0], $0xffff;
	[tilespmem:s8+$0xFFFFFFA0] =	vst v9  }
0x19f: {  	[tilespmem:s8+$0xFFFFFFB0] =	vst v10;
	v8 =	vld.idx.msk [tilespmem:v0+s19+$0x0], $0xffff  }
0x1a0: {  	[tilespmem:s8+$0xFFFFFFC0] =	vst v11;
	v57 =	vld.idx.msk [tilespmem:v1+s19+$0x0], $0xffff  }
0x1a1: {  	[tilespmem:s8+$0xFFFFFFD0] =	vst v12;
	v58 =	vld.idx.msk [tilespmem:v2+s19+$0x0], $0xffff  }
0x1a2: {  	[tilespmem:s8+$0xFFFFFFE0] =	vst v13;
	v59 =	vld.idx.msk [tilespmem:v3+s19+$0x0], $0xffff  }
0x1a3: {  	[tilespmem:s8+$0xFFFFFFF0] =	vst v14;
	v60 =	vld.idx.msk [tilespmem:v4+s19+$0x0], $0xffff  }
0x1a4: {  	[tilespmem:s8+$0xFFFFFF90] =	vst v56;
	v61 =	vld.idx.msk [tilespmem:v5+s19+$0x0], $0xffff  }
0x1a5: {  	v9 =	vld.idx.msk [tilespmem:v7+s19+$0x0], $0xffff;
	[tilespmem:s16+$0x0] =	vst v8  }
0x1a6: {  	v62 =	vld.idx.msk [tilespmem:v6+s19+$0x0], $0xffff;
	[tilespmem:s16+$0xFFFFFFA0] =	vst v57  }
0x1a7: {  	[tilespmem:s16+$0xFFFFFFB0] =	vst v58;
	v8 =	vld.idx.msk [tilespmem:v0+s20+$0x0], $0xffff  }
0x1a8: {  	[tilespmem:s16+$0xFFFFFFC0] =	vst v59;
	v63 =	vld.idx.msk [tilespmem:v1+s20+$0x0], $0xffff  }
0x1a9: {  	[tilespmem:s16+$0xFFFFFFD0] =	vst v60;
	v0 =	vld.idx.msk [tilespmem:v2+s20+$0x0], $0xffff  }
0x1aa: {  	[tilespmem:s16+$0xFFFFFFE0] =	vst v61;
	v1 =	vld.idx.msk [tilespmem:v3+s20+$0x0], $0xffff  }
0x1ab: {  	[tilespmem:s16+$0xFFFFFF90] =	vst v9;
	v2 =	vld.idx.msk [tilespmem:v4+s20+$0x0], $0xffff  }
0x1ac: {  	[tilespmem:s16+$0xFFFFFFF0] =	vst v62;
	v3 =	vld.idx.msk [tilespmem:v5+s20+$0x0], $0xffff  }
0x1ad: {  	s6 =	simm.s32 $0x0;
	s15 =	simm.s32 $0x24F0;
	s17 =	simm.s32 $0x34F0;
	v4 =	vld.idx.msk [tilespmem:v7+s20+$0x0], $0xffff;
	[tilespmem:s10+$0x0] =	vst v8  }
0x1ae: {  	s0 =	simm.s32 $0x870;
	s14 =	simm.s32 $0x44F0;
	s2 =	simm.s32 $0x4F0;
	v5 =	vld.idx.msk [tilespmem:v6+s20+$0x0], $0xffff;
	[tilespmem:s10+$0xFFFFFFA0] =	vst v63  }
.LBB2_13:
0x1af: {  	v6 =	vld [tilespmem:s0+$0x0];
	s6 =	sadd.s32 $0x8, s6;
	[tilespmem:s10+$0xFFFFFFB0] =	vst v0  }
0x1b0: {  	v0 =	vld [tilespmem:s0+$0xFFFFFFA0];
	p1 =	slt.u32 s6, $0x18;
	[tilespmem:s10+$0xFFFFFFC0] =	vst v1  }
0x1b1: {  	v1 =	vld [tilespmem:s0+$0xFFFFFFB0];
	[tilespmem:s10+$0xFFFFFFD0] =	vst v2  }
0x1b2: {  	v2 =	vld [tilespmem:s0+$0xFFFFFFC0];
	[tilespmem:s10+$0xFFFFFFE0] =	vst v3  }
0x1b3: {  	v3 =	vld [tilespmem:s0+$0xFFFFFFD0];
	[tilespmem:s10+$0xFFFFFF90] =	vst v4  }
0x1b4: {  	v4 =	vld [tilespmem:s0+$0xFFFFFFE0];
	[tilespmem:s10+$0xFFFFFFF0] =	vst v5  }
0x1b5: {  	v5 =	vld [tilespmem:s0+$0xFFFFFFF0]  }
0x1b6: {  	v7 =	vld [tilespmem:s0+$0xFFFFFF90]  }
0x1b7: {  	v8 =	vld.idx.msk [tilespmem:v6+s4+$0x0], $0xffff  }
0x1b8: {  	v9 =	vld.idx.msk [tilespmem:v0+s4+$0x0], $0xffff  }
0x1b9: {  	v10 =	vld.idx.msk [tilespmem:v1+s4+$0x0], $0xffff  }
0x1ba: {  	v11 =	vld.idx.msk [tilespmem:v2+s4+$0x0], $0xffff  }
0x1bb: {  	v12 =	vld.idx.msk [tilespmem:v3+s4+$0x0], $0xffff  }
0x1bc: {  	s8 =	sadd.s32 $0x400, s8;
	v13 =	vld.idx.msk [tilespmem:v4+s4+$0x0], $0xffff  }
0x1bd: {  	v14 =	vld.idx.msk [tilespmem:v5+s4+$0x0], $0xffff;
	[tilespmem:s8+$0x0] =	vst v8  }
0x1be: {  	[tilespmem:s8+$0xFFFFFFA0] =	vst v9;
	v8 =	vld.idx.msk [tilespmem:v6+s19+$0x0], $0xffff  }
0x1bf: {  	v9 =	vld.idx.msk [tilespmem:v7+s4+$0x0], $0xffff;
	[tilespmem:s8+$0xFFFFFFB0] =	vst v10  }
0x1c0: {  	v10 =	vld.idx.msk [tilespmem:v0+s19+$0x0], $0xffff;
	[tilespmem:s8+$0xFFFFFFC0] =	vst v11  }
0x1c1: {  	v11 =	vld.idx.msk [tilespmem:v1+s19+$0x0], $0xffff;
	[tilespmem:s8+$0xFFFFFFD0] =	vst v12  }
0x1c2: {  	v12 =	vld.idx.msk [tilespmem:v2+s19+$0x0], $0xffff;
	[tilespmem:s8+$0xFFFFFFE0] =	vst v13  }
0x1c3: {  	s16 =	sadd.s32 $0x400, s16;
	v13 =	vld.idx.msk [tilespmem:v3+s19+$0x0], $0xffff;
	[tilespmem:s8+$0xFFFFFFF0] =	vst v14  }
0x1c4: {  	v14 =	vld.idx.msk [tilespmem:v4+s19+$0x0], $0xffff;
	[tilespmem:s16+$0x0] =	vst v8  }
0x1c5: {  	[tilespmem:s8+$0xFFFFFF90] =	vst v9;
	v6 =	vld.idx.msk [tilespmem:v6+s20+$0x0], $0xffff  }
0x1c6: {  	v8 =	vld.idx.msk [tilespmem:v7+s19+$0x0], $0xffff;
	[tilespmem:s16+$0xFFFFFFA0] =	vst v10  }
0x1c7: {  	[tilespmem:s16+$0xFFFFFFB0] =	vst v11;
	v9 =	vld.idx.msk [tilespmem:v5+s19+$0x0], $0xffff  }
0x1c8: {  	v10 =	vld.idx.msk [tilespmem:v0+s20+$0x0], $0xffff;
	[tilespmem:s16+$0xFFFFFFC0] =	vst v12  }
0x1c9: {  	v0 =	vld.idx.msk [tilespmem:v1+s20+$0x0], $0xffff;
	[tilespmem:s16+$0xFFFFFFD0] =	vst v13  }
.Ltmp5:
0x1ca: {  	s10 =	sadd.s32 $0x400, s10;
	v1 =	vld.idx.msk [tilespmem:v2+s20+$0x0], $0xffff;
	[tilespmem:s16+$0xFFFFFFE0] =	vst v14;
	(pc) =	sbr.rel @p1 .LBB2_13-.Ltmp5, $4  }
0x1cb: {  	v2 =	vld.idx.msk [tilespmem:v3+s20+$0x0], $0xffff;
	[tilespmem:s10+$0x0] =	vst v6  }
0x1cc: {  	[tilespmem:s16+$0xFFFFFF90] =	vst v8;
	v3 =	vld.idx.msk [tilespmem:v4+s20+$0x0], $0xffff  }
0x1cd: {  	v4 =	vld.idx.msk [tilespmem:v7+s20+$0x0], $0xffff;
	[tilespmem:s16+$0xFFFFFFF0] =	vst v9  }
0x1ce: {  	s0 =	sadd.s32 $0x400, s0;
	[tilespmem:s10+$0xFFFFFFA0] =	vst v10;
	v5 =	vld.idx.msk [tilespmem:v5+s20+$0x0], $0xffff  }
0x1cf: {  	[tilespmem:s10+$0xFFFFFFB0] =	vst v0  }
0x1d0: {  	[tilespmem:s10+$0xFFFFFFC0] =	vst v1  }
0x1d1: {  	[tilespmem:s10+$0xFFFFFFD0] =	vst v2  }
0x1d2: {  	[tilespmem:s10+$0xFFFFFFE0] =	vst v3  }
0x1d3: {  	[tilespmem:s10+$0xFFFFFF90] =	vst v4  }
0x1d4: {  	[tilespmem:s10+$0xFFFFFFF0] =	vst v5  }
0x1d5: {  	v0 =	vld [tilespmem:s2+$0x0]  }
0x1d6: {  	v1 =	vld [tilespmem:s2+$0xFFFFFFA0]  }
0x1d7: {  	v2 =	vld [tilespmem:s2+$0xFFFFFFB0]  }
0x1d8: {  	v3 =	vld [tilespmem:s2+$0xFFFFFFC0]  }
0x1d9: {  	v4 =	vld [tilespmem:s2+$0xFFFFFFD0]  }
0x1da: {  	v5 =	vld [tilespmem:s2+$0xFFFFFFE0]  }
0x1db: {  	v6 =	vld [tilespmem:s2+$0xFFFFFFF0]  }
0x1dc: {  	v7 =	vld [tilespmem:s2+$0xFFFFFF90]  }
0x1dd: {  	v8 =	vld.idx.msk [tilespmem:v0+s4+$0x0], $0xffff  }
0x1de: {  	v9 =	vld.idx.msk [tilespmem:v1+s4+$0x0], $0xffff  }
0x1df: {  	v10 =	vld.idx.msk [tilespmem:v2+s4+$0x0], $0xffff  }
0x1e0: {  	v11 =	vld.idx.msk [tilespmem:v3+s4+$0x0], $0xffff  }
0x1e1: {  	v12 =	vld.idx.msk [tilespmem:v4+s4+$0x0], $0xffff  }
0x1e2: {  	v13 =	vld.idx.msk [tilespmem:v5+s4+$0x0], $0xffff  }
0x1e3: {  	v14 =	vld.idx.msk [tilespmem:v6+s4+$0x0], $0xffff;
	[tilespmem:s15+$0x0] =	vst v8  }
0x1e4: {  	v56 =	vld.idx.msk [tilespmem:v7+s4+$0x0], $0xffff;
	[tilespmem:s15+$0xFFFFFFA0] =	vst v9  }
0x1e5: {  	[tilespmem:s15+$0xFFFFFFB0] =	vst v10;
	v8 =	vld.idx.msk [tilespmem:v0+s19+$0x0], $0xffff  }
0x1e6: {  	[tilespmem:s15+$0xFFFFFFC0] =	vst v11;
	v57 =	vld.idx.msk [tilespmem:v1+s19+$0x0], $0xffff  }
0x1e7: {  	[tilespmem:s15+$0xFFFFFFD0] =	vst v12;
	v58 =	vld.idx.msk [tilespmem:v2+s19+$0x0], $0xffff  }
0x1e8: {  	[tilespmem:s15+$0xFFFFFFE0] =	vst v13;
	v59 =	vld.idx.msk [tilespmem:v3+s19+$0x0], $0xffff  }
0x1e9: {  	[tilespmem:s15+$0xFFFFFFF0] =	vst v14;
	v60 =	vld.idx.msk [tilespmem:v4+s19+$0x0], $0xffff  }
0x1ea: {  	[tilespmem:s15+$0xFFFFFF90] =	vst v56;
	v61 =	vld.idx.msk [tilespmem:v5+s19+$0x0], $0xffff  }
0x1eb: {  	v9 =	vld.idx.msk [tilespmem:v7+s19+$0x0], $0xffff;
	[tilespmem:s17+$0x0] =	vst v8  }
0x1ec: {  	v62 =	vld.idx.msk [tilespmem:v6+s19+$0x0], $0xffff;
	[tilespmem:s17+$0xFFFFFFA0] =	vst v57  }
0x1ed: {  	[tilespmem:s17+$0xFFFFFFB0] =	vst v58;
	v8 =	vld.idx.msk [tilespmem:v0+s20+$0x0], $0xffff  }
0x1ee: {  	[tilespmem:s17+$0xFFFFFFC0] =	vst v59;
	v63 =	vld.idx.msk [tilespmem:v1+s20+$0x0], $0xffff  }
0x1ef: {  	[tilespmem:s17+$0xFFFFFFD0] =	vst v60;
	v0 =	vld.idx.msk [tilespmem:v2+s20+$0x0], $0xffff  }
0x1f0: {  	[tilespmem:s17+$0xFFFFFFE0] =	vst v61;
	v1 =	vld.idx.msk [tilespmem:v3+s20+$0x0], $0xffff  }
0x1f1: {  	[tilespmem:s17+$0xFFFFFF90] =	vst v9;
	v2 =	vld.idx.msk [tilespmem:v4+s20+$0x0], $0xffff  }
0x1f2: {  	[tilespmem:s17+$0xFFFFFFF0] =	vst v62;
	v3 =	vld.idx.msk [tilespmem:v5+s20+$0x0], $0xffff  }
0x1f3: {  	s6 =	simm.s32 $0x0;
	s16 =	simm.s32 $0x570;
	s8 =	simm.s32 $0x2570;
	v4 =	vld.idx.msk [tilespmem:v7+s20+$0x0], $0xffff;
	[tilespmem:s14+$0x0] =	vst v8  }
0x1f4: {  	s0 =	simm.s32 $0x8F0;
	s10 =	simm.s32 $0x4570;
	s2 =	simm.s32 $0x3570;
	v5 =	vld.idx.msk [tilespmem:v6+s20+$0x0], $0xffff;
	[tilespmem:s14+$0xFFFFFFA0] =	vst v63  }
.LBB2_15:
0x1f5: {  	v6 =	vld [tilespmem:s0+$0x0];
	s6 =	sadd.s32 $0x8, s6;
	[tilespmem:s14+$0xFFFFFFB0] =	vst v0  }
0x1f6: {  	v0 =	vld [tilespmem:s0+$0xFFFFFFA0];
	p1 =	slt.u32 s6, $0x18;
	[tilespmem:s14+$0xFFFFFFC0] =	vst v1  }
0x1f7: {  	v1 =	vld [tilespmem:s0+$0xFFFFFFB0];
	[tilespmem:s14+$0xFFFFFFD0] =	vst v2  }
0x1f8: {  	v2 =	vld [tilespmem:s0+$0xFFFFFFC0];
	[tilespmem:s14+$0xFFFFFFE0] =	vst v3  }
0x1f9: {  	v3 =	vld [tilespmem:s0+$0xFFFFFFD0];
	[tilespmem:s14+$0xFFFFFF90] =	vst v4  }
0x1fa: {  	v4 =	vld [tilespmem:s0+$0xFFFFFFE0];
	[tilespmem:s14+$0xFFFFFFF0] =	vst v5  }
0x1fb: {  	v5 =	vld [tilespmem:s0+$0xFFFFFFF0]  }
0x1fc: {  	v7 =	vld [tilespmem:s0+$0xFFFFFF90]  }
0x1fd: {  	v8 =	vld.idx.msk [tilespmem:v6+s4+$0x0], $0xffff  }
0x1fe: {  	v9 =	vld.idx.msk [tilespmem:v0+s4+$0x0], $0xffff  }
0x1ff: {  	v10 =	vld.idx.msk [tilespmem:v1+s4+$0x0], $0xffff  }
0x200: {  	v11 =	vld.idx.msk [tilespmem:v2+s4+$0x0], $0xffff  }
0x201: {  	v12 =	vld.idx.msk [tilespmem:v3+s4+$0x0], $0xffff  }
0x202: {  	s15 =	sadd.s32 $0x400, s15;
	v13 =	vld.idx.msk [tilespmem:v4+s4+$0x0], $0xffff  }
0x203: {  	v14 =	vld.idx.msk [tilespmem:v5+s4+$0x0], $0xffff;
	[tilespmem:s15+$0x0] =	vst v8  }
0x204: {  	[tilespmem:s15+$0xFFFFFFA0] =	vst v9;
	v8 =	vld.idx.msk [tilespmem:v6+s19+$0x0], $0xffff  }
0x205: {  	v9 =	vld.idx.msk [tilespmem:v7+s4+$0x0], $0xffff;
	[tilespmem:s15+$0xFFFFFFB0] =	vst v10  }
0x206: {  	v10 =	vld.idx.msk [tilespmem:v0+s19+$0x0], $0xffff;
	[tilespmem:s15+$0xFFFFFFC0] =	vst v11  }
0x207: {  	v11 =	vld.idx.msk [tilespmem:v1+s19+$0x0], $0xffff;
	[tilespmem:s15+$0xFFFFFFD0] =	vst v12  }
0x208: {  	v12 =	vld.idx.msk [tilespmem:v2+s19+$0x0], $0xffff;
	[tilespmem:s15+$0xFFFFFFE0] =	vst v13  }
0x209: {  	s17 =	sadd.s32 $0x400, s17;
	v13 =	vld.idx.msk [tilespmem:v3+s19+$0x0], $0xffff;
	[tilespmem:s15+$0xFFFFFFF0] =	vst v14  }
0x20a: {  	v14 =	vld.idx.msk [tilespmem:v4+s19+$0x0], $0xffff;
	[tilespmem:s17+$0x0] =	vst v8  }
0x20b: {  	[tilespmem:s15+$0xFFFFFF90] =	vst v9;
	v6 =	vld.idx.msk [tilespmem:v6+s20+$0x0], $0xffff  }
0x20c: {  	v8 =	vld.idx.msk [tilespmem:v7+s19+$0x0], $0xffff;
	[tilespmem:s17+$0xFFFFFFA0] =	vst v10  }
0x20d: {  	[tilespmem:s17+$0xFFFFFFB0] =	vst v11;
	v9 =	vld.idx.msk [tilespmem:v5+s19+$0x0], $0xffff  }
0x20e: {  	v10 =	vld.idx.msk [tilespmem:v0+s20+$0x0], $0xffff;
	[tilespmem:s17+$0xFFFFFFC0] =	vst v12  }
0x20f: {  	v0 =	vld.idx.msk [tilespmem:v1+s20+$0x0], $0xffff;
	[tilespmem:s17+$0xFFFFFFD0] =	vst v13  }
.Ltmp6:
0x210: {  	s14 =	sadd.s32 $0x400, s14;
	v1 =	vld.idx.msk [tilespmem:v2+s20+$0x0], $0xffff;
	[tilespmem:s17+$0xFFFFFFE0] =	vst v14;
	(pc) =	sbr.rel @p1 .LBB2_15-.Ltmp6, $4  }
0x211: {  	v2 =	vld.idx.msk [tilespmem:v3+s20+$0x0], $0xffff;
	[tilespmem:s14+$0x0] =	vst v6  }
0x212: {  	[tilespmem:s17+$0xFFFFFF90] =	vst v8;
	v3 =	vld.idx.msk [tilespmem:v4+s20+$0x0], $0xffff  }
0x213: {  	v4 =	vld.idx.msk [tilespmem:v7+s20+$0x0], $0xffff;
	[tilespmem:s17+$0xFFFFFFF0] =	vst v9  }
0x214: {  	s0 =	sadd.s32 $0x400, s0;
	[tilespmem:s14+$0xFFFFFFA0] =	vst v10;
	v5 =	vld.idx.msk [tilespmem:v5+s20+$0x0], $0xffff  }
0x215: {  	[tilespmem:s14+$0xFFFFFFB0] =	vst v0  }
0x216: {  	[tilespmem:s14+$0xFFFFFFC0] =	vst v1  }
0x217: {  	[tilespmem:s14+$0xFFFFFFD0] =	vst v2  }
0x218: {  	[tilespmem:s14+$0xFFFFFFE0] =	vst v3  }
0x219: {  	[tilespmem:s14+$0xFFFFFF90] =	vst v4  }
0x21a: {  	[tilespmem:s14+$0xFFFFFFF0] =	vst v5  }
0x21b: {  	v0 =	vld [tilespmem:s16+$0x0]  }
0x21c: {  	v1 =	vld [tilespmem:s16+$0xFFFFFFA0]  }
0x21d: {  	v2 =	vld [tilespmem:s16+$0xFFFFFFB0]  }
0x21e: {  	v3 =	vld [tilespmem:s16+$0xFFFFFFC0]  }
0x21f: {  	v4 =	vld [tilespmem:s16+$0xFFFFFFD0]  }
0x220: {  	v5 =	vld [tilespmem:s16+$0xFFFFFFE0]  }
0x221: {  	v6 =	vld [tilespmem:s16+$0xFFFFFFF0]  }
0x222: {  	v7 =	vld [tilespmem:s16+$0xFFFFFF90]  }
0x223: {  	v8 =	vld.idx.msk [tilespmem:v0+s4+$0x0], $0xffff  }
0x224: {  	v9 =	vld.idx.msk [tilespmem:v1+s4+$0x0], $0xffff  }
0x225: {  	v10 =	vld.idx.msk [tilespmem:v2+s4+$0x0], $0xffff  }
0x226: {  	v11 =	vld.idx.msk [tilespmem:v3+s4+$0x0], $0xffff  }
0x227: {  	v12 =	vld.idx.msk [tilespmem:v4+s4+$0x0], $0xffff  }
0x228: {  	v13 =	vld.idx.msk [tilespmem:v5+s4+$0x0], $0xffff  }
0x229: {  	v14 =	vld.idx.msk [tilespmem:v6+s4+$0x0], $0xffff;
	[tilespmem:s8+$0x0] =	vst v8  }
0x22a: {  	v56 =	vld.idx.msk [tilespmem:v7+s4+$0x0], $0xffff;
	[tilespmem:s8+$0xFFFFFFA0] =	vst v9  }
0x22b: {  	[tilespmem:s8+$0xFFFFFFB0] =	vst v10;
	v8 =	vld.idx.msk [tilespmem:v0+s19+$0x0], $0xffff  }
0x22c: {  	[tilespmem:s8+$0xFFFFFFC0] =	vst v11;
	v57 =	vld.idx.msk [tilespmem:v1+s19+$0x0], $0xffff  }
0x22d: {  	[tilespmem:s8+$0xFFFFFFD0] =	vst v12;
	v58 =	vld.idx.msk [tilespmem:v2+s19+$0x0], $0xffff  }
0x22e: {  	[tilespmem:s8+$0xFFFFFFE0] =	vst v13;
	v59 =	vld.idx.msk [tilespmem:v3+s19+$0x0], $0xffff  }
0x22f: {  	[tilespmem:s8+$0xFFFFFFF0] =	vst v14;
	v60 =	vld.idx.msk [tilespmem:v4+s19+$0x0], $0xffff  }
0x230: {  	[tilespmem:s8+$0xFFFFFF90] =	vst v56;
	v61 =	vld.idx.msk [tilespmem:v5+s19+$0x0], $0xffff  }
0x231: {  	v9 =	vld.idx.msk [tilespmem:v7+s19+$0x0], $0xffff;
	[tilespmem:s2+$0x0] =	vst v8  }
0x232: {  	v62 =	vld.idx.msk [tilespmem:v6+s19+$0x0], $0xffff;
	[tilespmem:s2+$0xFFFFFFA0] =	vst v57  }
0x233: {  	[tilespmem:s2+$0xFFFFFFB0] =	vst v58;
	v8 =	vld.idx.msk [tilespmem:v0+s20+$0x0], $0xffff  }
0x234: {  	[tilespmem:s2+$0xFFFFFFC0] =	vst v59;
	v63 =	vld.idx.msk [tilespmem:v1+s20+$0x0], $0xffff  }
0x235: {  	[tilespmem:s2+$0xFFFFFFD0] =	vst v60;
	v0 =	vld.idx.msk [tilespmem:v2+s20+$0x0], $0xffff  }
0x236: {  	[tilespmem:s2+$0xFFFFFFE0] =	vst v61;
	v1 =	vld.idx.msk [tilespmem:v3+s20+$0x0], $0xffff  }
0x237: {  	[tilespmem:s2+$0xFFFFFF90] =	vst v9;
	v2 =	vld.idx.msk [tilespmem:v4+s20+$0x0], $0xffff  }
0x238: {  	[tilespmem:s2+$0xFFFFFFF0] =	vst v62;
	v4 =	vld.idx.msk [tilespmem:v5+s20+$0x0], $0xffff  }
0x239: {  	v3 =	vld.idx.msk [tilespmem:v7+s20+$0x0], $0xffff;
	[tilespmem:s10+$0x0] =	vst v8  }
0x23a: {  	s0 =	simm.s32 $0x0;
	s6 =	simm.s32 $0x970;
	v5 =	vld.idx.msk [tilespmem:v6+s20+$0x0], $0xffff;
	[tilespmem:s10+$0xFFFFFFA0] =	vst v63  }
.LBB2_17:
0x23b: {  	v6 =	vld [tilespmem:s6+$0x0];
	s0 =	sadd.s32 $0x8, s0;
	[tilespmem:s10+$0xFFFFFFB0] =	vst v0  }
0x23c: {  	v0 =	vld [tilespmem:s6+$0xFFFFFFA0];
	p1 =	slt.u32 s0, $0x18;
	[tilespmem:s10+$0xFFFFFFC0] =	vst v1  }
0x23d: {  	v1 =	vld [tilespmem:s6+$0xFFFFFFB0];
	[tilespmem:s10+$0xFFFFFFD0] =	vst v2  }
0x23e: {  	v2 =	vld [tilespmem:s6+$0xFFFFFFC0];
	[tilespmem:s10+$0xFFFFFFE0] =	vst v4  }
0x23f: {  	v4 =	vld [tilespmem:s6+$0xFFFFFFD0];
	[tilespmem:s10+$0xFFFFFF90] =	vst v3  }
0x240: {  	v3 =	vld [tilespmem:s6+$0xFFFFFFE0];
	[tilespmem:s10+$0xFFFFFFF0] =	vst v5  }
0x241: {  	v5 =	vld [tilespmem:s6+$0xFFFFFFF0]  }
0x242: {  	v7 =	vld [tilespmem:s6+$0xFFFFFF90]  }
0x243: {  	v8 =	vld.idx.msk [tilespmem:v6+s4+$0x0], $0xffff  }
0x244: {  	v9 =	vld.idx.msk [tilespmem:v0+s4+$0x0], $0xffff  }
0x245: {  	v10 =	vld.idx.msk [tilespmem:v1+s4+$0x0], $0xffff  }
0x246: {  	v11 =	vld.idx.msk [tilespmem:v2+s4+$0x0], $0xffff  }
0x247: {  	v12 =	vld.idx.msk [tilespmem:v4+s4+$0x0], $0xffff  }
0x248: {  	s8 =	sadd.s32 $0x400, s8;
	v13 =	vld.idx.msk [tilespmem:v3+s4+$0x0], $0xffff  }
0x249: {  	v14 =	vld.idx.msk [tilespmem:v5+s4+$0x0], $0xffff;
	[tilespmem:s8+$0x0] =	vst v8  }
0x24a: {  	[tilespmem:s8+$0xFFFFFFA0] =	vst v9;
	v8 =	vld.idx.msk [tilespmem:v6+s19+$0x0], $0xffff  }
0x24b: {  	v9 =	vld.idx.msk [tilespmem:v7+s4+$0x0], $0xffff;
	[tilespmem:s8+$0xFFFFFFB0] =	vst v10  }
0x24c: {  	v10 =	vld.idx.msk [tilespmem:v0+s19+$0x0], $0xffff;
	[tilespmem:s8+$0xFFFFFFC0] =	vst v11  }
0x24d: {  	v11 =	vld.idx.msk [tilespmem:v1+s19+$0x0], $0xffff;
	[tilespmem:s8+$0xFFFFFFD0] =	vst v12  }
0x24e: {  	v12 =	vld.idx.msk [tilespmem:v2+s19+$0x0], $0xffff;
	[tilespmem:s8+$0xFFFFFFE0] =	vst v13  }
0x24f: {  	s2 =	sadd.s32 $0x400, s2;
	v13 =	vld.idx.msk [tilespmem:v4+s19+$0x0], $0xffff;
	[tilespmem:s8+$0xFFFFFFF0] =	vst v14  }
0x250: {  	v14 =	vld.idx.msk [tilespmem:v3+s19+$0x0], $0xffff;
	[tilespmem:s2+$0x0] =	vst v8  }
0x251: {  	[tilespmem:s8+$0xFFFFFF90] =	vst v9;
	v6 =	vld.idx.msk [tilespmem:v6+s20+$0x0], $0xffff  }
0x252: {  	v8 =	vld.idx.msk [tilespmem:v7+s19+$0x0], $0xffff;
	[tilespmem:s2+$0xFFFFFFA0] =	vst v10  }
0x253: {  	[tilespmem:s2+$0xFFFFFFB0] =	vst v11;
	v9 =	vld.idx.msk [tilespmem:v5+s19+$0x0], $0xffff  }
0x254: {  	v10 =	vld.idx.msk [tilespmem:v0+s20+$0x0], $0xffff;
	[tilespmem:s2+$0xFFFFFFC0] =	vst v12  }
0x255: {  	v0 =	vld.idx.msk [tilespmem:v1+s20+$0x0], $0xffff;
	[tilespmem:s2+$0xFFFFFFD0] =	vst v13  }
.Ltmp7:
0x256: {  	s10 =	sadd.s32 $0x400, s10;
	v1 =	vld.idx.msk [tilespmem:v2+s20+$0x0], $0xffff;
	[tilespmem:s2+$0xFFFFFFE0] =	vst v14;
	(pc) =	sbr.rel @p1 .LBB2_17-.Ltmp7, $4  }
0x257: {  	v2 =	vld.idx.msk [tilespmem:v4+s20+$0x0], $0xffff;
	[tilespmem:s10+$0x0] =	vst v6  }
0x258: {  	[tilespmem:s2+$0xFFFFFF90] =	vst v8;
	v4 =	vld.idx.msk [tilespmem:v3+s20+$0x0], $0xffff  }
0x259: {  	v3 =	vld.idx.msk [tilespmem:v7+s20+$0x0], $0xffff;
	[tilespmem:s2+$0xFFFFFFF0] =	vst v9  }
0x25a: {  	s6 =	sadd.s32 $0x400, s6;
	[tilespmem:s10+$0xFFFFFFA0] =	vst v10;
	v5 =	vld.idx.msk [tilespmem:v5+s20+$0x0], $0xffff  }
0x25b: {  	[tilespmem:s10+$0xFFFFFFB0] =	vst v0  }
0x25c: {  	[tilespmem:s10+$0xFFFFFFC0] =	vst v1  }
0x25d: {  	[tilespmem:s10+$0xFFFFFFD0] =	vst v2  }
0x25e: {  	s0 =	sor.u32 s5, s9;
	[tilespmem:s10+$0xFFFFFFE0] =	vst v4  }
0x25f: {  	s14 =	sshrl.u32 s0, $0x3;
	[tilespmem:s10+$0xFFFFFF90] =	vst v3  }
0x260: {  	[tilespmem:s10+$0xFFFFFFF0] =	vst v5;
	s10 =	sadd.s32 s22, s14  }
0x261: {  	[hbm4b:s10+s4] =	stream.linear.scatter [tilespmem:s24], [sflag:$0x3], $0x1000, $0x38;
	[tilespmem:$0x8180] =	vst v63  }
0x262: {  	s17 =	sadd.s32 s11, s9;
	s15 =	sadd.s32 $0x64000, s10  }
0x263: {  	[hbm4b:s15+s4] =	stream.linear.scatter [tilespmem:s25], [sflag:$0x3], $0x1000, $0x38;
	[tilespmem:$0x8180] =	vst v63  }
0x264: {  	s0 =	sshrl.u32 s17, $0x3;
	s16 =	sadd.s32 $0xC8000, s10  }
0x265: {  	[hbm4b:s16+s4] =	stream.linear.scatter [tilespmem:s26], [sflag:$0x3], $0x1000, $0x38;
	[tilespmem:$0x8180] =	vst v63  }
0x266: {  	s0 =	sadd.s32 s1, s0  }
0x267: {  	[tilespmem:s21], [sflag:$0x1] =	stream.linear.gather [hbm4b:s0+s4], $0x1000, $0x38;
	[tilespmem:$0x8180] =	vst v63  }
0x268: {  	_ =	swait.ge [sflag:s28], $0x1000  }
0x269: {  	[sflag:s28] =	ssyncset.done $0x0  }
0x26a: {  	s0 =	simm.s32 @!p0 $0x4;
	[sflag:s28] =	ssyncadd.s32 $0xFFFFF000  }
0x26b: {  	_ =	swait.ge @!p0 [sflag:s0], $0x1000  }
0x26c: {  	[sflag:s0] =	ssyncset.done @!p0 $0x0  }
0x26d: {  	[sflag:s0] =	ssyncadd.s32 @!p0 $0xFFFFF000  }
0x26e: {  	_ =	swait.ge @!p0 [sflag:s0], $0x1000  }
0x26f: {  	[sflag:s0] =	ssyncset.done @!p0 $0x0  }
0x270: {  	[sflag:s0] =	ssyncadd.s32 @!p0 $0xFFFFF000  }
0x271: {  	_ =	swait.ge @!p0 [sflag:s0], $0x1000  }
0x272: {  	[sflag:s0] =	ssyncset.done @!p0 $0x0  }
0x273: {  	s18 =	simm.s32 $0x11C0;
	[sflag:s0] =	ssyncadd.s32 @!p0 $0xFFFFF000  }
0x274: {  	v0 =	vld [tilespmem:s18+$0x30]  }
0x275: {  	v1 =	vld [tilespmem:s18+$0xFFFFFFD0]  }
0x276: {  	v2 =	vld [tilespmem:s18+$0xFFFFFFE0]  }
0x277: {  	v3 =	vld [tilespmem:s18+$0xFFFFFFF0]  }
0x278: {  	v4 =	vld [tilespmem:s18+$0x0]  }
0x279: {  	v5 =	vld [tilespmem:s18+$0x10]  }
0x27a: {  	v6 =	vld [tilespmem:s18+$0x20]  }
0x27b: {  	v7 =	vld [tilespmem:s18+$0xFFFFFFC0]  }
0x27c: {  	v8 =	vld.idx.msk [tilespmem:v0+s4+$0x0], $0xffff  }
0x27d: {  	v9 =	vld.idx.msk [tilespmem:v1+s4+$0x0], $0xffff  }
0x27e: {  	v10 =	vld.idx.msk [tilespmem:v2+s4+$0x0], $0xffff  }
0x27f: {  	v11 =	vld.idx.msk [tilespmem:v3+s4+$0x0], $0xffff  }
0x280: {  	v12 =	vld.idx.msk [tilespmem:v4+s4+$0x0], $0xffff  }
0x281: {  	s2 =	simm.s32 $0x51C0;
	v13 =	vld.idx.msk [tilespmem:v5+s4+$0x0], $0xffff  }
0x282: {  	v14 =	vld.idx.msk [tilespmem:v6+s4+$0x0], $0xffff;
	[tilespmem:s2+$0x30] =	vst v8  }
0x283: {  	v56 =	vld.idx.msk [tilespmem:v7+s4+$0x0], $0xffff;
	[tilespmem:s2+$0xFFFFFFD0] =	vst v9  }
0x284: {  	[tilespmem:s2+$0xFFFFFFE0] =	vst v10;
	v8 =	vld.idx.msk [tilespmem:v0+s19+$0x0], $0xffff  }
0x285: {  	[tilespmem:s2+$0xFFFFFFF0] =	vst v11;
	v57 =	vld.idx.msk [tilespmem:v1+s19+$0x0], $0xffff  }
0x286: {  	[tilespmem:s2+$0x0] =	vst v12;
	v58 =	vld.idx.msk [tilespmem:v2+s19+$0x0], $0xffff  }
0x287: {  	[tilespmem:s2+$0x10] =	vst v13;
	v59 =	vld.idx.msk [tilespmem:v3+s19+$0x0], $0xffff  }
0x288: {  	[tilespmem:s2+$0x20] =	vst v14;
	v60 =	vld.idx.msk [tilespmem:v4+s19+$0x0], $0xffff  }
0x289: {  	s16 =	simm.s32 $0x61C0;
	[tilespmem:s2+$0xFFFFFFC0] =	vst v56;
	v61 =	vld.idx.msk [tilespmem:v5+s19+$0x0], $0xffff  }
0x28a: {  	v9 =	vld.idx.msk [tilespmem:v7+s19+$0x0], $0xffff;
	[tilespmem:s16+$0x30] =	vst v8  }
0x28b: {  	v62 =	vld.idx.msk [tilespmem:v6+s19+$0x0], $0xffff;
	[tilespmem:s16+$0xFFFFFFD0] =	vst v57  }
0x28c: {  	[tilespmem:s16+$0xFFFFFFE0] =	vst v58;
	v8 =	vld.idx.msk [tilespmem:v0+s20+$0x0], $0xffff  }
0x28d: {  	[tilespmem:s16+$0xFFFFFFF0] =	vst v59;
	v63 =	vld.idx.msk [tilespmem:v1+s20+$0x0], $0xffff  }
0x28e: {  	[tilespmem:s16+$0x0] =	vst v60;
	v0 =	vld.idx.msk [tilespmem:v2+s20+$0x0], $0xffff  }
0x28f: {  	[tilespmem:s16+$0x10] =	vst v61;
	v1 =	vld.idx.msk [tilespmem:v3+s20+$0x0], $0xffff  }
0x290: {  	[tilespmem:s16+$0xFFFFFFC0] =	vst v9;
	v2 =	vld.idx.msk [tilespmem:v4+s20+$0x0], $0xffff  }
0x291: {  	s6 =	simm.s32 $0x71C0;
	[tilespmem:s16+$0x20] =	vst v62;
	v3 =	vld.idx.msk [tilespmem:v5+s20+$0x0], $0xffff  }
0x292: {  	s8 =	simm.s32 $0x6270;
	s3 =	simm.s32 $0x15C0;
	s17 =	simm.s32 $0x1270;
	v4 =	vld.idx.msk [tilespmem:v7+s20+$0x0], $0xffff;
	[tilespmem:s6+$0x30] =	vst v8  }
0x293: {  	s15 =	simm.s32 $0x7270;
	s0 =	simm.s32 $0x0;
	s18 =	simm.s32 $0x5270;
	v5 =	vld.idx.msk [tilespmem:v6+s20+$0x0], $0xffff;
	[tilespmem:s6+$0xFFFFFFD0] =	vst v63  }
.LBB2_19:
0x294: {  	v6 =	vld [tilespmem:s3+$0x30];
	s0 =	sadd.s32 $0x8, s0;
	[tilespmem:s6+$0xFFFFFFE0] =	vst v0  }
0x295: {  	v0 =	vld [tilespmem:s3+$0xFFFFFFD0];
	p0 =	slt.u32 s0, $0x18;
	[tilespmem:s6+$0xFFFFFFF0] =	vst v1  }
0x296: {  	v1 =	vld [tilespmem:s3+$0xFFFFFFE0];
	[tilespmem:s6+$0x0] =	vst v2  }
0x297: {  	v2 =	vld [tilespmem:s3+$0xFFFFFFF0];
	[tilespmem:s6+$0x10] =	vst v3  }
0x298: {  	v3 =	vld [tilespmem:s3+$0x0];
	[tilespmem:s6+$0xFFFFFFC0] =	vst v4  }
0x299: {  	v4 =	vld [tilespmem:s3+$0x10];
	[tilespmem:s6+$0x20] =	vst v5  }
0x29a: {  	v5 =	vld [tilespmem:s3+$0x20]  }
0x29b: {  	v7 =	vld [tilespmem:s3+$0xFFFFFFC0]  }
0x29c: {  	v8 =	vld.idx.msk [tilespmem:v6+s4+$0x0], $0xffff  }
0x29d: {  	v9 =	vld.idx.msk [tilespmem:v0+s4+$0x0], $0xffff  }
0x29e: {  	v10 =	vld.idx.msk [tilespmem:v1+s4+$0x0], $0xffff  }
0x29f: {  	v11 =	vld.idx.msk [tilespmem:v2+s4+$0x0], $0xffff  }
0x2a0: {  	v12 =	vld.idx.msk [tilespmem:v3+s4+$0x0], $0xffff  }
0x2a1: {  	s2 =	sadd.s32 $0x400, s2;
	v13 =	vld.idx.msk [tilespmem:v4+s4+$0x0], $0xffff  }
0x2a2: {  	v14 =	vld.idx.msk [tilespmem:v5+s4+$0x0], $0xffff;
	[tilespmem:s2+$0x30] =	vst v8  }
0x2a3: {  	[tilespmem:s2+$0xFFFFFFD0] =	vst v9;
	v8 =	vld.idx.msk [tilespmem:v6+s19+$0x0], $0xffff  }
0x2a4: {  	v9 =	vld.idx.msk [tilespmem:v7+s4+$0x0], $0xffff;
	[tilespmem:s2+$0xFFFFFFE0] =	vst v10  }
0x2a5: {  	v10 =	vld.idx.msk [tilespmem:v0+s19+$0x0], $0xffff;
	[tilespmem:s2+$0xFFFFFFF0] =	vst v11  }
0x2a6: {  	v11 =	vld.idx.msk [tilespmem:v1+s19+$0x0], $0xffff;
	[tilespmem:s2+$0x0] =	vst v12  }
0x2a7: {  	v12 =	vld.idx.msk [tilespmem:v2+s19+$0x0], $0xffff;
	[tilespmem:s2+$0x10] =	vst v13  }
0x2a8: {  	s16 =	sadd.s32 $0x400, s16;
	v13 =	vld.idx.msk [tilespmem:v3+s19+$0x0], $0xffff;
	[tilespmem:s2+$0x20] =	vst v14  }
0x2a9: {  	v14 =	vld.idx.msk [tilespmem:v4+s19+$0x0], $0xffff;
	[tilespmem:s16+$0x30] =	vst v8  }
0x2aa: {  	[tilespmem:s2+$0xFFFFFFC0] =	vst v9;
	v6 =	vld.idx.msk [tilespmem:v6+s20+$0x0], $0xffff  }
0x2ab: {  	v8 =	vld.idx.msk [tilespmem:v7+s19+$0x0], $0xffff;
	[tilespmem:s16+$0xFFFFFFD0] =	vst v10  }
0x2ac: {  	[tilespmem:s16+$0xFFFFFFE0] =	vst v11;
	v9 =	vld.idx.msk [tilespmem:v5+s19+$0x0], $0xffff  }
0x2ad: {  	v10 =	vld.idx.msk [tilespmem:v0+s20+$0x0], $0xffff;
	[tilespmem:s16+$0xFFFFFFF0] =	vst v12  }
0x2ae: {  	v0 =	vld.idx.msk [tilespmem:v1+s20+$0x0], $0xffff;
	[tilespmem:s16+$0x0] =	vst v13  }
.Ltmp8:
0x2af: {  	s6 =	sadd.s32 $0x400, s6;
	v1 =	vld.idx.msk [tilespmem:v2+s20+$0x0], $0xffff;
	[tilespmem:s16+$0x10] =	vst v14;
	(pc) =	sbr.rel @p0 .LBB2_19-.Ltmp8, $4  }
0x2b0: {  	v2 =	vld.idx.msk [tilespmem:v3+s20+$0x0], $0xffff;
	[tilespmem:s6+$0x30] =	vst v6  }
0x2b1: {  	[tilespmem:s16+$0xFFFFFFC0] =	vst v8;
	v3 =	vld.idx.msk [tilespmem:v4+s20+$0x0], $0xffff  }
0x2b2: {  	v4 =	vld.idx.msk [tilespmem:v7+s20+$0x0], $0xffff;
	[tilespmem:s16+$0x20] =	vst v9  }
0x2b3: {  	s3 =	sadd.s32 $0x400, s3;
	[tilespmem:s6+$0xFFFFFFD0] =	vst v10;
	v5 =	vld.idx.msk [tilespmem:v5+s20+$0x0], $0xffff  }
0x2b4: {  	[tilespmem:s6+$0xFFFFFFE0] =	vst v0  }
0x2b5: {  	[tilespmem:s6+$0xFFFFFFF0] =	vst v1  }
0x2b6: {  	[tilespmem:s6+$0x0] =	vst v2  }
0x2b7: {  	[tilespmem:s6+$0x10] =	vst v3  }
0x2b8: {  	[tilespmem:s6+$0xFFFFFFC0] =	vst v4  }
0x2b9: {  	[tilespmem:s6+$0x20] =	vst v5  }
0x2ba: {  	v0 =	vld [tilespmem:s17+$0x0]  }
0x2bb: {  	v1 =	vld [tilespmem:s17+$0xFFFFFFA0]  }
0x2bc: {  	v2 =	vld [tilespmem:s17+$0xFFFFFFB0]  }
0x2bd: {  	v3 =	vld [tilespmem:s17+$0xFFFFFFC0]  }
0x2be: {  	v4 =	vld [tilespmem:s17+$0xFFFFFFD0]  }
0x2bf: {  	v5 =	vld [tilespmem:s17+$0xFFFFFFE0]  }
0x2c0: {  	v6 =	vld [tilespmem:s17+$0xFFFFFFF0]  }
0x2c1: {  	v7 =	vld [tilespmem:s17+$0xFFFFFF90]  }
0x2c2: {  	v8 =	vld.idx.msk [tilespmem:v0+s4+$0x0], $0xffff  }
0x2c3: {  	v9 =	vld.idx.msk [tilespmem:v1+s4+$0x0], $0xffff  }
0x2c4: {  	v10 =	vld.idx.msk [tilespmem:v2+s4+$0x0], $0xffff  }
0x2c5: {  	v11 =	vld.idx.msk [tilespmem:v3+s4+$0x0], $0xffff  }
0x2c6: {  	v12 =	vld.idx.msk [tilespmem:v4+s4+$0x0], $0xffff  }
0x2c7: {  	v13 =	vld.idx.msk [tilespmem:v5+s4+$0x0], $0xffff  }
0x2c8: {  	v14 =	vld.idx.msk [tilespmem:v6+s4+$0x0], $0xffff;
	[tilespmem:s18+$0x0] =	vst v8  }
0x2c9: {  	v56 =	vld.idx.msk [tilespmem:v7+s4+$0x0], $0xffff;
	[tilespmem:s18+$0xFFFFFFA0] =	vst v9  }
0x2ca: {  	[tilespmem:s18+$0xFFFFFFB0] =	vst v10;
	v8 =	vld.idx.msk [tilespmem:v0+s19+$0x0], $0xffff  }
0x2cb: {  	[tilespmem:s18+$0xFFFFFFC0] =	vst v11;
	v57 =	vld.idx.msk [tilespmem:v1+s19+$0x0], $0xffff  }
0x2cc: {  	[tilespmem:s18+$0xFFFFFFD0] =	vst v12;
	v58 =	vld.idx.msk [tilespmem:v2+s19+$0x0], $0xffff  }
0x2cd: {  	[tilespmem:s18+$0xFFFFFFE0] =	vst v13;
	v59 =	vld.idx.msk [tilespmem:v3+s19+$0x0], $0xffff  }
0x2ce: {  	[tilespmem:s18+$0xFFFFFFF0] =	vst v14;
	v60 =	vld.idx.msk [tilespmem:v4+s19+$0x0], $0xffff  }
0x2cf: {  	[tilespmem:s18+$0xFFFFFF90] =	vst v56;
	v61 =	vld.idx.msk [tilespmem:v5+s19+$0x0], $0xffff  }
0x2d0: {  	v9 =	vld.idx.msk [tilespmem:v7+s19+$0x0], $0xffff;
	[tilespmem:s8+$0x0] =	vst v8  }
0x2d1: {  	v62 =	vld.idx.msk [tilespmem:v6+s19+$0x0], $0xffff;
	[tilespmem:s8+$0xFFFFFFA0] =	vst v57  }
0x2d2: {  	[tilespmem:s8+$0xFFFFFFB0] =	vst v58;
	v8 =	vld.idx.msk [tilespmem:v0+s20+$0x0], $0xffff  }
0x2d3: {  	[tilespmem:s8+$0xFFFFFFC0] =	vst v59;
	v63 =	vld.idx.msk [tilespmem:v1+s20+$0x0], $0xffff  }
0x2d4: {  	[tilespmem:s8+$0xFFFFFFD0] =	vst v60;
	v0 =	vld.idx.msk [tilespmem:v2+s20+$0x0], $0xffff  }
0x2d5: {  	[tilespmem:s8+$0xFFFFFFE0] =	vst v61;
	v1 =	vld.idx.msk [tilespmem:v3+s20+$0x0], $0xffff  }
0x2d6: {  	[tilespmem:s8+$0xFFFFFF90] =	vst v9;
	v2 =	vld.idx.msk [tilespmem:v4+s20+$0x0], $0xffff  }
0x2d7: {  	[tilespmem:s8+$0xFFFFFFF0] =	vst v62;
	v3 =	vld.idx.msk [tilespmem:v5+s20+$0x0], $0xffff  }
0x2d8: {  	s0 =	simm.s32 $0x0;
	s16 =	simm.s32 $0x72F0;
	s2 =	simm.s32 $0x62F0;
	v4 =	vld.idx.msk [tilespmem:v7+s20+$0x0], $0xffff;
	[tilespmem:s15+$0x0] =	vst v8  }
0x2d9: {  	s3 =	simm.s32 $0x1670;
	s6 =	simm.s32 $0x12F0;
	s17 =	simm.s32 $0x52F0;
	v5 =	vld.idx.msk [tilespmem:v6+s20+$0x0], $0xffff;
	[tilespmem:s15+$0xFFFFFFA0] =	vst v63  }
.LBB2_21:
0x2da: {  	v6 =	vld [tilespmem:s3+$0x0];
	s0 =	sadd.s32 $0x8, s0;
	[tilespmem:s15+$0xFFFFFFB0] =	vst v0  }
0x2db: {  	v0 =	vld [tilespmem:s3+$0xFFFFFFA0];
	p0 =	slt.u32 s0, $0x18;
	[tilespmem:s15+$0xFFFFFFC0] =	vst v1  }
0x2dc: {  	v1 =	vld [tilespmem:s3+$0xFFFFFFB0];
	[tilespmem:s15+$0xFFFFFFD0] =	vst v2  }
0x2dd: {  	v2 =	vld [tilespmem:s3+$0xFFFFFFC0];
	[tilespmem:s15+$0xFFFFFFE0] =	vst v3  }
0x2de: {  	v3 =	vld [tilespmem:s3+$0xFFFFFFD0];
	[tilespmem:s15+$0xFFFFFF90] =	vst v4  }
0x2df: {  	v4 =	vld [tilespmem:s3+$0xFFFFFFE0];
	[tilespmem:s15+$0xFFFFFFF0] =	vst v5  }
0x2e0: {  	v5 =	vld [tilespmem:s3+$0xFFFFFFF0]  }
0x2e1: {  	v7 =	vld [tilespmem:s3+$0xFFFFFF90]  }
0x2e2: {  	v8 =	vld.idx.msk [tilespmem:v6+s4+$0x0], $0xffff  }
0x2e3: {  	v9 =	vld.idx.msk [tilespmem:v0+s4+$0x0], $0xffff  }
0x2e4: {  	v10 =	vld.idx.msk [tilespmem:v1+s4+$0x0], $0xffff  }
0x2e5: {  	v11 =	vld.idx.msk [tilespmem:v2+s4+$0x0], $0xffff  }
0x2e6: {  	v12 =	vld.idx.msk [tilespmem:v3+s4+$0x0], $0xffff  }
0x2e7: {  	s18 =	sadd.s32 $0x400, s18;
	v13 =	vld.idx.msk [tilespmem:v4+s4+$0x0], $0xffff  }
0x2e8: {  	v14 =	vld.idx.msk [tilespmem:v5+s4+$0x0], $0xffff;
	[tilespmem:s18+$0x0] =	vst v8  }
0x2e9: {  	[tilespmem:s18+$0xFFFFFFA0] =	vst v9;
	v8 =	vld.idx.msk [tilespmem:v6+s19+$0x0], $0xffff  }
0x2ea: {  	v9 =	vld.idx.msk [tilespmem:v7+s4+$0x0], $0xffff;
	[tilespmem:s18+$0xFFFFFFB0] =	vst v10  }
0x2eb: {  	v10 =	vld.idx.msk [tilespmem:v0+s19+$0x0], $0xffff;
	[tilespmem:s18+$0xFFFFFFC0] =	vst v11  }
0x2ec: {  	v11 =	vld.idx.msk [tilespmem:v1+s19+$0x0], $0xffff;
	[tilespmem:s18+$0xFFFFFFD0] =	vst v12  }
0x2ed: {  	v12 =	vld.idx.msk [tilespmem:v2+s19+$0x0], $0xffff;
	[tilespmem:s18+$0xFFFFFFE0] =	vst v13  }
0x2ee: {  	s8 =	sadd.s32 $0x400, s8;
	v13 =	vld.idx.msk [tilespmem:v3+s19+$0x0], $0xffff;
	[tilespmem:s18+$0xFFFFFFF0] =	vst v14  }
0x2ef: {  	v14 =	vld.idx.msk [tilespmem:v4+s19+$0x0], $0xffff;
	[tilespmem:s8+$0x0] =	vst v8  }
0x2f0: {  	[tilespmem:s18+$0xFFFFFF90] =	vst v9;
	v6 =	vld.idx.msk [tilespmem:v6+s20+$0x0], $0xffff  }
0x2f1: {  	v8 =	vld.idx.msk [tilespmem:v7+s19+$0x0], $0xffff;
	[tilespmem:s8+$0xFFFFFFA0] =	vst v10  }
0x2f2: {  	[tilespmem:s8+$0xFFFFFFB0] =	vst v11;
	v9 =	vld.idx.msk [tilespmem:v5+s19+$0x0], $0xffff  }
0x2f3: {  	v10 =	vld.idx.msk [tilespmem:v0+s20+$0x0], $0xffff;
	[tilespmem:s8+$0xFFFFFFC0] =	vst v12  }
0x2f4: {  	v0 =	vld.idx.msk [tilespmem:v1+s20+$0x0], $0xffff;
	[tilespmem:s8+$0xFFFFFFD0] =	vst v13  }
.Ltmp9:
0x2f5: {  	s15 =	sadd.s32 $0x400, s15;
	v1 =	vld.idx.msk [tilespmem:v2+s20+$0x0], $0xffff;
	[tilespmem:s8+$0xFFFFFFE0] =	vst v14;
	(pc) =	sbr.rel @p0 .LBB2_21-.Ltmp9, $4  }
0x2f6: {  	v2 =	vld.idx.msk [tilespmem:v3+s20+$0x0], $0xffff;
	[tilespmem:s15+$0x0] =	vst v6  }
0x2f7: {  	[tilespmem:s8+$0xFFFFFF90] =	vst v8;
	v3 =	vld.idx.msk [tilespmem:v4+s20+$0x0], $0xffff  }
0x2f8: {  	v4 =	vld.idx.msk [tilespmem:v7+s20+$0x0], $0xffff;
	[tilespmem:s8+$0xFFFFFFF0] =	vst v9  }
0x2f9: {  	s3 =	sadd.s32 $0x400, s3;
	[tilespmem:s15+$0xFFFFFFA0] =	vst v10;
	v5 =	vld.idx.msk [tilespmem:v5+s20+$0x0], $0xffff  }
0x2fa: {  	[tilespmem:s15+$0xFFFFFFB0] =	vst v0  }
0x2fb: {  	[tilespmem:s15+$0xFFFFFFC0] =	vst v1  }
0x2fc: {  	[tilespmem:s15+$0xFFFFFFD0] =	vst v2  }
0x2fd: {  	[tilespmem:s15+$0xFFFFFFE0] =	vst v3  }
0x2fe: {  	[tilespmem:s15+$0xFFFFFF90] =	vst v4  }
0x2ff: {  	[tilespmem:s15+$0xFFFFFFF0] =	vst v5  }
0x300: {  	v0 =	vld [tilespmem:s6+$0x0]  }
0x301: {  	v1 =	vld [tilespmem:s6+$0xFFFFFFA0]  }
0x302: {  	v2 =	vld [tilespmem:s6+$0xFFFFFFB0]  }
0x303: {  	v3 =	vld [tilespmem:s6+$0xFFFFFFC0]  }
0x304: {  	v4 =	vld [tilespmem:s6+$0xFFFFFFD0]  }
0x305: {  	v5 =	vld [tilespmem:s6+$0xFFFFFFE0]  }
0x306: {  	v6 =	vld [tilespmem:s6+$0xFFFFFFF0]  }
0x307: {  	v7 =	vld [tilespmem:s6+$0xFFFFFF90]  }
0x308: {  	v8 =	vld.idx.msk [tilespmem:v0+s4+$0x0], $0xffff  }
0x309: {  	v9 =	vld.idx.msk [tilespmem:v1+s4+$0x0], $0xffff  }
0x30a: {  	v10 =	vld.idx.msk [tilespmem:v2+s4+$0x0], $0xffff  }
0x30b: {  	v11 =	vld.idx.msk [tilespmem:v3+s4+$0x0], $0xffff  }
0x30c: {  	v12 =	vld.idx.msk [tilespmem:v4+s4+$0x0], $0xffff  }
0x30d: {  	v13 =	vld.idx.msk [tilespmem:v5+s4+$0x0], $0xffff  }
0x30e: {  	v14 =	vld.idx.msk [tilespmem:v6+s4+$0x0], $0xffff;
	[tilespmem:s17+$0x0] =	vst v8  }
0x30f: {  	v56 =	vld.idx.msk [tilespmem:v7+s4+$0x0], $0xffff;
	[tilespmem:s17+$0xFFFFFFA0] =	vst v9  }
0x310: {  	[tilespmem:s17+$0xFFFFFFB0] =	vst v10;
	v8 =	vld.idx.msk [tilespmem:v0+s19+$0x0], $0xffff  }
0x311: {  	[tilespmem:s17+$0xFFFFFFC0] =	vst v11;
	v57 =	vld.idx.msk [tilespmem:v1+s19+$0x0], $0xffff  }
0x312: {  	[tilespmem:s17+$0xFFFFFFD0] =	vst v12;
	v58 =	vld.idx.msk [tilespmem:v2+s19+$0x0], $0xffff  }
0x313: {  	[tilespmem:s17+$0xFFFFFFE0] =	vst v13;
	v59 =	vld.idx.msk [tilespmem:v3+s19+$0x0], $0xffff  }
0x314: {  	[tilespmem:s17+$0xFFFFFFF0] =	vst v14;
	v60 =	vld.idx.msk [tilespmem:v4+s19+$0x0], $0xffff  }
0x315: {  	[tilespmem:s17+$0xFFFFFF90] =	vst v56;
	v61 =	vld.idx.msk [tilespmem:v5+s19+$0x0], $0xffff  }
0x316: {  	v9 =	vld.idx.msk [tilespmem:v7+s19+$0x0], $0xffff;
	[tilespmem:s2+$0x0] =	vst v8  }
0x317: {  	v62 =	vld.idx.msk [tilespmem:v6+s19+$0x0], $0xffff;
	[tilespmem:s2+$0xFFFFFFA0] =	vst v57  }
0x318: {  	[tilespmem:s2+$0xFFFFFFB0] =	vst v58;
	v8 =	vld.idx.msk [tilespmem:v0+s20+$0x0], $0xffff  }
0x319: {  	[tilespmem:s2+$0xFFFFFFC0] =	vst v59;
	v63 =	vld.idx.msk [tilespmem:v1+s20+$0x0], $0xffff  }
0x31a: {  	[tilespmem:s2+$0xFFFFFFD0] =	vst v60;
	v0 =	vld.idx.msk [tilespmem:v2+s20+$0x0], $0xffff  }
0x31b: {  	[tilespmem:s2+$0xFFFFFFE0] =	vst v61;
	v1 =	vld.idx.msk [tilespmem:v3+s20+$0x0], $0xffff  }
0x31c: {  	[tilespmem:s2+$0xFFFFFF90] =	vst v9;
	v2 =	vld.idx.msk [tilespmem:v4+s20+$0x0], $0xffff  }
0x31d: {  	[tilespmem:s2+$0xFFFFFFF0] =	vst v62;
	v3 =	vld.idx.msk [tilespmem:v5+s20+$0x0], $0xffff  }
0x31e: {  	s0 =	simm.s32 $0x0;
	s8 =	simm.s32 $0x6370;
	s18 =	simm.s32 $0x5370;
	v4 =	vld.idx.msk [tilespmem:v7+s20+$0x0], $0xffff;
	[tilespmem:s16+$0x0] =	vst v8  }
0x31f: {  	s3 =	simm.s32 $0x16F0;
	s15 =	simm.s32 $0x7370;
	s6 =	simm.s32 $0x1370;
	v5 =	vld.idx.msk [tilespmem:v6+s20+$0x0], $0xffff;
	[tilespmem:s16+$0xFFFFFFA0] =	vst v63  }
.LBB2_23:
0x320: {  	v6 =	vld [tilespmem:s3+$0x0];
	s0 =	sadd.s32 $0x8, s0;
	[tilespmem:s16+$0xFFFFFFB0] =	vst v0  }
0x321: {  	v0 =	vld [tilespmem:s3+$0xFFFFFFA0];
	p0 =	slt.u32 s0, $0x18;
	[tilespmem:s16+$0xFFFFFFC0] =	vst v1  }
0x322: {  	v1 =	vld [tilespmem:s3+$0xFFFFFFB0];
	[tilespmem:s16+$0xFFFFFFD0] =	vst v2  }
0x323: {  	v2 =	vld [tilespmem:s3+$0xFFFFFFC0];
	[tilespmem:s16+$0xFFFFFFE0] =	vst v3  }
0x324: {  	v3 =	vld [tilespmem:s3+$0xFFFFFFD0];
	[tilespmem:s16+$0xFFFFFF90] =	vst v4  }
0x325: {  	v4 =	vld [tilespmem:s3+$0xFFFFFFE0];
	[tilespmem:s16+$0xFFFFFFF0] =	vst v5  }
0x326: {  	v5 =	vld [tilespmem:s3+$0xFFFFFFF0]  }
0x327: {  	v7 =	vld [tilespmem:s3+$0xFFFFFF90]  }
0x328: {  	v8 =	vld.idx.msk [tilespmem:v6+s4+$0x0], $0xffff  }
0x329: {  	v9 =	vld.idx.msk [tilespmem:v0+s4+$0x0], $0xffff  }
0x32a: {  	v10 =	vld.idx.msk [tilespmem:v1+s4+$0x0], $0xffff  }
0x32b: {  	v11 =	vld.idx.msk [tilespmem:v2+s4+$0x0], $0xffff  }
0x32c: {  	v12 =	vld.idx.msk [tilespmem:v3+s4+$0x0], $0xffff  }
0x32d: {  	s17 =	sadd.s32 $0x400, s17;
	v13 =	vld.idx.msk [tilespmem:v4+s4+$0x0], $0xffff  }
0x32e: {  	v14 =	vld.idx.msk [tilespmem:v5+s4+$0x0], $0xffff;
	[tilespmem:s17+$0x0] =	vst v8  }
0x32f: {  	[tilespmem:s17+$0xFFFFFFA0] =	vst v9;
	v8 =	vld.idx.msk [tilespmem:v6+s19+$0x0], $0xffff  }
0x330: {  	v9 =	vld.idx.msk [tilespmem:v7+s4+$0x0], $0xffff;
	[tilespmem:s17+$0xFFFFFFB0] =	vst v10  }
0x331: {  	v10 =	vld.idx.msk [tilespmem:v0+s19+$0x0], $0xffff;
	[tilespmem:s17+$0xFFFFFFC0] =	vst v11  }
0x332: {  	v11 =	vld.idx.msk [tilespmem:v1+s19+$0x0], $0xffff;
	[tilespmem:s17+$0xFFFFFFD0] =	vst v12  }
0x333: {  	v12 =	vld.idx.msk [tilespmem:v2+s19+$0x0], $0xffff;
	[tilespmem:s17+$0xFFFFFFE0] =	vst v13  }
0x334: {  	s2 =	sadd.s32 $0x400, s2;
	v13 =	vld.idx.msk [tilespmem:v3+s19+$0x0], $0xffff;
	[tilespmem:s17+$0xFFFFFFF0] =	vst v14  }
0x335: {  	v14 =	vld.idx.msk [tilespmem:v4+s19+$0x0], $0xffff;
	[tilespmem:s2+$0x0] =	vst v8  }
0x336: {  	[tilespmem:s17+$0xFFFFFF90] =	vst v9;
	v6 =	vld.idx.msk [tilespmem:v6+s20+$0x0], $0xffff  }
0x337: {  	v8 =	vld.idx.msk [tilespmem:v7+s19+$0x0], $0xffff;
	[tilespmem:s2+$0xFFFFFFA0] =	vst v10  }
0x338: {  	[tilespmem:s2+$0xFFFFFFB0] =	vst v11;
	v9 =	vld.idx.msk [tilespmem:v5+s19+$0x0], $0xffff  }
0x339: {  	v10 =	vld.idx.msk [tilespmem:v0+s20+$0x0], $0xffff;
	[tilespmem:s2+$0xFFFFFFC0] =	vst v12  }
0x33a: {  	v0 =	vld.idx.msk [tilespmem:v1+s20+$0x0], $0xffff;
	[tilespmem:s2+$0xFFFFFFD0] =	vst v13  }
.Ltmp10:
0x33b: {  	s16 =	sadd.s32 $0x400, s16;
	v1 =	vld.idx.msk [tilespmem:v2+s20+$0x0], $0xffff;
	[tilespmem:s2+$0xFFFFFFE0] =	vst v14;
	(pc) =	sbr.rel @p0 .LBB2_23-.Ltmp10, $4  }
0x33c: {  	v2 =	vld.idx.msk [tilespmem:v3+s20+$0x0], $0xffff;
	[tilespmem:s16+$0x0] =	vst v6  }
0x33d: {  	[tilespmem:s2+$0xFFFFFF90] =	vst v8;
	v3 =	vld.idx.msk [tilespmem:v4+s20+$0x0], $0xffff  }
0x33e: {  	v4 =	vld.idx.msk [tilespmem:v7+s20+$0x0], $0xffff;
	[tilespmem:s2+$0xFFFFFFF0] =	vst v9  }
0x33f: {  	s3 =	sadd.s32 $0x400, s3;
	[tilespmem:s16+$0xFFFFFFA0] =	vst v10;
	v5 =	vld.idx.msk [tilespmem:v5+s20+$0x0], $0xffff  }
0x340: {  	[tilespmem:s16+$0xFFFFFFB0] =	vst v0  }
0x341: {  	[tilespmem:s16+$0xFFFFFFC0] =	vst v1  }
0x342: {  	[tilespmem:s16+$0xFFFFFFD0] =	vst v2  }
0x343: {  	[tilespmem:s16+$0xFFFFFFE0] =	vst v3  }
0x344: {  	[tilespmem:s16+$0xFFFFFF90] =	vst v4  }
0x345: {  	[tilespmem:s16+$0xFFFFFFF0] =	vst v5  }
0x346: {  	v0 =	vld [tilespmem:s6+$0x0]  }
0x347: {  	v1 =	vld [tilespmem:s6+$0xFFFFFFA0]  }
0x348: {  	v2 =	vld [tilespmem:s6+$0xFFFFFFB0]  }
0x349: {  	v3 =	vld [tilespmem:s6+$0xFFFFFFC0]  }
0x34a: {  	v4 =	vld [tilespmem:s6+$0xFFFFFFD0]  }
0x34b: {  	v5 =	vld [tilespmem:s6+$0xFFFFFFE0]  }
0x34c: {  	v6 =	vld [tilespmem:s6+$0xFFFFFFF0]  }
0x34d: {  	v7 =	vld [tilespmem:s6+$0xFFFFFF90]  }
0x34e: {  	v8 =	vld.idx.msk [tilespmem:v0+s4+$0x0], $0xffff  }
0x34f: {  	v9 =	vld.idx.msk [tilespmem:v1+s4+$0x0], $0xffff  }
0x350: {  	v10 =	vld.idx.msk [tilespmem:v2+s4+$0x0], $0xffff  }
0x351: {  	v11 =	vld.idx.msk [tilespmem:v3+s4+$0x0], $0xffff  }
0x352: {  	v12 =	vld.idx.msk [tilespmem:v4+s4+$0x0], $0xffff  }
0x353: {  	v13 =	vld.idx.msk [tilespmem:v5+s4+$0x0], $0xffff  }
0x354: {  	v14 =	vld.idx.msk [tilespmem:v6+s4+$0x0], $0xffff;
	[tilespmem:s18+$0x0] =	vst v8  }
0x355: {  	v56 =	vld.idx.msk [tilespmem:v7+s4+$0x0], $0xffff;
	[tilespmem:s18+$0xFFFFFFA0] =	vst v9  }
0x356: {  	[tilespmem:s18+$0xFFFFFFB0] =	vst v10;
	v8 =	vld.idx.msk [tilespmem:v0+s19+$0x0], $0xffff  }
0x357: {  	[tilespmem:s18+$0xFFFFFFC0] =	vst v11;
	v57 =	vld.idx.msk [tilespmem:v1+s19+$0x0], $0xffff  }
0x358: {  	[tilespmem:s18+$0xFFFFFFD0] =	vst v12;
	v58 =	vld.idx.msk [tilespmem:v2+s19+$0x0], $0xffff  }
0x359: {  	[tilespmem:s18+$0xFFFFFFE0] =	vst v13;
	v59 =	vld.idx.msk [tilespmem:v3+s19+$0x0], $0xffff  }
0x35a: {  	[tilespmem:s18+$0xFFFFFFF0] =	vst v14;
	v60 =	vld.idx.msk [tilespmem:v4+s19+$0x0], $0xffff  }
0x35b: {  	[tilespmem:s18+$0xFFFFFF90] =	vst v56;
	v61 =	vld.idx.msk [tilespmem:v5+s19+$0x0], $0xffff  }
0x35c: {  	v9 =	vld.idx.msk [tilespmem:v7+s19+$0x0], $0xffff;
	[tilespmem:s8+$0x0] =	vst v8  }
0x35d: {  	v62 =	vld.idx.msk [tilespmem:v6+s19+$0x0], $0xffff;
	[tilespmem:s8+$0xFFFFFFA0] =	vst v57  }
0x35e: {  	[tilespmem:s8+$0xFFFFFFB0] =	vst v58;
	v8 =	vld.idx.msk [tilespmem:v0+s20+$0x0], $0xffff  }
0x35f: {  	[tilespmem:s8+$0xFFFFFFC0] =	vst v59;
	v63 =	vld.idx.msk [tilespmem:v1+s20+$0x0], $0xffff  }
0x360: {  	[tilespmem:s8+$0xFFFFFFD0] =	vst v60;
	v0 =	vld.idx.msk [tilespmem:v2+s20+$0x0], $0xffff  }
0x361: {  	[tilespmem:s8+$0xFFFFFFE0] =	vst v61;
	v1 =	vld.idx.msk [tilespmem:v3+s20+$0x0], $0xffff  }
0x362: {  	[tilespmem:s8+$0xFFFFFF90] =	vst v9;
	v2 =	vld.idx.msk [tilespmem:v4+s20+$0x0], $0xffff  }
0x363: {  	[tilespmem:s8+$0xFFFFFFF0] =	vst v62;
	v3 =	vld.idx.msk [tilespmem:v5+s20+$0x0], $0xffff  }
0x364: {  	s0 =	simm.s32 $0x0;
	s17 =	simm.s32 $0x53F0;
	s2 =	simm.s32 $0x63F0;
	v4 =	vld.idx.msk [tilespmem:v7+s20+$0x0], $0xffff;
	[tilespmem:s15+$0x0] =	vst v8  }
0x365: {  	s3 =	simm.s32 $0x1770;
	s16 =	simm.s32 $0x73F0;
	s6 =	simm.s32 $0x13F0;
	v5 =	vld.idx.msk [tilespmem:v6+s20+$0x0], $0xffff;
	[tilespmem:s15+$0xFFFFFFA0] =	vst v63  }
.LBB2_25:
0x366: {  	v6 =	vld [tilespmem:s3+$0x0];
	s0 =	sadd.s32 $0x8, s0;
	[tilespmem:s15+$0xFFFFFFB0] =	vst v0  }
0x367: {  	v0 =	vld [tilespmem:s3+$0xFFFFFFA0];
	p0 =	slt.u32 s0, $0x18;
	[tilespmem:s15+$0xFFFFFFC0] =	vst v1  }
0x368: {  	v1 =	vld [tilespmem:s3+$0xFFFFFFB0];
	[tilespmem:s15+$0xFFFFFFD0] =	vst v2  }
0x369: {  	v2 =	vld [tilespmem:s3+$0xFFFFFFC0];
	[tilespmem:s15+$0xFFFFFFE0] =	vst v3  }
0x36a: {  	v3 =	vld [tilespmem:s3+$0xFFFFFFD0];
	[tilespmem:s15+$0xFFFFFF90] =	vst v4  }
0x36b: {  	v4 =	vld [tilespmem:s3+$0xFFFFFFE0];
	[tilespmem:s15+$0xFFFFFFF0] =	vst v5  }
0x36c: {  	v5 =	vld [tilespmem:s3+$0xFFFFFFF0]  }
0x36d: {  	v7 =	vld [tilespmem:s3+$0xFFFFFF90]  }
0x36e: {  	v8 =	vld.idx.msk [tilespmem:v6+s4+$0x0], $0xffff  }
0x36f: {  	v9 =	vld.idx.msk [tilespmem:v0+s4+$0x0], $0xffff  }
0x370: {  	v10 =	vld.idx.msk [tilespmem:v1+s4+$0x0], $0xffff  }
0x371: {  	v11 =	vld.idx.msk [tilespmem:v2+s4+$0x0], $0xffff  }
0x372: {  	v12 =	vld.idx.msk [tilespmem:v3+s4+$0x0], $0xffff  }
0x373: {  	s18 =	sadd.s32 $0x400, s18;
	v13 =	vld.idx.msk [tilespmem:v4+s4+$0x0], $0xffff  }
0x374: {  	v14 =	vld.idx.msk [tilespmem:v5+s4+$0x0], $0xffff;
	[tilespmem:s18+$0x0] =	vst v8  }
0x375: {  	[tilespmem:s18+$0xFFFFFFA0] =	vst v9;
	v8 =	vld.idx.msk [tilespmem:v6+s19+$0x0], $0xffff  }
0x376: {  	v9 =	vld.idx.msk [tilespmem:v7+s4+$0x0], $0xffff;
	[tilespmem:s18+$0xFFFFFFB0] =	vst v10  }
0x377: {  	v10 =	vld.idx.msk [tilespmem:v0+s19+$0x0], $0xffff;
	[tilespmem:s18+$0xFFFFFFC0] =	vst v11  }
0x378: {  	v11 =	vld.idx.msk [tilespmem:v1+s19+$0x0], $0xffff;
	[tilespmem:s18+$0xFFFFFFD0] =	vst v12  }
0x379: {  	v12 =	vld.idx.msk [tilespmem:v2+s19+$0x0], $0xffff;
	[tilespmem:s18+$0xFFFFFFE0] =	vst v13  }
0x37a: {  	s8 =	sadd.s32 $0x400, s8;
	v13 =	vld.idx.msk [tilespmem:v3+s19+$0x0], $0xffff;
	[tilespmem:s18+$0xFFFFFFF0] =	vst v14  }
0x37b: {  	v14 =	vld.idx.msk [tilespmem:v4+s19+$0x0], $0xffff;
	[tilespmem:s8+$0x0] =	vst v8  }
0x37c: {  	[tilespmem:s18+$0xFFFFFF90] =	vst v9;
	v6 =	vld.idx.msk [tilespmem:v6+s20+$0x0], $0xffff  }
0x37d: {  	v8 =	vld.idx.msk [tilespmem:v7+s19+$0x0], $0xffff;
	[tilespmem:s8+$0xFFFFFFA0] =	vst v10  }
0x37e: {  	[tilespmem:s8+$0xFFFFFFB0] =	vst v11;
	v9 =	vld.idx.msk [tilespmem:v5+s19+$0x0], $0xffff  }
0x37f: {  	v10 =	vld.idx.msk [tilespmem:v0+s20+$0x0], $0xffff;
	[tilespmem:s8+$0xFFFFFFC0] =	vst v12  }
0x380: {  	v0 =	vld.idx.msk [tilespmem:v1+s20+$0x0], $0xffff;
	[tilespmem:s8+$0xFFFFFFD0] =	vst v13  }
.Ltmp11:
0x381: {  	s15 =	sadd.s32 $0x400, s15;
	v1 =	vld.idx.msk [tilespmem:v2+s20+$0x0], $0xffff;
	[tilespmem:s8+$0xFFFFFFE0] =	vst v14;
	(pc) =	sbr.rel @p0 .LBB2_25-.Ltmp11, $4  }
0x382: {  	v2 =	vld.idx.msk [tilespmem:v3+s20+$0x0], $0xffff;
	[tilespmem:s15+$0x0] =	vst v6  }
0x383: {  	[tilespmem:s8+$0xFFFFFF90] =	vst v8;
	v3 =	vld.idx.msk [tilespmem:v4+s20+$0x0], $0xffff  }
0x384: {  	v4 =	vld.idx.msk [tilespmem:v7+s20+$0x0], $0xffff;
	[tilespmem:s8+$0xFFFFFFF0] =	vst v9  }
0x385: {  	s3 =	sadd.s32 $0x400, s3;
	[tilespmem:s15+$0xFFFFFFA0] =	vst v10;
	v5 =	vld.idx.msk [tilespmem:v5+s20+$0x0], $0xffff  }
0x386: {  	[tilespmem:s15+$0xFFFFFFB0] =	vst v0  }
0x387: {  	[tilespmem:s15+$0xFFFFFFC0] =	vst v1  }
0x388: {  	[tilespmem:s15+$0xFFFFFFD0] =	vst v2  }
0x389: {  	[tilespmem:s15+$0xFFFFFFE0] =	vst v3  }
0x38a: {  	[tilespmem:s15+$0xFFFFFF90] =	vst v4  }
0x38b: {  	[tilespmem:s15+$0xFFFFFFF0] =	vst v5  }
0x38c: {  	v0 =	vld [tilespmem:s6+$0x0]  }
0x38d: {  	v1 =	vld [tilespmem:s6+$0xFFFFFFA0]  }
0x38e: {  	v2 =	vld [tilespmem:s6+$0xFFFFFFB0]  }
0x38f: {  	v3 =	vld [tilespmem:s6+$0xFFFFFFC0]  }
0x390: {  	v4 =	vld [tilespmem:s6+$0xFFFFFFD0]  }
0x391: {  	v5 =	vld [tilespmem:s6+$0xFFFFFFE0]  }
0x392: {  	v6 =	vld [tilespmem:s6+$0xFFFFFFF0]  }
0x393: {  	v7 =	vld [tilespmem:s6+$0xFFFFFF90]  }
0x394: {  	v8 =	vld.idx.msk [tilespmem:v0+s4+$0x0], $0xffff  }
0x395: {  	v9 =	vld.idx.msk [tilespmem:v1+s4+$0x0], $0xffff  }
0x396: {  	v10 =	vld.idx.msk [tilespmem:v2+s4+$0x0], $0xffff  }
0x397: {  	v11 =	vld.idx.msk [tilespmem:v3+s4+$0x0], $0xffff  }
0x398: {  	v12 =	vld.idx.msk [tilespmem:v4+s4+$0x0], $0xffff  }
0x399: {  	v13 =	vld.idx.msk [tilespmem:v5+s4+$0x0], $0xffff  }
0x39a: {  	v14 =	vld.idx.msk [tilespmem:v6+s4+$0x0], $0xffff;
	[tilespmem:s17+$0x0] =	vst v8  }
0x39b: {  	v56 =	vld.idx.msk [tilespmem:v7+s4+$0x0], $0xffff;
	[tilespmem:s17+$0xFFFFFFA0] =	vst v9  }
0x39c: {  	[tilespmem:s17+$0xFFFFFFB0] =	vst v10;
	v8 =	vld.idx.msk [tilespmem:v0+s19+$0x0], $0xffff  }
0x39d: {  	[tilespmem:s17+$0xFFFFFFC0] =	vst v11;
	v57 =	vld.idx.msk [tilespmem:v1+s19+$0x0], $0xffff  }
0x39e: {  	[tilespmem:s17+$0xFFFFFFD0] =	vst v12;
	v58 =	vld.idx.msk [tilespmem:v2+s19+$0x0], $0xffff  }
0x39f: {  	[tilespmem:s17+$0xFFFFFFE0] =	vst v13;
	v59 =	vld.idx.msk [tilespmem:v3+s19+$0x0], $0xffff  }
0x3a0: {  	[tilespmem:s17+$0xFFFFFFF0] =	vst v14;
	v60 =	vld.idx.msk [tilespmem:v4+s19+$0x0], $0xffff  }
0x3a1: {  	[tilespmem:s17+$0xFFFFFF90] =	vst v56;
	v61 =	vld.idx.msk [tilespmem:v5+s19+$0x0], $0xffff  }
0x3a2: {  	v9 =	vld.idx.msk [tilespmem:v7+s19+$0x0], $0xffff;
	[tilespmem:s2+$0x0] =	vst v8  }
0x3a3: {  	v62 =	vld.idx.msk [tilespmem:v6+s19+$0x0], $0xffff;
	[tilespmem:s2+$0xFFFFFFA0] =	vst v57  }
0x3a4: {  	[tilespmem:s2+$0xFFFFFFB0] =	vst v58;
	v8 =	vld.idx.msk [tilespmem:v0+s20+$0x0], $0xffff  }
0x3a5: {  	[tilespmem:s2+$0xFFFFFFC0] =	vst v59;
	v63 =	vld.idx.msk [tilespmem:v1+s20+$0x0], $0xffff  }
0x3a6: {  	[tilespmem:s2+$0xFFFFFFD0] =	vst v60;
	v0 =	vld.idx.msk [tilespmem:v2+s20+$0x0], $0xffff  }
0x3a7: {  	[tilespmem:s2+$0xFFFFFFE0] =	vst v61;
	v1 =	vld.idx.msk [tilespmem:v3+s20+$0x0], $0xffff  }
0x3a8: {  	[tilespmem:s2+$0xFFFFFF90] =	vst v9;
	v2 =	vld.idx.msk [tilespmem:v4+s20+$0x0], $0xffff  }
0x3a9: {  	[tilespmem:s2+$0xFFFFFFF0] =	vst v62;
	v3 =	vld.idx.msk [tilespmem:v5+s20+$0x0], $0xffff  }
0x3aa: {  	s0 =	simm.s32 $0x0;
	s8 =	simm.s32 $0x6470;
	s18 =	simm.s32 $0x5470;
	v4 =	vld.idx.msk [tilespmem:v7+s20+$0x0], $0xffff;
	[tilespmem:s16+$0x0] =	vst v8  }
0x3ab: {  	s3 =	simm.s32 $0x17F0;
	s15 =	simm.s32 $0x7470;
	s6 =	simm.s32 $0x1470;
	v5 =	vld.idx.msk [tilespmem:v6+s20+$0x0], $0xffff;
	[tilespmem:s16+$0xFFFFFFA0] =	vst v63  }
.LBB2_27:
0x3ac: {  	v6 =	vld [tilespmem:s3+$0x0];
	s0 =	sadd.s32 $0x8, s0;
	[tilespmem:s16+$0xFFFFFFB0] =	vst v0  }
0x3ad: {  	v0 =	vld [tilespmem:s3+$0xFFFFFFA0];
	p0 =	slt.u32 s0, $0x18;
	[tilespmem:s16+$0xFFFFFFC0] =	vst v1  }
0x3ae: {  	v1 =	vld [tilespmem:s3+$0xFFFFFFB0];
	[tilespmem:s16+$0xFFFFFFD0] =	vst v2  }
0x3af: {  	v2 =	vld [tilespmem:s3+$0xFFFFFFC0];
	[tilespmem:s16+$0xFFFFFFE0] =	vst v3  }
0x3b0: {  	v3 =	vld [tilespmem:s3+$0xFFFFFFD0];
	[tilespmem:s16+$0xFFFFFF90] =	vst v4  }
0x3b1: {  	v4 =	vld [tilespmem:s3+$0xFFFFFFE0];
	[tilespmem:s16+$0xFFFFFFF0] =	vst v5  }
0x3b2: {  	v5 =	vld [tilespmem:s3+$0xFFFFFFF0]  }
0x3b3: {  	v7 =	vld [tilespmem:s3+$0xFFFFFF90]  }
0x3b4: {  	v8 =	vld.idx.msk [tilespmem:v6+s4+$0x0], $0xffff  }
0x3b5: {  	v9 =	vld.idx.msk [tilespmem:v0+s4+$0x0], $0xffff  }
0x3b6: {  	v10 =	vld.idx.msk [tilespmem:v1+s4+$0x0], $0xffff  }
0x3b7: {  	v11 =	vld.idx.msk [tilespmem:v2+s4+$0x0], $0xffff  }
0x3b8: {  	v12 =	vld.idx.msk [tilespmem:v3+s4+$0x0], $0xffff  }
0x3b9: {  	s17 =	sadd.s32 $0x400, s17;
	v13 =	vld.idx.msk [tilespmem:v4+s4+$0x0], $0xffff  }
0x3ba: {  	v14 =	vld.idx.msk [tilespmem:v5+s4+$0x0], $0xffff;
	[tilespmem:s17+$0x0] =	vst v8  }
0x3bb: {  	[tilespmem:s17+$0xFFFFFFA0] =	vst v9;
	v8 =	vld.idx.msk [tilespmem:v6+s19+$0x0], $0xffff  }
0x3bc: {  	v9 =	vld.idx.msk [tilespmem:v7+s4+$0x0], $0xffff;
	[tilespmem:s17+$0xFFFFFFB0] =	vst v10  }
0x3bd: {  	v10 =	vld.idx.msk [tilespmem:v0+s19+$0x0], $0xffff;
	[tilespmem:s17+$0xFFFFFFC0] =	vst v11  }
0x3be: {  	v11 =	vld.idx.msk [tilespmem:v1+s19+$0x0], $0xffff;
	[tilespmem:s17+$0xFFFFFFD0] =	vst v12  }
0x3bf: {  	v12 =	vld.idx.msk [tilespmem:v2+s19+$0x0], $0xffff;
	[tilespmem:s17+$0xFFFFFFE0] =	vst v13  }
0x3c0: {  	s2 =	sadd.s32 $0x400, s2;
	v13 =	vld.idx.msk [tilespmem:v3+s19+$0x0], $0xffff;
	[tilespmem:s17+$0xFFFFFFF0] =	vst v14  }
0x3c1: {  	v14 =	vld.idx.msk [tilespmem:v4+s19+$0x0], $0xffff;
	[tilespmem:s2+$0x0] =	vst v8  }
0x3c2: {  	[tilespmem:s17+$0xFFFFFF90] =	vst v9;
	v6 =	vld.idx.msk [tilespmem:v6+s20+$0x0], $0xffff  }
0x3c3: {  	v8 =	vld.idx.msk [tilespmem:v7+s19+$0x0], $0xffff;
	[tilespmem:s2+$0xFFFFFFA0] =	vst v10  }
0x3c4: {  	[tilespmem:s2+$0xFFFFFFB0] =	vst v11;
	v9 =	vld.idx.msk [tilespmem:v5+s19+$0x0], $0xffff  }
0x3c5: {  	v10 =	vld.idx.msk [tilespmem:v0+s20+$0x0], $0xffff;
	[tilespmem:s2+$0xFFFFFFC0] =	vst v12  }
0x3c6: {  	v0 =	vld.idx.msk [tilespmem:v1+s20+$0x0], $0xffff;
	[tilespmem:s2+$0xFFFFFFD0] =	vst v13  }
.Ltmp12:
0x3c7: {  	s16 =	sadd.s32 $0x400, s16;
	v1 =	vld.idx.msk [tilespmem:v2+s20+$0x0], $0xffff;
	[tilespmem:s2+$0xFFFFFFE0] =	vst v14;
	(pc) =	sbr.rel @p0 .LBB2_27-.Ltmp12, $4  }
0x3c8: {  	v2 =	vld.idx.msk [tilespmem:v3+s20+$0x0], $0xffff;
	[tilespmem:s16+$0x0] =	vst v6  }
0x3c9: {  	[tilespmem:s2+$0xFFFFFF90] =	vst v8;
	v3 =	vld.idx.msk [tilespmem:v4+s20+$0x0], $0xffff  }
0x3ca: {  	v4 =	vld.idx.msk [tilespmem:v7+s20+$0x0], $0xffff;
	[tilespmem:s2+$0xFFFFFFF0] =	vst v9  }
0x3cb: {  	s3 =	sadd.s32 $0x400, s3;
	[tilespmem:s16+$0xFFFFFFA0] =	vst v10;
	v5 =	vld.idx.msk [tilespmem:v5+s20+$0x0], $0xffff  }
0x3cc: {  	[tilespmem:s16+$0xFFFFFFB0] =	vst v0  }
0x3cd: {  	[tilespmem:s16+$0xFFFFFFC0] =	vst v1  }
0x3ce: {  	[tilespmem:s16+$0xFFFFFFD0] =	vst v2  }
0x3cf: {  	[tilespmem:s16+$0xFFFFFFE0] =	vst v3  }
0x3d0: {  	[tilespmem:s16+$0xFFFFFF90] =	vst v4  }
0x3d1: {  	[tilespmem:s16+$0xFFFFFFF0] =	vst v5  }
0x3d2: {  	v0 =	vld [tilespmem:s6+$0x0]  }
0x3d3: {  	v1 =	vld [tilespmem:s6+$0xFFFFFFA0]  }
0x3d4: {  	v2 =	vld [tilespmem:s6+$0xFFFFFFB0]  }
0x3d5: {  	v3 =	vld [tilespmem:s6+$0xFFFFFFC0]  }
0x3d6: {  	v4 =	vld [tilespmem:s6+$0xFFFFFFD0]  }
0x3d7: {  	v5 =	vld [tilespmem:s6+$0xFFFFFFE0]  }
0x3d8: {  	v6 =	vld [tilespmem:s6+$0xFFFFFFF0]  }
0x3d9: {  	v7 =	vld [tilespmem:s6+$0xFFFFFF90]  }
0x3da: {  	v8 =	vld.idx.msk [tilespmem:v0+s4+$0x0], $0xffff  }
0x3db: {  	v9 =	vld.idx.msk [tilespmem:v1+s4+$0x0], $0xffff  }
0x3dc: {  	v10 =	vld.idx.msk [tilespmem:v2+s4+$0x0], $0xffff  }
0x3dd: {  	v11 =	vld.idx.msk [tilespmem:v3+s4+$0x0], $0xffff  }
0x3de: {  	v12 =	vld.idx.msk [tilespmem:v4+s4+$0x0], $0xffff  }
0x3df: {  	v13 =	vld.idx.msk [tilespmem:v5+s4+$0x0], $0xffff  }
0x3e0: {  	v14 =	vld.idx.msk [tilespmem:v6+s4+$0x0], $0xffff;
	[tilespmem:s18+$0x0] =	vst v8  }
0x3e1: {  	v56 =	vld.idx.msk [tilespmem:v7+s4+$0x0], $0xffff;
	[tilespmem:s18+$0xFFFFFFA0] =	vst v9  }
0x3e2: {  	[tilespmem:s18+$0xFFFFFFB0] =	vst v10;
	v8 =	vld.idx.msk [tilespmem:v0+s19+$0x0], $0xffff  }
0x3e3: {  	[tilespmem:s18+$0xFFFFFFC0] =	vst v11;
	v57 =	vld.idx.msk [tilespmem:v1+s19+$0x0], $0xffff  }
0x3e4: {  	[tilespmem:s18+$0xFFFFFFD0] =	vst v12;
	v58 =	vld.idx.msk [tilespmem:v2+s19+$0x0], $0xffff  }
0x3e5: {  	[tilespmem:s18+$0xFFFFFFE0] =	vst v13;
	v59 =	vld.idx.msk [tilespmem:v3+s19+$0x0], $0xffff  }
0x3e6: {  	[tilespmem:s18+$0xFFFFFFF0] =	vst v14;
	v60 =	vld.idx.msk [tilespmem:v4+s19+$0x0], $0xffff  }
0x3e7: {  	[tilespmem:s18+$0xFFFFFF90] =	vst v56;
	v61 =	vld.idx.msk [tilespmem:v5+s19+$0x0], $0xffff  }
0x3e8: {  	v9 =	vld.idx.msk [tilespmem:v7+s19+$0x0], $0xffff;
	[tilespmem:s8+$0x0] =	vst v8  }
0x3e9: {  	v62 =	vld.idx.msk [tilespmem:v6+s19+$0x0], $0xffff;
	[tilespmem:s8+$0xFFFFFFA0] =	vst v57  }
0x3ea: {  	[tilespmem:s8+$0xFFFFFFB0] =	vst v58;
	v8 =	vld.idx.msk [tilespmem:v0+s20+$0x0], $0xffff  }
0x3eb: {  	[tilespmem:s8+$0xFFFFFFC0] =	vst v59;
	v63 =	vld.idx.msk [tilespmem:v1+s20+$0x0], $0xffff  }
0x3ec: {  	[tilespmem:s8+$0xFFFFFFD0] =	vst v60;
	v0 =	vld.idx.msk [tilespmem:v2+s20+$0x0], $0xffff  }
0x3ed: {  	[tilespmem:s8+$0xFFFFFFE0] =	vst v61;
	v1 =	vld.idx.msk [tilespmem:v3+s20+$0x0], $0xffff  }
0x3ee: {  	[tilespmem:s8+$0xFFFFFF90] =	vst v9;
	v2 =	vld.idx.msk [tilespmem:v4+s20+$0x0], $0xffff  }
0x3ef: {  	[tilespmem:s8+$0xFFFFFFF0] =	vst v62;
	v3 =	vld.idx.msk [tilespmem:v5+s20+$0x0], $0xffff  }
0x3f0: {  	s0 =	simm.s32 $0x0;
	s17 =	simm.s32 $0x54F0;
	s2 =	simm.s32 $0x64F0;
	v4 =	vld.idx.msk [tilespmem:v7+s20+$0x0], $0xffff;
	[tilespmem:s15+$0x0] =	vst v8  }
0x3f1: {  	s3 =	simm.s32 $0x1870;
	s16 =	simm.s32 $0x74F0;
	s6 =	simm.s32 $0x14F0;
	v5 =	vld.idx.msk [tilespmem:v6+s20+$0x0], $0xffff;
	[tilespmem:s15+$0xFFFFFFA0] =	vst v63  }
.LBB2_29:
0x3f2: {  	v6 =	vld [tilespmem:s3+$0x0];
	s0 =	sadd.s32 $0x8, s0;
	[tilespmem:s15+$0xFFFFFFB0] =	vst v0  }
0x3f3: {  	v0 =	vld [tilespmem:s3+$0xFFFFFFA0];
	p0 =	slt.u32 s0, $0x18;
	[tilespmem:s15+$0xFFFFFFC0] =	vst v1  }
0x3f4: {  	v1 =	vld [tilespmem:s3+$0xFFFFFFB0];
	[tilespmem:s15+$0xFFFFFFD0] =	vst v2  }
0x3f5: {  	v2 =	vld [tilespmem:s3+$0xFFFFFFC0];
	[tilespmem:s15+$0xFFFFFFE0] =	vst v3  }
0x3f6: {  	v3 =	vld [tilespmem:s3+$0xFFFFFFD0];
	[tilespmem:s15+$0xFFFFFF90] =	vst v4  }
0x3f7: {  	v4 =	vld [tilespmem:s3+$0xFFFFFFE0];
	[tilespmem:s15+$0xFFFFFFF0] =	vst v5  }
0x3f8: {  	v5 =	vld [tilespmem:s3+$0xFFFFFFF0]  }
0x3f9: {  	v7 =	vld [tilespmem:s3+$0xFFFFFF90]  }
0x3fa: {  	v8 =	vld.idx.msk [tilespmem:v6+s4+$0x0], $0xffff  }
0x3fb: {  	v9 =	vld.idx.msk [tilespmem:v0+s4+$0x0], $0xffff  }
0x3fc: {  	v10 =	vld.idx.msk [tilespmem:v1+s4+$0x0], $0xffff  }
0x3fd: {  	v11 =	vld.idx.msk [tilespmem:v2+s4+$0x0], $0xffff  }
0x3fe: {  	v12 =	vld.idx.msk [tilespmem:v3+s4+$0x0], $0xffff  }
0x3ff: {  	s18 =	sadd.s32 $0x400, s18;
	v13 =	vld.idx.msk [tilespmem:v4+s4+$0x0], $0xffff  }
0x400: {  	v14 =	vld.idx.msk [tilespmem:v5+s4+$0x0], $0xffff;
	[tilespmem:s18+$0x0] =	vst v8  }
0x401: {  	[tilespmem:s18+$0xFFFFFFA0] =	vst v9;
	v8 =	vld.idx.msk [tilespmem:v6+s19+$0x0], $0xffff  }
0x402: {  	v9 =	vld.idx.msk [tilespmem:v7+s4+$0x0], $0xffff;
	[tilespmem:s18+$0xFFFFFFB0] =	vst v10  }
0x403: {  	v10 =	vld.idx.msk [tilespmem:v0+s19+$0x0], $0xffff;
	[tilespmem:s18+$0xFFFFFFC0] =	vst v11  }
0x404: {  	v11 =	vld.idx.msk [tilespmem:v1+s19+$0x0], $0xffff;
	[tilespmem:s18+$0xFFFFFFD0] =	vst v12  }
0x405: {  	v12 =	vld.idx.msk [tilespmem:v2+s19+$0x0], $0xffff;
	[tilespmem:s18+$0xFFFFFFE0] =	vst v13  }
0x406: {  	s8 =	sadd.s32 $0x400, s8;
	v13 =	vld.idx.msk [tilespmem:v3+s19+$0x0], $0xffff;
	[tilespmem:s18+$0xFFFFFFF0] =	vst v14  }
0x407: {  	v14 =	vld.idx.msk [tilespmem:v4+s19+$0x0], $0xffff;
	[tilespmem:s8+$0x0] =	vst v8  }
0x408: {  	[tilespmem:s18+$0xFFFFFF90] =	vst v9;
	v6 =	vld.idx.msk [tilespmem:v6+s20+$0x0], $0xffff  }
0x409: {  	v8 =	vld.idx.msk [tilespmem:v7+s19+$0x0], $0xffff;
	[tilespmem:s8+$0xFFFFFFA0] =	vst v10  }
0x40a: {  	[tilespmem:s8+$0xFFFFFFB0] =	vst v11;
	v9 =	vld.idx.msk [tilespmem:v5+s19+$0x0], $0xffff  }
0x40b: {  	v10 =	vld.idx.msk [tilespmem:v0+s20+$0x0], $0xffff;
	[tilespmem:s8+$0xFFFFFFC0] =	vst v12  }
0x40c: {  	v0 =	vld.idx.msk [tilespmem:v1+s20+$0x0], $0xffff;
	[tilespmem:s8+$0xFFFFFFD0] =	vst v13  }
.Ltmp13:
0x40d: {  	s15 =	sadd.s32 $0x400, s15;
	v1 =	vld.idx.msk [tilespmem:v2+s20+$0x0], $0xffff;
	[tilespmem:s8+$0xFFFFFFE0] =	vst v14;
	(pc) =	sbr.rel @p0 .LBB2_29-.Ltmp13, $4  }
0x40e: {  	v2 =	vld.idx.msk [tilespmem:v3+s20+$0x0], $0xffff;
	[tilespmem:s15+$0x0] =	vst v6  }
0x40f: {  	[tilespmem:s8+$0xFFFFFF90] =	vst v8;
	v3 =	vld.idx.msk [tilespmem:v4+s20+$0x0], $0xffff  }
0x410: {  	v4 =	vld.idx.msk [tilespmem:v7+s20+$0x0], $0xffff;
	[tilespmem:s8+$0xFFFFFFF0] =	vst v9  }
0x411: {  	s3 =	sadd.s32 $0x400, s3;
	[tilespmem:s15+$0xFFFFFFA0] =	vst v10;
	v5 =	vld.idx.msk [tilespmem:v5+s20+$0x0], $0xffff  }
0x412: {  	[tilespmem:s15+$0xFFFFFFB0] =	vst v0  }
0x413: {  	[tilespmem:s15+$0xFFFFFFC0] =	vst v1  }
0x414: {  	[tilespmem:s15+$0xFFFFFFD0] =	vst v2  }
0x415: {  	[tilespmem:s15+$0xFFFFFFE0] =	vst v3  }
0x416: {  	[tilespmem:s15+$0xFFFFFF90] =	vst v4  }
0x417: {  	[tilespmem:s15+$0xFFFFFFF0] =	vst v5  }
0x418: {  	v0 =	vld [tilespmem:s6+$0x0]  }
0x419: {  	v1 =	vld [tilespmem:s6+$0xFFFFFFA0]  }
0x41a: {  	v2 =	vld [tilespmem:s6+$0xFFFFFFB0]  }
0x41b: {  	v3 =	vld [tilespmem:s6+$0xFFFFFFC0]  }
0x41c: {  	v4 =	vld [tilespmem:s6+$0xFFFFFFD0]  }
0x41d: {  	v5 =	vld [tilespmem:s6+$0xFFFFFFE0]  }
0x41e: {  	v6 =	vld [tilespmem:s6+$0xFFFFFFF0]  }
0x41f: {  	v7 =	vld [tilespmem:s6+$0xFFFFFF90]  }
0x420: {  	v8 =	vld.idx.msk [tilespmem:v0+s4+$0x0], $0xffff  }
0x421: {  	v9 =	vld.idx.msk [tilespmem:v1+s4+$0x0], $0xffff  }
0x422: {  	v10 =	vld.idx.msk [tilespmem:v2+s4+$0x0], $0xffff  }
0x423: {  	v11 =	vld.idx.msk [tilespmem:v3+s4+$0x0], $0xffff  }
0x424: {  	v12 =	vld.idx.msk [tilespmem:v4+s4+$0x0], $0xffff  }
0x425: {  	v13 =	vld.idx.msk [tilespmem:v5+s4+$0x0], $0xffff  }
0x426: {  	v14 =	vld.idx.msk [tilespmem:v6+s4+$0x0], $0xffff;
	[tilespmem:s17+$0x0] =	vst v8  }
0x427: {  	v56 =	vld.idx.msk [tilespmem:v7+s4+$0x0], $0xffff;
	[tilespmem:s17+$0xFFFFFFA0] =	vst v9  }
0x428: {  	[tilespmem:s17+$0xFFFFFFB0] =	vst v10;
	v8 =	vld.idx.msk [tilespmem:v0+s19+$0x0], $0xffff  }
0x429: {  	[tilespmem:s17+$0xFFFFFFC0] =	vst v11;
	v57 =	vld.idx.msk [tilespmem:v1+s19+$0x0], $0xffff  }
0x42a: {  	[tilespmem:s17+$0xFFFFFFD0] =	vst v12;
	v58 =	vld.idx.msk [tilespmem:v2+s19+$0x0], $0xffff  }
0x42b: {  	[tilespmem:s17+$0xFFFFFFE0] =	vst v13;
	v59 =	vld.idx.msk [tilespmem:v3+s19+$0x0], $0xffff  }
0x42c: {  	[tilespmem:s17+$0xFFFFFFF0] =	vst v14;
	v60 =	vld.idx.msk [tilespmem:v4+s19+$0x0], $0xffff  }
0x42d: {  	[tilespmem:s17+$0xFFFFFF90] =	vst v56;
	v61 =	vld.idx.msk [tilespmem:v5+s19+$0x0], $0xffff  }
0x42e: {  	v9 =	vld.idx.msk [tilespmem:v7+s19+$0x0], $0xffff;
	[tilespmem:s2+$0x0] =	vst v8  }
0x42f: {  	v62 =	vld.idx.msk [tilespmem:v6+s19+$0x0], $0xffff;
	[tilespmem:s2+$0xFFFFFFA0] =	vst v57  }
0x430: {  	[tilespmem:s2+$0xFFFFFFB0] =	vst v58;
	v8 =	vld.idx.msk [tilespmem:v0+s20+$0x0], $0xffff  }
0x431: {  	[tilespmem:s2+$0xFFFFFFC0] =	vst v59;
	v63 =	vld.idx.msk [tilespmem:v1+s20+$0x0], $0xffff  }
0x432: {  	[tilespmem:s2+$0xFFFFFFD0] =	vst v60;
	v0 =	vld.idx.msk [tilespmem:v2+s20+$0x0], $0xffff  }
0x433: {  	[tilespmem:s2+$0xFFFFFFE0] =	vst v61;
	v1 =	vld.idx.msk [tilespmem:v3+s20+$0x0], $0xffff  }
0x434: {  	[tilespmem:s2+$0xFFFFFF90] =	vst v9;
	v2 =	vld.idx.msk [tilespmem:v4+s20+$0x0], $0xffff  }
0x435: {  	[tilespmem:s2+$0xFFFFFFF0] =	vst v62;
	v3 =	vld.idx.msk [tilespmem:v5+s20+$0x0], $0xffff  }
0x436: {  	s0 =	simm.s32 $0x0;
	s8 =	simm.s32 $0x6570;
	s18 =	simm.s32 $0x5570;
	v4 =	vld.idx.msk [tilespmem:v7+s20+$0x0], $0xffff;
	[tilespmem:s16+$0x0] =	vst v8  }
0x437: {  	s3 =	simm.s32 $0x18F0;
	s15 =	simm.s32 $0x7570;
	s6 =	simm.s32 $0x1570;
	v5 =	vld.idx.msk [tilespmem:v6+s20+$0x0], $0xffff;
	[tilespmem:s16+$0xFFFFFFA0] =	vst v63  }
.LBB2_31:
0x438: {  	v6 =	vld [tilespmem:s3+$0x0];
	s0 =	sadd.s32 $0x8, s0;
	[tilespmem:s16+$0xFFFFFFB0] =	vst v0  }
0x439: {  	v0 =	vld [tilespmem:s3+$0xFFFFFFA0];
	p0 =	slt.u32 s0, $0x18;
	[tilespmem:s16+$0xFFFFFFC0] =	vst v1  }
0x43a: {  	v1 =	vld [tilespmem:s3+$0xFFFFFFB0];
	[tilespmem:s16+$0xFFFFFFD0] =	vst v2  }
0x43b: {  	v2 =	vld [tilespmem:s3+$0xFFFFFFC0];
	[tilespmem:s16+$0xFFFFFFE0] =	vst v3  }
0x43c: {  	v3 =	vld [tilespmem:s3+$0xFFFFFFD0];
	[tilespmem:s16+$0xFFFFFF90] =	vst v4  }
0x43d: {  	v4 =	vld [tilespmem:s3+$0xFFFFFFE0];
	[tilespmem:s16+$0xFFFFFFF0] =	vst v5  }
0x43e: {  	v5 =	vld [tilespmem:s3+$0xFFFFFFF0]  }
0x43f: {  	v7 =	vld [tilespmem:s3+$0xFFFFFF90]  }
0x440: {  	v8 =	vld.idx.msk [tilespmem:v6+s4+$0x0], $0xffff  }
0x441: {  	v9 =	vld.idx.msk [tilespmem:v0+s4+$0x0], $0xffff  }
0x442: {  	v10 =	vld.idx.msk [tilespmem:v1+s4+$0x0], $0xffff  }
0x443: {  	v11 =	vld.idx.msk [tilespmem:v2+s4+$0x0], $0xffff  }
0x444: {  	v12 =	vld.idx.msk [tilespmem:v3+s4+$0x0], $0xffff  }
0x445: {  	s17 =	sadd.s32 $0x400, s17;
	v13 =	vld.idx.msk [tilespmem:v4+s4+$0x0], $0xffff  }
0x446: {  	v14 =	vld.idx.msk [tilespmem:v5+s4+$0x0], $0xffff;
	[tilespmem:s17+$0x0] =	vst v8  }
0x447: {  	[tilespmem:s17+$0xFFFFFFA0] =	vst v9;
	v8 =	vld.idx.msk [tilespmem:v6+s19+$0x0], $0xffff  }
0x448: {  	v9 =	vld.idx.msk [tilespmem:v7+s4+$0x0], $0xffff;
	[tilespmem:s17+$0xFFFFFFB0] =	vst v10  }
0x449: {  	v10 =	vld.idx.msk [tilespmem:v0+s19+$0x0], $0xffff;
	[tilespmem:s17+$0xFFFFFFC0] =	vst v11  }
0x44a: {  	v11 =	vld.idx.msk [tilespmem:v1+s19+$0x0], $0xffff;
	[tilespmem:s17+$0xFFFFFFD0] =	vst v12  }
0x44b: {  	v12 =	vld.idx.msk [tilespmem:v2+s19+$0x0], $0xffff;
	[tilespmem:s17+$0xFFFFFFE0] =	vst v13  }
0x44c: {  	s2 =	sadd.s32 $0x400, s2;
	v13 =	vld.idx.msk [tilespmem:v3+s19+$0x0], $0xffff;
	[tilespmem:s17+$0xFFFFFFF0] =	vst v14  }
0x44d: {  	v14 =	vld.idx.msk [tilespmem:v4+s19+$0x0], $0xffff;
	[tilespmem:s2+$0x0] =	vst v8  }
0x44e: {  	[tilespmem:s17+$0xFFFFFF90] =	vst v9;
	v6 =	vld.idx.msk [tilespmem:v6+s20+$0x0], $0xffff  }
0x44f: {  	v8 =	vld.idx.msk [tilespmem:v7+s19+$0x0], $0xffff;
	[tilespmem:s2+$0xFFFFFFA0] =	vst v10  }
0x450: {  	[tilespmem:s2+$0xFFFFFFB0] =	vst v11;
	v9 =	vld.idx.msk [tilespmem:v5+s19+$0x0], $0xffff  }
0x451: {  	v10 =	vld.idx.msk [tilespmem:v0+s20+$0x0], $0xffff;
	[tilespmem:s2+$0xFFFFFFC0] =	vst v12  }
0x452: {  	v0 =	vld.idx.msk [tilespmem:v1+s20+$0x0], $0xffff;
	[tilespmem:s2+$0xFFFFFFD0] =	vst v13  }
.Ltmp14:
0x453: {  	s16 =	sadd.s32 $0x400, s16;
	v1 =	vld.idx.msk [tilespmem:v2+s20+$0x0], $0xffff;
	[tilespmem:s2+$0xFFFFFFE0] =	vst v14;
	(pc) =	sbr.rel @p0 .LBB2_31-.Ltmp14, $4  }
0x454: {  	v2 =	vld.idx.msk [tilespmem:v3+s20+$0x0], $0xffff;
	[tilespmem:s16+$0x0] =	vst v6  }
0x455: {  	[tilespmem:s2+$0xFFFFFF90] =	vst v8;
	v3 =	vld.idx.msk [tilespmem:v4+s20+$0x0], $0xffff  }
0x456: {  	v4 =	vld.idx.msk [tilespmem:v7+s20+$0x0], $0xffff;
	[tilespmem:s2+$0xFFFFFFF0] =	vst v9  }
0x457: {  	s3 =	sadd.s32 $0x400, s3;
	[tilespmem:s16+$0xFFFFFFA0] =	vst v10;
	v5 =	vld.idx.msk [tilespmem:v5+s20+$0x0], $0xffff  }
0x458: {  	[tilespmem:s16+$0xFFFFFFB0] =	vst v0  }
0x459: {  	[tilespmem:s16+$0xFFFFFFC0] =	vst v1  }
0x45a: {  	[tilespmem:s16+$0xFFFFFFD0] =	vst v2  }
0x45b: {  	[tilespmem:s16+$0xFFFFFFE0] =	vst v3  }
0x45c: {  	[tilespmem:s16+$0xFFFFFF90] =	vst v4  }
0x45d: {  	[tilespmem:s16+$0xFFFFFFF0] =	vst v5  }
0x45e: {  	v0 =	vld [tilespmem:s6+$0x0]  }
0x45f: {  	v1 =	vld [tilespmem:s6+$0xFFFFFFA0]  }
0x460: {  	v2 =	vld [tilespmem:s6+$0xFFFFFFB0]  }
0x461: {  	v3 =	vld [tilespmem:s6+$0xFFFFFFC0]  }
0x462: {  	v4 =	vld [tilespmem:s6+$0xFFFFFFD0]  }
0x463: {  	v5 =	vld [tilespmem:s6+$0xFFFFFFE0]  }
0x464: {  	v6 =	vld [tilespmem:s6+$0xFFFFFFF0]  }
0x465: {  	v7 =	vld [tilespmem:s6+$0xFFFFFF90]  }
0x466: {  	v8 =	vld.idx.msk [tilespmem:v0+s4+$0x0], $0xffff  }
0x467: {  	v9 =	vld.idx.msk [tilespmem:v1+s4+$0x0], $0xffff  }
0x468: {  	v10 =	vld.idx.msk [tilespmem:v2+s4+$0x0], $0xffff  }
0x469: {  	v11 =	vld.idx.msk [tilespmem:v3+s4+$0x0], $0xffff  }
0x46a: {  	v12 =	vld.idx.msk [tilespmem:v4+s4+$0x0], $0xffff  }
0x46b: {  	v13 =	vld.idx.msk [tilespmem:v5+s4+$0x0], $0xffff  }
0x46c: {  	v14 =	vld.idx.msk [tilespmem:v6+s4+$0x0], $0xffff;
	[tilespmem:s18+$0x0] =	vst v8  }
0x46d: {  	v56 =	vld.idx.msk [tilespmem:v7+s4+$0x0], $0xffff;
	[tilespmem:s18+$0xFFFFFFA0] =	vst v9  }
0x46e: {  	[tilespmem:s18+$0xFFFFFFB0] =	vst v10;
	v8 =	vld.idx.msk [tilespmem:v0+s19+$0x0], $0xffff  }
0x46f: {  	[tilespmem:s18+$0xFFFFFFC0] =	vst v11;
	v57 =	vld.idx.msk [tilespmem:v1+s19+$0x0], $0xffff  }
0x470: {  	[tilespmem:s18+$0xFFFFFFD0] =	vst v12;
	v58 =	vld.idx.msk [tilespmem:v2+s19+$0x0], $0xffff  }
0x471: {  	[tilespmem:s18+$0xFFFFFFE0] =	vst v13;
	v59 =	vld.idx.msk [tilespmem:v3+s19+$0x0], $0xffff  }
0x472: {  	[tilespmem:s18+$0xFFFFFFF0] =	vst v14;
	v60 =	vld.idx.msk [tilespmem:v4+s19+$0x0], $0xffff  }
0x473: {  	[tilespmem:s18+$0xFFFFFF90] =	vst v56;
	v61 =	vld.idx.msk [tilespmem:v5+s19+$0x0], $0xffff  }
0x474: {  	v9 =	vld.idx.msk [tilespmem:v7+s19+$0x0], $0xffff;
	[tilespmem:s8+$0x0] =	vst v8  }
0x475: {  	v62 =	vld.idx.msk [tilespmem:v6+s19+$0x0], $0xffff;
	[tilespmem:s8+$0xFFFFFFA0] =	vst v57  }
0x476: {  	[tilespmem:s8+$0xFFFFFFB0] =	vst v58;
	v8 =	vld.idx.msk [tilespmem:v0+s20+$0x0], $0xffff  }
0x477: {  	[tilespmem:s8+$0xFFFFFFC0] =	vst v59;
	v63 =	vld.idx.msk [tilespmem:v1+s20+$0x0], $0xffff  }
0x478: {  	[tilespmem:s8+$0xFFFFFFD0] =	vst v60;
	v0 =	vld.idx.msk [tilespmem:v2+s20+$0x0], $0xffff  }
0x479: {  	[tilespmem:s8+$0xFFFFFFE0] =	vst v61;
	v1 =	vld.idx.msk [tilespmem:v3+s20+$0x0], $0xffff  }
0x47a: {  	[tilespmem:s8+$0xFFFFFF90] =	vst v9;
	v2 =	vld.idx.msk [tilespmem:v4+s20+$0x0], $0xffff  }
0x47b: {  	[tilespmem:s8+$0xFFFFFFF0] =	vst v62;
	v4 =	vld.idx.msk [tilespmem:v5+s20+$0x0], $0xffff  }
0x47c: {  	v3 =	vld.idx.msk [tilespmem:v7+s20+$0x0], $0xffff;
	[tilespmem:s15+$0x0] =	vst v8  }
0x47d: {  	s0 =	simm.s32 $0x0;
	s2 =	simm.s32 $0x1970;
	v5 =	vld.idx.msk [tilespmem:v6+s20+$0x0], $0xffff;
	[tilespmem:s15+$0xFFFFFFA0] =	vst v63  }
.LBB2_33:
0x47e: {  	v6 =	vld [tilespmem:s2+$0x0];
	s0 =	sadd.s32 $0x8, s0;
	[tilespmem:s15+$0xFFFFFFB0] =	vst v0  }
0x47f: {  	v0 =	vld [tilespmem:s2+$0xFFFFFFA0];
	p0 =	slt.u32 s0, $0x18;
	[tilespmem:s15+$0xFFFFFFC0] =	vst v1  }
0x480: {  	v1 =	vld [tilespmem:s2+$0xFFFFFFB0];
	[tilespmem:s15+$0xFFFFFFD0] =	vst v2  }
0x481: {  	v2 =	vld [tilespmem:s2+$0xFFFFFFC0];
	[tilespmem:s15+$0xFFFFFFE0] =	vst v4  }
0x482: {  	v4 =	vld [tilespmem:s2+$0xFFFFFFD0];
	[tilespmem:s15+$0xFFFFFF90] =	vst v3  }
0x483: {  	v3 =	vld [tilespmem:s2+$0xFFFFFFE0];
	[tilespmem:s15+$0xFFFFFFF0] =	vst v5  }
0x484: {  	v5 =	vld [tilespmem:s2+$0xFFFFFFF0]  }
0x485: {  	v7 =	vld [tilespmem:s2+$0xFFFFFF90]  }
0x486: {  	v8 =	vld.idx.msk [tilespmem:v6+s4+$0x0], $0xffff  }
0x487: {  	v9 =	vld.idx.msk [tilespmem:v0+s4+$0x0], $0xffff  }
0x488: {  	v10 =	vld.idx.msk [tilespmem:v1+s4+$0x0], $0xffff  }
0x489: {  	v11 =	vld.idx.msk [tilespmem:v2+s4+$0x0], $0xffff  }
0x48a: {  	v12 =	vld.idx.msk [tilespmem:v4+s4+$0x0], $0xffff  }
0x48b: {  	s18 =	sadd.s32 $0x400, s18;
	v13 =	vld.idx.msk [tilespmem:v3+s4+$0x0], $0xffff  }
0x48c: {  	v14 =	vld.idx.msk [tilespmem:v5+s4+$0x0], $0xffff;
	[tilespmem:s18+$0x0] =	vst v8  }
0x48d: {  	[tilespmem:s18+$0xFFFFFFA0] =	vst v9;
	v8 =	vld.idx.msk [tilespmem:v6+s19+$0x0], $0xffff  }
0x48e: {  	v9 =	vld.idx.msk [tilespmem:v7+s4+$0x0], $0xffff;
	[tilespmem:s18+$0xFFFFFFB0] =	vst v10  }
0x48f: {  	v10 =	vld.idx.msk [tilespmem:v0+s19+$0x0], $0xffff;
	[tilespmem:s18+$0xFFFFFFC0] =	vst v11  }
0x490: {  	v11 =	vld.idx.msk [tilespmem:v1+s19+$0x0], $0xffff;
	[tilespmem:s18+$0xFFFFFFD0] =	vst v12  }
0x491: {  	v12 =	vld.idx.msk [tilespmem:v2+s19+$0x0], $0xffff;
	[tilespmem:s18+$0xFFFFFFE0] =	vst v13  }
0x492: {  	s8 =	sadd.s32 $0x400, s8;
	v13 =	vld.idx.msk [tilespmem:v4+s19+$0x0], $0xffff;
	[tilespmem:s18+$0xFFFFFFF0] =	vst v14  }
0x493: {  	v14 =	vld.idx.msk [tilespmem:v3+s19+$0x0], $0xffff;
	[tilespmem:s8+$0x0] =	vst v8  }
0x494: {  	[tilespmem:s18+$0xFFFFFF90] =	vst v9;
	v6 =	vld.idx.msk [tilespmem:v6+s20+$0x0], $0xffff  }
0x495: {  	v8 =	vld.idx.msk [tilespmem:v7+s19+$0x0], $0xffff;
	[tilespmem:s8+$0xFFFFFFA0] =	vst v10  }
0x496: {  	[tilespmem:s8+$0xFFFFFFB0] =	vst v11;
	v9 =	vld.idx.msk [tilespmem:v5+s19+$0x0], $0xffff  }
0x497: {  	v10 =	vld.idx.msk [tilespmem:v0+s20+$0x0], $0xffff;
	[tilespmem:s8+$0xFFFFFFC0] =	vst v12  }
0x498: {  	v0 =	vld.idx.msk [tilespmem:v1+s20+$0x0], $0xffff;
	[tilespmem:s8+$0xFFFFFFD0] =	vst v13  }
.Ltmp15:
0x499: {  	s15 =	sadd.s32 $0x400, s15;
	v1 =	vld.idx.msk [tilespmem:v2+s20+$0x0], $0xffff;
	[tilespmem:s8+$0xFFFFFFE0] =	vst v14;
	(pc) =	sbr.rel @p0 .LBB2_33-.Ltmp15, $4  }
0x49a: {  	v2 =	vld.idx.msk [tilespmem:v4+s20+$0x0], $0xffff;
	[tilespmem:s15+$0x0] =	vst v6  }
0x49b: {  	[tilespmem:s8+$0xFFFFFF90] =	vst v8;
	v4 =	vld.idx.msk [tilespmem:v3+s20+$0x0], $0xffff  }
0x49c: {  	v3 =	vld.idx.msk [tilespmem:v7+s20+$0x0], $0xffff;
	[tilespmem:s8+$0xFFFFFFF0] =	vst v9  }
0x49d: {  	s2 =	sadd.s32 $0x400, s2;
	[tilespmem:s15+$0xFFFFFFA0] =	vst v10;
	v5 =	vld.idx.msk [tilespmem:v5+s20+$0x0], $0xffff  }
0x49e: {  	[tilespmem:s15+$0xFFFFFFB0] =	vst v0  }
0x49f: {  	[tilespmem:s15+$0xFFFFFFC0] =	vst v1  }
0x4a0: {  	[tilespmem:s15+$0xFFFFFFD0] =	vst v2  }
0x4a1: {  	[tilespmem:s15+$0xFFFFFFE0] =	vst v4  }
0x4a2: {  	[tilespmem:s15+$0xFFFFFF90] =	vst v3  }
0x4a3: {  	s0 =	sadd.s32 s14, s13;
	p0 =	seq.s32 s7, $0xB;
	[tilespmem:s15+$0xFFFFFFF0] =	vst v5  }
0x4a4: {  	[hbm4b:s0+s4] =	stream.linear.scatter [tilespmem:s29], [sflag:$0x4], $0x1000, $0x38;
	[tilespmem:$0x8180] =	vst v63  }
.Ltmp16:
0x4a5: {  	_ = 	snop;
	(pc) =	sbr.rel @p0 .LBB2_36-.Ltmp16, $4  }
0x4a6: {  	s17 =	sadd.s32 $0x68000, s10  }
0x4a7: {  	[hbm4b:s17+s4] =	stream.linear.scatter [tilespmem:s30], [sflag:$0x4], $0x1000, $0x38;
	[tilespmem:$0x8180] =	vst v63  }
0x4a8: {  	s18 =	sadd.s32 $0xCC000, s10  }
0x4a9: {  	[hbm4b:s18+s4] =	stream.linear.scatter [tilespmem:s31], [sflag:$0x4], $0x1000, $0x38;
	[tilespmem:$0x8180] =	vst v63  }
.Ltmp17:
0x4aa: {  	(pc) =	sbr.rel .LBB2_2-.Ltmp17, $4  }
0x4ab: {  	s0 =	sadd.s32 s12, s9  }
0x4ac: {  	s0 =	sshrl.u32 s0, $0x3  }
0x4ad: {  	s2 =	simm.s32 $0x1180;
	s7 =	sadd.s32 $0x1, s7;
	s0 =	sadd.s32 s1, s0  }
0x4ae: {  	[tilespmem:s2], [sflag:$0x2] =	stream.linear.gather [hbm4b:s0+s4], $0x1000, $0x38;
	[tilespmem:$0x8180] =	vst v63  }
.LBB2_36:
0x4af: {  	_ =	swait.ge [sflag:s23], $0x1000  }
0x4b0: {  	[sflag:s23] =	ssyncset.done $0x0  }
0x4b1: {  	s15 =	simm.s32 $0x3;
	[sflag:s23] =	ssyncadd.s32 $0xFFFFF000  }
0x4b2: {  	_ =	swait.ge [sflag:s15], $0x1000  }
0x4b3: {  	[sflag:s15] =	ssyncset.done $0x0  }
0x4b4: {  	[sflag:s15] =	ssyncadd.s32 $0xFFFFF000  }
0x4b5: {  	_ =	swait.ge [sflag:s15], $0x1000  }
0x4b6: {  	[sflag:s15] =	ssyncset.done $0x0  }
0x4b7: {  	[sflag:s15] =	ssyncadd.s32 $0xFFFFF000  }
0x4b8: {  	_ =	swait.ge [sflag:s15], $0x1000  }
0x4b9: {  	[sflag:s15] =	ssyncset.done $0x0  }
0x4ba: {  	s0 =	simm.s32 $0x1C0;
	[sflag:s15] =	ssyncadd.s32 $0xFFFFF000  }
0x4bb: {  	v0 =	vld [tilespmem:s0+$0x30]  }
0x4bc: {  	v1 =	vld [tilespmem:s0+$0xFFFFFFD0]  }
0x4bd: {  	v2 =	vld [tilespmem:s0+$0xFFFFFFE0]  }
0x4be: {  	v3 =	vld [tilespmem:s0+$0xFFFFFFF0]  }
0x4bf: {  	v4 =	vld [tilespmem:s0+$0x0]  }
0x4c0: {  	v5 =	vld [tilespmem:s0+$0x10]  }
0x4c1: {  	v6 =	vld [tilespmem:s0+$0x20]  }
0x4c2: {  	v7 =	vld [tilespmem:s0+$0xFFFFFFC0]  }
0x4c3: {  	v8 =	vld.idx.msk [tilespmem:v0+s4+$0x0], $0xffff  }
0x4c4: {  	v9 =	vld.idx.msk [tilespmem:v1+s4+$0x0], $0xffff  }
0x4c5: {  	v10 =	vld.idx.msk [tilespmem:v2+s4+$0x0], $0xffff  }
0x4c6: {  	v11 =	vld.idx.msk [tilespmem:v3+s4+$0x0], $0xffff  }
0x4c7: {  	v12 =	vld.idx.msk [tilespmem:v4+s4+$0x0], $0xffff  }
0x4c8: {  	s7 =	simm.s32 $0x21C0;
	v13 =	vld.idx.msk [tilespmem:v5+s4+$0x0], $0xffff  }
0x4c9: {  	v14 =	vld.idx.msk [tilespmem:v6+s4+$0x0], $0xffff;
	[tilespmem:s7+$0x30] =	vst v8  }
0x4ca: {  	v56 =	vld.idx.msk [tilespmem:v7+s4+$0x0], $0xffff;
	[tilespmem:s7+$0xFFFFFFD0] =	vst v9  }
0x4cb: {  	[tilespmem:s7+$0xFFFFFFE0] =	vst v10;
	v8 =	vld.idx.msk [tilespmem:v0+s19+$0x0], $0xffff  }
0x4cc: {  	[tilespmem:s7+$0xFFFFFFF0] =	vst v11;
	v57 =	vld.idx.msk [tilespmem:v1+s19+$0x0], $0xffff  }
0x4cd: {  	[tilespmem:s7+$0x0] =	vst v12;
	v58 =	vld.idx.msk [tilespmem:v2+s19+$0x0], $0xffff  }
0x4ce: {  	[tilespmem:s7+$0x10] =	vst v13;
	v59 =	vld.idx.msk [tilespmem:v3+s19+$0x0], $0xffff  }
0x4cf: {  	[tilespmem:s7+$0x20] =	vst v14;
	v60 =	vld.idx.msk [tilespmem:v4+s19+$0x0], $0xffff  }
0x4d0: {  	s8 =	simm.s32 $0x31C0;
	[tilespmem:s7+$0xFFFFFFC0] =	vst v56;
	v61 =	vld.idx.msk [tilespmem:v5+s19+$0x0], $0xffff  }
0x4d1: {  	v9 =	vld.idx.msk [tilespmem:v7+s19+$0x0], $0xffff;
	[tilespmem:s8+$0x30] =	vst v8  }
0x4d2: {  	v62 =	vld.idx.msk [tilespmem:v6+s19+$0x0], $0xffff;
	[tilespmem:s8+$0xFFFFFFD0] =	vst v57  }
0x4d3: {  	[tilespmem:s8+$0xFFFFFFE0] =	vst v58;
	v8 =	vld.idx.msk [tilespmem:v0+s20+$0x0], $0xffff  }
0x4d4: {  	[tilespmem:s8+$0xFFFFFFF0] =	vst v59;
	v63 =	vld.idx.msk [tilespmem:v1+s20+$0x0], $0xffff  }
0x4d5: {  	[tilespmem:s8+$0x0] =	vst v60;
	v0 =	vld.idx.msk [tilespmem:v2+s20+$0x0], $0xffff  }
0x4d6: {  	[tilespmem:s8+$0x10] =	vst v61;
	v1 =	vld.idx.msk [tilespmem:v3+s20+$0x0], $0xffff  }
0x4d7: {  	[tilespmem:s8+$0xFFFFFFC0] =	vst v9;
	v2 =	vld.idx.msk [tilespmem:v4+s20+$0x0], $0xffff  }
0x4d8: {  	s6 =	simm.s32 $0x41C0;
	[tilespmem:s8+$0x20] =	vst v62;
	v4 =	vld.idx.msk [tilespmem:v5+s20+$0x0], $0xffff  }
0x4d9: {  	v3 =	vld.idx.msk [tilespmem:v7+s20+$0x0], $0xffff;
	[tilespmem:s6+$0x30] =	vst v8  }
0x4da: {  	s14 =	simm.s32 $0x5C0;
	s0 =	simm.s32 $0x0;
	v5 =	vld.idx.msk [tilespmem:v6+s20+$0x0], $0xffff;
	[tilespmem:s6+$0xFFFFFFD0] =	vst v63  }
.LBB2_37:
0x4db: {  	v6 =	vld [tilespmem:s14+$0x30];
	s0 =	sadd.s32 $0x8, s0;
	[tilespmem:s6+$0xFFFFFFE0] =	vst v0  }
0x4dc: {  	v0 =	vld [tilespmem:s14+$0xFFFFFFD0];
	p0 =	slt.u32 s0, $0x18;
	[tilespmem:s6+$0xFFFFFFF0] =	vst v1  }
0x4dd: {  	v1 =	vld [tilespmem:s14+$0xFFFFFFE0];
	[tilespmem:s6+$0x0] =	vst v2  }
0x4de: {  	v2 =	vld [tilespmem:s14+$0xFFFFFFF0];
	[tilespmem:s6+$0x10] =	vst v4  }
0x4df: {  	v4 =	vld [tilespmem:s14+$0x0];
	[tilespmem:s6+$0xFFFFFFC0] =	vst v3  }
0x4e0: {  	v3 =	vld [tilespmem:s14+$0x10];
	[tilespmem:s6+$0x20] =	vst v5  }
0x4e1: {  	v5 =	vld [tilespmem:s14+$0x20]  }
0x4e2: {  	v7 =	vld [tilespmem:s14+$0xFFFFFFC0]  }
0x4e3: {  	v8 =	vld.idx.msk [tilespmem:v6+s4+$0x0], $0xffff  }
0x4e4: {  	v9 =	vld.idx.msk [tilespmem:v0+s4+$0x0], $0xffff  }
0x4e5: {  	v10 =	vld.idx.msk [tilespmem:v1+s4+$0x0], $0xffff  }
0x4e6: {  	v11 =	vld.idx.msk [tilespmem:v2+s4+$0x0], $0xffff  }
0x4e7: {  	v12 =	vld.idx.msk [tilespmem:v4+s4+$0x0], $0xffff  }
0x4e8: {  	s7 =	sadd.s32 $0x400, s7;
	v13 =	vld.idx.msk [tilespmem:v3+s4+$0x0], $0xffff  }
0x4e9: {  	v14 =	vld.idx.msk [tilespmem:v5+s4+$0x0], $0xffff;
	[tilespmem:s7+$0x30] =	vst v8  }
0x4ea: {  	[tilespmem:s7+$0xFFFFFFD0] =	vst v9;
	v8 =	vld.idx.msk [tilespmem:v6+s19+$0x0], $0xffff  }
0x4eb: {  	v9 =	vld.idx.msk [tilespmem:v7+s4+$0x0], $0xffff;
	[tilespmem:s7+$0xFFFFFFE0] =	vst v10  }
0x4ec: {  	v10 =	vld.idx.msk [tilespmem:v0+s19+$0x0], $0xffff;
	[tilespmem:s7+$0xFFFFFFF0] =	vst v11  }
0x4ed: {  	v11 =	vld.idx.msk [tilespmem:v1+s19+$0x0], $0xffff;
	[tilespmem:s7+$0x0] =	vst v12  }
0x4ee: {  	v12 =	vld.idx.msk [tilespmem:v2+s19+$0x0], $0xffff;
	[tilespmem:s7+$0x10] =	vst v13  }
0x4ef: {  	s8 =	sadd.s32 $0x400, s8;
	v13 =	vld.idx.msk [tilespmem:v4+s19+$0x0], $0xffff;
	[tilespmem:s7+$0x20] =	vst v14  }
0x4f0: {  	v14 =	vld.idx.msk [tilespmem:v3+s19+$0x0], $0xffff;
	[tilespmem:s8+$0x30] =	vst v8  }
0x4f1: {  	[tilespmem:s7+$0xFFFFFFC0] =	vst v9;
	v6 =	vld.idx.msk [tilespmem:v6+s20+$0x0], $0xffff  }
0x4f2: {  	v8 =	vld.idx.msk [tilespmem:v7+s19+$0x0], $0xffff;
	[tilespmem:s8+$0xFFFFFFD0] =	vst v10  }
0x4f3: {  	[tilespmem:s8+$0xFFFFFFE0] =	vst v11;
	v9 =	vld.idx.msk [tilespmem:v5+s19+$0x0], $0xffff  }
0x4f4: {  	v10 =	vld.idx.msk [tilespmem:v0+s20+$0x0], $0xffff;
	[tilespmem:s8+$0xFFFFFFF0] =	vst v12  }
0x4f5: {  	v0 =	vld.idx.msk [tilespmem:v1+s20+$0x0], $0xffff;
	[tilespmem:s8+$0x0] =	vst v13  }
.Ltmp18:
0x4f6: {  	s3 =	simm.s32 $0x270;
	s6 =	sadd.s32 $0x400, s6;
	v1 =	vld.idx.msk [tilespmem:v2+s20+$0x0], $0xffff;
	[tilespmem:s8+$0x10] =	vst v14;
	(pc) =	sbr.rel @p0 .LBB2_37-.Ltmp18, $4  }
0x4f7: {  	s2 =	simm.s32 $0x4270;
	s9 =	simm.s32 $0x3270;
	s10 =	simm.s32 $0x2270;
	v2 =	vld.idx.msk [tilespmem:v4+s20+$0x0], $0xffff;
	[tilespmem:s6+$0x30] =	vst v6  }
0x4f8: {  	[tilespmem:s8+$0xFFFFFFC0] =	vst v8;
	v4 =	vld.idx.msk [tilespmem:v3+s20+$0x0], $0xffff  }
0x4f9: {  	v3 =	vld.idx.msk [tilespmem:v7+s20+$0x0], $0xffff;
	[tilespmem:s8+$0x20] =	vst v9  }
0x4fa: {  	s14 =	sadd.s32 $0x400, s14;
	[tilespmem:s6+$0xFFFFFFD0] =	vst v10;
	v5 =	vld.idx.msk [tilespmem:v5+s20+$0x0], $0xffff  }
0x4fb: {  	[tilespmem:s6+$0xFFFFFFE0] =	vst v0  }
0x4fc: {  	[tilespmem:s6+$0xFFFFFFF0] =	vst v1  }
0x4fd: {  	[tilespmem:s6+$0x0] =	vst v2  }
0x4fe: {  	[tilespmem:s6+$0x10] =	vst v4  }
0x4ff: {  	[tilespmem:s6+$0xFFFFFFC0] =	vst v3  }
0x500: {  	[tilespmem:s6+$0x20] =	vst v5  }
0x501: {  	v0 =	vld [tilespmem:s3+$0x0]  }
0x502: {  	v1 =	vld [tilespmem:s3+$0xFFFFFFA0]  }
0x503: {  	v2 =	vld [tilespmem:s3+$0xFFFFFFB0]  }
0x504: {  	v3 =	vld [tilespmem:s3+$0xFFFFFFC0]  }
0x505: {  	v4 =	vld [tilespmem:s3+$0xFFFFFFD0]  }
0x506: {  	v5 =	vld [tilespmem:s3+$0xFFFFFFE0]  }
0x507: {  	v6 =	vld [tilespmem:s3+$0xFFFFFFF0]  }
0x508: {  	v7 =	vld [tilespmem:s3+$0xFFFFFF90]  }
0x509: {  	v8 =	vld.idx.msk [tilespmem:v0+s4+$0x0], $0xffff  }
0x50a: {  	v9 =	vld.idx.msk [tilespmem:v1+s4+$0x0], $0xffff  }
0x50b: {  	v10 =	vld.idx.msk [tilespmem:v2+s4+$0x0], $0xffff  }
0x50c: {  	v11 =	vld.idx.msk [tilespmem:v3+s4+$0x0], $0xffff  }
0x50d: {  	v12 =	vld.idx.msk [tilespmem:v4+s4+$0x0], $0xffff  }
0x50e: {  	v13 =	vld.idx.msk [tilespmem:v5+s4+$0x0], $0xffff  }
0x50f: {  	v14 =	vld.idx.msk [tilespmem:v6+s4+$0x0], $0xffff;
	[tilespmem:s10+$0x0] =	vst v8  }
0x510: {  	v56 =	vld.idx.msk [tilespmem:v7+s4+$0x0], $0xffff;
	[tilespmem:s10+$0xFFFFFFA0] =	vst v9  }
0x511: {  	[tilespmem:s10+$0xFFFFFFB0] =	vst v10;
	v8 =	vld.idx.msk [tilespmem:v0+s19+$0x0], $0xffff  }
0x512: {  	[tilespmem:s10+$0xFFFFFFC0] =	vst v11;
	v57 =	vld.idx.msk [tilespmem:v1+s19+$0x0], $0xffff  }
0x513: {  	[tilespmem:s10+$0xFFFFFFD0] =	vst v12;
	v58 =	vld.idx.msk [tilespmem:v2+s19+$0x0], $0xffff  }
0x514: {  	[tilespmem:s10+$0xFFFFFFE0] =	vst v13;
	v59 =	vld.idx.msk [tilespmem:v3+s19+$0x0], $0xffff  }
0x515: {  	[tilespmem:s10+$0xFFFFFFF0] =	vst v14;
	v60 =	vld.idx.msk [tilespmem:v4+s19+$0x0], $0xffff  }
0x516: {  	[tilespmem:s10+$0xFFFFFF90] =	vst v56;
	v61 =	vld.idx.msk [tilespmem:v5+s19+$0x0], $0xffff  }
0x517: {  	v9 =	vld.idx.msk [tilespmem:v7+s19+$0x0], $0xffff;
	[tilespmem:s9+$0x0] =	vst v8  }
0x518: {  	v62 =	vld.idx.msk [tilespmem:v6+s19+$0x0], $0xffff;
	[tilespmem:s9+$0xFFFFFFA0] =	vst v57  }
0x519: {  	[tilespmem:s9+$0xFFFFFFB0] =	vst v58;
	v8 =	vld.idx.msk [tilespmem:v0+s20+$0x0], $0xffff  }
0x51a: {  	[tilespmem:s9+$0xFFFFFFC0] =	vst v59;
	v63 =	vld.idx.msk [tilespmem:v1+s20+$0x0], $0xffff  }
0x51b: {  	[tilespmem:s9+$0xFFFFFFD0] =	vst v60;
	v0 =	vld.idx.msk [tilespmem:v2+s20+$0x0], $0xffff  }
0x51c: {  	[tilespmem:s9+$0xFFFFFFE0] =	vst v61;
	v1 =	vld.idx.msk [tilespmem:v3+s20+$0x0], $0xffff  }
0x51d: {  	[tilespmem:s9+$0xFFFFFF90] =	vst v9;
	v2 =	vld.idx.msk [tilespmem:v4+s20+$0x0], $0xffff  }
0x51e: {  	[tilespmem:s9+$0xFFFFFFF0] =	vst v62;
	v4 =	vld.idx.msk [tilespmem:v5+s20+$0x0], $0xffff  }
0x51f: {  	v3 =	vld.idx.msk [tilespmem:v7+s20+$0x0], $0xffff;
	[tilespmem:s2+$0x0] =	vst v8  }
0x520: {  	s0 =	simm.s32 $0x0;
	s6 =	simm.s32 $0x670;
	v5 =	vld.idx.msk [tilespmem:v6+s20+$0x0], $0xffff;
	[tilespmem:s2+$0xFFFFFFA0] =	vst v63  }
.LBB2_39:
0x521: {  	v6 =	vld [tilespmem:s6+$0x0];
	s0 =	sadd.s32 $0x8, s0;
	[tilespmem:s2+$0xFFFFFFB0] =	vst v0  }
0x522: {  	v0 =	vld [tilespmem:s6+$0xFFFFFFA0];
	p0 =	slt.u32 s0, $0x18;
	[tilespmem:s2+$0xFFFFFFC0] =	vst v1  }
0x523: {  	v1 =	vld [tilespmem:s6+$0xFFFFFFB0];
	[tilespmem:s2+$0xFFFFFFD0] =	vst v2  }
0x524: {  	v2 =	vld [tilespmem:s6+$0xFFFFFFC0];
	[tilespmem:s2+$0xFFFFFFE0] =	vst v4  }
0x525: {  	v4 =	vld [tilespmem:s6+$0xFFFFFFD0];
	[tilespmem:s2+$0xFFFFFF90] =	vst v3  }
0x526: {  	v3 =	vld [tilespmem:s6+$0xFFFFFFE0];
	[tilespmem:s2+$0xFFFFFFF0] =	vst v5  }
0x527: {  	v5 =	vld [tilespmem:s6+$0xFFFFFFF0]  }
0x528: {  	v7 =	vld [tilespmem:s6+$0xFFFFFF90]  }
0x529: {  	v8 =	vld.idx.msk [tilespmem:v6+s4+$0x0], $0xffff  }
0x52a: {  	v9 =	vld.idx.msk [tilespmem:v0+s4+$0x0], $0xffff  }
0x52b: {  	v10 =	vld.idx.msk [tilespmem:v1+s4+$0x0], $0xffff  }
0x52c: {  	v11 =	vld.idx.msk [tilespmem:v2+s4+$0x0], $0xffff  }
0x52d: {  	v12 =	vld.idx.msk [tilespmem:v4+s4+$0x0], $0xffff  }
0x52e: {  	s10 =	sadd.s32 $0x400, s10;
	v13 =	vld.idx.msk [tilespmem:v3+s4+$0x0], $0xffff  }
0x52f: {  	v14 =	vld.idx.msk [tilespmem:v5+s4+$0x0], $0xffff;
	[tilespmem:s10+$0x0] =	vst v8  }
0x530: {  	[tilespmem:s10+$0xFFFFFFA0] =	vst v9;
	v8 =	vld.idx.msk [tilespmem:v6+s19+$0x0], $0xffff  }
0x531: {  	v9 =	vld.idx.msk [tilespmem:v7+s4+$0x0], $0xffff;
	[tilespmem:s10+$0xFFFFFFB0] =	vst v10  }
0x532: {  	v10 =	vld.idx.msk [tilespmem:v0+s19+$0x0], $0xffff;
	[tilespmem:s10+$0xFFFFFFC0] =	vst v11  }
0x533: {  	v11 =	vld.idx.msk [tilespmem:v1+s19+$0x0], $0xffff;
	[tilespmem:s10+$0xFFFFFFD0] =	vst v12  }
0x534: {  	v12 =	vld.idx.msk [tilespmem:v2+s19+$0x0], $0xffff;
	[tilespmem:s10+$0xFFFFFFE0] =	vst v13  }
0x535: {  	s9 =	sadd.s32 $0x400, s9;
	v13 =	vld.idx.msk [tilespmem:v4+s19+$0x0], $0xffff;
	[tilespmem:s10+$0xFFFFFFF0] =	vst v14  }
0x536: {  	v14 =	vld.idx.msk [tilespmem:v3+s19+$0x0], $0xffff;
	[tilespmem:s9+$0x0] =	vst v8  }
0x537: {  	[tilespmem:s10+$0xFFFFFF90] =	vst v9;
	v6 =	vld.idx.msk [tilespmem:v6+s20+$0x0], $0xffff  }
0x538: {  	v8 =	vld.idx.msk [tilespmem:v7+s19+$0x0], $0xffff;
	[tilespmem:s9+$0xFFFFFFA0] =	vst v10  }
0x539: {  	[tilespmem:s9+$0xFFFFFFB0] =	vst v11;
	v9 =	vld.idx.msk [tilespmem:v5+s19+$0x0], $0xffff  }
0x53a: {  	v10 =	vld.idx.msk [tilespmem:v0+s20+$0x0], $0xffff;
	[tilespmem:s9+$0xFFFFFFC0] =	vst v12  }
0x53b: {  	s8 =	simm.s32 $0x22F0;
	v0 =	vld.idx.msk [tilespmem:v1+s20+$0x0], $0xffff;
	[tilespmem:s9+$0xFFFFFFD0] =	vst v13  }
.Ltmp19:
0x53c: {  	s3 =	simm.s32 $0x2F0;
	s2 =	sadd.s32 $0x400, s2;
	v1 =	vld.idx.msk [tilespmem:v2+s20+$0x0], $0xffff;
	[tilespmem:s9+$0xFFFFFFE0] =	vst v14;
	(pc) =	sbr.rel @p0 .LBB2_39-.Ltmp19, $4  }
0x53d: {  	s7 =	simm.s32 $0x42F0;
	s14 =	simm.s32 $0x32F0;
	v2 =	vld.idx.msk [tilespmem:v4+s20+$0x0], $0xffff;
	[tilespmem:s2+$0x0] =	vst v6  }
0x53e: {  	[tilespmem:s9+$0xFFFFFF90] =	vst v8;
	v4 =	vld.idx.msk [tilespmem:v3+s20+$0x0], $0xffff  }
0x53f: {  	v3 =	vld.idx.msk [tilespmem:v7+s20+$0x0], $0xffff;
	[tilespmem:s9+$0xFFFFFFF0] =	vst v9  }
0x540: {  	s6 =	sadd.s32 $0x400, s6;
	[tilespmem:s2+$0xFFFFFFA0] =	vst v10;
	v5 =	vld.idx.msk [tilespmem:v5+s20+$0x0], $0xffff  }
0x541: {  	[tilespmem:s2+$0xFFFFFFB0] =	vst v0  }
0x542: {  	[tilespmem:s2+$0xFFFFFFC0] =	vst v1  }
0x543: {  	[tilespmem:s2+$0xFFFFFFD0] =	vst v2  }
0x544: {  	[tilespmem:s2+$0xFFFFFFE0] =	vst v4  }
0x545: {  	[tilespmem:s2+$0xFFFFFF90] =	vst v3  }
0x546: {  	[tilespmem:s2+$0xFFFFFFF0] =	vst v5  }
0x547: {  	v0 =	vld [tilespmem:s3+$0x0]  }
0x548: {  	v1 =	vld [tilespmem:s3+$0xFFFFFFA0]  }
0x549: {  	v2 =	vld [tilespmem:s3+$0xFFFFFFB0]  }
0x54a: {  	v3 =	vld [tilespmem:s3+$0xFFFFFFC0]  }
0x54b: {  	v4 =	vld [tilespmem:s3+$0xFFFFFFD0]  }
0x54c: {  	v5 =	vld [tilespmem:s3+$0xFFFFFFE0]  }
0x54d: {  	v6 =	vld [tilespmem:s3+$0xFFFFFFF0]  }
0x54e: {  	v7 =	vld [tilespmem:s3+$0xFFFFFF90]  }
0x54f: {  	v8 =	vld.idx.msk [tilespmem:v0+s4+$0x0], $0xffff  }
0x550: {  	v9 =	vld.idx.msk [tilespmem:v1+s4+$0x0], $0xffff  }
0x551: {  	v10 =	vld.idx.msk [tilespmem:v2+s4+$0x0], $0xffff  }
0x552: {  	v11 =	vld.idx.msk [tilespmem:v3+s4+$0x0], $0xffff  }
0x553: {  	v12 =	vld.idx.msk [tilespmem:v4+s4+$0x0], $0xffff  }
0x554: {  	v13 =	vld.idx.msk [tilespmem:v5+s4+$0x0], $0xffff  }
0x555: {  	v14 =	vld.idx.msk [tilespmem:v6+s4+$0x0], $0xffff;
	[tilespmem:s8+$0x0] =	vst v8  }
0x556: {  	v56 =	vld.idx.msk [tilespmem:v7+s4+$0x0], $0xffff;
	[tilespmem:s8+$0xFFFFFFA0] =	vst v9  }
0x557: {  	[tilespmem:s8+$0xFFFFFFB0] =	vst v10;
	v8 =	vld.idx.msk [tilespmem:v0+s19+$0x0], $0xffff  }
0x558: {  	[tilespmem:s8+$0xFFFFFFC0] =	vst v11;
	v57 =	vld.idx.msk [tilespmem:v1+s19+$0x0], $0xffff  }
0x559: {  	[tilespmem:s8+$0xFFFFFFD0] =	vst v12;
	v58 =	vld.idx.msk [tilespmem:v2+s19+$0x0], $0xffff  }
0x55a: {  	[tilespmem:s8+$0xFFFFFFE0] =	vst v13;
	v59 =	vld.idx.msk [tilespmem:v3+s19+$0x0], $0xffff  }
0x55b: {  	[tilespmem:s8+$0xFFFFFFF0] =	vst v14;
	v60 =	vld.idx.msk [tilespmem:v4+s19+$0x0], $0xffff  }
0x55c: {  	[tilespmem:s8+$0xFFFFFF90] =	vst v56;
	v61 =	vld.idx.msk [tilespmem:v5+s19+$0x0], $0xffff  }
0x55d: {  	v9 =	vld.idx.msk [tilespmem:v7+s19+$0x0], $0xffff;
	[tilespmem:s14+$0x0] =	vst v8  }
0x55e: {  	v62 =	vld.idx.msk [tilespmem:v6+s19+$0x0], $0xffff;
	[tilespmem:s14+$0xFFFFFFA0] =	vst v57  }
0x55f: {  	[tilespmem:s14+$0xFFFFFFB0] =	vst v58;
	v8 =	vld.idx.msk [tilespmem:v0+s20+$0x0], $0xffff  }
0x560: {  	[tilespmem:s14+$0xFFFFFFC0] =	vst v59;
	v63 =	vld.idx.msk [tilespmem:v1+s20+$0x0], $0xffff  }
0x561: {  	[tilespmem:s14+$0xFFFFFFD0] =	vst v60;
	v0 =	vld.idx.msk [tilespmem:v2+s20+$0x0], $0xffff  }
0x562: {  	[tilespmem:s14+$0xFFFFFFE0] =	vst v61;
	v1 =	vld.idx.msk [tilespmem:v3+s20+$0x0], $0xffff  }
0x563: {  	[tilespmem:s14+$0xFFFFFF90] =	vst v9;
	v2 =	vld.idx.msk [tilespmem:v4+s20+$0x0], $0xffff  }
0x564: {  	[tilespmem:s14+$0xFFFFFFF0] =	vst v62;
	v4 =	vld.idx.msk [tilespmem:v5+s20+$0x0], $0xffff  }
0x565: {  	v3 =	vld.idx.msk [tilespmem:v7+s20+$0x0], $0xffff;
	[tilespmem:s7+$0x0] =	vst v8  }
0x566: {  	s0 =	simm.s32 $0x0;
	s6 =	simm.s32 $0x6F0;
	v5 =	vld.idx.msk [tilespmem:v6+s20+$0x0], $0xffff;
	[tilespmem:s7+$0xFFFFFFA0] =	vst v63  }
.LBB2_41:
0x567: {  	v6 =	vld [tilespmem:s6+$0x0];
	s0 =	sadd.s32 $0x8, s0;
	[tilespmem:s7+$0xFFFFFFB0] =	vst v0  }
0x568: {  	v0 =	vld [tilespmem:s6+$0xFFFFFFA0];
	p0 =	slt.u32 s0, $0x18;
	[tilespmem:s7+$0xFFFFFFC0] =	vst v1  }
0x569: {  	v1 =	vld [tilespmem:s6+$0xFFFFFFB0];
	[tilespmem:s7+$0xFFFFFFD0] =	vst v2  }
0x56a: {  	v2 =	vld [tilespmem:s6+$0xFFFFFFC0];
	[tilespmem:s7+$0xFFFFFFE0] =	vst v4  }
0x56b: {  	v4 =	vld [tilespmem:s6+$0xFFFFFFD0];
	[tilespmem:s7+$0xFFFFFF90] =	vst v3  }
0x56c: {  	v3 =	vld [tilespmem:s6+$0xFFFFFFE0];
	[tilespmem:s7+$0xFFFFFFF0] =	vst v5  }
0x56d: {  	v5 =	vld [tilespmem:s6+$0xFFFFFFF0]  }
0x56e: {  	v7 =	vld [tilespmem:s6+$0xFFFFFF90]  }
0x56f: {  	v8 =	vld.idx.msk [tilespmem:v6+s4+$0x0], $0xffff  }
0x570: {  	v9 =	vld.idx.msk [tilespmem:v0+s4+$0x0], $0xffff  }
0x571: {  	v10 =	vld.idx.msk [tilespmem:v1+s4+$0x0], $0xffff  }
0x572: {  	v11 =	vld.idx.msk [tilespmem:v2+s4+$0x0], $0xffff  }
0x573: {  	v12 =	vld.idx.msk [tilespmem:v4+s4+$0x0], $0xffff  }
0x574: {  	s8 =	sadd.s32 $0x400, s8;
	v13 =	vld.idx.msk [tilespmem:v3+s4+$0x0], $0xffff  }
0x575: {  	v14 =	vld.idx.msk [tilespmem:v5+s4+$0x0], $0xffff;
	[tilespmem:s8+$0x0] =	vst v8  }
0x576: {  	[tilespmem:s8+$0xFFFFFFA0] =	vst v9;
	v8 =	vld.idx.msk [tilespmem:v6+s19+$0x0], $0xffff  }
0x577: {  	v9 =	vld.idx.msk [tilespmem:v7+s4+$0x0], $0xffff;
	[tilespmem:s8+$0xFFFFFFB0] =	vst v10  }
0x578: {  	v10 =	vld.idx.msk [tilespmem:v0+s19+$0x0], $0xffff;
	[tilespmem:s8+$0xFFFFFFC0] =	vst v11  }
0x579: {  	v11 =	vld.idx.msk [tilespmem:v1+s19+$0x0], $0xffff;
	[tilespmem:s8+$0xFFFFFFD0] =	vst v12  }
0x57a: {  	v12 =	vld.idx.msk [tilespmem:v2+s19+$0x0], $0xffff;
	[tilespmem:s8+$0xFFFFFFE0] =	vst v13  }
0x57b: {  	s14 =	sadd.s32 $0x400, s14;
	v13 =	vld.idx.msk [tilespmem:v4+s19+$0x0], $0xffff;
	[tilespmem:s8+$0xFFFFFFF0] =	vst v14  }
0x57c: {  	v14 =	vld.idx.msk [tilespmem:v3+s19+$0x0], $0xffff;
	[tilespmem:s14+$0x0] =	vst v8  }
0x57d: {  	[tilespmem:s8+$0xFFFFFF90] =	vst v9;
	v6 =	vld.idx.msk [tilespmem:v6+s20+$0x0], $0xffff  }
0x57e: {  	v8 =	vld.idx.msk [tilespmem:v7+s19+$0x0], $0xffff;
	[tilespmem:s14+$0xFFFFFFA0] =	vst v10  }
0x57f: {  	[tilespmem:s14+$0xFFFFFFB0] =	vst v11;
	v9 =	vld.idx.msk [tilespmem:v5+s19+$0x0], $0xffff  }
0x580: {  	v10 =	vld.idx.msk [tilespmem:v0+s20+$0x0], $0xffff;
	[tilespmem:s14+$0xFFFFFFC0] =	vst v12  }
0x581: {  	v0 =	vld.idx.msk [tilespmem:v1+s20+$0x0], $0xffff;
	[tilespmem:s14+$0xFFFFFFD0] =	vst v13  }
.Ltmp20:
0x582: {  	s3 =	simm.s32 $0x370;
	s7 =	sadd.s32 $0x400, s7;
	v1 =	vld.idx.msk [tilespmem:v2+s20+$0x0], $0xffff;
	[tilespmem:s14+$0xFFFFFFE0] =	vst v14;
	(pc) =	sbr.rel @p0 .LBB2_41-.Ltmp20, $4  }
0x583: {  	s2 =	simm.s32 $0x4370;
	s9 =	simm.s32 $0x3370;
	s10 =	simm.s32 $0x2370;
	v2 =	vld.idx.msk [tilespmem:v4+s20+$0x0], $0xffff;
	[tilespmem:s7+$0x0] =	vst v6  }
0x584: {  	[tilespmem:s14+$0xFFFFFF90] =	vst v8;
	v4 =	vld.idx.msk [tilespmem:v3+s20+$0x0], $0xffff  }
0x585: {  	v3 =	vld.idx.msk [tilespmem:v7+s20+$0x0], $0xffff;
	[tilespmem:s14+$0xFFFFFFF0] =	vst v9  }
0x586: {  	s6 =	sadd.s32 $0x400, s6;
	[tilespmem:s7+$0xFFFFFFA0] =	vst v10;
	v5 =	vld.idx.msk [tilespmem:v5+s20+$0x0], $0xffff  }
0x587: {  	[tilespmem:s7+$0xFFFFFFB0] =	vst v0  }
0x588: {  	[tilespmem:s7+$0xFFFFFFC0] =	vst v1  }
0x589: {  	[tilespmem:s7+$0xFFFFFFD0] =	vst v2  }
0x58a: {  	[tilespmem:s7+$0xFFFFFFE0] =	vst v4  }
0x58b: {  	[tilespmem:s7+$0xFFFFFF90] =	vst v3  }
0x58c: {  	[tilespmem:s7+$0xFFFFFFF0] =	vst v5  }
0x58d: {  	v0 =	vld [tilespmem:s3+$0x0]  }
0x58e: {  	v1 =	vld [tilespmem:s3+$0xFFFFFFA0]  }
0x58f: {  	v2 =	vld [tilespmem:s3+$0xFFFFFFB0]  }
0x590: {  	v3 =	vld [tilespmem:s3+$0xFFFFFFC0]  }
0x591: {  	v4 =	vld [tilespmem:s3+$0xFFFFFFD0]  }
0x592: {  	v5 =	vld [tilespmem:s3+$0xFFFFFFE0]  }
0x593: {  	v6 =	vld [tilespmem:s3+$0xFFFFFFF0]  }
0x594: {  	v7 =	vld [tilespmem:s3+$0xFFFFFF90]  }
0x595: {  	v8 =	vld.idx.msk [tilespmem:v0+s4+$0x0], $0xffff  }
0x596: {  	v9 =	vld.idx.msk [tilespmem:v1+s4+$0x0], $0xffff  }
0x597: {  	v10 =	vld.idx.msk [tilespmem:v2+s4+$0x0], $0xffff  }
0x598: {  	v11 =	vld.idx.msk [tilespmem:v3+s4+$0x0], $0xffff  }
0x599: {  	v12 =	vld.idx.msk [tilespmem:v4+s4+$0x0], $0xffff  }
0x59a: {  	v13 =	vld.idx.msk [tilespmem:v5+s4+$0x0], $0xffff  }
0x59b: {  	v14 =	vld.idx.msk [tilespmem:v6+s4+$0x0], $0xffff;
	[tilespmem:s10+$0x0] =	vst v8  }
0x59c: {  	v56 =	vld.idx.msk [tilespmem:v7+s4+$0x0], $0xffff;
	[tilespmem:s10+$0xFFFFFFA0] =	vst v9  }
0x59d: {  	[tilespmem:s10+$0xFFFFFFB0] =	vst v10;
	v8 =	vld.idx.msk [tilespmem:v0+s19+$0x0], $0xffff  }
0x59e: {  	[tilespmem:s10+$0xFFFFFFC0] =	vst v11;
	v57 =	vld.idx.msk [tilespmem:v1+s19+$0x0], $0xffff  }
0x59f: {  	[tilespmem:s10+$0xFFFFFFD0] =	vst v12;
	v58 =	vld.idx.msk [tilespmem:v2+s19+$0x0], $0xffff  }
0x5a0: {  	[tilespmem:s10+$0xFFFFFFE0] =	vst v13;
	v59 =	vld.idx.msk [tilespmem:v3+s19+$0x0], $0xffff  }
0x5a1: {  	[tilespmem:s10+$0xFFFFFFF0] =	vst v14;
	v60 =	vld.idx.msk [tilespmem:v4+s19+$0x0], $0xffff  }
0x5a2: {  	[tilespmem:s10+$0xFFFFFF90] =	vst v56;
	v61 =	vld.idx.msk [tilespmem:v5+s19+$0x0], $0xffff  }
0x5a3: {  	v9 =	vld.idx.msk [tilespmem:v7+s19+$0x0], $0xffff;
	[tilespmem:s9+$0x0] =	vst v8  }
0x5a4: {  	v62 =	vld.idx.msk [tilespmem:v6+s19+$0x0], $0xffff;
	[tilespmem:s9+$0xFFFFFFA0] =	vst v57  }
0x5a5: {  	[tilespmem:s9+$0xFFFFFFB0] =	vst v58;
	v8 =	vld.idx.msk [tilespmem:v0+s20+$0x0], $0xffff  }
0x5a6: {  	[tilespmem:s9+$0xFFFFFFC0] =	vst v59;
	v63 =	vld.idx.msk [tilespmem:v1+s20+$0x0], $0xffff  }
0x5a7: {  	[tilespmem:s9+$0xFFFFFFD0] =	vst v60;
	v0 =	vld.idx.msk [tilespmem:v2+s20+$0x0], $0xffff  }
0x5a8: {  	[tilespmem:s9+$0xFFFFFFE0] =	vst v61;
	v1 =	vld.idx.msk [tilespmem:v3+s20+$0x0], $0xffff  }
0x5a9: {  	[tilespmem:s9+$0xFFFFFF90] =	vst v9;
	v2 =	vld.idx.msk [tilespmem:v4+s20+$0x0], $0xffff  }
0x5aa: {  	[tilespmem:s9+$0xFFFFFFF0] =	vst v62;
	v4 =	vld.idx.msk [tilespmem:v5+s20+$0x0], $0xffff  }
0x5ab: {  	v3 =	vld.idx.msk [tilespmem:v7+s20+$0x0], $0xffff;
	[tilespmem:s2+$0x0] =	vst v8  }
0x5ac: {  	s0 =	simm.s32 $0x0;
	s6 =	simm.s32 $0x770;
	v5 =	vld.idx.msk [tilespmem:v6+s20+$0x0], $0xffff;
	[tilespmem:s2+$0xFFFFFFA0] =	vst v63  }
.LBB2_43:
0x5ad: {  	v6 =	vld [tilespmem:s6+$0x0];
	s0 =	sadd.s32 $0x8, s0;
	[tilespmem:s2+$0xFFFFFFB0] =	vst v0  }
0x5ae: {  	v0 =	vld [tilespmem:s6+$0xFFFFFFA0];
	p0 =	slt.u32 s0, $0x18;
	[tilespmem:s2+$0xFFFFFFC0] =	vst v1  }
0x5af: {  	v1 =	vld [tilespmem:s6+$0xFFFFFFB0];
	[tilespmem:s2+$0xFFFFFFD0] =	vst v2  }
0x5b0: {  	v2 =	vld [tilespmem:s6+$0xFFFFFFC0];
	[tilespmem:s2+$0xFFFFFFE0] =	vst v4  }
0x5b1: {  	v4 =	vld [tilespmem:s6+$0xFFFFFFD0];
	[tilespmem:s2+$0xFFFFFF90] =	vst v3  }
0x5b2: {  	v3 =	vld [tilespmem:s6+$0xFFFFFFE0];
	[tilespmem:s2+$0xFFFFFFF0] =	vst v5  }
0x5b3: {  	v5 =	vld [tilespmem:s6+$0xFFFFFFF0]  }
0x5b4: {  	v7 =	vld [tilespmem:s6+$0xFFFFFF90]  }
0x5b5: {  	v8 =	vld.idx.msk [tilespmem:v6+s4+$0x0], $0xffff  }
0x5b6: {  	v9 =	vld.idx.msk [tilespmem:v0+s4+$0x0], $0xffff  }
0x5b7: {  	v10 =	vld.idx.msk [tilespmem:v1+s4+$0x0], $0xffff  }
0x5b8: {  	v11 =	vld.idx.msk [tilespmem:v2+s4+$0x0], $0xffff  }
0x5b9: {  	v12 =	vld.idx.msk [tilespmem:v4+s4+$0x0], $0xffff  }
0x5ba: {  	s10 =	sadd.s32 $0x400, s10;
	v13 =	vld.idx.msk [tilespmem:v3+s4+$0x0], $0xffff  }
0x5bb: {  	v14 =	vld.idx.msk [tilespmem:v5+s4+$0x0], $0xffff;
	[tilespmem:s10+$0x0] =	vst v8  }
0x5bc: {  	[tilespmem:s10+$0xFFFFFFA0] =	vst v9;
	v8 =	vld.idx.msk [tilespmem:v6+s19+$0x0], $0xffff  }
0x5bd: {  	v9 =	vld.idx.msk [tilespmem:v7+s4+$0x0], $0xffff;
	[tilespmem:s10+$0xFFFFFFB0] =	vst v10  }
0x5be: {  	v10 =	vld.idx.msk [tilespmem:v0+s19+$0x0], $0xffff;
	[tilespmem:s10+$0xFFFFFFC0] =	vst v11  }
0x5bf: {  	v11 =	vld.idx.msk [tilespmem:v1+s19+$0x0], $0xffff;
	[tilespmem:s10+$0xFFFFFFD0] =	vst v12  }
0x5c0: {  	v12 =	vld.idx.msk [tilespmem:v2+s19+$0x0], $0xffff;
	[tilespmem:s10+$0xFFFFFFE0] =	vst v13  }
0x5c1: {  	s9 =	sadd.s32 $0x400, s9;
	v13 =	vld.idx.msk [tilespmem:v4+s19+$0x0], $0xffff;
	[tilespmem:s10+$0xFFFFFFF0] =	vst v14  }
0x5c2: {  	v14 =	vld.idx.msk [tilespmem:v3+s19+$0x0], $0xffff;
	[tilespmem:s9+$0x0] =	vst v8  }
0x5c3: {  	[tilespmem:s10+$0xFFFFFF90] =	vst v9;
	v6 =	vld.idx.msk [tilespmem:v6+s20+$0x0], $0xffff  }
0x5c4: {  	v8 =	vld.idx.msk [tilespmem:v7+s19+$0x0], $0xffff;
	[tilespmem:s9+$0xFFFFFFA0] =	vst v10  }
0x5c5: {  	[tilespmem:s9+$0xFFFFFFB0] =	vst v11;
	v9 =	vld.idx.msk [tilespmem:v5+s19+$0x0], $0xffff  }
0x5c6: {  	v10 =	vld.idx.msk [tilespmem:v0+s20+$0x0], $0xffff;
	[tilespmem:s9+$0xFFFFFFC0] =	vst v12  }
0x5c7: {  	s8 =	simm.s32 $0x23F0;
	v0 =	vld.idx.msk [tilespmem:v1+s20+$0x0], $0xffff;
	[tilespmem:s9+$0xFFFFFFD0] =	vst v13  }
.Ltmp21:
0x5c8: {  	s3 =	simm.s32 $0x3F0;
	s2 =	sadd.s32 $0x400, s2;
	v1 =	vld.idx.msk [tilespmem:v2+s20+$0x0], $0xffff;
	[tilespmem:s9+$0xFFFFFFE0] =	vst v14;
	(pc) =	sbr.rel @p0 .LBB2_43-.Ltmp21, $4  }
0x5c9: {  	s7 =	simm.s32 $0x43F0;
	s14 =	simm.s32 $0x33F0;
	v2 =	vld.idx.msk [tilespmem:v4+s20+$0x0], $0xffff;
	[tilespmem:s2+$0x0] =	vst v6  }
0x5ca: {  	[tilespmem:s9+$0xFFFFFF90] =	vst v8;
	v4 =	vld.idx.msk [tilespmem:v3+s20+$0x0], $0xffff  }
0x5cb: {  	v3 =	vld.idx.msk [tilespmem:v7+s20+$0x0], $0xffff;
	[tilespmem:s9+$0xFFFFFFF0] =	vst v9  }
0x5cc: {  	s6 =	sadd.s32 $0x400, s6;
	[tilespmem:s2+$0xFFFFFFA0] =	vst v10;
	v5 =	vld.idx.msk [tilespmem:v5+s20+$0x0], $0xffff  }
0x5cd: {  	[tilespmem:s2+$0xFFFFFFB0] =	vst v0  }
0x5ce: {  	[tilespmem:s2+$0xFFFFFFC0] =	vst v1  }
0x5cf: {  	[tilespmem:s2+$0xFFFFFFD0] =	vst v2  }
0x5d0: {  	[tilespmem:s2+$0xFFFFFFE0] =	vst v4  }
0x5d1: {  	[tilespmem:s2+$0xFFFFFF90] =	vst v3  }
0x5d2: {  	[tilespmem:s2+$0xFFFFFFF0] =	vst v5  }
0x5d3: {  	v0 =	vld [tilespmem:s3+$0x0]  }
0x5d4: {  	v1 =	vld [tilespmem:s3+$0xFFFFFFA0]  }
0x5d5: {  	v2 =	vld [tilespmem:s3+$0xFFFFFFB0]  }
0x5d6: {  	v3 =	vld [tilespmem:s3+$0xFFFFFFC0]  }
0x5d7: {  	v4 =	vld [tilespmem:s3+$0xFFFFFFD0]  }
0x5d8: {  	v5 =	vld [tilespmem:s3+$0xFFFFFFE0]  }
0x5d9: {  	v6 =	vld [tilespmem:s3+$0xFFFFFFF0]  }
0x5da: {  	v7 =	vld [tilespmem:s3+$0xFFFFFF90]  }
0x5db: {  	v8 =	vld.idx.msk [tilespmem:v0+s4+$0x0], $0xffff  }
0x5dc: {  	v9 =	vld.idx.msk [tilespmem:v1+s4+$0x0], $0xffff  }
0x5dd: {  	v10 =	vld.idx.msk [tilespmem:v2+s4+$0x0], $0xffff  }
0x5de: {  	v11 =	vld.idx.msk [tilespmem:v3+s4+$0x0], $0xffff  }
0x5df: {  	v12 =	vld.idx.msk [tilespmem:v4+s4+$0x0], $0xffff  }
0x5e0: {  	v13 =	vld.idx.msk [tilespmem:v5+s4+$0x0], $0xffff  }
0x5e1: {  	v14 =	vld.idx.msk [tilespmem:v6+s4+$0x0], $0xffff;
	[tilespmem:s8+$0x0] =	vst v8  }
0x5e2: {  	v56 =	vld.idx.msk [tilespmem:v7+s4+$0x0], $0xffff;
	[tilespmem:s8+$0xFFFFFFA0] =	vst v9  }
0x5e3: {  	[tilespmem:s8+$0xFFFFFFB0] =	vst v10;
	v8 =	vld.idx.msk [tilespmem:v0+s19+$0x0], $0xffff  }
0x5e4: {  	[tilespmem:s8+$0xFFFFFFC0] =	vst v11;
	v57 =	vld.idx.msk [tilespmem:v1+s19+$0x0], $0xffff  }
0x5e5: {  	[tilespmem:s8+$0xFFFFFFD0] =	vst v12;
	v58 =	vld.idx.msk [tilespmem:v2+s19+$0x0], $0xffff  }
0x5e6: {  	[tilespmem:s8+$0xFFFFFFE0] =	vst v13;
	v59 =	vld.idx.msk [tilespmem:v3+s19+$0x0], $0xffff  }
0x5e7: {  	[tilespmem:s8+$0xFFFFFFF0] =	vst v14;
	v60 =	vld.idx.msk [tilespmem:v4+s19+$0x0], $0xffff  }
0x5e8: {  	[tilespmem:s8+$0xFFFFFF90] =	vst v56;
	v61 =	vld.idx.msk [tilespmem:v5+s19+$0x0], $0xffff  }
0x5e9: {  	v9 =	vld.idx.msk [tilespmem:v7+s19+$0x0], $0xffff;
	[tilespmem:s14+$0x0] =	vst v8  }
0x5ea: {  	v62 =	vld.idx.msk [tilespmem:v6+s19+$0x0], $0xffff;
	[tilespmem:s14+$0xFFFFFFA0] =	vst v57  }
0x5eb: {  	[tilespmem:s14+$0xFFFFFFB0] =	vst v58;
	v8 =	vld.idx.msk [tilespmem:v0+s20+$0x0], $0xffff  }
0x5ec: {  	[tilespmem:s14+$0xFFFFFFC0] =	vst v59;
	v63 =	vld.idx.msk [tilespmem:v1+s20+$0x0], $0xffff  }
0x5ed: {  	[tilespmem:s14+$0xFFFFFFD0] =	vst v60;
	v0 =	vld.idx.msk [tilespmem:v2+s20+$0x0], $0xffff  }
0x5ee: {  	[tilespmem:s14+$0xFFFFFFE0] =	vst v61;
	v1 =	vld.idx.msk [tilespmem:v3+s20+$0x0], $0xffff  }
0x5ef: {  	[tilespmem:s14+$0xFFFFFF90] =	vst v9;
	v2 =	vld.idx.msk [tilespmem:v4+s20+$0x0], $0xffff  }
0x5f0: {  	[tilespmem:s14+$0xFFFFFFF0] =	vst v62;
	v4 =	vld.idx.msk [tilespmem:v5+s20+$0x0], $0xffff  }
0x5f1: {  	v3 =	vld.idx.msk [tilespmem:v7+s20+$0x0], $0xffff;
	[tilespmem:s7+$0x0] =	vst v8  }
0x5f2: {  	s0 =	simm.s32 $0x0;
	s6 =	simm.s32 $0x7F0;
	v5 =	vld.idx.msk [tilespmem:v6+s20+$0x0], $0xffff;
	[tilespmem:s7+$0xFFFFFFA0] =	vst v63  }
.LBB2_45:
0x5f3: {  	v6 =	vld [tilespmem:s6+$0x0];
	s0 =	sadd.s32 $0x8, s0;
	[tilespmem:s7+$0xFFFFFFB0] =	vst v0  }
0x5f4: {  	v0 =	vld [tilespmem:s6+$0xFFFFFFA0];
	p0 =	slt.u32 s0, $0x18;
	[tilespmem:s7+$0xFFFFFFC0] =	vst v1  }
0x5f5: {  	v1 =	vld [tilespmem:s6+$0xFFFFFFB0];
	[tilespmem:s7+$0xFFFFFFD0] =	vst v2  }
0x5f6: {  	v2 =	vld [tilespmem:s6+$0xFFFFFFC0];
	[tilespmem:s7+$0xFFFFFFE0] =	vst v4  }
0x5f7: {  	v4 =	vld [tilespmem:s6+$0xFFFFFFD0];
	[tilespmem:s7+$0xFFFFFF90] =	vst v3  }
0x5f8: {  	v3 =	vld [tilespmem:s6+$0xFFFFFFE0];
	[tilespmem:s7+$0xFFFFFFF0] =	vst v5  }
0x5f9: {  	v5 =	vld [tilespmem:s6+$0xFFFFFFF0]  }
0x5fa: {  	v7 =	vld [tilespmem:s6+$0xFFFFFF90]  }
0x5fb: {  	v8 =	vld.idx.msk [tilespmem:v6+s4+$0x0], $0xffff  }
0x5fc: {  	v9 =	vld.idx.msk [tilespmem:v0+s4+$0x0], $0xffff  }
0x5fd: {  	v10 =	vld.idx.msk [tilespmem:v1+s4+$0x0], $0xffff  }
0x5fe: {  	v11 =	vld.idx.msk [tilespmem:v2+s4+$0x0], $0xffff  }
0x5ff: {  	v12 =	vld.idx.msk [tilespmem:v4+s4+$0x0], $0xffff  }
0x600: {  	s8 =	sadd.s32 $0x400, s8;
	v13 =	vld.idx.msk [tilespmem:v3+s4+$0x0], $0xffff  }
0x601: {  	v14 =	vld.idx.msk [tilespmem:v5+s4+$0x0], $0xffff;
	[tilespmem:s8+$0x0] =	vst v8  }
0x602: {  	[tilespmem:s8+$0xFFFFFFA0] =	vst v9;
	v8 =	vld.idx.msk [tilespmem:v6+s19+$0x0], $0xffff  }
0x603: {  	v9 =	vld.idx.msk [tilespmem:v7+s4+$0x0], $0xffff;
	[tilespmem:s8+$0xFFFFFFB0] =	vst v10  }
0x604: {  	v10 =	vld.idx.msk [tilespmem:v0+s19+$0x0], $0xffff;
	[tilespmem:s8+$0xFFFFFFC0] =	vst v11  }
0x605: {  	v11 =	vld.idx.msk [tilespmem:v1+s19+$0x0], $0xffff;
	[tilespmem:s8+$0xFFFFFFD0] =	vst v12  }
0x606: {  	v12 =	vld.idx.msk [tilespmem:v2+s19+$0x0], $0xffff;
	[tilespmem:s8+$0xFFFFFFE0] =	vst v13  }
0x607: {  	s14 =	sadd.s32 $0x400, s14;
	v13 =	vld.idx.msk [tilespmem:v4+s19+$0x0], $0xffff;
	[tilespmem:s8+$0xFFFFFFF0] =	vst v14  }
0x608: {  	v14 =	vld.idx.msk [tilespmem:v3+s19+$0x0], $0xffff;
	[tilespmem:s14+$0x0] =	vst v8  }
0x609: {  	[tilespmem:s8+$0xFFFFFF90] =	vst v9;
	v6 =	vld.idx.msk [tilespmem:v6+s20+$0x0], $0xffff  }
0x60a: {  	v8 =	vld.idx.msk [tilespmem:v7+s19+$0x0], $0xffff;
	[tilespmem:s14+$0xFFFFFFA0] =	vst v10  }
0x60b: {  	[tilespmem:s14+$0xFFFFFFB0] =	vst v11;
	v9 =	vld.idx.msk [tilespmem:v5+s19+$0x0], $0xffff  }
0x60c: {  	v10 =	vld.idx.msk [tilespmem:v0+s20+$0x0], $0xffff;
	[tilespmem:s14+$0xFFFFFFC0] =	vst v12  }
0x60d: {  	v0 =	vld.idx.msk [tilespmem:v1+s20+$0x0], $0xffff;
	[tilespmem:s14+$0xFFFFFFD0] =	vst v13  }
.Ltmp22:
0x60e: {  	s3 =	simm.s32 $0x470;
	s7 =	sadd.s32 $0x400, s7;
	v1 =	vld.idx.msk [tilespmem:v2+s20+$0x0], $0xffff;
	[tilespmem:s14+$0xFFFFFFE0] =	vst v14;
	(pc) =	sbr.rel @p0 .LBB2_45-.Ltmp22, $4  }
0x60f: {  	s2 =	simm.s32 $0x4470;
	s9 =	simm.s32 $0x3470;
	s10 =	simm.s32 $0x2470;
	v2 =	vld.idx.msk [tilespmem:v4+s20+$0x0], $0xffff;
	[tilespmem:s7+$0x0] =	vst v6  }
0x610: {  	[tilespmem:s14+$0xFFFFFF90] =	vst v8;
	v4 =	vld.idx.msk [tilespmem:v3+s20+$0x0], $0xffff  }
0x611: {  	v3 =	vld.idx.msk [tilespmem:v7+s20+$0x0], $0xffff;
	[tilespmem:s14+$0xFFFFFFF0] =	vst v9  }
0x612: {  	s6 =	sadd.s32 $0x400, s6;
	[tilespmem:s7+$0xFFFFFFA0] =	vst v10;
	v5 =	vld.idx.msk [tilespmem:v5+s20+$0x0], $0xffff  }
0x613: {  	[tilespmem:s7+$0xFFFFFFB0] =	vst v0  }
0x614: {  	[tilespmem:s7+$0xFFFFFFC0] =	vst v1  }
0x615: {  	[tilespmem:s7+$0xFFFFFFD0] =	vst v2  }
0x616: {  	[tilespmem:s7+$0xFFFFFFE0] =	vst v4  }
0x617: {  	[tilespmem:s7+$0xFFFFFF90] =	vst v3  }
0x618: {  	[tilespmem:s7+$0xFFFFFFF0] =	vst v5  }
0x619: {  	v0 =	vld [tilespmem:s3+$0x0]  }
0x61a: {  	v1 =	vld [tilespmem:s3+$0xFFFFFFA0]  }
0x61b: {  	v2 =	vld [tilespmem:s3+$0xFFFFFFB0]  }
0x61c: {  	v3 =	vld [tilespmem:s3+$0xFFFFFFC0]  }
0x61d: {  	v4 =	vld [tilespmem:s3+$0xFFFFFFD0]  }
0x61e: {  	v5 =	vld [tilespmem:s3+$0xFFFFFFE0]  }
0x61f: {  	v6 =	vld [tilespmem:s3+$0xFFFFFFF0]  }
0x620: {  	v7 =	vld [tilespmem:s3+$0xFFFFFF90]  }
0x621: {  	v8 =	vld.idx.msk [tilespmem:v0+s4+$0x0], $0xffff  }
0x622: {  	v9 =	vld.idx.msk [tilespmem:v1+s4+$0x0], $0xffff  }
0x623: {  	v10 =	vld.idx.msk [tilespmem:v2+s4+$0x0], $0xffff  }
0x624: {  	v11 =	vld.idx.msk [tilespmem:v3+s4+$0x0], $0xffff  }
0x625: {  	v12 =	vld.idx.msk [tilespmem:v4+s4+$0x0], $0xffff  }
0x626: {  	v13 =	vld.idx.msk [tilespmem:v5+s4+$0x0], $0xffff  }
0x627: {  	v14 =	vld.idx.msk [tilespmem:v6+s4+$0x0], $0xffff;
	[tilespmem:s10+$0x0] =	vst v8  }
0x628: {  	v56 =	vld.idx.msk [tilespmem:v7+s4+$0x0], $0xffff;
	[tilespmem:s10+$0xFFFFFFA0] =	vst v9  }
0x629: {  	[tilespmem:s10+$0xFFFFFFB0] =	vst v10;
	v8 =	vld.idx.msk [tilespmem:v0+s19+$0x0], $0xffff  }
0x62a: {  	[tilespmem:s10+$0xFFFFFFC0] =	vst v11;
	v57 =	vld.idx.msk [tilespmem:v1+s19+$0x0], $0xffff  }
0x62b: {  	[tilespmem:s10+$0xFFFFFFD0] =	vst v12;
	v58 =	vld.idx.msk [tilespmem:v2+s19+$0x0], $0xffff  }
0x62c: {  	[tilespmem:s10+$0xFFFFFFE0] =	vst v13;
	v59 =	vld.idx.msk [tilespmem:v3+s19+$0x0], $0xffff  }
0x62d: {  	[tilespmem:s10+$0xFFFFFFF0] =	vst v14;
	v60 =	vld.idx.msk [tilespmem:v4+s19+$0x0], $0xffff  }
0x62e: {  	[tilespmem:s10+$0xFFFFFF90] =	vst v56;
	v61 =	vld.idx.msk [tilespmem:v5+s19+$0x0], $0xffff  }
0x62f: {  	v9 =	vld.idx.msk [tilespmem:v7+s19+$0x0], $0xffff;
	[tilespmem:s9+$0x0] =	vst v8  }
0x630: {  	v62 =	vld.idx.msk [tilespmem:v6+s19+$0x0], $0xffff;
	[tilespmem:s9+$0xFFFFFFA0] =	vst v57  }
0x631: {  	[tilespmem:s9+$0xFFFFFFB0] =	vst v58;
	v8 =	vld.idx.msk [tilespmem:v0+s20+$0x0], $0xffff  }
0x632: {  	[tilespmem:s9+$0xFFFFFFC0] =	vst v59;
	v63 =	vld.idx.msk [tilespmem:v1+s20+$0x0], $0xffff  }
0x633: {  	[tilespmem:s9+$0xFFFFFFD0] =	vst v60;
	v0 =	vld.idx.msk [tilespmem:v2+s20+$0x0], $0xffff  }
0x634: {  	[tilespmem:s9+$0xFFFFFFE0] =	vst v61;
	v1 =	vld.idx.msk [tilespmem:v3+s20+$0x0], $0xffff  }
0x635: {  	[tilespmem:s9+$0xFFFFFF90] =	vst v9;
	v2 =	vld.idx.msk [tilespmem:v4+s20+$0x0], $0xffff  }
0x636: {  	[tilespmem:s9+$0xFFFFFFF0] =	vst v62;
	v4 =	vld.idx.msk [tilespmem:v5+s20+$0x0], $0xffff  }
0x637: {  	v3 =	vld.idx.msk [tilespmem:v7+s20+$0x0], $0xffff;
	[tilespmem:s2+$0x0] =	vst v8  }
0x638: {  	s0 =	simm.s32 $0x0;
	s6 =	simm.s32 $0x870;
	v5 =	vld.idx.msk [tilespmem:v6+s20+$0x0], $0xffff;
	[tilespmem:s2+$0xFFFFFFA0] =	vst v63  }
.LBB2_47:
0x639: {  	v6 =	vld [tilespmem:s6+$0x0];
	s0 =	sadd.s32 $0x8, s0;
	[tilespmem:s2+$0xFFFFFFB0] =	vst v0  }
0x63a: {  	v0 =	vld [tilespmem:s6+$0xFFFFFFA0];
	p0 =	slt.u32 s0, $0x18;
	[tilespmem:s2+$0xFFFFFFC0] =	vst v1  }
0x63b: {  	v1 =	vld [tilespmem:s6+$0xFFFFFFB0];
	[tilespmem:s2+$0xFFFFFFD0] =	vst v2  }
0x63c: {  	v2 =	vld [tilespmem:s6+$0xFFFFFFC0];
	[tilespmem:s2+$0xFFFFFFE0] =	vst v4  }
0x63d: {  	v4 =	vld [tilespmem:s6+$0xFFFFFFD0];
	[tilespmem:s2+$0xFFFFFF90] =	vst v3  }
0x63e: {  	v3 =	vld [tilespmem:s6+$0xFFFFFFE0];
	[tilespmem:s2+$0xFFFFFFF0] =	vst v5  }
0x63f: {  	v5 =	vld [tilespmem:s6+$0xFFFFFFF0]  }
0x640: {  	v7 =	vld [tilespmem:s6+$0xFFFFFF90]  }
0x641: {  	v8 =	vld.idx.msk [tilespmem:v6+s4+$0x0], $0xffff  }
0x642: {  	v9 =	vld.idx.msk [tilespmem:v0+s4+$0x0], $0xffff  }
0x643: {  	v10 =	vld.idx.msk [tilespmem:v1+s4+$0x0], $0xffff  }
0x644: {  	v11 =	vld.idx.msk [tilespmem:v2+s4+$0x0], $0xffff  }
0x645: {  	v12 =	vld.idx.msk [tilespmem:v4+s4+$0x0], $0xffff  }
0x646: {  	s10 =	sadd.s32 $0x400, s10;
	v13 =	vld.idx.msk [tilespmem:v3+s4+$0x0], $0xffff  }
0x647: {  	v14 =	vld.idx.msk [tilespmem:v5+s4+$0x0], $0xffff;
	[tilespmem:s10+$0x0] =	vst v8  }
0x648: {  	[tilespmem:s10+$0xFFFFFFA0] =	vst v9;
	v8 =	vld.idx.msk [tilespmem:v6+s19+$0x0], $0xffff  }
0x649: {  	v9 =	vld.idx.msk [tilespmem:v7+s4+$0x0], $0xffff;
	[tilespmem:s10+$0xFFFFFFB0] =	vst v10  }
0x64a: {  	v10 =	vld.idx.msk [tilespmem:v0+s19+$0x0], $0xffff;
	[tilespmem:s10+$0xFFFFFFC0] =	vst v11  }
0x64b: {  	v11 =	vld.idx.msk [tilespmem:v1+s19+$0x0], $0xffff;
	[tilespmem:s10+$0xFFFFFFD0] =	vst v12  }
0x64c: {  	v12 =	vld.idx.msk [tilespmem:v2+s19+$0x0], $0xffff;
	[tilespmem:s10+$0xFFFFFFE0] =	vst v13  }
0x64d: {  	s9 =	sadd.s32 $0x400, s9;
	v13 =	vld.idx.msk [tilespmem:v4+s19+$0x0], $0xffff;
	[tilespmem:s10+$0xFFFFFFF0] =	vst v14  }
0x64e: {  	v14 =	vld.idx.msk [tilespmem:v3+s19+$0x0], $0xffff;
	[tilespmem:s9+$0x0] =	vst v8  }
0x64f: {  	[tilespmem:s10+$0xFFFFFF90] =	vst v9;
	v6 =	vld.idx.msk [tilespmem:v6+s20+$0x0], $0xffff  }
0x650: {  	v8 =	vld.idx.msk [tilespmem:v7+s19+$0x0], $0xffff;
	[tilespmem:s9+$0xFFFFFFA0] =	vst v10  }
0x651: {  	[tilespmem:s9+$0xFFFFFFB0] =	vst v11;
	v9 =	vld.idx.msk [tilespmem:v5+s19+$0x0], $0xffff  }
0x652: {  	v10 =	vld.idx.msk [tilespmem:v0+s20+$0x0], $0xffff;
	[tilespmem:s9+$0xFFFFFFC0] =	vst v12  }
0x653: {  	s8 =	simm.s32 $0x24F0;
	v0 =	vld.idx.msk [tilespmem:v1+s20+$0x0], $0xffff;
	[tilespmem:s9+$0xFFFFFFD0] =	vst v13  }
.Ltmp23:
0x654: {  	s3 =	simm.s32 $0x4F0;
	s2 =	sadd.s32 $0x400, s2;
	v1 =	vld.idx.msk [tilespmem:v2+s20+$0x0], $0xffff;
	[tilespmem:s9+$0xFFFFFFE0] =	vst v14;
	(pc) =	sbr.rel @p0 .LBB2_47-.Ltmp23, $4  }
0x655: {  	s7 =	simm.s32 $0x44F0;
	s14 =	simm.s32 $0x34F0;
	v2 =	vld.idx.msk [tilespmem:v4+s20+$0x0], $0xffff;
	[tilespmem:s2+$0x0] =	vst v6  }
0x656: {  	[tilespmem:s9+$0xFFFFFF90] =	vst v8;
	v4 =	vld.idx.msk [tilespmem:v3+s20+$0x0], $0xffff  }
0x657: {  	v3 =	vld.idx.msk [tilespmem:v7+s20+$0x0], $0xffff;
	[tilespmem:s9+$0xFFFFFFF0] =	vst v9  }
0x658: {  	s6 =	sadd.s32 $0x400, s6;
	[tilespmem:s2+$0xFFFFFFA0] =	vst v10;
	v5 =	vld.idx.msk [tilespmem:v5+s20+$0x0], $0xffff  }
0x659: {  	[tilespmem:s2+$0xFFFFFFB0] =	vst v0  }
0x65a: {  	[tilespmem:s2+$0xFFFFFFC0] =	vst v1  }
0x65b: {  	[tilespmem:s2+$0xFFFFFFD0] =	vst v2  }
0x65c: {  	[tilespmem:s2+$0xFFFFFFE0] =	vst v4  }
0x65d: {  	[tilespmem:s2+$0xFFFFFF90] =	vst v3  }
0x65e: {  	[tilespmem:s2+$0xFFFFFFF0] =	vst v5  }
0x65f: {  	v0 =	vld [tilespmem:s3+$0x0]  }
0x660: {  	v1 =	vld [tilespmem:s3+$0xFFFFFFA0]  }
0x661: {  	v2 =	vld [tilespmem:s3+$0xFFFFFFB0]  }
0x662: {  	v3 =	vld [tilespmem:s3+$0xFFFFFFC0]  }
0x663: {  	v4 =	vld [tilespmem:s3+$0xFFFFFFD0]  }
0x664: {  	v5 =	vld [tilespmem:s3+$0xFFFFFFE0]  }
0x665: {  	v6 =	vld [tilespmem:s3+$0xFFFFFFF0]  }
0x666: {  	v7 =	vld [tilespmem:s3+$0xFFFFFF90]  }
0x667: {  	v8 =	vld.idx.msk [tilespmem:v0+s4+$0x0], $0xffff  }
0x668: {  	v9 =	vld.idx.msk [tilespmem:v1+s4+$0x0], $0xffff  }
0x669: {  	v10 =	vld.idx.msk [tilespmem:v2+s4+$0x0], $0xffff  }
0x66a: {  	v11 =	vld.idx.msk [tilespmem:v3+s4+$0x0], $0xffff  }
0x66b: {  	v12 =	vld.idx.msk [tilespmem:v4+s4+$0x0], $0xffff  }
0x66c: {  	v13 =	vld.idx.msk [tilespmem:v5+s4+$0x0], $0xffff  }
0x66d: {  	v14 =	vld.idx.msk [tilespmem:v6+s4+$0x0], $0xffff;
	[tilespmem:s8+$0x0] =	vst v8  }
0x66e: {  	v56 =	vld.idx.msk [tilespmem:v7+s4+$0x0], $0xffff;
	[tilespmem:s8+$0xFFFFFFA0] =	vst v9  }
0x66f: {  	[tilespmem:s8+$0xFFFFFFB0] =	vst v10;
	v8 =	vld.idx.msk [tilespmem:v0+s19+$0x0], $0xffff  }
0x670: {  	[tilespmem:s8+$0xFFFFFFC0] =	vst v11;
	v57 =	vld.idx.msk [tilespmem:v1+s19+$0x0], $0xffff  }
0x671: {  	[tilespmem:s8+$0xFFFFFFD0] =	vst v12;
	v58 =	vld.idx.msk [tilespmem:v2+s19+$0x0], $0xffff  }
0x672: {  	[tilespmem:s8+$0xFFFFFFE0] =	vst v13;
	v59 =	vld.idx.msk [tilespmem:v3+s19+$0x0], $0xffff  }
0x673: {  	[tilespmem:s8+$0xFFFFFFF0] =	vst v14;
	v60 =	vld.idx.msk [tilespmem:v4+s19+$0x0], $0xffff  }
0x674: {  	[tilespmem:s8+$0xFFFFFF90] =	vst v56;
	v61 =	vld.idx.msk [tilespmem:v5+s19+$0x0], $0xffff  }
0x675: {  	v9 =	vld.idx.msk [tilespmem:v7+s19+$0x0], $0xffff;
	[tilespmem:s14+$0x0] =	vst v8  }
0x676: {  	v62 =	vld.idx.msk [tilespmem:v6+s19+$0x0], $0xffff;
	[tilespmem:s14+$0xFFFFFFA0] =	vst v57  }
0x677: {  	[tilespmem:s14+$0xFFFFFFB0] =	vst v58;
	v8 =	vld.idx.msk [tilespmem:v0+s20+$0x0], $0xffff  }
0x678: {  	[tilespmem:s14+$0xFFFFFFC0] =	vst v59;
	v63 =	vld.idx.msk [tilespmem:v1+s20+$0x0], $0xffff  }
0x679: {  	[tilespmem:s14+$0xFFFFFFD0] =	vst v60;
	v0 =	vld.idx.msk [tilespmem:v2+s20+$0x0], $0xffff  }
0x67a: {  	[tilespmem:s14+$0xFFFFFFE0] =	vst v61;
	v1 =	vld.idx.msk [tilespmem:v3+s20+$0x0], $0xffff  }
0x67b: {  	[tilespmem:s14+$0xFFFFFF90] =	vst v9;
	v2 =	vld.idx.msk [tilespmem:v4+s20+$0x0], $0xffff  }
0x67c: {  	[tilespmem:s14+$0xFFFFFFF0] =	vst v62;
	v4 =	vld.idx.msk [tilespmem:v5+s20+$0x0], $0xffff  }
0x67d: {  	v3 =	vld.idx.msk [tilespmem:v7+s20+$0x0], $0xffff;
	[tilespmem:s7+$0x0] =	vst v8  }
0x67e: {  	s0 =	simm.s32 $0x0;
	s6 =	simm.s32 $0x8F0;
	v5 =	vld.idx.msk [tilespmem:v6+s20+$0x0], $0xffff;
	[tilespmem:s7+$0xFFFFFFA0] =	vst v63  }
.LBB2_49:
0x67f: {  	v6 =	vld [tilespmem:s6+$0x0];
	s0 =	sadd.s32 $0x8, s0;
	[tilespmem:s7+$0xFFFFFFB0] =	vst v0  }
0x680: {  	v0 =	vld [tilespmem:s6+$0xFFFFFFA0];
	p0 =	slt.u32 s0, $0x18;
	[tilespmem:s7+$0xFFFFFFC0] =	vst v1  }
0x681: {  	v1 =	vld [tilespmem:s6+$0xFFFFFFB0];
	[tilespmem:s7+$0xFFFFFFD0] =	vst v2  }
0x682: {  	v2 =	vld [tilespmem:s6+$0xFFFFFFC0];
	[tilespmem:s7+$0xFFFFFFE0] =	vst v4  }
0x683: {  	v4 =	vld [tilespmem:s6+$0xFFFFFFD0];
	[tilespmem:s7+$0xFFFFFF90] =	vst v3  }
0x684: {  	v3 =	vld [tilespmem:s6+$0xFFFFFFE0];
	[tilespmem:s7+$0xFFFFFFF0] =	vst v5  }
0x685: {  	v5 =	vld [tilespmem:s6+$0xFFFFFFF0]  }
0x686: {  	v7 =	vld [tilespmem:s6+$0xFFFFFF90]  }
0x687: {  	v8 =	vld.idx.msk [tilespmem:v6+s4+$0x0], $0xffff  }
0x688: {  	v9 =	vld.idx.msk [tilespmem:v0+s4+$0x0], $0xffff  }
0x689: {  	v10 =	vld.idx.msk [tilespmem:v1+s4+$0x0], $0xffff  }
0x68a: {  	v11 =	vld.idx.msk [tilespmem:v2+s4+$0x0], $0xffff  }
0x68b: {  	v12 =	vld.idx.msk [tilespmem:v4+s4+$0x0], $0xffff  }
0x68c: {  	s8 =	sadd.s32 $0x400, s8;
	v13 =	vld.idx.msk [tilespmem:v3+s4+$0x0], $0xffff  }
0x68d: {  	v14 =	vld.idx.msk [tilespmem:v5+s4+$0x0], $0xffff;
	[tilespmem:s8+$0x0] =	vst v8  }
0x68e: {  	[tilespmem:s8+$0xFFFFFFA0] =	vst v9;
	v8 =	vld.idx.msk [tilespmem:v6+s19+$0x0], $0xffff  }
0x68f: {  	v9 =	vld.idx.msk [tilespmem:v7+s4+$0x0], $0xffff;
	[tilespmem:s8+$0xFFFFFFB0] =	vst v10  }
0x690: {  	v10 =	vld.idx.msk [tilespmem:v0+s19+$0x0], $0xffff;
	[tilespmem:s8+$0xFFFFFFC0] =	vst v11  }
0x691: {  	v11 =	vld.idx.msk [tilespmem:v1+s19+$0x0], $0xffff;
	[tilespmem:s8+$0xFFFFFFD0] =	vst v12  }
0x692: {  	v12 =	vld.idx.msk [tilespmem:v2+s19+$0x0], $0xffff;
	[tilespmem:s8+$0xFFFFFFE0] =	vst v13  }
0x693: {  	s14 =	sadd.s32 $0x400, s14;
	v13 =	vld.idx.msk [tilespmem:v4+s19+$0x0], $0xffff;
	[tilespmem:s8+$0xFFFFFFF0] =	vst v14  }
0x694: {  	v14 =	vld.idx.msk [tilespmem:v3+s19+$0x0], $0xffff;
	[tilespmem:s14+$0x0] =	vst v8  }
0x695: {  	[tilespmem:s8+$0xFFFFFF90] =	vst v9;
	v6 =	vld.idx.msk [tilespmem:v6+s20+$0x0], $0xffff  }
0x696: {  	v8 =	vld.idx.msk [tilespmem:v7+s19+$0x0], $0xffff;
	[tilespmem:s14+$0xFFFFFFA0] =	vst v10  }
0x697: {  	[tilespmem:s14+$0xFFFFFFB0] =	vst v11;
	v9 =	vld.idx.msk [tilespmem:v5+s19+$0x0], $0xffff  }
0x698: {  	v10 =	vld.idx.msk [tilespmem:v0+s20+$0x0], $0xffff;
	[tilespmem:s14+$0xFFFFFFC0] =	vst v12  }
0x699: {  	v0 =	vld.idx.msk [tilespmem:v1+s20+$0x0], $0xffff;
	[tilespmem:s14+$0xFFFFFFD0] =	vst v13  }
.Ltmp24:
0x69a: {  	s3 =	simm.s32 $0x570;
	s7 =	sadd.s32 $0x400, s7;
	v1 =	vld.idx.msk [tilespmem:v2+s20+$0x0], $0xffff;
	[tilespmem:s14+$0xFFFFFFE0] =	vst v14;
	(pc) =	sbr.rel @p0 .LBB2_49-.Ltmp24, $4  }
0x69b: {  	s2 =	simm.s32 $0x4570;
	s9 =	simm.s32 $0x3570;
	s10 =	simm.s32 $0x2570;
	v2 =	vld.idx.msk [tilespmem:v4+s20+$0x0], $0xffff;
	[tilespmem:s7+$0x0] =	vst v6  }
0x69c: {  	[tilespmem:s14+$0xFFFFFF90] =	vst v8;
	v4 =	vld.idx.msk [tilespmem:v3+s20+$0x0], $0xffff  }
0x69d: {  	v3 =	vld.idx.msk [tilespmem:v7+s20+$0x0], $0xffff;
	[tilespmem:s14+$0xFFFFFFF0] =	vst v9  }
0x69e: {  	s6 =	sadd.s32 $0x400, s6;
	[tilespmem:s7+$0xFFFFFFA0] =	vst v10;
	v5 =	vld.idx.msk [tilespmem:v5+s20+$0x0], $0xffff  }
0x69f: {  	[tilespmem:s7+$0xFFFFFFB0] =	vst v0  }
0x6a0: {  	[tilespmem:s7+$0xFFFFFFC0] =	vst v1  }
0x6a1: {  	[tilespmem:s7+$0xFFFFFFD0] =	vst v2  }
0x6a2: {  	[tilespmem:s7+$0xFFFFFFE0] =	vst v4  }
0x6a3: {  	[tilespmem:s7+$0xFFFFFF90] =	vst v3  }
0x6a4: {  	[tilespmem:s7+$0xFFFFFFF0] =	vst v5  }
0x6a5: {  	v0 =	vld [tilespmem:s3+$0x0]  }
0x6a6: {  	v1 =	vld [tilespmem:s3+$0xFFFFFFA0]  }
0x6a7: {  	v2 =	vld [tilespmem:s3+$0xFFFFFFB0]  }
0x6a8: {  	v3 =	vld [tilespmem:s3+$0xFFFFFFC0]  }
0x6a9: {  	v4 =	vld [tilespmem:s3+$0xFFFFFFD0]  }
0x6aa: {  	v5 =	vld [tilespmem:s3+$0xFFFFFFE0]  }
0x6ab: {  	v6 =	vld [tilespmem:s3+$0xFFFFFFF0]  }
0x6ac: {  	v7 =	vld [tilespmem:s3+$0xFFFFFF90]  }
0x6ad: {  	v8 =	vld.idx.msk [tilespmem:v0+s4+$0x0], $0xffff  }
0x6ae: {  	v9 =	vld.idx.msk [tilespmem:v1+s4+$0x0], $0xffff  }
0x6af: {  	v10 =	vld.idx.msk [tilespmem:v2+s4+$0x0], $0xffff  }
0x6b0: {  	v11 =	vld.idx.msk [tilespmem:v3+s4+$0x0], $0xffff  }
0x6b1: {  	v12 =	vld.idx.msk [tilespmem:v4+s4+$0x0], $0xffff  }
0x6b2: {  	v13 =	vld.idx.msk [tilespmem:v5+s4+$0x0], $0xffff  }
0x6b3: {  	v14 =	vld.idx.msk [tilespmem:v6+s4+$0x0], $0xffff;
	[tilespmem:s10+$0x0] =	vst v8  }
0x6b4: {  	v56 =	vld.idx.msk [tilespmem:v7+s4+$0x0], $0xffff;
	[tilespmem:s10+$0xFFFFFFA0] =	vst v9  }
0x6b5: {  	[tilespmem:s10+$0xFFFFFFB0] =	vst v10;
	v8 =	vld.idx.msk [tilespmem:v0+s19+$0x0], $0xffff  }
0x6b6: {  	[tilespmem:s10+$0xFFFFFFC0] =	vst v11;
	v57 =	vld.idx.msk [tilespmem:v1+s19+$0x0], $0xffff  }
0x6b7: {  	[tilespmem:s10+$0xFFFFFFD0] =	vst v12;
	v58 =	vld.idx.msk [tilespmem:v2+s19+$0x0], $0xffff  }
0x6b8: {  	[tilespmem:s10+$0xFFFFFFE0] =	vst v13;
	v59 =	vld.idx.msk [tilespmem:v3+s19+$0x0], $0xffff  }
0x6b9: {  	[tilespmem:s10+$0xFFFFFFF0] =	vst v14;
	v60 =	vld.idx.msk [tilespmem:v4+s19+$0x0], $0xffff  }
0x6ba: {  	[tilespmem:s10+$0xFFFFFF90] =	vst v56;
	v61 =	vld.idx.msk [tilespmem:v5+s19+$0x0], $0xffff  }
0x6bb: {  	v9 =	vld.idx.msk [tilespmem:v7+s19+$0x0], $0xffff;
	[tilespmem:s9+$0x0] =	vst v8  }
0x6bc: {  	v62 =	vld.idx.msk [tilespmem:v6+s19+$0x0], $0xffff;
	[tilespmem:s9+$0xFFFFFFA0] =	vst v57  }
0x6bd: {  	[tilespmem:s9+$0xFFFFFFB0] =	vst v58;
	v8 =	vld.idx.msk [tilespmem:v0+s20+$0x0], $0xffff  }
0x6be: {  	[tilespmem:s9+$0xFFFFFFC0] =	vst v59;
	v63 =	vld.idx.msk [tilespmem:v1+s20+$0x0], $0xffff  }
0x6bf: {  	[tilespmem:s9+$0xFFFFFFD0] =	vst v60;
	v0 =	vld.idx.msk [tilespmem:v2+s20+$0x0], $0xffff  }
0x6c0: {  	[tilespmem:s9+$0xFFFFFFE0] =	vst v61;
	v1 =	vld.idx.msk [tilespmem:v3+s20+$0x0], $0xffff  }
0x6c1: {  	[tilespmem:s9+$0xFFFFFF90] =	vst v9;
	v2 =	vld.idx.msk [tilespmem:v4+s20+$0x0], $0xffff  }
0x6c2: {  	[tilespmem:s9+$0xFFFFFFF0] =	vst v62;
	v4 =	vld.idx.msk [tilespmem:v5+s20+$0x0], $0xffff  }
0x6c3: {  	v3 =	vld.idx.msk [tilespmem:v7+s20+$0x0], $0xffff;
	[tilespmem:s2+$0x0] =	vst v8  }
0x6c4: {  	s0 =	simm.s32 $0x0;
	s3 =	simm.s32 $0x970;
	v5 =	vld.idx.msk [tilespmem:v6+s20+$0x0], $0xffff;
	[tilespmem:s2+$0xFFFFFFA0] =	vst v63  }
.LBB2_51:
0x6c5: {  	v6 =	vld [tilespmem:s3+$0x0];
	s0 =	sadd.s32 $0x8, s0;
	[tilespmem:s2+$0xFFFFFFB0] =	vst v0  }
0x6c6: {  	v0 =	vld [tilespmem:s3+$0xFFFFFFA0];
	p0 =	slt.u32 s0, $0x18;
	[tilespmem:s2+$0xFFFFFFC0] =	vst v1  }
0x6c7: {  	v1 =	vld [tilespmem:s3+$0xFFFFFFB0];
	[tilespmem:s2+$0xFFFFFFD0] =	vst v2  }
0x6c8: {  	v2 =	vld [tilespmem:s3+$0xFFFFFFC0];
	[tilespmem:s2+$0xFFFFFFE0] =	vst v4  }
0x6c9: {  	v4 =	vld [tilespmem:s3+$0xFFFFFFD0];
	[tilespmem:s2+$0xFFFFFF90] =	vst v3  }
0x6ca: {  	v3 =	vld [tilespmem:s3+$0xFFFFFFE0];
	[tilespmem:s2+$0xFFFFFFF0] =	vst v5  }
0x6cb: {  	v5 =	vld [tilespmem:s3+$0xFFFFFFF0]  }
0x6cc: {  	v7 =	vld [tilespmem:s3+$0xFFFFFF90]  }
0x6cd: {  	v8 =	vld.idx.msk [tilespmem:v6+s4+$0x0], $0xffff  }
0x6ce: {  	v9 =	vld.idx.msk [tilespmem:v0+s4+$0x0], $0xffff  }
0x6cf: {  	v10 =	vld.idx.msk [tilespmem:v1+s4+$0x0], $0xffff  }
0x6d0: {  	v11 =	vld.idx.msk [tilespmem:v2+s4+$0x0], $0xffff  }
0x6d1: {  	v12 =	vld.idx.msk [tilespmem:v4+s4+$0x0], $0xffff  }
0x6d2: {  	s10 =	sadd.s32 $0x400, s10;
	v13 =	vld.idx.msk [tilespmem:v3+s4+$0x0], $0xffff  }
0x6d3: {  	v14 =	vld.idx.msk [tilespmem:v5+s4+$0x0], $0xffff;
	[tilespmem:s10+$0x0] =	vst v8  }
0x6d4: {  	[tilespmem:s10+$0xFFFFFFA0] =	vst v9;
	v8 =	vld.idx.msk [tilespmem:v6+s19+$0x0], $0xffff  }
0x6d5: {  	v9 =	vld.idx.msk [tilespmem:v7+s4+$0x0], $0xffff;
	[tilespmem:s10+$0xFFFFFFB0] =	vst v10  }
0x6d6: {  	v10 =	vld.idx.msk [tilespmem:v0+s19+$0x0], $0xffff;
	[tilespmem:s10+$0xFFFFFFC0] =	vst v11  }
0x6d7: {  	v11 =	vld.idx.msk [tilespmem:v1+s19+$0x0], $0xffff;
	[tilespmem:s10+$0xFFFFFFD0] =	vst v12  }
0x6d8: {  	v12 =	vld.idx.msk [tilespmem:v2+s19+$0x0], $0xffff;
	[tilespmem:s10+$0xFFFFFFE0] =	vst v13  }
0x6d9: {  	s9 =	sadd.s32 $0x400, s9;
	v13 =	vld.idx.msk [tilespmem:v4+s19+$0x0], $0xffff;
	[tilespmem:s10+$0xFFFFFFF0] =	vst v14  }
0x6da: {  	v14 =	vld.idx.msk [tilespmem:v3+s19+$0x0], $0xffff;
	[tilespmem:s9+$0x0] =	vst v8  }
0x6db: {  	[tilespmem:s10+$0xFFFFFF90] =	vst v9;
	v6 =	vld.idx.msk [tilespmem:v6+s20+$0x0], $0xffff  }
0x6dc: {  	v8 =	vld.idx.msk [tilespmem:v7+s19+$0x0], $0xffff;
	[tilespmem:s9+$0xFFFFFFA0] =	vst v10  }
0x6dd: {  	[tilespmem:s9+$0xFFFFFFB0] =	vst v11;
	v9 =	vld.idx.msk [tilespmem:v5+s19+$0x0], $0xffff  }
0x6de: {  	v10 =	vld.idx.msk [tilespmem:v0+s20+$0x0], $0xffff;
	[tilespmem:s9+$0xFFFFFFC0] =	vst v12  }
0x6df: {  	v0 =	vld.idx.msk [tilespmem:v1+s20+$0x0], $0xffff;
	[tilespmem:s9+$0xFFFFFFD0] =	vst v13  }
.Ltmp25:
0x6e0: {  	s2 =	sadd.s32 $0x400, s2;
	v1 =	vld.idx.msk [tilespmem:v2+s20+$0x0], $0xffff;
	[tilespmem:s9+$0xFFFFFFE0] =	vst v14;
	(pc) =	sbr.rel @p0 .LBB2_51-.Ltmp25, $4  }
0x6e1: {  	v2 =	vld.idx.msk [tilespmem:v4+s20+$0x0], $0xffff;
	[tilespmem:s2+$0x0] =	vst v6  }
0x6e2: {  	[tilespmem:s9+$0xFFFFFF90] =	vst v8;
	v4 =	vld.idx.msk [tilespmem:v3+s20+$0x0], $0xffff  }
0x6e3: {  	v3 =	vld.idx.msk [tilespmem:v7+s20+$0x0], $0xffff;
	[tilespmem:s9+$0xFFFFFFF0] =	vst v9  }
0x6e4: {  	s3 =	sadd.s32 $0x400, s3;
	[tilespmem:s2+$0xFFFFFFA0] =	vst v10;
	v5 =	vld.idx.msk [tilespmem:v5+s20+$0x0], $0xffff  }
0x6e5: {  	[tilespmem:s2+$0xFFFFFFB0] =	vst v0  }
0x6e6: {  	[tilespmem:s2+$0xFFFFFFC0] =	vst v1  }
0x6e7: {  	[tilespmem:s2+$0xFFFFFFD0] =	vst v2  }
0x6e8: {  	[tilespmem:s2+$0xFFFFFFE0] =	vst v4  }
0x6e9: {  	[tilespmem:s2+$0xFFFFFF90] =	vst v3  }
0x6ea: {  	[tilespmem:s2+$0xFFFFFFF0] =	vst v5  }
0x6eb: {  	s0 =	rddreg [dreg:$0x9]  }
0x6ec: {  	[hbm4b:s0+s4] =	stream.linear.scatter [tilespmem:s24], [sflag:$0x3], $0x1000, $0x38;
	[tilespmem:$0x8180] =	vst v63  }
0x6ed: {  	s10 =	rddreg [dreg:$0xa]  }
0x6ee: {  	[hbm4b:s10+s4] =	stream.linear.scatter [tilespmem:s25], [sflag:$0x3], $0x1000, $0x38;
	[tilespmem:$0x8180] =	vst v63  }
0x6ef: {  	s16 =	simm.s32 $0x4;
	s14 =	rddreg [dreg:$0xb]  }
0x6f0: {  	[hbm4b:s14+s4] =	stream.linear.scatter [tilespmem:s26], [sflag:$0x3], $0x1000, $0x38;
	[tilespmem:$0x8180] =	vst v63  }
0x6f1: {  	_ =	swait.ge [sflag:s16], $0x1000  }
0x6f2: {  	[sflag:s16] =	ssyncset.done $0x0  }
0x6f3: {  	[sflag:s16] =	ssyncadd.s32 $0xFFFFF000  }
0x6f4: {  	_ =	swait.ge [sflag:s16], $0x1000  }
0x6f5: {  	[sflag:s16] =	ssyncset.done $0x0  }
0x6f6: {  	[sflag:s16] =	ssyncadd.s32 $0xFFFFF000  }
0x6f7: {  	_ =	swait.ge [sflag:s16], $0x1000  }
0x6f8: {  	[sflag:s16] =	ssyncset.done $0x0  }
0x6f9: {  	[sflag:s16] =	ssyncadd.s32 $0xFFFFF000  }
0x6fa: {  	_ =	swait.ge [sflag:s15], $0x1000  }
0x6fb: {  	[sflag:s15] =	ssyncset.done $0x0  }
0x6fc: {  	[sflag:s15] =	ssyncadd.s32 $0xFFFFF000  }
0x6fd: {  	_ =	swait.ge [sflag:s15], $0x1000  }
0x6fe: {  	[sflag:s15] =	ssyncset.done $0x0  }
0x6ff: {  	[sflag:s15] =	ssyncadd.s32 $0xFFFFF000  }
0x700: {  	_ =	swait.ge [sflag:s15], $0x1000  }
0x701: {  	s17 =	rddreg [dreg:$0xd]  }
0x702: {  	s18 =	rddreg [dreg:$0xc];
	s2 =	sadd.s32 $0x1, s17  }
0x703: {  	p0 =	sne.s32 s2, s18  }
.Ltmp26:
0x704: {  	_ = 	snop;
	(pc) =	sbr.rel @p0 .LBB2_1-.Ltmp26, $3  }
0x705: {  	_ =	sdelay $0x1  }
0x706: {  	[sflag:s15] =	ssyncset.done $0x0  }
0x707: {  	[sflag:s15] =	ssyncadd.s32 $0xFFFFF000  }
0x708: {  	_ =	sfence.sel $0x180000  }
0x709: {  	[bflag:$0x0] =	sbarrier.arrive $0xFFFF  }
0x70a: {  	_ =	strace $0x90000047  }
0x70b: {  	s0 =	stileid.u32;
	[bflag:$0x2] =	sbarrier.arrive $0xFFFF  }
0x70c: {  	p0 =	sne.s32 s0, $0x0;
	s0 =	rddreg [dreg:$0x3]  }
0x70d: {  	s0 =	sadd.s32 @!p0 $0x100000, s0  }
0x70e: {  	[sflag:s0] =	ssyncadd.tile.s32 @!p0 $0x1;
	_ =	shalt  }
.Lfunc_end2:
_tile_overlayer_lowered:
.L_overlay_start_2:
0x70f: {  	(tag) =	ssettag $0x2  }
0x710: {  	s0 =	rddreg [dreg:$0x0];
	s2 =	stileid.u32  }
0x711: {  	s1 =	rddreg [dreg:$0x1];
	p0 =	sne.s32 s2, $0x0  }
0x712: {  	s3 =	rddreg [dreg:$0x2];
	[bflag:$0x3] =	sbarrier.arrive $0xFFFF;
	s2 =	simm.s32 @!p0 $0x1C05  }
0x713: {  	[timem:s3], [sflag:s2] =	dma.local @!p0 [hbm:s0], s1  }
0x714: {  	s0 =	simm.s32 @!p0 $0x5  }
0x715: {  	_ =	swait.ge @!p0 [sflag:s0], s1  }
0x716: {  	s1 =	ssub.s32 @!p0 $0x0, s1;
	[sflag:s0] =	ssyncset.done @!p0 $0x0  }
0x717: {  	[sflag:s0] =	ssyncadd.s32 @!p0 s1  }
0x718: {  	[bflag:$0x3] =	sbarrier.arrive $0xFFFF  }
0x719: {  	_ =	shalt  }

</sc_bundles>
